<compile_context>
chip_gen: v7x
topology: tpu7x:2x2x1
jax: 0.10.2.dev20260603
libtpu: 0.0.44.dev20260713+nightly
codegen_flags: <defaults>
</compile_context>

<pallas_src>
import functools

import jax
import jax.numpy as jnp
from jax import lax
from jax.experimental import pallas as pl
from jax.experimental.pallas import tpu as pltpu
from jax.experimental.pallas import tpu_sc as plsc

N = 10000
F = 256
HALF = 128
E = 160000
NC = 2
NS = 16
DEG_W = 100
DEG_EPT = E // (NC * NS)
DEG_ITERS = DEG_EPT // DEG_W
SC_W = 80
SC_EPT = E // NS
ROWS_PT = 624
ROWS_TAIL = N - NS * ROWS_PT

@functools.cache
def _mesh():
    return plsc.VectorSubcoreMesh(
        core_axis_name="c", subcore_axis_name="s",
        num_cores=NC, num_subcores=NS)


@functools.cache
def _sc_degree_call():
    return pl.kernel(
        _sc_degree_body,
        out_type=jax.ShapeDtypeStruct((NC, N, HALF), jnp.float32),
        mesh=_mesh(),
        scratch_types=(
            [pltpu.VMEM((DEG_W,), jnp.int32) for _ in range(NBUF)]
            + [pltpu.VMEM((DEG_W, HALF), jnp.float32),
               pltpu.VMEM_SHARED((N, HALF), jnp.float32)]
            + [pltpu.SemaphoreType.DMA for _ in range(NBUF)]
        ),
    )


def _sc_degree_body(dst_hbm, zeros_hbm, ones_hbm, out_hbm, *scratch):
    dst_v = scratch[:NBUF]
    ones_v = scratch[NBUF]
    deg_sh = scratch[NBUF + 1]
    ssem = scratch[NBUF + 2:]
    cid = lax.axis_index("c")
    sid = lax.axis_index("s")
    wid = cid * NS + sid

    pltpu.sync_copy(ones_hbm, ones_v)

    @pl.when(sid == 0)
    def _zero():
        pltpu.sync_copy(zeros_hbm, deg_sh)

    plsc.subcore_barrier()

    def load_and_fire(g, b):
        pltpu.sync_copy(dst_hbm.at[wid, g], dst_v[b])
        pltpu.async_copy(ones_v, deg_sh.at[dst_v[b]], ssem[b], add=True)

    def drain(b):
        pltpu.make_async_copy(ones_hbm, ones_v, ssem[b]).wait()

    for b in range(min(NBUF, DEG_ITERS)):
        load_and_fire(b, b)

    def ring(G, carry):
        g0 = NBUF + G * NBUF
        for b in range(NBUF):
            g = g0 + b

            @pl.when(g - NBUF < DEG_ITERS)
            def _dr():
                drain(b)

            @pl.when(g < DEG_ITERS)
            def _lf():
                load_and_fire(g, b)
        return carry

    ring_iters = -(-(DEG_ITERS - NBUF) // NBUF)
    lax.fori_loop(0, ring_iters, ring, 0)
    g_max = NBUF + ring_iters * NBUF - 1
    for w in range(max(0, g_max - NBUF + 1), DEG_ITERS):
        drain(w % NBUF)
    plsc.subcore_barrier()

    @pl.when(sid == 0)
    def _out():
        pltpu.sync_copy(deg_sh, out_hbm.at[cid])


NBUF = 4
ITERS = SC_EPT // SC_W
RING_ITERS = -(-(ITERS + 2 - NBUF) // NBUF)


@functools.cache
def _sc_scatter_call():
    return pl.kernel(
        _sc_scatter_body,
        out_type=[
            jax.ShapeDtypeStruct((N, HALF), jnp.float32),
            jax.ShapeDtypeStruct((N, HALF), jnp.float32),
        ],
        mesh=_mesh(),
        scratch_types=(
            [pltpu.VMEM((2, SC_W), jnp.int32) for _ in range(NBUF)]
            + [pltpu.VMEM((SC_W, HALF), jnp.float32) for _ in range(NBUF)]
            + [pltpu.VMEM_SHARED((N, HALF), jnp.float32)]
            + [pltpu.SemaphoreType.DMA for _ in range(2 * NBUF)]
        ),
    )


def _sc_scatter_body(h0_hbm, h1_hbm, idx_hbm, zeros_hbm, out0_hbm,
                     out1_hbm, *scratch):
    idx_v = scratch[:NBUF]
    gath_v = scratch[NBUF:2 * NBUF]
    acc_sh = scratch[2 * NBUF]
    gsem = scratch[2 * NBUF + 1:3 * NBUF + 1]
    ssem = scratch[3 * NBUF + 1:]
    cid = lax.axis_index("c")
    sid = lax.axis_index("s")

    def run(h_hbm, out_hbm):
        @pl.when(sid < 10)
        def _zero():
            r0 = pl.multiple_of(sid * 1000, 8)
            pltpu.sync_copy(zeros_hbm.at[pl.ds(r0, 1000)],
                            acc_sh.at[pl.ds(r0, 1000)])
        plsc.subcore_barrier()

        def load_and_gather(g, b):
            pltpu.sync_copy(idx_hbm.at[sid, g], idx_v[b])
            pltpu.make_async_copy(h_hbm.at[idx_v[b].at[0]], gath_v[b],
                                  gsem[b]).start()

        def fire_scatter(b2):
            pltpu.make_async_copy(h_hbm.at[pl.ds(0, SC_W)], gath_v[b2],
                                  gsem[b2]).wait()
            pltpu.async_copy(gath_v[b2], acc_sh.at[idx_v[b2].at[1]],
                             ssem[b2], add=True)

        def drain_scatter(b):
            pltpu.make_async_copy(h_hbm.at[pl.ds(0, SC_W)], gath_v[b],
                                  ssem[b]).wait()

        for b in range(NBUF):
            load_and_gather(b, b)
            if b >= 2:
                fire_scatter(b - 2)

        def ring(G, carry):
            g0 = NBUF + G * NBUF
            for b in range(NBUF):
                g = g0 + b

                @pl.when(g - NBUF < ITERS - 1)
                def _dr():
                    drain_scatter(b)

                @pl.when(g < ITERS)
                def _lg():
                    load_and_gather(g, b)

                @pl.when(g - 2 < ITERS)
                def _fs():
                    fire_scatter((b + NBUF - 2) % NBUF)
            return carry

        lax.fori_loop(0, RING_ITERS, ring, 0)
        drain_scatter((ITERS - 1) % NBUF)
        plsc.subcore_barrier()
        r0 = pl.multiple_of(sid * ROWS_PT, 8)
        pltpu.sync_copy(acc_sh.at[pl.ds(r0, ROWS_PT)],
                        out_hbm.at[pl.ds(r0, ROWS_PT)])

        @pl.when(sid == 0)
        def _tail():
            t0 = pl.multiple_of(NS * ROWS_PT, 8)
            pltpu.sync_copy(acc_sh.at[pl.ds(t0, ROWS_TAIL)],
                            out_hbm.at[pl.ds(t0, ROWS_TAIL)])

    @pl.when(cid == 0)
    def _c0():
        run(h0_hbm, out0_hbm)

    @pl.when(cid == 1)
    def _c1():
        run(h1_hbm, out1_hbm)


def _tc_mm_body(z_ref, w1_ref, h_ref):
    h_ref[...] = jnp.dot(z_ref[...], w1_ref[...],
                         preferred_element_type=jnp.float32)


def _tc1_body(degp_ref, h_ref, dinv_ref, h0_ref, h1_ref):
    deg = jnp.sum(degp_ref[...], axis=(0, 2)) + 1.0
    dinv = lax.rsqrt(deg)
    h = h_ref[...] * dinv[:, None]
    dinv_ref[...] = dinv
    h0_ref[...] = h[:, :HALF]
    h1_ref[...] = h[:, HALF:]


def _tc_mid_body(a0_ref, a1_ref, h0_ref, h1_ref, dinv_ref, b_ref, w_ref,
                 g0_ref, g1_ref):
    dinv = dinv_ref[...]
    b = b_ref[...]
    x0 = jnp.tanh(dinv[:, None] * (a0_ref[...] + h0_ref[...]) + b[:HALF])
    x1 = jnp.tanh(dinv[:, None] * (a1_ref[...] + h1_ref[...]) + b[HALF:])
    x = jnp.concatenate([x0, x1], axis=1)
    g = jnp.dot(x, w_ref[...], preferred_element_type=jnp.float32)
    g = g * dinv[:, None]
    g0_ref[...] = g[:, :HALF]
    g1_ref[...] = g[:, HALF:]


def _tc_fin_body(a0_ref, a1_ref, h0_ref, h1_ref, dinv_ref, b_ref, wl_ref,
                 bl_ref, y_ref):
    dinv = dinv_ref[...]
    b = b_ref[...]
    x0 = jnp.tanh(dinv[:, None] * (a0_ref[...] + h0_ref[...]) + b[:HALF])
    x1 = jnp.tanh(dinv[:, None] * (a1_ref[...] + h1_ref[...]) + b[HALF:])
    x = jnp.concatenate([x0, x1], axis=1)
    y_ref[...] = (jnp.dot(x, wl_ref[...], preferred_element_type=jnp.float32)
                  + bl_ref[...])


_tc_mm = pl.pallas_call(
    _tc_mm_body,
    out_shape=jax.ShapeDtypeStruct((N, F), jnp.float32),
)

_tc1 = pl.pallas_call(
    _tc1_body,
    out_shape=[
        jax.ShapeDtypeStruct((N,), jnp.float32),
        jax.ShapeDtypeStruct((N, HALF), jnp.float32),
        jax.ShapeDtypeStruct((N, HALF), jnp.float32),
    ],
)

_tc_mid = pl.pallas_call(
    _tc_mid_body,
    out_shape=[
        jax.ShapeDtypeStruct((N, HALF), jnp.float32),
        jax.ShapeDtypeStruct((N, HALF), jnp.float32),
    ],
)

_tc_fin = pl.pallas_call(
    _tc_fin_body,
    out_shape=jax.ShapeDtypeStruct((N, 1), jnp.float32),
)


def kernel(z, edge_index, W1, b1, W2, b2, Wl, bl):
    src = edge_index[0].astype(jnp.int32)
    dst = edge_index[1].astype(jnp.int32)
    zeros2d = jnp.zeros((N, HALF), jnp.float32)
    zeros_deg = jnp.zeros((N, HALF), jnp.float32)
    ones_deg = jnp.full((DEG_W, HALF), 1.0 / HALF, jnp.float32)

    idx = jnp.stack([src.reshape(NS, ITERS, SC_W),
                     dst.reshape(NS, ITERS, SC_W)], axis=2)

    dst_deg = dst.reshape(NC * NS, DEG_ITERS, DEG_W)
    degp = _sc_degree_call()(dst_deg, zeros_deg, ones_deg)
    h_raw = _tc_mm(z, W1)
    dinv, h0, h1 = _tc1(degp, h_raw)
    a0, a1 = _sc_scatter_call()(h0, h1, idx, zeros2d)
    g0, g1 = _tc_mid(a0, a1, h0, h1, dinv, b1, W2)
    c0, c1 = _sc_scatter_call()(g0, g1, idx, zeros2d)
    return _tc_fin(c0, c1, g0, g1, dinv, b2, Wl, bl)

# --- scband reference (transcript-rebuilt; emitter-appended) ---
"""Pipeline reference for scband-gcndiscriminator-89240830476969 (READ-ONLY COPY).

The authoritative reference and input builder live on the scoring server;
editing this copy changes nothing except your own understanding.
"""

import jax, jax.numpy as jnp
import numpy as np

N_NODES = 10000
EMB_FEATS = 256
HIDDEN_FEATS = 256
N_EDGES = 160000


def setup_inputs(seed: int = 0) -> dict:
    key = jax.random.key(seed)
    ks = jax.random.split(key, 8)
    z = jax.random.normal(ks[0], (N_NODES, EMB_FEATS), dtype=jnp.float32)
    edge_index = jax.random.randint(ks[1], (2, N_EDGES), 0, N_NODES, dtype=jnp.int64)
    s1 = 1.0 / np.sqrt(EMB_FEATS)
    s2 = 1.0 / np.sqrt(HIDDEN_FEATS)
    W1 = jax.random.uniform(ks[2], (EMB_FEATS, HIDDEN_FEATS), dtype=jnp.float32, minval=-s1, maxval=s1)
    b1 = jnp.zeros((HIDDEN_FEATS,), dtype=jnp.float32)
    W2 = jax.random.uniform(ks[3], (HIDDEN_FEATS, HIDDEN_FEATS), dtype=jnp.float32, minval=-s2, maxval=s2)
    b2 = jnp.zeros((HIDDEN_FEATS,), dtype=jnp.float32)
    Wl = jax.random.uniform(ks[4], (HIDDEN_FEATS, 1), dtype=jnp.float32, minval=-s2, maxval=s2)
    bl = jnp.zeros((1,), dtype=jnp.float32)
    return {"z": z, "edge_index": edge_index, "W1": W1, "b1": b1, "W2": W2, "b2": b2, "Wl": Wl, "bl": bl}


def _gcn_conv(x, src, dst, W, b, num_nodes):
    # PyG GCNConv: add self-loops, symmetric D^-1/2 (A+I) D^-1/2 normalization,
    # linear transform first, then propagate (scatter-add), then bias.
    loop = jnp.arange(num_nodes, dtype=src.dtype)
    s = jnp.concatenate([src, loop])
    d = jnp.concatenate([dst, loop])
    deg = jnp.zeros((num_nodes,), dtype=x.dtype).at[d].add(1.0)
    deg_inv_sqrt = jnp.where(deg > 0, deg ** -0.5, 0.0)
    norm = deg_inv_sqrt[s] * deg_inv_sqrt[d]
    h = x @ W
    msg = h[s] * norm[:, None]
    out = jnp.zeros((num_nodes, h.shape[1]), dtype=x.dtype).at[d].add(msg)
    return out + b


def reference(z, edge_index, W1, b1, W2, b2, Wl, bl):
    num_nodes = z.shape[0]
    src = edge_index[0]
    dst = edge_index[1]
    # Dropout(p=0.25) is identity in eval mode
    x = jnp.tanh(_gcn_conv(z, src, dst, W1, b1, num_nodes))
    x = jnp.tanh(_gcn_conv(x, src, dst, W2, b2, num_nodes))
    return x @ Wl + bl

if __name__ == "__main__":
    import jax
    _d = setup_inputs()
    print(jax.jit(kernel)(*tuple(_d.values())))

</pallas_src>

<mosaic_0001>
#map = affine_map<(d0, d1) -> (0, 0)>
#map1 = affine_map<(d0, d1) -> (0, 0, 0, 0)>
module attributes {stable_mosaic.version = 14 : i64} {
  func.func @_sc_scatter_body(%arg0: i32, %arg1: i32, %arg2: memref<10000x128xf32, #tpu.memory_space<hbm>>, %arg3: memref<10000x128xf32, #tpu.memory_space<hbm>>, %arg4: memref<16x125x2x80xi32, #tpu.memory_space<hbm>>, %arg5: memref<10000x128xf32, #tpu.memory_space<hbm>>, %arg6: memref<10000x128xf32, #tpu.memory_space<hbm>>, %arg7: memref<10000x128xf32, #tpu.memory_space<hbm>>, %arg8: memref<2x80xi32, #tpu.memory_space<vmem>>, %arg9: memref<2x80xi32, #tpu.memory_space<vmem>>, %arg10: memref<2x80xi32, #tpu.memory_space<vmem>>, %arg11: memref<2x80xi32, #tpu.memory_space<vmem>>, %arg12: memref<80x128xf32, #tpu.memory_space<vmem>>, %arg13: memref<80x128xf32, #tpu.memory_space<vmem>>, %arg14: memref<80x128xf32, #tpu.memory_space<vmem>>, %arg15: memref<80x128xf32, #tpu.memory_space<vmem>>, %arg16: memref<10000x128xf32, #tpu.memory_space<vmem_shared>>, %arg17: memref<!tpu.dma_semaphore, #tpu.memory_space<semaphore_mem>>, %arg18: memref<!tpu.dma_semaphore, #tpu.memory_space<semaphore_mem>>, %arg19: memref<!tpu.dma_semaphore, #tpu.memory_space<semaphore_mem>>, %arg20: memref<!tpu.dma_semaphore, #tpu.memory_space<semaphore_mem>>, %arg21: memref<!tpu.dma_semaphore, #tpu.memory_space<semaphore_mem>>, %arg22: memref<!tpu.dma_semaphore, #tpu.memory_space<semaphore_mem>>, %arg23: memref<!tpu.dma_semaphore, #tpu.memory_space<semaphore_mem>>, %arg24: memref<!tpu.dma_semaphore, #tpu.memory_space<semaphore_mem>>) attributes {dimension_semantics = [#tpu.dimension_semantics<core_parallel>, #tpu.dimension_semantics<subcore_parallel>], iteration_bounds = array<i64: 2, 16>, scalar_prefetch = 0 : i64, scratch_operands = 17 : i64, tpu.core_type = #tpu.core_type<sc_vector_subcore>, window_params = [{transform_indices = #map}, {transform_indices = #map}, {transform_indices = #map1}, {transform_indices = #map}, {transform_indices = #map}, {transform_indices = #map}]} {
    %eq3A = arith.constant 0 : i32
    %eq3A_0 = arith.cmpi eq, %arg0, %eq3A : i32
    %convert_element_type3A = arith.extui %eq3A_0 : i1 to i32
    %cond3A = arith.constant 0 : i32
    %cond3A_1 = arith.cmpi ne, %convert_element_type3A, %cond3A : i32
    scf.if %cond3A_1 {
      %lt3A = arith.constant 10 : i32
      %lt3A_7 = arith.cmpi slt, %arg1, %lt3A : i32
      %convert_element_type3A_8 = arith.extui %lt3A_7 : i1 to i32
      %cond3A_9 = arith.constant 0 : i32
      %cond3A_10 = arith.cmpi ne, %convert_element_type3A_8, %cond3A_9 : i32
      scf.if %cond3A_10 {
        %mul3A_84 = arith.constant 1000 : i32
        %mul3A_85 = arith.muli %arg1, %mul3A_84 : i32
        %multiple_of3A_86 = tpu.assume_multiple %mul3A_85, 8 : i32
        "tpu.region"() ({
          %run_scoped3A_87 = tpu.sem_alloc : memref<!tpu.dma_semaphore, #tpu.memory_space<semaphore_mem>>
          %dma_start3A_88 = arith.constant 0 : i32
          %dma_start3A_89 = tpu.memref_slice %arg16[%multiple_of3A_86, %dma_start3A_88] : memref<10000x128xf32, #tpu.memory_space<vmem_shared>> -> memref<1000x128xf32, #tpu.memory_space<vmem_shared>>
          %dma_start3A_90 = arith.constant 0 : i32
          %dma_start3A_91 = tpu.memref_slice %arg5[%multiple_of3A_86, %dma_start3A_90] : memref<10000x128xf32, #tpu.memory_space<hbm>> -> memref<1000x128xf32, #tpu.memory_space<hbm>>
          tpu.enqueue_dma source(%dma_start3A_91 : memref<1000x128xf32, #tpu.memory_space<hbm>>) target(%dma_start3A_89 : memref<1000x128xf32, #tpu.memory_space<vmem_shared>>) target_semaphore(%run_scoped3A_87 : memref<!tpu.dma_semaphore, #tpu.memory_space<semaphore_mem>>)
          %dma_wait3A_92 = arith.constant 0 : i32
          %dma_wait3A_93 = tpu.memref_slice %arg16[%multiple_of3A_86, %dma_wait3A_92] : memref<10000x128xf32, #tpu.memory_space<vmem_shared>> -> memref<1000x128xf32, #tpu.memory_space<vmem_shared>>
          %dma_wait3A_94 = arith.constant 0 : i32
          %dma_wait3A_95 = tpu.memref_slice %arg5[%multiple_of3A_86, %dma_wait3A_94] : memref<10000x128xf32, #tpu.memory_space<hbm>> -> memref<1000x128xf32, #tpu.memory_space<hbm>>
          tpu.wait_dma2 semaphore(%run_scoped3A_87 : memref<!tpu.dma_semaphore, #tpu.memory_space<semaphore_mem>>) src(%dma_wait3A_95 : memref<1000x128xf32, #tpu.memory_space<hbm>>) dst(%dma_wait3A_93 : memref<1000x128xf32, #tpu.memory_space<vmem_shared>>)
          tpu.yield
        }) : () -> ()
      } else {
      }
      %barrier3A = arith.constant 0 : index
      tpu.barrier barrier_id(%barrier3A)
      %run_scoped3A = arith.constant 0 : i32
      "tpu.region"() ({
        %run_scoped3A_84 = tpu.sem_alloc : memref<!tpu.dma_semaphore, #tpu.memory_space<semaphore_mem>>
        %dma_start3A_85 = arith.constant 0 : i32
        %dma_start3A_86 = arith.constant 0 : i32
        %dma_start3A_87 = tpu.memref_slice %arg4[%arg1, %run_scoped3A, %dma_start3A_85, %dma_start3A_86] : memref<16x125x2x80xi32, #tpu.memory_space<hbm>> -> memref<1x1x2x80xi32, #tpu.memory_space<hbm>>
        %dma_start3A_88 = tpu.memref_squeeze %dma_start3A_87 : memref<1x1x2x80xi32, #tpu.memory_space<hbm>> -> memref<2x80xi32, #tpu.memory_space<hbm>>
        %dma_start3A_89 = arith.constant 0 : i32
        %dma_start3A_90 = arith.constant 0 : i32
        %dma_start3A_91 = tpu.memref_slice %arg4[%arg1, %run_scoped3A, %dma_start3A_89, %dma_start3A_90] : memref<16x125x2x80xi32, #tpu.memory_space<hbm>> -> memref<1x1x2x80xi32, #tpu.memory_space<hbm>>
        %dma_start3A_92 = tpu.memref_squeeze %dma_start3A_91 : memref<1x1x2x80xi32, #tpu.memory_space<hbm>> -> memref<2x80xi32, #tpu.memory_space<hbm>>
        tpu.enqueue_dma source(%dma_start3A_92 : memref<2x80xi32, #tpu.memory_space<hbm>>) target(%arg8 : memref<2x80xi32, #tpu.memory_space<vmem>>) target_semaphore(%run_scoped3A_84 : memref<!tpu.dma_semaphore, #tpu.memory_space<semaphore_mem>>)
        %dma_wait3A_93 = arith.constant 0 : i32
        %dma_wait3A_94 = arith.constant 0 : i32
        %dma_wait3A_95 = tpu.memref_slice %arg4[%arg1, %run_scoped3A, %dma_wait3A_93, %dma_wait3A_94] : memref<16x125x2x80xi32, #tpu.memory_space<hbm>> -> memref<1x1x2x80xi32, #tpu.memory_space<hbm>>
        %dma_wait3A_96 = tpu.memref_squeeze %dma_wait3A_95 : memref<1x1x2x80xi32, #tpu.memory_space<hbm>> -> memref<2x80xi32, #tpu.memory_space<hbm>>
        %dma_wait3A_97 = arith.constant 0 : i32
        %dma_wait3A_98 = arith.constant 0 : i32
        %dma_wait3A_99 = tpu.memref_slice %arg4[%arg1, %run_scoped3A, %dma_wait3A_97, %dma_wait3A_98] : memref<16x125x2x80xi32, #tpu.memory_space<hbm>> -> memref<1x1x2x80xi32, #tpu.memory_space<hbm>>
        %dma_wait3A_100 = tpu.memref_squeeze %dma_wait3A_99 : memref<1x1x2x80xi32, #tpu.memory_space<hbm>> -> memref<2x80xi32, #tpu.memory_space<hbm>>
        tpu.wait_dma2 semaphore(%run_scoped3A_84 : memref<!tpu.dma_semaphore, #tpu.memory_space<semaphore_mem>>) src(%dma_wait3A_100 : memref<2x80xi32, #tpu.memory_space<hbm>>) dst(%arg8 : memref<2x80xi32, #tpu.memory_space<vmem>>)
        tpu.yield
      }) : () -> ()
      %dma_start3A = arith.constant 0 : i32
      %dma_start3A_11 = arith.constant 0 : i32
      %dma_start3A_12 = tpu.memref_slice %arg8[%dma_start3A, %dma_start3A_11] : memref<2x80xi32, #tpu.memory_space<vmem>> -> memref<1x80xi32, #tpu.memory_space<vmem>>
      %dma_start3A_13 = tpu.memref_squeeze %dma_start3A_12 : memref<1x80xi32, #tpu.memory_space<vmem>> -> memref<80xi32, #tpu.memory_space<vmem>>
      %dma_start3A_14 = arith.constant 0 : i32
      %dma_start3A_15 = arith.constant 0 : i32
      %dma_start3A_16 = tpu.memref_slice %arg2[%dma_start3A_14, %dma_start3A_15] : memref<10000x128xf32, #tpu.memory_space<hbm>> -> memref<10000x128xf32, #tpu.memory_space<hbm>>
      tpu.enqueue_indirect_dma source(%dma_start3A_16 : memref<10000x128xf32, #tpu.memory_space<hbm>>) target(%arg12 : memref<80x128xf32, #tpu.memory_space<vmem>>) offsets(%dma_start3A_13 : memref<80xi32, #tpu.memory_space<vmem>>) semaphore(%arg17 : memref<!tpu.dma_semaphore, #tpu.memory_space<semaphore_mem>>)
      %run_scoped3A_17 = arith.constant 1 : i32
      "tpu.region"() ({
        %run_scoped3A_84 = tpu.sem_alloc : memref<!tpu.dma_semaphore, #tpu.memory_space<semaphore_mem>>
        %dma_start3A_85 = arith.constant 0 : i32
        %dma_start3A_86 = arith.constant 0 : i32
        %dma_start3A_87 = tpu.memref_slice %arg4[%arg1, %run_scoped3A_17, %dma_start3A_85, %dma_start3A_86] : memref<16x125x2x80xi32, #tpu.memory_space<hbm>> -> memref<1x1x2x80xi32, #tpu.memory_space<hbm>>
        %dma_start3A_88 = tpu.memref_squeeze %dma_start3A_87 : memref<1x1x2x80xi32, #tpu.memory_space<hbm>> -> memref<2x80xi32, #tpu.memory_space<hbm>>
        %dma_start3A_89 = arith.constant 0 : i32
        %dma_start3A_90 = arith.constant 0 : i32
        %dma_start3A_91 = tpu.memref_slice %arg4[%arg1, %run_scoped3A_17, %dma_start3A_89, %dma_start3A_90] : memref<16x125x2x80xi32, #tpu.memory_space<hbm>> -> memref<1x1x2x80xi32, #tpu.memory_space<hbm>>
        %dma_start3A_92 = tpu.memref_squeeze %dma_start3A_91 : memref<1x1x2x80xi32, #tpu.memory_space<hbm>> -> memref<2x80xi32, #tpu.memory_space<hbm>>
        tpu.enqueue_dma source(%dma_start3A_92 : memref<2x80xi32, #tpu.memory_space<hbm>>) target(%arg9 : memref<2x80xi32, #tpu.memory_space<vmem>>) target_semaphore(%run_scoped3A_84 : memref<!tpu.dma_semaphore, #tpu.memory_space<semaphore_mem>>)
        %dma_wait3A_93 = arith.constant 0 : i32
        %dma_wait3A_94 = arith.constant 0 : i32
        %dma_wait3A_95 = tpu.memref_slice %arg4[%arg1, %run_scoped3A_17, %dma_wait3A_93, %dma_wait3A_94] : memref<16x125x2x80xi32, #tpu.memory_space<hbm>> -> memref<1x1x2x80xi32, #tpu.memory_space<hbm>>
        %dma_wait3A_96 = tpu.memref_squeeze %dma_wait3A_95 : memref<1x1x2x80xi32, #tpu.memory_space<hbm>> -> memref<2x80xi32, #tpu.memory_space<hbm>>
        %dma_wait3A_97 = arith.constant 0 : i32
        %dma_wait3A_98 = arith.constant 0 : i32
        %dma_wait3A_99 = tpu.memref_slice %arg4[%arg1, %run_scoped3A_17, %dma_wait3A_97, %dma_wait3A_98] : memref<16x125x2x80xi32, #tpu.memory_space<hbm>> -> memref<1x1x2x80xi32, #tpu.memory_space<hbm>>
        %dma_wait3A_100 = tpu.memref_squeeze %dma_wait3A_99 : memref<1x1x2x80xi32, #tpu.memory_space<hbm>> -> memref<2x80xi32, #tpu.memory_space<hbm>>
        tpu.wait_dma2 semaphore(%run_scoped3A_84 : memref<!tpu.dma_semaphore, #tpu.memory_space<semaphore_mem>>) src(%dma_wait3A_100 : memref<2x80xi32, #tpu.memory_space<hbm>>) dst(%arg9 : memref<2x80xi32, #tpu.memory_space<vmem>>)
        tpu.yield
      }) : () -> ()
      %dma_start3A_18 = arith.constant 0 : i32
      %dma_start3A_19 = arith.constant 0 : i32
      %dma_start3A_20 = tpu.memref_slice %arg9[%dma_start3A_18, %dma_start3A_19] : memref<2x80xi32, #tpu.memory_space<vmem>> -> memref<1x80xi32, #tpu.memory_space<vmem>>
      %dma_start3A_21 = tpu.memref_squeeze %dma_start3A_20 : memref<1x80xi32, #tpu.memory_space<vmem>> -> memref<80xi32, #tpu.memory_space<vmem>>
      %dma_start3A_22 = arith.constant 0 : i32
      %dma_start3A_23 = arith.constant 0 : i32
      %dma_start3A_24 = tpu.memref_slice %arg2[%dma_start3A_22, %dma_start3A_23] : memref<10000x128xf32, #tpu.memory_space<hbm>> -> memref<10000x128xf32, #tpu.memory_space<hbm>>
      tpu.enqueue_indirect_dma source(%dma_start3A_24 : memref<10000x128xf32, #tpu.memory_space<hbm>>) target(%arg13 : memref<80x128xf32, #tpu.memory_space<vmem>>) offsets(%dma_start3A_21 : memref<80xi32, #tpu.memory_space<vmem>>) semaphore(%arg18 : memref<!tpu.dma_semaphore, #tpu.memory_space<semaphore_mem>>)
      %run_scoped3A_25 = arith.constant 2 : i32
      "tpu.region"() ({
        %run_scoped3A_84 = tpu.sem_alloc : memref<!tpu.dma_semaphore, #tpu.memory_space<semaphore_mem>>
        %dma_start3A_85 = arith.constant 0 : i32
        %dma_start3A_86 = arith.constant 0 : i32
        %dma_start3A_87 = tpu.memref_slice %arg4[%arg1, %run_scoped3A_25, %dma_start3A_85, %dma_start3A_86] : memref<16x125x2x80xi32, #tpu.memory_space<hbm>> -> memref<1x1x2x80xi32, #tpu.memory_space<hbm>>
        %dma_start3A_88 = tpu.memref_squeeze %dma_start3A_87 : memref<1x1x2x80xi32, #tpu.memory_space<hbm>> -> memref<2x80xi32, #tpu.memory_space<hbm>>
        %dma_start3A_89 = arith.constant 0 : i32
        %dma_start3A_90 = arith.constant 0 : i32
        %dma_start3A_91 = tpu.memref_slice %arg4[%arg1, %run_scoped3A_25, %dma_start3A_89, %dma_start3A_90] : memref<16x125x2x80xi32, #tpu.memory_space<hbm>> -> memref<1x1x2x80xi32, #tpu.memory_space<hbm>>
        %dma_start3A_92 = tpu.memref_squeeze %dma_start3A_91 : memref<1x1x2x80xi32, #tpu.memory_space<hbm>> -> memref<2x80xi32, #tpu.memory_space<hbm>>
        tpu.enqueue_dma source(%dma_start3A_92 : memref<2x80xi32, #tpu.memory_space<hbm>>) target(%arg10 : memref<2x80xi32, #tpu.memory_space<vmem>>) target_semaphore(%run_scoped3A_84 : memref<!tpu.dma_semaphore, #tpu.memory_space<semaphore_mem>>)
        %dma_wait3A_93 = arith.constant 0 : i32
        %dma_wait3A_94 = arith.constant 0 : i32
        %dma_wait3A_95 = tpu.memref_slice %arg4[%arg1, %run_scoped3A_25, %dma_wait3A_93, %dma_wait3A_94] : memref<16x125x2x80xi32, #tpu.memory_space<hbm>> -> memref<1x1x2x80xi32, #tpu.memory_space<hbm>>
        %dma_wait3A_96 = tpu.memref_squeeze %dma_wait3A_95 : memref<1x1x2x80xi32, #tpu.memory_space<hbm>> -> memref<2x80xi32, #tpu.memory_space<hbm>>
        %dma_wait3A_97 = arith.constant 0 : i32
        %dma_wait3A_98 = arith.constant 0 : i32
        %dma_wait3A_99 = tpu.memref_slice %arg4[%arg1, %run_scoped3A_25, %dma_wait3A_97, %dma_wait3A_98] : memref<16x125x2x80xi32, #tpu.memory_space<hbm>> -> memref<1x1x2x80xi32, #tpu.memory_space<hbm>>
        %dma_wait3A_100 = tpu.memref_squeeze %dma_wait3A_99 : memref<1x1x2x80xi32, #tpu.memory_space<hbm>> -> memref<2x80xi32, #tpu.memory_space<hbm>>
        tpu.wait_dma2 semaphore(%run_scoped3A_84 : memref<!tpu.dma_semaphore, #tpu.memory_space<semaphore_mem>>) src(%dma_wait3A_100 : memref<2x80xi32, #tpu.memory_space<hbm>>) dst(%arg10 : memref<2x80xi32, #tpu.memory_space<vmem>>)
        tpu.yield
      }) : () -> ()
      %dma_start3A_26 = arith.constant 0 : i32
      %dma_start3A_27 = arith.constant 0 : i32
      %dma_start3A_28 = tpu.memref_slice %arg10[%dma_start3A_26, %dma_start3A_27] : memref<2x80xi32, #tpu.memory_space<vmem>> -> memref<1x80xi32, #tpu.memory_space<vmem>>
      %dma_start3A_29 = tpu.memref_squeeze %dma_start3A_28 : memref<1x80xi32, #tpu.memory_space<vmem>> -> memref<80xi32, #tpu.memory_space<vmem>>
      %dma_start3A_30 = arith.constant 0 : i32
      %dma_start3A_31 = arith.constant 0 : i32
      %dma_start3A_32 = tpu.memref_slice %arg2[%dma_start3A_30, %dma_start3A_31] : memref<10000x128xf32, #tpu.memory_space<hbm>> -> memref<10000x128xf32, #tpu.memory_space<hbm>>
      tpu.enqueue_indirect_dma source(%dma_start3A_32 : memref<10000x128xf32, #tpu.memory_space<hbm>>) target(%arg14 : memref<80x128xf32, #tpu.memory_space<vmem>>) offsets(%dma_start3A_29 : memref<80xi32, #tpu.memory_space<vmem>>) semaphore(%arg19 : memref<!tpu.dma_semaphore, #tpu.memory_space<semaphore_mem>>)
      %dma_wait3A = arith.constant 0 : i32
      %dma_wait3A_33 = arith.constant 0 : i32
      %dma_wait3A_34 = tpu.memref_slice %arg2[%dma_wait3A, %dma_wait3A_33] : memref<10000x128xf32, #tpu.memory_space<hbm>> -> memref<80x128xf32, #tpu.memory_space<hbm>>
      %dma_wait3A_35 = arith.constant 0 : i32
      %dma_wait3A_36 = arith.constant 0 : i32
      %dma_wait3A_37 = tpu.memref_slice %arg2[%dma_wait3A_35, %dma_wait3A_36] : memref<10000x128xf32, #tpu.memory_space<hbm>> -> memref<80x128xf32, #tpu.memory_space<hbm>>
      tpu.wait_dma2 semaphore(%arg17 : memref<!tpu.dma_semaphore, #tpu.memory_space<semaphore_mem>>) src(%dma_wait3A_37 : memref<80x128xf32, #tpu.memory_space<hbm>>) dst(%arg12 : memref<80x128xf32, #tpu.memory_space<vmem>>)
      %dma_start3A_38 = arith.constant 1 : i32
      %dma_start3A_39 = arith.constant 0 : i32
      %dma_start3A_40 = tpu.memref_slice %arg8[%dma_start3A_38, %dma_start3A_39] : memref<2x80xi32, #tpu.memory_space<vmem>> -> memref<1x80xi32, #tpu.memory_space<vmem>>
      %dma_start3A_41 = tpu.memref_squeeze %dma_start3A_40 : memref<1x80xi32, #tpu.memory_space<vmem>> -> memref<80xi32, #tpu.memory_space<vmem>>
      %dma_start3A_42 = arith.constant 0 : i32
      %dma_start3A_43 = arith.constant 0 : i32
      %dma_start3A_44 = tpu.memref_slice %arg16[%dma_start3A_42, %dma_start3A_43] : memref<10000x128xf32, #tpu.memory_space<vmem_shared>> -> memref<10000x128xf32, #tpu.memory_space<vmem_shared>>
      tpu.enqueue_indirect_dma source(%arg12 : memref<80x128xf32, #tpu.memory_space<vmem>>) target(%dma_start3A_44 : memref<10000x128xf32, #tpu.memory_space<vmem_shared>>) offsets(%dma_start3A_41 : memref<80xi32, #tpu.memory_space<vmem>>) semaphore(%arg21 : memref<!tpu.dma_semaphore, #tpu.memory_space<semaphore_mem>>) {add = true}
      %run_scoped3A_45 = arith.constant 3 : i32
      "tpu.region"() ({
        %run_scoped3A_84 = tpu.sem_alloc : memref<!tpu.dma_semaphore, #tpu.memory_space<semaphore_mem>>
        %dma_start3A_85 = arith.constant 0 : i32
        %dma_start3A_86 = arith.constant 0 : i32
        %dma_start3A_87 = tpu.memref_slice %arg4[%arg1, %run_scoped3A_45, %dma_start3A_85, %dma_start3A_86] : memref<16x125x2x80xi32, #tpu.memory_space<hbm>> -> memref<1x1x2x80xi32, #tpu.memory_space<hbm>>
        %dma_start3A_88 = tpu.memref_squeeze %dma_start3A_87 : memref<1x1x2x80xi32, #tpu.memory_space<hbm>> -> memref<2x80xi32, #tpu.memory_space<hbm>>
        %dma_start3A_89 = arith.constant 0 : i32
        %dma_start3A_90 = arith.constant 0 : i32
        %dma_start3A_91 = tpu.memref_slice %arg4[%arg1, %run_scoped3A_45, %dma_start3A_89, %dma_start3A_90] : memref<16x125x2x80xi32, #tpu.memory_space<hbm>> -> memref<1x1x2x80xi32, #tpu.memory_space<hbm>>
        %dma_start3A_92 = tpu.memref_squeeze %dma_start3A_91 : memref<1x1x2x80xi32, #tpu.memory_space<hbm>> -> memref<2x80xi32, #tpu.memory_space<hbm>>
        tpu.enqueue_dma source(%dma_start3A_92 : memref<2x80xi32, #tpu.memory_space<hbm>>) target(%arg11 : memref<2x80xi32, #tpu.memory_space<vmem>>) target_semaphore(%run_scoped3A_84 : memref<!tpu.dma_semaphore, #tpu.memory_space<semaphore_mem>>)
        %dma_wait3A_93 = arith.constant 0 : i32
        %dma_wait3A_94 = arith.constant 0 : i32
        %dma_wait3A_95 = tpu.memref_slice %arg4[%arg1, %run_scoped3A_45, %dma_wait3A_93, %dma_wait3A_94] : memref<16x125x2x80xi32, #tpu.memory_space<hbm>> -> memref<1x1x2x80xi32, #tpu.memory_space<hbm>>
        %dma_wait3A_96 = tpu.memref_squeeze %dma_wait3A_95 : memref<1x1x2x80xi32, #tpu.memory_space<hbm>> -> memref<2x80xi32, #tpu.memory_space<hbm>>
        %dma_wait3A_97 = arith.constant 0 : i32
        %dma_wait3A_98 = arith.constant 0 : i32
        %dma_wait3A_99 = tpu.memref_slice %arg4[%arg1, %run_scoped3A_45, %dma_wait3A_97, %dma_wait3A_98] : memref<16x125x2x80xi32, #tpu.memory_space<hbm>> -> memref<1x1x2x80xi32, #tpu.memory_space<hbm>>
        %dma_wait3A_100 = tpu.memref_squeeze %dma_wait3A_99 : memref<1x1x2x80xi32, #tpu.memory_space<hbm>> -> memref<2x80xi32, #tpu.memory_space<hbm>>
        tpu.wait_dma2 semaphore(%run_scoped3A_84 : memref<!tpu.dma_semaphore, #tpu.memory_space<semaphore_mem>>) src(%dma_wait3A_100 : memref<2x80xi32, #tpu.memory_space<hbm>>) dst(%arg11 : memref<2x80xi32, #tpu.memory_space<vmem>>)
        tpu.yield
      }) : () -> ()
      %dma_start3A_46 = arith.constant 0 : i32
      %dma_start3A_47 = arith.constant 0 : i32
      %dma_start3A_48 = tpu.memref_slice %arg11[%dma_start3A_46, %dma_start3A_47] : memref<2x80xi32, #tpu.memory_space<vmem>> -> memref<1x80xi32, #tpu.memory_space<vmem>>
      %dma_start3A_49 = tpu.memref_squeeze %dma_start3A_48 : memref<1x80xi32, #tpu.memory_space<vmem>> -> memref<80xi32, #tpu.memory_space<vmem>>
      %dma_start3A_50 = arith.constant 0 : i32
      %dma_start3A_51 = arith.constant 0 : i32
      %dma_start3A_52 = tpu.memref_slice %arg2[%dma_start3A_50, %dma_start3A_51] : memref<10000x128xf32, #tpu.memory_space<hbm>> -> memref<10000x128xf32, #tpu.memory_space<hbm>>
      tpu.enqueue_indirect_dma source(%dma_start3A_52 : memref<10000x128xf32, #tpu.memory_space<hbm>>) target(%arg15 : memref<80x128xf32, #tpu.memory_space<vmem>>) offsets(%dma_start3A_49 : memref<80xi32, #tpu.memory_space<vmem>>) semaphore(%arg20 : memref<!tpu.dma_semaphore, #tpu.memory_space<semaphore_mem>>)
      %dma_wait3A_53 = arith.constant 0 : i32
      %dma_wait3A_54 = arith.constant 0 : i32
      %dma_wait3A_55 = tpu.memref_slice %arg2[%dma_wait3A_53, %dma_wait3A_54] : memref<10000x128xf32, #tpu.memory_space<hbm>> -> memref<80x128xf32, #tpu.memory_space<hbm>>
      %dma_wait3A_56 = arith.constant 0 : i32
      %dma_wait3A_57 = arith.constant 0 : i32
      %dma_wait3A_58 = tpu.memref_slice %arg2[%dma_wait3A_56, %dma_wait3A_57] : memref<10000x128xf32, #tpu.memory_space<hbm>> -> memref<80x128xf32, #tpu.memory_space<hbm>>
      tpu.wait_dma2 semaphore(%arg18 : memref<!tpu.dma_semaphore, #tpu.memory_space<semaphore_mem>>) src(%dma_wait3A_58 : memref<80x128xf32, #tpu.memory_space<hbm>>) dst(%arg13 : memref<80x128xf32, #tpu.memory_space<vmem>>)
      %dma_start3A_59 = arith.constant 1 : i32
      %dma_start3A_60 = arith.constant 0 : i32
      %dma_start3A_61 = tpu.memref_slice %arg9[%dma_start3A_59, %dma_start3A_60] : memref<2x80xi32, #tpu.memory_space<vmem>> -> memref<1x80xi32, #tpu.memory_space<vmem>>
      %dma_start3A_62 = tpu.memref_squeeze %dma_start3A_61 : memref<1x80xi32, #tpu.memory_space<vmem>> -> memref<80xi32, #tpu.memory_space<vmem>>
      %dma_start3A_63 = arith.constant 0 : i32
      %dma_start3A_64 = arith.constant 0 : i32
      %dma_start3A_65 = tpu.memref_slice %arg16[%dma_start3A_63, %dma_start3A_64] : memref<10000x128xf32, #tpu.memory_space<vmem_shared>> -> memref<10000x128xf32, #tpu.memory_space<vmem_shared>>
      tpu.enqueue_indirect_dma source(%arg13 : memref<80x128xf32, #tpu.memory_space<vmem>>) target(%dma_start3A_65 : memref<10000x128xf32, #tpu.memory_space<vmem_shared>>) offsets(%dma_start3A_62 : memref<80xi32, #tpu.memory_space<vmem>>) semaphore(%arg22 : memref<!tpu.dma_semaphore, #tpu.memory_space<semaphore_mem>>) {add = true}
      %scan3A = arith.constant 0 : i32
      %scan3A_66 = arith.constant 0 : i32
      %scan3A_67 = arith.constant 31 : i32
      %scan3A_68 = arith.addi %scan3A_66, %scan3A_67 : i32
      %scan3A_69 = arith.constant 1 : i32
      scf.for %scan3A_84 = %scan3A_66 to %scan3A_68 step %scan3A_69  : i32 {
        %mul3A_85 = arith.constant 4 : i32
        %mul3A_86 = arith.muli %scan3A_84, %mul3A_85 : i32
        %add3A = arith.constant 4 : i32
        %add3A_87 = arith.addi %add3A, %mul3A_86 : i32
        %add3A_88 = arith.constant 0 : i32
        %add3A_89 = arith.addi %add3A_87, %add3A_88 : i32
        %sub3A = arith.constant 4 : i32
        %sub3A_90 = arith.subi %add3A_89, %sub3A : i32
        %lt3A_91 = arith.constant 124 : i32
        %lt3A_92 = arith.cmpi slt, %sub3A_90, %lt3A_91 : i32
        %convert_element_type3A_93 = arith.extui %lt3A_92 : i1 to i32
        %cond3A_94 = arith.constant 0 : i32
        %cond3A_95 = arith.cmpi ne, %convert_element_type3A_93, %cond3A_94 : i32
        scf.if %cond3A_95 {
          %dma_wait3A_171 = arith.constant 0 : i32
          %dma_wait3A_172 = arith.constant 0 : i32
          %dma_wait3A_173 = tpu.memref_slice %arg2[%dma_wait3A_171, %dma_wait3A_172] : memref<10000x128xf32, #tpu.memory_space<hbm>> -> memref<80x128xf32, #tpu.memory_space<hbm>>
          %dma_wait3A_174 = arith.constant 0 : i32
          %dma_wait3A_175 = arith.constant 0 : i32
          %dma_wait3A_176 = tpu.memref_slice %arg2[%dma_wait3A_174, %dma_wait3A_175] : memref<10000x128xf32, #tpu.memory_space<hbm>> -> memref<80x128xf32, #tpu.memory_space<hbm>>
          tpu.wait_dma2 semaphore(%arg21 : memref<!tpu.dma_semaphore, #tpu.memory_space<semaphore_mem>>) src(%dma_wait3A_176 : memref<80x128xf32, #tpu.memory_space<hbm>>) dst(%arg12 : memref<80x128xf32, #tpu.memory_space<vmem>>)
        } else {
        }
        %lt3A_96 = arith.constant 125 : i32
        %lt3A_97 = arith.cmpi slt, %add3A_89, %lt3A_96 : i32
        %convert_element_type3A_98 = arith.extui %lt3A_97 : i1 to i32
        %cond3A_99 = arith.constant 0 : i32
        %cond3A_100 = arith.cmpi ne, %convert_element_type3A_98, %cond3A_99 : i32
        scf.if %cond3A_100 {
          "tpu.region"() ({
            %run_scoped3A_178 = tpu.sem_alloc : memref<!tpu.dma_semaphore, #tpu.memory_space<semaphore_mem>>
            %dma_start3A_179 = arith.constant 0 : i32
            %dma_start3A_180 = arith.constant 0 : i32
            %dma_start3A_181 = tpu.memref_slice %arg4[%arg1, %add3A_89, %dma_start3A_179, %dma_start3A_180] : memref<16x125x2x80xi32, #tpu.memory_space<hbm>> -> memref<1x1x2x80xi32, #tpu.memory_space<hbm>>
            %dma_start3A_182 = tpu.memref_squeeze %dma_start3A_181 : memref<1x1x2x80xi32, #tpu.memory_space<hbm>> -> memref<2x80xi32, #tpu.memory_space<hbm>>
            %dma_start3A_183 = arith.constant 0 : i32
            %dma_start3A_184 = arith.constant 0 : i32
            %dma_start3A_185 = tpu.memref_slice %arg4[%arg1, %add3A_89, %dma_start3A_183, %dma_start3A_184] : memref<16x125x2x80xi32, #tpu.memory_space<hbm>> -> memref<1x1x2x80xi32, #tpu.memory_space<hbm>>
            %dma_start3A_186 = tpu.memref_squeeze %dma_start3A_185 : memref<1x1x2x80xi32, #tpu.memory_space<hbm>> -> memref<2x80xi32, #tpu.memory_space<hbm>>
            tpu.enqueue_dma source(%dma_start3A_186 : memref<2x80xi32, #tpu.memory_space<hbm>>) target(%arg8 : memref<2x80xi32, #tpu.memory_space<vmem>>) target_semaphore(%run_scoped3A_178 : memref<!tpu.dma_semaphore, #tpu.memory_space<semaphore_mem>>)
            %dma_wait3A_187 = arith.constant 0 : i32
            %dma_wait3A_188 = arith.constant 0 : i32
            %dma_wait3A_189 = tpu.memref_slice %arg4[%arg1, %add3A_89, %dma_wait3A_187, %dma_wait3A_188] : memref<16x125x2x80xi32, #tpu.memory_space<hbm>> -> memref<1x1x2x80xi32, #tpu.memory_space<hbm>>
            %dma_wait3A_190 = tpu.memref_squeeze %dma_wait3A_189 : memref<1x1x2x80xi32, #tpu.memory_space<hbm>> -> memref<2x80xi32, #tpu.memory_space<hbm>>
            %dma_wait3A_191 = arith.constant 0 : i32
            %dma_wait3A_192 = arith.constant 0 : i32
            %dma_wait3A_193 = tpu.memref_slice %arg4[%arg1, %add3A_89, %dma_wait3A_191, %dma_wait3A_192] : memref<16x125x2x80xi32, #tpu.memory_space<hbm>> -> memref<1x1x2x80xi32, #tpu.memory_space<hbm>>
            %dma_wait3A_194 = tpu.memref_squeeze %dma_wait3A_193 : memref<1x1x2x80xi32, #tpu.memory_space<hbm>> -> memref<2x80xi32, #tpu.memory_space<hbm>>
            tpu.wait_dma2 semaphore(%run_scoped3A_178 : memref<!tpu.dma_semaphore, #tpu.memory_space<semaphore_mem>>) src(%dma_wait3A_194 : memref<2x80xi32, #tpu.memory_space<hbm>>) dst(%arg8 : memref<2x80xi32, #tpu.memory_space<vmem>>)
            tpu.yield
          }) : () -> ()
          %dma_start3A_171 = arith.constant 0 : i32
          %dma_start3A_172 = arith.constant 0 : i32
          %dma_start3A_173 = tpu.memref_slice %arg8[%dma_start3A_171, %dma_start3A_172] : memref<2x80xi32, #tpu.memory_space<vmem>> -> memref<1x80xi32, #tpu.memory_space<vmem>>
          %dma_start3A_174 = tpu.memref_squeeze %dma_start3A_173 : memref<1x80xi32, #tpu.memory_space<vmem>> -> memref<80xi32, #tpu.memory_space<vmem>>
          %dma_start3A_175 = arith.constant 0 : i32
          %dma_start3A_176 = arith.constant 0 : i32
          %dma_start3A_177 = tpu.memref_slice %arg2[%dma_start3A_175, %dma_start3A_176] : memref<10000x128xf32, #tpu.memory_space<hbm>> -> memref<10000x128xf32, #tpu.memory_space<hbm>>
          tpu.enqueue_indirect_dma source(%dma_start3A_177 : memref<10000x128xf32, #tpu.memory_space<hbm>>) target(%arg12 : memref<80x128xf32, #tpu.memory_space<vmem>>) offsets(%dma_start3A_174 : memref<80xi32, #tpu.memory_space<vmem>>) semaphore(%arg17 : memref<!tpu.dma_semaphore, #tpu.memory_space<semaphore_mem>>)
        } else {
        }
        %sub3A_101 = arith.constant 2 : i32
        %sub3A_102 = arith.subi %add3A_89, %sub3A_101 : i32
        %lt3A_103 = arith.constant 125 : i32
        %lt3A_104 = arith.cmpi slt, %sub3A_102, %lt3A_103 : i32
        %convert_element_type3A_105 = arith.extui %lt3A_104 : i1 to i32
        %cond3A_106 = arith.constant 0 : i32
        %cond3A_107 = arith.cmpi ne, %convert_element_type3A_105, %cond3A_106 : i32
        scf.if %cond3A_107 {
          %dma_wait3A_171 = arith.constant 0 : i32
          %dma_wait3A_172 = arith.constant 0 : i32
          %dma_wait3A_173 = tpu.memref_slice %arg2[%dma_wait3A_171, %dma_wait3A_172] : memref<10000x128xf32, #tpu.memory_space<hbm>> -> memref<80x128xf32, #tpu.memory_space<hbm>>
          %dma_wait3A_174 = arith.constant 0 : i32
          %dma_wait3A_175 = arith.constant 0 : i32
          %dma_wait3A_176 = tpu.memref_slice %arg2[%dma_wait3A_174, %dma_wait3A_175] : memref<10000x128xf32, #tpu.memory_space<hbm>> -> memref<80x128xf32, #tpu.memory_space<hbm>>
          tpu.wait_dma2 semaphore(%arg19 : memref<!tpu.dma_semaphore, #tpu.memory_space<semaphore_mem>>) src(%dma_wait3A_176 : memref<80x128xf32, #tpu.memory_space<hbm>>) dst(%arg14 : memref<80x128xf32, #tpu.memory_space<vmem>>)
          %dma_start3A_177 = arith.constant 1 : i32
          %dma_start3A_178 = arith.constant 0 : i32
          %dma_start3A_179 = tpu.memref_slice %arg10[%dma_start3A_177, %dma_start3A_178] : memref<2x80xi32, #tpu.memory_space<vmem>> -> memref<1x80xi32, #tpu.memory_space<vmem>>
          %dma_start3A_180 = tpu.memref_squeeze %dma_start3A_179 : memref<1x80xi32, #tpu.memory_space<vmem>> -> memref<80xi32, #tpu.memory_space<vmem>>
          %dma_start3A_181 = arith.constant 0 : i32
          %dma_start3A_182 = arith.constant 0 : i32
          %dma_start3A_183 = tpu.memref_slice %arg16[%dma_start3A_181, %dma_start3A_182] : memref<10000x128xf32, #tpu.memory_space<vmem_shared>> -> memref<10000x128xf32, #tpu.memory_space<vmem_shared>>
          tpu.enqueue_indirect_dma source(%arg14 : memref<80x128xf32, #tpu.memory_space<vmem>>) target(%dma_start3A_183 : memref<10000x128xf32, #tpu.memory_space<vmem_shared>>) offsets(%dma_start3A_180 : memref<80xi32, #tpu.memory_space<vmem>>) semaphore(%arg23 : memref<!tpu.dma_semaphore, #tpu.memory_space<semaphore_mem>>) {add = true}
        } else {
        }
        %add3A_108 = arith.constant 1 : i32
        %add3A_109 = arith.addi %add3A_87, %add3A_108 : i32
        %sub3A_110 = arith.constant 4 : i32
        %sub3A_111 = arith.subi %add3A_109, %sub3A_110 : i32
        %lt3A_112 = arith.constant 124 : i32
        %lt3A_113 = arith.cmpi slt, %sub3A_111, %lt3A_112 : i32
        %convert_element_type3A_114 = arith.extui %lt3A_113 : i1 to i32
        %cond3A_115 = arith.constant 0 : i32
        %cond3A_116 = arith.cmpi ne, %convert_element_type3A_114, %cond3A_115 : i32
        scf.if %cond3A_116 {
          %dma_wait3A_171 = arith.constant 0 : i32
          %dma_wait3A_172 = arith.constant 0 : i32
          %dma_wait3A_173 = tpu.memref_slice %arg2[%dma_wait3A_171, %dma_wait3A_172] : memref<10000x128xf32, #tpu.memory_space<hbm>> -> memref<80x128xf32, #tpu.memory_space<hbm>>
          %dma_wait3A_174 = arith.constant 0 : i32
          %dma_wait3A_175 = arith.constant 0 : i32
          %dma_wait3A_176 = tpu.memref_slice %arg2[%dma_wait3A_174, %dma_wait3A_175] : memref<10000x128xf32, #tpu.memory_space<hbm>> -> memref<80x128xf32, #tpu.memory_space<hbm>>
          tpu.wait_dma2 semaphore(%arg22 : memref<!tpu.dma_semaphore, #tpu.memory_space<semaphore_mem>>) src(%dma_wait3A_176 : memref<80x128xf32, #tpu.memory_space<hbm>>) dst(%arg13 : memref<80x128xf32, #tpu.memory_space<vmem>>)
        } else {
        }
        %lt3A_117 = arith.constant 125 : i32
        %lt3A_118 = arith.cmpi slt, %add3A_109, %lt3A_117 : i32
        %convert_element_type3A_119 = arith.extui %lt3A_118 : i1 to i32
        %cond3A_120 = arith.constant 0 : i32
        %cond3A_121 = arith.cmpi ne, %convert_element_type3A_119, %cond3A_120 : i32
        scf.if %cond3A_121 {
          "tpu.region"() ({
            %run_scoped3A_178 = tpu.sem_alloc : memref<!tpu.dma_semaphore, #tpu.memory_space<semaphore_mem>>
            %dma_start3A_179 = arith.constant 0 : i32
            %dma_start3A_180 = arith.constant 0 : i32
            %dma_start3A_181 = tpu.memref_slice %arg4[%arg1, %add3A_109, %dma_start3A_179, %dma_start3A_180] : memref<16x125x2x80xi32, #tpu.memory_space<hbm>> -> memref<1x1x2x80xi32, #tpu.memory_space<hbm>>
            %dma_start3A_182 = tpu.memref_squeeze %dma_start3A_181 : memref<1x1x2x80xi32, #tpu.memory_space<hbm>> -> memref<2x80xi32, #tpu.memory_space<hbm>>
            %dma_start3A_183 = arith.constant 0 : i32
            %dma_start3A_184 = arith.constant 0 : i32
            %dma_start3A_185 = tpu.memref_slice %arg4[%arg1, %add3A_109, %dma_start3A_183, %dma_start3A_184] : memref<16x125x2x80xi32, #tpu.memory_space<hbm>> -> memref<1x1x2x80xi32, #tpu.memory_space<hbm>>
            %dma_start3A_186 = tpu.memref_squeeze %dma_start3A_185 : memref<1x1x2x80xi32, #tpu.memory_space<hbm>> -> memref<2x80xi32, #tpu.memory_space<hbm>>
            tpu.enqueue_dma source(%dma_start3A_186 : memref<2x80xi32, #tpu.memory_space<hbm>>) target(%arg9 : memref<2x80xi32, #tpu.memory_space<vmem>>) target_semaphore(%run_scoped3A_178 : memref<!tpu.dma_semaphore, #tpu.memory_space<semaphore_mem>>)
            %dma_wait3A_187 = arith.constant 0 : i32
            %dma_wait3A_188 = arith.constant 0 : i32
            %dma_wait3A_189 = tpu.memref_slice %arg4[%arg1, %add3A_109, %dma_wait3A_187, %dma_wait3A_188] : memref<16x125x2x80xi32, #tpu.memory_space<hbm>> -> memref<1x1x2x80xi32, #tpu.memory_space<hbm>>
            %dma_wait3A_190 = tpu.memref_squeeze %dma_wait3A_189 : memref<1x1x2x80xi32, #tpu.memory_space<hbm>> -> memref<2x80xi32, #tpu.memory_space<hbm>>
            %dma_wait3A_191 = arith.constant 0 : i32
            %dma_wait3A_192 = arith.constant 0 : i32
            %dma_wait3A_193 = tpu.memref_slice %arg4[%arg1, %add3A_109, %dma_wait3A_191, %dma_wait3A_192] : memref<16x125x2x80xi32, #tpu.memory_space<hbm>> -> memref<1x1x2x80xi32, #tpu.memory_space<hbm>>
            %dma_wait3A_194 = tpu.memref_squeeze %dma_wait3A_193 : memref<1x1x2x80xi32, #tpu.memory_space<hbm>> -> memref<2x80xi32, #tpu.memory_space<hbm>>
            tpu.wait_dma2 semaphore(%run_scoped3A_178 : memref<!tpu.dma_semaphore, #tpu.memory_space<semaphore_mem>>) src(%dma_wait3A_194 : memref<2x80xi32, #tpu.memory_space<hbm>>) dst(%arg9 : memref<2x80xi32, #tpu.memory_space<vmem>>)
            tpu.yield
          }) : () -> ()
          %dma_start3A_171 = arith.constant 0 : i32
          %dma_start3A_172 = arith.constant 0 : i32
          %dma_start3A_173 = tpu.memref_slice %arg9[%dma_start3A_171, %dma_start3A_172] : memref<2x80xi32, #tpu.memory_space<vmem>> -> memref<1x80xi32, #tpu.memory_space<vmem>>
          %dma_start3A_174 = tpu.memref_squeeze %dma_start3A_173 : memref<1x80xi32, #tpu.memory_space<vmem>> -> memref<80xi32, #tpu.memory_space<vmem>>
          %dma_start3A_175 = arith.constant 0 : i32
          %dma_start3A_176 = arith.constant 0 : i32
          %dma_start3A_177 = tpu.memref_slice %arg2[%dma_start3A_175, %dma_start3A_176] : memref<10000x128xf32, #tpu.memory_space<hbm>> -> memref<10000x128xf32, #tpu.memory_space<hbm>>
          tpu.enqueue_indirect_dma source(%dma_start3A_177 : memref<10000x128xf32, #tpu.memory_space<hbm>>) target(%arg13 : memref<80x128xf32, #tpu.memory_space<vmem>>) offsets(%dma_start3A_174 : memref<80xi32, #tpu.memory_space<vmem>>) semaphore(%arg18 : memref<!tpu.dma_semaphore, #tpu.memory_space<semaphore_mem>>)
        } else {
        }
        %sub3A_122 = arith.constant 2 : i32
        %sub3A_123 = arith.subi %add3A_109, %sub3A_122 : i32
        %lt3A_124 = arith.constant 125 : i32
        %lt3A_125 = arith.cmpi slt, %sub3A_123, %lt3A_124 : i32
        %convert_element_type3A_126 = arith.extui %lt3A_125 : i1 to i32
        %cond3A_127 = arith.constant 0 : i32
        %cond3A_128 = arith.cmpi ne, %convert_element_type3A_126, %cond3A_127 : i32
        scf.if %cond3A_128 {
          %dma_wait3A_171 = arith.constant 0 : i32
          %dma_wait3A_172 = arith.constant 0 : i32
          %dma_wait3A_173 = tpu.memref_slice %arg2[%dma_wait3A_171, %dma_wait3A_172] : memref<10000x128xf32, #tpu.memory_space<hbm>> -> memref<80x128xf32, #tpu.memory_space<hbm>>
          %dma_wait3A_174 = arith.constant 0 : i32
          %dma_wait3A_175 = arith.constant 0 : i32
          %dma_wait3A_176 = tpu.memref_slice %arg2[%dma_wait3A_174, %dma_wait3A_175] : memref<10000x128xf32, #tpu.memory_space<hbm>> -> memref<80x128xf32, #tpu.memory_space<hbm>>
          tpu.wait_dma2 semaphore(%arg20 : memref<!tpu.dma_semaphore, #tpu.memory_space<semaphore_mem>>) src(%dma_wait3A_176 : memref<80x128xf32, #tpu.memory_space<hbm>>) dst(%arg15 : memref<80x128xf32, #tpu.memory_space<vmem>>)
          %dma_start3A_177 = arith.constant 1 : i32
          %dma_start3A_178 = arith.constant 0 : i32
          %dma_start3A_179 = tpu.memref_slice %arg11[%dma_start3A_177, %dma_start3A_178] : memref<2x80xi32, #tpu.memory_space<vmem>> -> memref<1x80xi32, #tpu.memory_space<vmem>>
          %dma_start3A_180 = tpu.memref_squeeze %dma_start3A_179 : memref<1x80xi32, #tpu.memory_space<vmem>> -> memref<80xi32, #tpu.memory_space<vmem>>
          %dma_start3A_181 = arith.constant 0 : i32
          %dma_start3A_182 = arith.constant 0 : i32
          %dma_start3A_183 = tpu.memref_slice %arg16[%dma_start3A_181, %dma_start3A_182] : memref<10000x128xf32, #tpu.memory_space<vmem_shared>> -> memref<10000x128xf32, #tpu.memory_space<vmem_shared>>
          tpu.enqueue_indirect_dma source(%arg15 : memref<80x128xf32, #tpu.memory_space<vmem>>) target(%dma_start3A_183 : memref<10000x128xf32, #tpu.memory_space<vmem_shared>>) offsets(%dma_start3A_180 : memref<80xi32, #tpu.memory_space<vmem>>) semaphore(%arg24 : memref<!tpu.dma_semaphore, #tpu.memory_space<semaphore_mem>>) {add = true}
        } else {
        }
        %add3A_129 = arith.constant 2 : i32
        %add3A_130 = arith.addi %add3A_87, %add3A_129 : i32
        %sub3A_131 = arith.constant 4 : i32
        %sub3A_132 = arith.subi %add3A_130, %sub3A_131 : i32
        %lt3A_133 = arith.constant 124 : i32
        %lt3A_134 = arith.cmpi slt, %sub3A_132, %lt3A_133 : i32
        %convert_element_type3A_135 = arith.extui %lt3A_134 : i1 to i32
        %cond3A_136 = arith.constant 0 : i32
        %cond3A_137 = arith.cmpi ne, %convert_element_type3A_135, %cond3A_136 : i32
        scf.if %cond3A_137 {
          %dma_wait3A_171 = arith.constant 0 : i32
          %dma_wait3A_172 = arith.constant 0 : i32
          %dma_wait3A_173 = tpu.memref_slice %arg2[%dma_wait3A_171, %dma_wait3A_172] : memref<10000x128xf32, #tpu.memory_space<hbm>> -> memref<80x128xf32, #tpu.memory_space<hbm>>
          %dma_wait3A_174 = arith.constant 0 : i32
          %dma_wait3A_175 = arith.constant 0 : i32
          %dma_wait3A_176 = tpu.memref_slice %arg2[%dma_wait3A_174, %dma_wait3A_175] : memref<10000x128xf32, #tpu.memory_space<hbm>> -> memref<80x128xf32, #tpu.memory_space<hbm>>
          tpu.wait_dma2 semaphore(%arg23 : memref<!tpu.dma_semaphore, #tpu.memory_space<semaphore_mem>>) src(%dma_wait3A_176 : memref<80x128xf32, #tpu.memory_space<hbm>>) dst(%arg14 : memref<80x128xf32, #tpu.memory_space<vmem>>)
        } else {
        }
        %lt3A_138 = arith.constant 125 : i32
        %lt3A_139 = arith.cmpi slt, %add3A_130, %lt3A_138 : i32
        %convert_element_type3A_140 = arith.extui %lt3A_139 : i1 to i32
        %cond3A_141 = arith.constant 0 : i32
        %cond3A_142 = arith.cmpi ne, %convert_element_type3A_140, %cond3A_141 : i32
        scf.if %cond3A_142 {
          "tpu.region"() ({
            %run_scoped3A_178 = tpu.sem_alloc : memref<!tpu.dma_semaphore, #tpu.memory_space<semaphore_mem>>
            %dma_start3A_179 = arith.constant 0 : i32
            %dma_start3A_180 = arith.constant 0 : i32
            %dma_start3A_181 = tpu.memref_slice %arg4[%arg1, %add3A_130, %dma_start3A_179, %dma_start3A_180] : memref<16x125x2x80xi32, #tpu.memory_space<hbm>> -> memref<1x1x2x80xi32, #tpu.memory_space<hbm>>
            %dma_start3A_182 = tpu.memref_squeeze %dma_start3A_181 : memref<1x1x2x80xi32, #tpu.memory_space<hbm>> -> memref<2x80xi32, #tpu.memory_space<hbm>>
            %dma_start3A_183 = arith.constant 0 : i32
            %dma_start3A_184 = arith.constant 0 : i32
            %dma_start3A_185 = tpu.memref_slice %arg4[%arg1, %add3A_130, %dma_start3A_183, %dma_start3A_184] : memref<16x125x2x80xi32, #tpu.memory_space<hbm>> -> memref<1x1x2x80xi32, #tpu.memory_space<hbm>>
            %dma_start3A_186 = tpu.memref_squeeze %dma_start3A_185 : memref<1x1x2x80xi32, #tpu.memory_space<hbm>> -> memref<2x80xi32, #tpu.memory_space<hbm>>
            tpu.enqueue_dma source(%dma_start3A_186 : memref<2x80xi32, #tpu.memory_space<hbm>>) target(%arg10 : memref<2x80xi32, #tpu.memory_space<vmem>>) target_semaphore(%run_scoped3A_178 : memref<!tpu.dma_semaphore, #tpu.memory_space<semaphore_mem>>)
            %dma_wait3A_187 = arith.constant 0 : i32
            %dma_wait3A_188 = arith.constant 0 : i32
            %dma_wait3A_189 = tpu.memref_slice %arg4[%arg1, %add3A_130, %dma_wait3A_187, %dma_wait3A_188] : memref<16x125x2x80xi32, #tpu.memory_space<hbm>> -> memref<1x1x2x80xi32, #tpu.memory_space<hbm>>
            %dma_wait3A_190 = tpu.memref_squeeze %dma_wait3A_189 : memref<1x1x2x80xi32, #tpu.memory_space<hbm>> -> memref<2x80xi32, #tpu.memory_space<hbm>>
            %dma_wait3A_191 = arith.constant 0 : i32
            %dma_wait3A_192 = arith.constant 0 : i32
            %dma_wait3A_193 = tpu.memref_slice %arg4[%arg1, %add3A_130, %dma_wait3A_191, %dma_wait3A_192] : memref<16x125x2x80xi32, #tpu.memory_space<hbm>> -> memref<1x1x2x80xi32, #tpu.memory_space<hbm>>
            %dma_wait3A_194 = tpu.memref_squeeze %dma_wait3A_193 : memref<1x1x2x80xi32, #tpu.memory_space<hbm>> -> memref<2x80xi32, #tpu.memory_space<hbm>>
            tpu.wait_dma2 semaphore(%run_scoped3A_178 : memref<!tpu.dma_semaphore, #tpu.memory_space<semaphore_mem>>) src(%dma_wait3A_194 : memref<2x80xi32, #tpu.memory_space<hbm>>) dst(%arg10 : memref<2x80xi32, #tpu.memory_space<vmem>>)
            tpu.yield
          }) : () -> ()
          %dma_start3A_171 = arith.constant 0 : i32
          %dma_start3A_172 = arith.constant 0 : i32
          %dma_start3A_173 = tpu.memref_slice %arg10[%dma_start3A_171, %dma_start3A_172] : memref<2x80xi32, #tpu.memory_space<vmem>> -> memref<1x80xi32, #tpu.memory_space<vmem>>
          %dma_start3A_174 = tpu.memref_squeeze %dma_start3A_173 : memref<1x80xi32, #tpu.memory_space<vmem>> -> memref<80xi32, #tpu.memory_space<vmem>>
          %dma_start3A_175 = arith.constant 0 : i32
          %dma_start3A_176 = arith.constant 0 : i32
          %dma_start3A_177 = tpu.memref_slice %arg2[%dma_start3A_175, %dma_start3A_176] : memref<10000x128xf32, #tpu.memory_space<hbm>> -> memref<10000x128xf32, #tpu.memory_space<hbm>>
          tpu.enqueue_indirect_dma source(%dma_start3A_177 : memref<10000x128xf32, #tpu.memory_space<hbm>>) target(%arg14 : memref<80x128xf32, #tpu.memory_space<vmem>>) offsets(%dma_start3A_174 : memref<80xi32, #tpu.memory_space<vmem>>) semaphore(%arg19 : memref<!tpu.dma_semaphore, #tpu.memory_space<semaphore_mem>>)
        } else {
        }
        %sub3A_143 = arith.constant 2 : i32
        %sub3A_144 = arith.subi %add3A_130, %sub3A_143 : i32
        %lt3A_145 = arith.constant 125 : i32
        %lt3A_146 = arith.cmpi slt, %sub3A_144, %lt3A_145 : i32
        %convert_element_type3A_147 = arith.extui %lt3A_146 : i1 to i32
        %cond3A_148 = arith.constant 0 : i32
        %cond3A_149 = arith.cmpi ne, %convert_element_type3A_147, %cond3A_148 : i32
        scf.if %cond3A_149 {
          %dma_wait3A_171 = arith.constant 0 : i32
          %dma_wait3A_172 = arith.constant 0 : i32
          %dma_wait3A_173 = tpu.memref_slice %arg2[%dma_wait3A_171, %dma_wait3A_172] : memref<10000x128xf32, #tpu.memory_space<hbm>> -> memref<80x128xf32, #tpu.memory_space<hbm>>
          %dma_wait3A_174 = arith.constant 0 : i32
          %dma_wait3A_175 = arith.constant 0 : i32
          %dma_wait3A_176 = tpu.memref_slice %arg2[%dma_wait3A_174, %dma_wait3A_175] : memref<10000x128xf32, #tpu.memory_space<hbm>> -> memref<80x128xf32, #tpu.memory_space<hbm>>
          tpu.wait_dma2 semaphore(%arg17 : memref<!tpu.dma_semaphore, #tpu.memory_space<semaphore_mem>>) src(%dma_wait3A_176 : memref<80x128xf32, #tpu.memory_space<hbm>>) dst(%arg12 : memref<80x128xf32, #tpu.memory_space<vmem>>)
          %dma_start3A_177 = arith.constant 1 : i32
          %dma_start3A_178 = arith.constant 0 : i32
          %dma_start3A_179 = tpu.memref_slice %arg8[%dma_start3A_177, %dma_start3A_178] : memref<2x80xi32, #tpu.memory_space<vmem>> -> memref<1x80xi32, #tpu.memory_space<vmem>>
          %dma_start3A_180 = tpu.memref_squeeze %dma_start3A_179 : memref<1x80xi32, #tpu.memory_space<vmem>> -> memref<80xi32, #tpu.memory_space<vmem>>
          %dma_start3A_181 = arith.constant 0 : i32
          %dma_start3A_182 = arith.constant 0 : i32
          %dma_start3A_183 = tpu.memref_slice %arg16[%dma_start3A_181, %dma_start3A_182] : memref<10000x128xf32, #tpu.memory_space<vmem_shared>> -> memref<10000x128xf32, #tpu.memory_space<vmem_shared>>
          tpu.enqueue_indirect_dma source(%arg12 : memref<80x128xf32, #tpu.memory_space<vmem>>) target(%dma_start3A_183 : memref<10000x128xf32, #tpu.memory_space<vmem_shared>>) offsets(%dma_start3A_180 : memref<80xi32, #tpu.memory_space<vmem>>) semaphore(%arg21 : memref<!tpu.dma_semaphore, #tpu.memory_space<semaphore_mem>>) {add = true}
        } else {
        }
        %add3A_150 = arith.constant 3 : i32
        %add3A_151 = arith.addi %add3A_87, %add3A_150 : i32
        %sub3A_152 = arith.constant 4 : i32
        %sub3A_153 = arith.subi %add3A_151, %sub3A_152 : i32
        %lt3A_154 = arith.constant 124 : i32
        %lt3A_155 = arith.cmpi slt, %sub3A_153, %lt3A_154 : i32
        %convert_element_type3A_156 = arith.extui %lt3A_155 : i1 to i32
        %cond3A_157 = arith.constant 0 : i32
        %cond3A_158 = arith.cmpi ne, %convert_element_type3A_156, %cond3A_157 : i32
        scf.if %cond3A_158 {
          %dma_wait3A_171 = arith.constant 0 : i32
          %dma_wait3A_172 = arith.constant 0 : i32
          %dma_wait3A_173 = tpu.memref_slice %arg2[%dma_wait3A_171, %dma_wait3A_172] : memref<10000x128xf32, #tpu.memory_space<hbm>> -> memref<80x128xf32, #tpu.memory_space<hbm>>
          %dma_wait3A_174 = arith.constant 0 : i32
          %dma_wait3A_175 = arith.constant 0 : i32
          %dma_wait3A_176 = tpu.memref_slice %arg2[%dma_wait3A_174, %dma_wait3A_175] : memref<10000x128xf32, #tpu.memory_space<hbm>> -> memref<80x128xf32, #tpu.memory_space<hbm>>
          tpu.wait_dma2 semaphore(%arg24 : memref<!tpu.dma_semaphore, #tpu.memory_space<semaphore_mem>>) src(%dma_wait3A_176 : memref<80x128xf32, #tpu.memory_space<hbm>>) dst(%arg15 : memref<80x128xf32, #tpu.memory_space<vmem>>)
        } else {
        }
        %lt3A_159 = arith.constant 125 : i32
        %lt3A_160 = arith.cmpi slt, %add3A_151, %lt3A_159 : i32
        %convert_element_type3A_161 = arith.extui %lt3A_160 : i1 to i32
        %cond3A_162 = arith.constant 0 : i32
        %cond3A_163 = arith.cmpi ne, %convert_element_type3A_161, %cond3A_162 : i32
        scf.if %cond3A_163 {
          "tpu.region"() ({
            %run_scoped3A_178 = tpu.sem_alloc : memref<!tpu.dma_semaphore, #tpu.memory_space<semaphore_mem>>
            %dma_start3A_179 = arith.constant 0 : i32
            %dma_start3A_180 = arith.constant 0 : i32
            %dma_start3A_181 = tpu.memref_slice %arg4[%arg1, %add3A_151, %dma_start3A_179, %dma_start3A_180] : memref<16x125x2x80xi32, #tpu.memory_space<hbm>> -> memref<1x1x2x80xi32, #tpu.memory_space<hbm>>
            %dma_start3A_182 = tpu.memref_squeeze %dma_start3A_181 : memref<1x1x2x80xi32, #tpu.memory_space<hbm>> -> memref<2x80xi32, #tpu.memory_space<hbm>>
            %dma_start3A_183 = arith.constant 0 : i32
            %dma_start3A_184 = arith.constant 0 : i32
            %dma_start3A_185 = tpu.memref_slice %arg4[%arg1, %add3A_151, %dma_start3A_183, %dma_start3A_184] : memref<16x125x2x80xi32, #tpu.memory_space<hbm>> -> memref<1x1x2x80xi32, #tpu.memory_space<hbm>>
            %dma_start3A_186 = tpu.memref_squeeze %dma_start3A_185 : memref<1x1x2x80xi32, #tpu.memory_space<hbm>> -> memref<2x80xi32, #tpu.memory_space<hbm>>
            tpu.enqueue_dma source(%dma_start3A_186 : memref<2x80xi32, #tpu.memory_space<hbm>>) target(%arg11 : memref<2x80xi32, #tpu.memory_space<vmem>>) target_semaphore(%run_scoped3A_178 : memref<!tpu.dma_semaphore, #tpu.memory_space<semaphore_mem>>)
            %dma_wait3A_187 = arith.constant 0 : i32
            %dma_wait3A_188 = arith.constant 0 : i32
            %dma_wait3A_189 = tpu.memref_slice %arg4[%arg1, %add3A_151, %dma_wait3A_187, %dma_wait3A_188] : memref<16x125x2x80xi32, #tpu.memory_space<hbm>> -> memref<1x1x2x80xi32, #tpu.memory_space<hbm>>
            %dma_wait3A_190 = tpu.memref_squeeze %dma_wait3A_189 : memref<1x1x2x80xi32, #tpu.memory_space<hbm>> -> memref<2x80xi32, #tpu.memory_space<hbm>>
            %dma_wait3A_191 = arith.constant 0 : i32
            %dma_wait3A_192 = arith.constant 0 : i32
            %dma_wait3A_193 = tpu.memref_slice %arg4[%arg1, %add3A_151, %dma_wait3A_191, %dma_wait3A_192] : memref<16x125x2x80xi32, #tpu.memory_space<hbm>> -> memref<1x1x2x80xi32, #tpu.memory_space<hbm>>
            %dma_wait3A_194 = tpu.memref_squeeze %dma_wait3A_193 : memref<1x1x2x80xi32, #tpu.memory_space<hbm>> -> memref<2x80xi32, #tpu.memory_space<hbm>>
            tpu.wait_dma2 semaphore(%run_scoped3A_178 : memref<!tpu.dma_semaphore, #tpu.memory_space<semaphore_mem>>) src(%dma_wait3A_194 : memref<2x80xi32, #tpu.memory_space<hbm>>) dst(%arg11 : memref<2x80xi32, #tpu.memory_space<vmem>>)
            tpu.yield
          }) : () -> ()
          %dma_start3A_171 = arith.constant 0 : i32
          %dma_start3A_172 = arith.constant 0 : i32
          %dma_start3A_173 = tpu.memref_slice %arg11[%dma_start3A_171, %dma_start3A_172] : memref<2x80xi32, #tpu.memory_space<vmem>> -> memref<1x80xi32, #tpu.memory_space<vmem>>
          %dma_start3A_174 = tpu.memref_squeeze %dma_start3A_173 : memref<1x80xi32, #tpu.memory_space<vmem>> -> memref<80xi32, #tpu.memory_space<vmem>>
          %dma_start3A_175 = arith.constant 0 : i32
          %dma_start3A_176 = arith.constant 0 : i32
          %dma_start3A_177 = tpu.memref_slice %arg2[%dma_start3A_175, %dma_start3A_176] : memref<10000x128xf32, #tpu.memory_space<hbm>> -> memref<10000x128xf32, #tpu.memory_space<hbm>>
          tpu.enqueue_indirect_dma source(%dma_start3A_177 : memref<10000x128xf32, #tpu.memory_space<hbm>>) target(%arg15 : memref<80x128xf32, #tpu.memory_space<vmem>>) offsets(%dma_start3A_174 : memref<80xi32, #tpu.memory_space<vmem>>) semaphore(%arg20 : memref<!tpu.dma_semaphore, #tpu.memory_space<semaphore_mem>>)
        } else {
        }
        %sub3A_164 = arith.constant 2 : i32
        %sub3A_165 = arith.subi %add3A_151, %sub3A_164 : i32
        %lt3A_166 = arith.constant 125 : i32
        %lt3A_167 = arith.cmpi slt, %sub3A_165, %lt3A_166 : i32
        %convert_element_type3A_168 = arith.extui %lt3A_167 : i1 to i32
        %cond3A_169 = arith.constant 0 : i32
        %cond3A_170 = arith.cmpi ne, %convert_element_type3A_168, %cond3A_169 : i32
        scf.if %cond3A_170 {
          %dma_wait3A_171 = arith.constant 0 : i32
          %dma_wait3A_172 = arith.constant 0 : i32
          %dma_wait3A_173 = tpu.memref_slice %arg2[%dma_wait3A_171, %dma_wait3A_172] : memref<10000x128xf32, #tpu.memory_space<hbm>> -> memref<80x128xf32, #tpu.memory_space<hbm>>
          %dma_wait3A_174 = arith.constant 0 : i32
          %dma_wait3A_175 = arith.constant 0 : i32
          %dma_wait3A_176 = tpu.memref_slice %arg2[%dma_wait3A_174, %dma_wait3A_175] : memref<10000x128xf32, #tpu.memory_space<hbm>> -> memref<80x128xf32, #tpu.memory_space<hbm>>
          tpu.wait_dma2 semaphore(%arg18 : memref<!tpu.dma_semaphore, #tpu.memory_space<semaphore_mem>>) src(%dma_wait3A_176 : memref<80x128xf32, #tpu.memory_space<hbm>>) dst(%arg13 : memref<80x128xf32, #tpu.memory_space<vmem>>)
          %dma_start3A_177 = arith.constant 1 : i32
          %dma_start3A_178 = arith.constant 0 : i32
          %dma_start3A_179 = tpu.memref_slice %arg9[%dma_start3A_177, %dma_start3A_178] : memref<2x80xi32, #tpu.memory_space<vmem>> -> memref<1x80xi32, #tpu.memory_space<vmem>>
          %dma_start3A_180 = tpu.memref_squeeze %dma_start3A_179 : memref<1x80xi32, #tpu.memory_space<vmem>> -> memref<80xi32, #tpu.memory_space<vmem>>
          %dma_start3A_181 = arith.constant 0 : i32
          %dma_start3A_182 = arith.constant 0 : i32
          %dma_start3A_183 = tpu.memref_slice %arg16[%dma_start3A_181, %dma_start3A_182] : memref<10000x128xf32, #tpu.memory_space<vmem_shared>> -> memref<10000x128xf32, #tpu.memory_space<vmem_shared>>
          tpu.enqueue_indirect_dma source(%arg13 : memref<80x128xf32, #tpu.memory_space<vmem>>) target(%dma_start3A_183 : memref<10000x128xf32, #tpu.memory_space<vmem_shared>>) offsets(%dma_start3A_180 : memref<80xi32, #tpu.memory_space<vmem>>) semaphore(%arg22 : memref<!tpu.dma_semaphore, #tpu.memory_space<semaphore_mem>>) {add = true}
        } else {
        }
      }
      %scan3A_70 = arith.constant 31 : i32
      %dma_wait3A_71 = arith.constant 0 : i32
      %dma_wait3A_72 = arith.constant 0 : i32
      %dma_wait3A_73 = tpu.memref_slice %arg2[%dma_wait3A_71, %dma_wait3A_72] : memref<10000x128xf32, #tpu.memory_space<hbm>> -> memref<80x128xf32, #tpu.memory_space<hbm>>
      %dma_wait3A_74 = arith.constant 0 : i32
      %dma_wait3A_75 = arith.constant 0 : i32
      %dma_wait3A_76 = tpu.memref_slice %arg2[%dma_wait3A_74, %dma_wait3A_75] : memref<10000x128xf32, #tpu.memory_space<hbm>> -> memref<80x128xf32, #tpu.memory_space<hbm>>
      tpu.wait_dma2 semaphore(%arg21 : memref<!tpu.dma_semaphore, #tpu.memory_space<semaphore_mem>>) src(%dma_wait3A_76 : memref<80x128xf32, #tpu.memory_space<hbm>>) dst(%arg12 : memref<80x128xf32, #tpu.memory_space<vmem>>)
      %barrier3A_77 = arith.constant 0 : index
      tpu.barrier barrier_id(%barrier3A_77)
      %mul3A = arith.constant 624 : i32
      %mul3A_78 = arith.muli %arg1, %mul3A : i32
      %multiple_of3A = tpu.assume_multiple %mul3A_78, 8 : i32
      "tpu.region"() ({
        %run_scoped3A_84 = tpu.sem_alloc : memref<!tpu.dma_semaphore, #tpu.memory_space<semaphore_mem>>
        %dma_start3A_85 = arith.constant 0 : i32
        %dma_start3A_86 = tpu.memref_slice %arg6[%multiple_of3A, %dma_start3A_85] : memref<10000x128xf32, #tpu.memory_space<hbm>> -> memref<624x128xf32, #tpu.memory_space<hbm>>
        %dma_start3A_87 = arith.constant 0 : i32
        %dma_start3A_88 = tpu.memref_slice %arg16[%multiple_of3A, %dma_start3A_87] : memref<10000x128xf32, #tpu.memory_space<vmem_shared>> -> memref<624x128xf32, #tpu.memory_space<vmem_shared>>
        tpu.enqueue_dma source(%dma_start3A_88 : memref<624x128xf32, #tpu.memory_space<vmem_shared>>) target(%dma_start3A_86 : memref<624x128xf32, #tpu.memory_space<hbm>>) target_semaphore(%run_scoped3A_84 : memref<!tpu.dma_semaphore, #tpu.memory_space<semaphore_mem>>)
        %dma_wait3A_89 = arith.constant 0 : i32
        %dma_wait3A_90 = tpu.memref_slice %arg6[%multiple_of3A, %dma_wait3A_89] : memref<10000x128xf32, #tpu.memory_space<hbm>> -> memref<624x128xf32, #tpu.memory_space<hbm>>
        %dma_wait3A_91 = arith.constant 0 : i32
        %dma_wait3A_92 = tpu.memref_slice %arg16[%multiple_of3A, %dma_wait3A_91] : memref<10000x128xf32, #tpu.memory_space<vmem_shared>> -> memref<624x128xf32, #tpu.memory_space<vmem_shared>>
        tpu.wait_dma2 semaphore(%run_scoped3A_84 : memref<!tpu.dma_semaphore, #tpu.memory_space<semaphore_mem>>) src(%dma_wait3A_92 : memref<624x128xf32, #tpu.memory_space<vmem_shared>>) dst(%dma_wait3A_90 : memref<624x128xf32, #tpu.memory_space<hbm>>)
        tpu.yield
      }) : () -> ()
      %eq3A_79 = arith.constant 0 : i32
      %eq3A_80 = arith.cmpi eq, %arg1, %eq3A_79 : i32
      %convert_element_type3A_81 = arith.extui %eq3A_80 : i1 to i32
      %cond3A_82 = arith.constant 0 : i32
      %cond3A_83 = arith.cmpi ne, %convert_element_type3A_81, %cond3A_82 : i32
      scf.if %cond3A_83 {
        %multiple_of3A_84 = arith.constant 9984 : i32
        %multiple_of3A_85 = tpu.assume_multiple %multiple_of3A_84, 8 : i32
        "tpu.region"() ({
          %run_scoped3A_86 = tpu.sem_alloc : memref<!tpu.dma_semaphore, #tpu.memory_space<semaphore_mem>>
          %dma_start3A_87 = arith.constant 0 : i32
          %dma_start3A_88 = tpu.memref_slice %arg6[%multiple_of3A_85, %dma_start3A_87] : memref<10000x128xf32, #tpu.memory_space<hbm>> -> memref<16x128xf32, #tpu.memory_space<hbm>>
          %dma_start3A_89 = arith.constant 0 : i32
          %dma_start3A_90 = tpu.memref_slice %arg16[%multiple_of3A_85, %dma_start3A_89] : memref<10000x128xf32, #tpu.memory_space<vmem_shared>> -> memref<16x128xf32, #tpu.memory_space<vmem_shared>>
          tpu.enqueue_dma source(%dma_start3A_90 : memref<16x128xf32, #tpu.memory_space<vmem_shared>>) target(%dma_start3A_88 : memref<16x128xf32, #tpu.memory_space<hbm>>) target_semaphore(%run_scoped3A_86 : memref<!tpu.dma_semaphore, #tpu.memory_space<semaphore_mem>>)
          %dma_wait3A_91 = arith.constant 0 : i32
          %dma_wait3A_92 = tpu.memref_slice %arg6[%multiple_of3A_85, %dma_wait3A_91] : memref<10000x128xf32, #tpu.memory_space<hbm>> -> memref<16x128xf32, #tpu.memory_space<hbm>>
          %dma_wait3A_93 = arith.constant 0 : i32
          %dma_wait3A_94 = tpu.memref_slice %arg16[%multiple_of3A_85, %dma_wait3A_93] : memref<10000x128xf32, #tpu.memory_space<vmem_shared>> -> memref<16x128xf32, #tpu.memory_space<vmem_shared>>
          tpu.wait_dma2 semaphore(%run_scoped3A_86 : memref<!tpu.dma_semaphore, #tpu.memory_space<semaphore_mem>>) src(%dma_wait3A_94 : memref<16x128xf32, #tpu.memory_space<vmem_shared>>) dst(%dma_wait3A_92 : memref<16x128xf32, #tpu.memory_space<hbm>>)
          tpu.yield
        }) : () -> ()
      } else {
      }
    } else {
    }
    %eq3A_2 = arith.constant 1 : i32
    %eq3A_3 = arith.cmpi eq, %arg0, %eq3A_2 : i32
    %convert_element_type3A_4 = arith.extui %eq3A_3 : i1 to i32
    %cond3A_5 = arith.constant 0 : i32
    %cond3A_6 = arith.cmpi ne, %convert_element_type3A_4, %cond3A_5 : i32
    scf.if %cond3A_6 {
      %lt3A = arith.constant 10 : i32
      %lt3A_7 = arith.cmpi slt, %arg1, %lt3A : i32
      %convert_element_type3A_8 = arith.extui %lt3A_7 : i1 to i32
      %cond3A_9 = arith.constant 0 : i32
      %cond3A_10 = arith.cmpi ne, %convert_element_type3A_8, %cond3A_9 : i32
      scf.if %cond3A_10 {
        %mul3A_84 = arith.constant 1000 : i32
        %mul3A_85 = arith.muli %arg1, %mul3A_84 : i32
        %multiple_of3A_86 = tpu.assume_multiple %mul3A_85, 8 : i32
        "tpu.region"() ({
          %run_scoped3A_87 = tpu.sem_alloc : memref<!tpu.dma_semaphore, #tpu.memory_space<semaphore_mem>>
          %dma_start3A_88 = arith.constant 0 : i32
          %dma_start3A_89 = tpu.memref_slice %arg16[%multiple_of3A_86, %dma_start3A_88] : memref<10000x128xf32, #tpu.memory_space<vmem_shared>> -> memref<1000x128xf32, #tpu.memory_space<vmem_shared>>
          %dma_start3A_90 = arith.constant 0 : i32
          %dma_start3A_91 = tpu.memref_slice %arg5[%multiple_of3A_86, %dma_start3A_90] : memref<10000x128xf32, #tpu.memory_space<hbm>> -> memref<1000x128xf32, #tpu.memory_space<hbm>>
          tpu.enqueue_dma source(%dma_start3A_91 : memref<1000x128xf32, #tpu.memory_space<hbm>>) target(%dma_start3A_89 : memref<1000x128xf32, #tpu.memory_space<vmem_shared>>) target_semaphore(%run_scoped3A_87 : memref<!tpu.dma_semaphore, #tpu.memory_space<semaphore_mem>>)
          %dma_wait3A_92 = arith.constant 0 : i32
          %dma_wait3A_93 = tpu.memref_slice %arg16[%multiple_of3A_86, %dma_wait3A_92] : memref<10000x128xf32, #tpu.memory_space<vmem_shared>> -> memref<1000x128xf32, #tpu.memory_space<vmem_shared>>
          %dma_wait3A_94 = arith.constant 0 : i32
          %dma_wait3A_95 = tpu.memref_slice %arg5[%multiple_of3A_86, %dma_wait3A_94] : memref<10000x128xf32, #tpu.memory_space<hbm>> -> memref<1000x128xf32, #tpu.memory_space<hbm>>
          tpu.wait_dma2 semaphore(%run_scoped3A_87 : memref<!tpu.dma_semaphore, #tpu.memory_space<semaphore_mem>>) src(%dma_wait3A_95 : memref<1000x128xf32, #tpu.memory_space<hbm>>) dst(%dma_wait3A_93 : memref<1000x128xf32, #tpu.memory_space<vmem_shared>>)
          tpu.yield
        }) : () -> ()
      } else {
      }
      %barrier3A = arith.constant 0 : index
      tpu.barrier barrier_id(%barrier3A)
      %run_scoped3A = arith.constant 0 : i32
      "tpu.region"() ({
        %run_scoped3A_84 = tpu.sem_alloc : memref<!tpu.dma_semaphore, #tpu.memory_space<semaphore_mem>>
        %dma_start3A_85 = arith.constant 0 : i32
        %dma_start3A_86 = arith.constant 0 : i32
        %dma_start3A_87 = tpu.memref_slice %arg4[%arg1, %run_scoped3A, %dma_start3A_85, %dma_start3A_86] : memref<16x125x2x80xi32, #tpu.memory_space<hbm>> -> memref<1x1x2x80xi32, #tpu.memory_space<hbm>>
        %dma_start3A_88 = tpu.memref_squeeze %dma_start3A_87 : memref<1x1x2x80xi32, #tpu.memory_space<hbm>> -> memref<2x80xi32, #tpu.memory_space<hbm>>
        %dma_start3A_89 = arith.constant 0 : i32
        %dma_start3A_90 = arith.constant 0 : i32
        %dma_start3A_91 = tpu.memref_slice %arg4[%arg1, %run_scoped3A, %dma_start3A_89, %dma_start3A_90] : memref<16x125x2x80xi32, #tpu.memory_space<hbm>> -> memref<1x1x2x80xi32, #tpu.memory_space<hbm>>
        %dma_start3A_92 = tpu.memref_squeeze %dma_start3A_91 : memref<1x1x2x80xi32, #tpu.memory_space<hbm>> -> memref<2x80xi32, #tpu.memory_space<hbm>>
        tpu.enqueue_dma source(%dma_start3A_92 : memref<2x80xi32, #tpu.memory_space<hbm>>) target(%arg8 : memref<2x80xi32, #tpu.memory_space<vmem>>) target_semaphore(%run_scoped3A_84 : memref<!tpu.dma_semaphore, #tpu.memory_space<semaphore_mem>>)
        %dma_wait3A_93 = arith.constant 0 : i32
        %dma_wait3A_94 = arith.constant 0 : i32
        %dma_wait3A_95 = tpu.memref_slice %arg4[%arg1, %run_scoped3A, %dma_wait3A_93, %dma_wait3A_94] : memref<16x125x2x80xi32, #tpu.memory_space<hbm>> -> memref<1x1x2x80xi32, #tpu.memory_space<hbm>>
        %dma_wait3A_96 = tpu.memref_squeeze %dma_wait3A_95 : memref<1x1x2x80xi32, #tpu.memory_space<hbm>> -> memref<2x80xi32, #tpu.memory_space<hbm>>
        %dma_wait3A_97 = arith.constant 0 : i32
        %dma_wait3A_98 = arith.constant 0 : i32
        %dma_wait3A_99 = tpu.memref_slice %arg4[%arg1, %run_scoped3A, %dma_wait3A_97, %dma_wait3A_98] : memref<16x125x2x80xi32, #tpu.memory_space<hbm>> -> memref<1x1x2x80xi32, #tpu.memory_space<hbm>>
        %dma_wait3A_100 = tpu.memref_squeeze %dma_wait3A_99 : memref<1x1x2x80xi32, #tpu.memory_space<hbm>> -> memref<2x80xi32, #tpu.memory_space<hbm>>
        tpu.wait_dma2 semaphore(%run_scoped3A_84 : memref<!tpu.dma_semaphore, #tpu.memory_space<semaphore_mem>>) src(%dma_wait3A_100 : memref<2x80xi32, #tpu.memory_space<hbm>>) dst(%arg8 : memref<2x80xi32, #tpu.memory_space<vmem>>)
        tpu.yield
      }) : () -> ()
      %dma_start3A = arith.constant 0 : i32
      %dma_start3A_11 = arith.constant 0 : i32
      %dma_start3A_12 = tpu.memref_slice %arg8[%dma_start3A, %dma_start3A_11] : memref<2x80xi32, #tpu.memory_space<vmem>> -> memref<1x80xi32, #tpu.memory_space<vmem>>
      %dma_start3A_13 = tpu.memref_squeeze %dma_start3A_12 : memref<1x80xi32, #tpu.memory_space<vmem>> -> memref<80xi32, #tpu.memory_space<vmem>>
      %dma_start3A_14 = arith.constant 0 : i32
      %dma_start3A_15 = arith.constant 0 : i32
      %dma_start3A_16 = tpu.memref_slice %arg3[%dma_start3A_14, %dma_start3A_15] : memref<10000x128xf32, #tpu.memory_space<hbm>> -> memref<10000x128xf32, #tpu.memory_space<hbm>>
      tpu.enqueue_indirect_dma source(%dma_start3A_16 : memref<10000x128xf32, #tpu.memory_space<hbm>>) target(%arg12 : memref<80x128xf32, #tpu.memory_space<vmem>>) offsets(%dma_start3A_13 : memref<80xi32, #tpu.memory_space<vmem>>) semaphore(%arg17 : memref<!tpu.dma_semaphore, #tpu.memory_space<semaphore_mem>>)
      %run_scoped3A_17 = arith.constant 1 : i32
      "tpu.region"() ({
        %run_scoped3A_84 = tpu.sem_alloc : memref<!tpu.dma_semaphore, #tpu.memory_space<semaphore_mem>>
        %dma_start3A_85 = arith.constant 0 : i32
        %dma_start3A_86 = arith.constant 0 : i32
        %dma_start3A_87 = tpu.memref_slice %arg4[%arg1, %run_scoped3A_17, %dma_start3A_85, %dma_start3A_86] : memref<16x125x2x80xi32, #tpu.memory_space<hbm>> -> memref<1x1x2x80xi32, #tpu.memory_space<hbm>>
        %dma_start3A_88 = tpu.memref_squeeze %dma_start3A_87 : memref<1x1x2x80xi32, #tpu.memory_space<hbm>> -> memref<2x80xi32, #tpu.memory_space<hbm>>
        %dma_start3A_89 = arith.constant 0 : i32
        %dma_start3A_90 = arith.constant 0 : i32
        %dma_start3A_91 = tpu.memref_slice %arg4[%arg1, %run_scoped3A_17, %dma_start3A_89, %dma_start3A_90] : memref<16x125x2x80xi32, #tpu.memory_space<hbm>> -> memref<1x1x2x80xi32, #tpu.memory_space<hbm>>
        %dma_start3A_92 = tpu.memref_squeeze %dma_start3A_91 : memref<1x1x2x80xi32, #tpu.memory_space<hbm>> -> memref<2x80xi32, #tpu.memory_space<hbm>>
        tpu.enqueue_dma source(%dma_start3A_92 : memref<2x80xi32, #tpu.memory_space<hbm>>) target(%arg9 : memref<2x80xi32, #tpu.memory_space<vmem>>) target_semaphore(%run_scoped3A_84 : memref<!tpu.dma_semaphore, #tpu.memory_space<semaphore_mem>>)
        %dma_wait3A_93 = arith.constant 0 : i32
        %dma_wait3A_94 = arith.constant 0 : i32
        %dma_wait3A_95 = tpu.memref_slice %arg4[%arg1, %run_scoped3A_17, %dma_wait3A_93, %dma_wait3A_94] : memref<16x125x2x80xi32, #tpu.memory_space<hbm>> -> memref<1x1x2x80xi32, #tpu.memory_space<hbm>>
        %dma_wait3A_96 = tpu.memref_squeeze %dma_wait3A_95 : memref<1x1x2x80xi32, #tpu.memory_space<hbm>> -> memref<2x80xi32, #tpu.memory_space<hbm>>
        %dma_wait3A_97 = arith.constant 0 : i32
        %dma_wait3A_98 = arith.constant 0 : i32
        %dma_wait3A_99 = tpu.memref_slice %arg4[%arg1, %run_scoped3A_17, %dma_wait3A_97, %dma_wait3A_98] : memref<16x125x2x80xi32, #tpu.memory_space<hbm>> -> memref<1x1x2x80xi32, #tpu.memory_space<hbm>>
        %dma_wait3A_100 = tpu.memref_squeeze %dma_wait3A_99 : memref<1x1x2x80xi32, #tpu.memory_space<hbm>> -> memref<2x80xi32, #tpu.memory_space<hbm>>
        tpu.wait_dma2 semaphore(%run_scoped3A_84 : memref<!tpu.dma_semaphore, #tpu.memory_space<semaphore_mem>>) src(%dma_wait3A_100 : memref<2x80xi32, #tpu.memory_space<hbm>>) dst(%arg9 : memref<2x80xi32, #tpu.memory_space<vmem>>)
        tpu.yield
      }) : () -> ()
      %dma_start3A_18 = arith.constant 0 : i32
      %dma_start3A_19 = arith.constant 0 : i32
      %dma_start3A_20 = tpu.memref_slice %arg9[%dma_start3A_18, %dma_start3A_19] : memref<2x80xi32, #tpu.memory_space<vmem>> -> memref<1x80xi32, #tpu.memory_space<vmem>>
      %dma_start3A_21 = tpu.memref_squeeze %dma_start3A_20 : memref<1x80xi32, #tpu.memory_space<vmem>> -> memref<80xi32, #tpu.memory_space<vmem>>
      %dma_start3A_22 = arith.constant 0 : i32
      %dma_start3A_23 = arith.constant 0 : i32
      %dma_start3A_24 = tpu.memref_slice %arg3[%dma_start3A_22, %dma_start3A_23] : memref<10000x128xf32, #tpu.memory_space<hbm>> -> memref<10000x128xf32, #tpu.memory_space<hbm>>
      tpu.enqueue_indirect_dma source(%dma_start3A_24 : memref<10000x128xf32, #tpu.memory_space<hbm>>) target(%arg13 : memref<80x128xf32, #tpu.memory_space<vmem>>) offsets(%dma_start3A_21 : memref<80xi32, #tpu.memory_space<vmem>>) semaphore(%arg18 : memref<!tpu.dma_semaphore, #tpu.memory_space<semaphore_mem>>)
      %run_scoped3A_25 = arith.constant 2 : i32
      "tpu.region"() ({
        %run_scoped3A_84 = tpu.sem_alloc : memref<!tpu.dma_semaphore, #tpu.memory_space<semaphore_mem>>
        %dma_start3A_85 = arith.constant 0 : i32
        %dma_start3A_86 = arith.constant 0 : i32
        %dma_start3A_87 = tpu.memref_slice %arg4[%arg1, %run_scoped3A_25, %dma_start3A_85, %dma_start3A_86] : memref<16x125x2x80xi32, #tpu.memory_space<hbm>> -> memref<1x1x2x80xi32, #tpu.memory_space<hbm>>
        %dma_start3A_88 = tpu.memref_squeeze %dma_start3A_87 : memref<1x1x2x80xi32, #tpu.memory_space<hbm>> -> memref<2x80xi32, #tpu.memory_space<hbm>>
        %dma_start3A_89 = arith.constant 0 : i32
        %dma_start3A_90 = arith.constant 0 : i32
        %dma_start3A_91 = tpu.memref_slice %arg4[%arg1, %run_scoped3A_25, %dma_start3A_89, %dma_start3A_90] : memref<16x125x2x80xi32, #tpu.memory_space<hbm>> -> memref<1x1x2x80xi32, #tpu.memory_space<hbm>>
        %dma_start3A_92 = tpu.memref_squeeze %dma_start3A_91 : memref<1x1x2x80xi32, #tpu.memory_space<hbm>> -> memref<2x80xi32, #tpu.memory_space<hbm>>
        tpu.enqueue_dma source(%dma_start3A_92 : memref<2x80xi32, #tpu.memory_space<hbm>>) target(%arg10 : memref<2x80xi32, #tpu.memory_space<vmem>>) target_semaphore(%run_scoped3A_84 : memref<!tpu.dma_semaphore, #tpu.memory_space<semaphore_mem>>)
        %dma_wait3A_93 = arith.constant 0 : i32
        %dma_wait3A_94 = arith.constant 0 : i32
        %dma_wait3A_95 = tpu.memref_slice %arg4[%arg1, %run_scoped3A_25, %dma_wait3A_93, %dma_wait3A_94] : memref<16x125x2x80xi32, #tpu.memory_space<hbm>> -> memref<1x1x2x80xi32, #tpu.memory_space<hbm>>
        %dma_wait3A_96 = tpu.memref_squeeze %dma_wait3A_95 : memref<1x1x2x80xi32, #tpu.memory_space<hbm>> -> memref<2x80xi32, #tpu.memory_space<hbm>>
        %dma_wait3A_97 = arith.constant 0 : i32
        %dma_wait3A_98 = arith.constant 0 : i32
        %dma_wait3A_99 = tpu.memref_slice %arg4[%arg1, %run_scoped3A_25, %dma_wait3A_97, %dma_wait3A_98] : memref<16x125x2x80xi32, #tpu.memory_space<hbm>> -> memref<1x1x2x80xi32, #tpu.memory_space<hbm>>
        %dma_wait3A_100 = tpu.memref_squeeze %dma_wait3A_99 : memref<1x1x2x80xi32, #tpu.memory_space<hbm>> -> memref<2x80xi32, #tpu.memory_space<hbm>>
        tpu.wait_dma2 semaphore(%run_scoped3A_84 : memref<!tpu.dma_semaphore, #tpu.memory_space<semaphore_mem>>) src(%dma_wait3A_100 : memref<2x80xi32, #tpu.memory_space<hbm>>) dst(%arg10 : memref<2x80xi32, #tpu.memory_space<vmem>>)
        tpu.yield
      }) : () -> ()
      %dma_start3A_26 = arith.constant 0 : i32
      %dma_start3A_27 = arith.constant 0 : i32
      %dma_start3A_28 = tpu.memref_slice %arg10[%dma_start3A_26, %dma_start3A_27] : memref<2x80xi32, #tpu.memory_space<vmem>> -> memref<1x80xi32, #tpu.memory_space<vmem>>
      %dma_start3A_29 = tpu.memref_squeeze %dma_start3A_28 : memref<1x80xi32, #tpu.memory_space<vmem>> -> memref<80xi32, #tpu.memory_space<vmem>>
      %dma_start3A_30 = arith.constant 0 : i32
      %dma_start3A_31 = arith.constant 0 : i32
      %dma_start3A_32 = tpu.memref_slice %arg3[%dma_start3A_30, %dma_start3A_31] : memref<10000x128xf32, #tpu.memory_space<hbm>> -> memref<10000x128xf32, #tpu.memory_space<hbm>>
      tpu.enqueue_indirect_dma source(%dma_start3A_32 : memref<10000x128xf32, #tpu.memory_space<hbm>>) target(%arg14 : memref<80x128xf32, #tpu.memory_space<vmem>>) offsets(%dma_start3A_29 : memref<80xi32, #tpu.memory_space<vmem>>) semaphore(%arg19 : memref<!tpu.dma_semaphore, #tpu.memory_space<semaphore_mem>>)
      %dma_wait3A = arith.constant 0 : i32
      %dma_wait3A_33 = arith.constant 0 : i32
      %dma_wait3A_34 = tpu.memref_slice %arg3[%dma_wait3A, %dma_wait3A_33] : memref<10000x128xf32, #tpu.memory_space<hbm>> -> memref<80x128xf32, #tpu.memory_space<hbm>>
      %dma_wait3A_35 = arith.constant 0 : i32
      %dma_wait3A_36 = arith.constant 0 : i32
      %dma_wait3A_37 = tpu.memref_slice %arg3[%dma_wait3A_35, %dma_wait3A_36] : memref<10000x128xf32, #tpu.memory_space<hbm>> -> memref<80x128xf32, #tpu.memory_space<hbm>>
      tpu.wait_dma2 semaphore(%arg17 : memref<!tpu.dma_semaphore, #tpu.memory_space<semaphore_mem>>) src(%dma_wait3A_37 : memref<80x128xf32, #tpu.memory_space<hbm>>) dst(%arg12 : memref<80x128xf32, #tpu.memory_space<vmem>>)
      %dma_start3A_38 = arith.constant 1 : i32
      %dma_start3A_39 = arith.constant 0 : i32
      %dma_start3A_40 = tpu.memref_slice %arg8[%dma_start3A_38, %dma_start3A_39] : memref<2x80xi32, #tpu.memory_space<vmem>> -> memref<1x80xi32, #tpu.memory_space<vmem>>
      %dma_start3A_41 = tpu.memref_squeeze %dma_start3A_40 : memref<1x80xi32, #tpu.memory_space<vmem>> -> memref<80xi32, #tpu.memory_space<vmem>>
      %dma_start3A_42 = arith.constant 0 : i32
      %dma_start3A_43 = arith.constant 0 : i32
      %dma_start3A_44 = tpu.memref_slice %arg16[%dma_start3A_42, %dma_start3A_43] : memref<10000x128xf32, #tpu.memory_space<vmem_shared>> -> memref<10000x128xf32, #tpu.memory_space<vmem_shared>>
      tpu.enqueue_indirect_dma source(%arg12 : memref<80x128xf32, #tpu.memory_space<vmem>>) target(%dma_start3A_44 : memref<10000x128xf32, #tpu.memory_space<vmem_shared>>) offsets(%dma_start3A_41 : memref<80xi32, #tpu.memory_space<vmem>>) semaphore(%arg21 : memref<!tpu.dma_semaphore, #tpu.memory_space<semaphore_mem>>) {add = true}
      %run_scoped3A_45 = arith.constant 3 : i32
      "tpu.region"() ({
        %run_scoped3A_84 = tpu.sem_alloc : memref<!tpu.dma_semaphore, #tpu.memory_space<semaphore_mem>>
        %dma_start3A_85 = arith.constant 0 : i32
        %dma_start3A_86 = arith.constant 0 : i32
        %dma_start3A_87 = tpu.memref_slice %arg4[%arg1, %run_scoped3A_45, %dma_start3A_85, %dma_start3A_86] : memref<16x125x2x80xi32, #tpu.memory_space<hbm>> -> memref<1x1x2x80xi32, #tpu.memory_space<hbm>>
        %dma_start3A_88 = tpu.memref_squeeze %dma_start3A_87 : memref<1x1x2x80xi32, #tpu.memory_space<hbm>> -> memref<2x80xi32, #tpu.memory_space<hbm>>
        %dma_start3A_89 = arith.constant 0 : i32
        %dma_start3A_90 = arith.constant 0 : i32
        %dma_start3A_91 = tpu.memref_slice %arg4[%arg1, %run_scoped3A_45, %dma_start3A_89, %dma_start3A_90] : memref<16x125x2x80xi32, #tpu.memory_space<hbm>> -> memref<1x1x2x80xi32, #tpu.memory_space<hbm>>
        %dma_start3A_92 = tpu.memref_squeeze %dma_start3A_91 : memref<1x1x2x80xi32, #tpu.memory_space<hbm>> -> memref<2x80xi32, #tpu.memory_space<hbm>>
        tpu.enqueue_dma source(%dma_start3A_92 : memref<2x80xi32, #tpu.memory_space<hbm>>) target(%arg11 : memref<2x80xi32, #tpu.memory_space<vmem>>) target_semaphore(%run_scoped3A_84 : memref<!tpu.dma_semaphore, #tpu.memory_space<semaphore_mem>>)
        %dma_wait3A_93 = arith.constant 0 : i32
        %dma_wait3A_94 = arith.constant 0 : i32
        %dma_wait3A_95 = tpu.memref_slice %arg4[%arg1, %run_scoped3A_45, %dma_wait3A_93, %dma_wait3A_94] : memref<16x125x2x80xi32, #tpu.memory_space<hbm>> -> memref<1x1x2x80xi32, #tpu.memory_space<hbm>>
        %dma_wait3A_96 = tpu.memref_squeeze %dma_wait3A_95 : memref<1x1x2x80xi32, #tpu.memory_space<hbm>> -> memref<2x80xi32, #tpu.memory_space<hbm>>
        %dma_wait3A_97 = arith.constant 0 : i32
        %dma_wait3A_98 = arith.constant 0 : i32
        %dma_wait3A_99 = tpu.memref_slice %arg4[%arg1, %run_scoped3A_45, %dma_wait3A_97, %dma_wait3A_98] : memref<16x125x2x80xi32, #tpu.memory_space<hbm>> -> memref<1x1x2x80xi32, #tpu.memory_space<hbm>>
        %dma_wait3A_100 = tpu.memref_squeeze %dma_wait3A_99 : memref<1x1x2x80xi32, #tpu.memory_space<hbm>> -> memref<2x80xi32, #tpu.memory_space<hbm>>
        tpu.wait_dma2 semaphore(%run_scoped3A_84 : memref<!tpu.dma_semaphore, #tpu.memory_space<semaphore_mem>>) src(%dma_wait3A_100 : memref<2x80xi32, #tpu.memory_space<hbm>>) dst(%arg11 : memref<2x80xi32, #tpu.memory_space<vmem>>)
        tpu.yield
      }) : () -> ()
      %dma_start3A_46 = arith.constant 0 : i32
      %dma_start3A_47 = arith.constant 0 : i32
      %dma_start3A_48 = tpu.memref_slice %arg11[%dma_start3A_46, %dma_start3A_47] : memref<2x80xi32, #tpu.memory_space<vmem>> -> memref<1x80xi32, #tpu.memory_space<vmem>>
      %dma_start3A_49 = tpu.memref_squeeze %dma_start3A_48 : memref<1x80xi32, #tpu.memory_space<vmem>> -> memref<80xi32, #tpu.memory_space<vmem>>
      %dma_start3A_50 = arith.constant 0 : i32
      %dma_start3A_51 = arith.constant 0 : i32
      %dma_start3A_52 = tpu.memref_slice %arg3[%dma_start3A_50, %dma_start3A_51] : memref<10000x128xf32, #tpu.memory_space<hbm>> -> memref<10000x128xf32, #tpu.memory_space<hbm>>
      tpu.enqueue_indirect_dma source(%dma_start3A_52 : memref<10000x128xf32, #tpu.memory_space<hbm>>) target(%arg15 : memref<80x128xf32, #tpu.memory_space<vmem>>) offsets(%dma_start3A_49 : memref<80xi32, #tpu.memory_space<vmem>>) semaphore(%arg20 : memref<!tpu.dma_semaphore, #tpu.memory_space<semaphore_mem>>)
      %dma_wait3A_53 = arith.constant 0 : i32
      %dma_wait3A_54 = arith.constant 0 : i32
      %dma_wait3A_55 = tpu.memref_slice %arg3[%dma_wait3A_53, %dma_wait3A_54] : memref<10000x128xf32, #tpu.memory_space<hbm>> -> memref<80x128xf32, #tpu.memory_space<hbm>>
      %dma_wait3A_56 = arith.constant 0 : i32
      %dma_wait3A_57 = arith.constant 0 : i32
      %dma_wait3A_58 = tpu.memref_slice %arg3[%dma_wait3A_56, %dma_wait3A_57] : memref<10000x128xf32, #tpu.memory_space<hbm>> -> memref<80x128xf32, #tpu.memory_space<hbm>>
      tpu.wait_dma2 semaphore(%arg18 : memref<!tpu.dma_semaphore, #tpu.memory_space<semaphore_mem>>) src(%dma_wait3A_58 : memref<80x128xf32, #tpu.memory_space<hbm>>) dst(%arg13 : memref<80x128xf32, #tpu.memory_space<vmem>>)
      %dma_start3A_59 = arith.constant 1 : i32
      %dma_start3A_60 = arith.constant 0 : i32
      %dma_start3A_61 = tpu.memref_slice %arg9[%dma_start3A_59, %dma_start3A_60] : memref<2x80xi32, #tpu.memory_space<vmem>> -> memref<1x80xi32, #tpu.memory_space<vmem>>
      %dma_start3A_62 = tpu.memref_squeeze %dma_start3A_61 : memref<1x80xi32, #tpu.memory_space<vmem>> -> memref<80xi32, #tpu.memory_space<vmem>>
      %dma_start3A_63 = arith.constant 0 : i32
      %dma_start3A_64 = arith.constant 0 : i32
      %dma_start3A_65 = tpu.memref_slice %arg16[%dma_start3A_63, %dma_start3A_64] : memref<10000x128xf32, #tpu.memory_space<vmem_shared>> -> memref<10000x128xf32, #tpu.memory_space<vmem_shared>>
      tpu.enqueue_indirect_dma source(%arg13 : memref<80x128xf32, #tpu.memory_space<vmem>>) target(%dma_start3A_65 : memref<10000x128xf32, #tpu.memory_space<vmem_shared>>) offsets(%dma_start3A_62 : memref<80xi32, #tpu.memory_space<vmem>>) semaphore(%arg22 : memref<!tpu.dma_semaphore, #tpu.memory_space<semaphore_mem>>) {add = true}
      %scan3A = arith.constant 0 : i32
      %scan3A_66 = arith.constant 0 : i32
      %scan3A_67 = arith.constant 31 : i32
      %scan3A_68 = arith.addi %scan3A_66, %scan3A_67 : i32
      %scan3A_69 = arith.constant 1 : i32
      scf.for %scan3A_84 = %scan3A_66 to %scan3A_68 step %scan3A_69  : i32 {
        %mul3A_85 = arith.constant 4 : i32
        %mul3A_86 = arith.muli %scan3A_84, %mul3A_85 : i32
        %add3A = arith.constant 4 : i32
        %add3A_87 = arith.addi %add3A, %mul3A_86 : i32
        %add3A_88 = arith.constant 0 : i32
        %add3A_89 = arith.addi %add3A_87, %add3A_88 : i32
        %sub3A = arith.constant 4 : i32
        %sub3A_90 = arith.subi %add3A_89, %sub3A : i32
        %lt3A_91 = arith.constant 124 : i32
        %lt3A_92 = arith.cmpi slt, %sub3A_90, %lt3A_91 : i32
        %convert_element_type3A_93 = arith.extui %lt3A_92 : i1 to i32
        %cond3A_94 = arith.constant 0 : i32
        %cond3A_95 = arith.cmpi ne, %convert_element_type3A_93, %cond3A_94 : i32
        scf.if %cond3A_95 {
          %dma_wait3A_171 = arith.constant 0 : i32
          %dma_wait3A_172 = arith.constant 0 : i32
          %dma_wait3A_173 = tpu.memref_slice %arg3[%dma_wait3A_171, %dma_wait3A_172] : memref<10000x128xf32, #tpu.memory_space<hbm>> -> memref<80x128xf32, #tpu.memory_space<hbm>>
          %dma_wait3A_174 = arith.constant 0 : i32
          %dma_wait3A_175 = arith.constant 0 : i32
          %dma_wait3A_176 = tpu.memref_slice %arg3[%dma_wait3A_174, %dma_wait3A_175] : memref<10000x128xf32, #tpu.memory_space<hbm>> -> memref<80x128xf32, #tpu.memory_space<hbm>>
          tpu.wait_dma2 semaphore(%arg21 : memref<!tpu.dma_semaphore, #tpu.memory_space<semaphore_mem>>) src(%dma_wait3A_176 : memref<80x128xf32, #tpu.memory_space<hbm>>) dst(%arg12 : memref<80x128xf32, #tpu.memory_space<vmem>>)
        } else {
        }
        %lt3A_96 = arith.constant 125 : i32
        %lt3A_97 = arith.cmpi slt, %add3A_89, %lt3A_96 : i32
        %convert_element_type3A_98 = arith.extui %lt3A_97 : i1 to i32
        %cond3A_99 = arith.constant 0 : i32
        %cond3A_100 = arith.cmpi ne, %convert_element_type3A_98, %cond3A_99 : i32
        scf.if %cond3A_100 {
          "tpu.region"() ({
            %run_scoped3A_178 = tpu.sem_alloc : memref<!tpu.dma_semaphore, #tpu.memory_space<semaphore_mem>>
            %dma_start3A_179 = arith.constant 0 : i32
            %dma_start3A_180 = arith.constant 0 : i32
            %dma_start3A_181 = tpu.memref_slice %arg4[%arg1, %add3A_89, %dma_start3A_179, %dma_start3A_180] : memref<16x125x2x80xi32, #tpu.memory_space<hbm>> -> memref<1x1x2x80xi32, #tpu.memory_space<hbm>>
            %dma_start3A_182 = tpu.memref_squeeze %dma_start3A_181 : memref<1x1x2x80xi32, #tpu.memory_space<hbm>> -> memref<2x80xi32, #tpu.memory_space<hbm>>
            %dma_start3A_183 = arith.constant 0 : i32
            %dma_start3A_184 = arith.constant 0 : i32
            %dma_start3A_185 = tpu.memref_slice %arg4[%arg1, %add3A_89, %dma_start3A_183, %dma_start3A_184] : memref<16x125x2x80xi32, #tpu.memory_space<hbm>> -> memref<1x1x2x80xi32, #tpu.memory_space<hbm>>
            %dma_start3A_186 = tpu.memref_squeeze %dma_start3A_185 : memref<1x1x2x80xi32, #tpu.memory_space<hbm>> -> memref<2x80xi32, #tpu.memory_space<hbm>>
            tpu.enqueue_dma source(%dma_start3A_186 : memref<2x80xi32, #tpu.memory_space<hbm>>) target(%arg8 : memref<2x80xi32, #tpu.memory_space<vmem>>) target_semaphore(%run_scoped3A_178 : memref<!tpu.dma_semaphore, #tpu.memory_space<semaphore_mem>>)
            %dma_wait3A_187 = arith.constant 0 : i32
            %dma_wait3A_188 = arith.constant 0 : i32
            %dma_wait3A_189 = tpu.memref_slice %arg4[%arg1, %add3A_89, %dma_wait3A_187, %dma_wait3A_188] : memref<16x125x2x80xi32, #tpu.memory_space<hbm>> -> memref<1x1x2x80xi32, #tpu.memory_space<hbm>>
            %dma_wait3A_190 = tpu.memref_squeeze %dma_wait3A_189 : memref<1x1x2x80xi32, #tpu.memory_space<hbm>> -> memref<2x80xi32, #tpu.memory_space<hbm>>
            %dma_wait3A_191 = arith.constant 0 : i32
            %dma_wait3A_192 = arith.constant 0 : i32
            %dma_wait3A_193 = tpu.memref_slice %arg4[%arg1, %add3A_89, %dma_wait3A_191, %dma_wait3A_192] : memref<16x125x2x80xi32, #tpu.memory_space<hbm>> -> memref<1x1x2x80xi32, #tpu.memory_space<hbm>>
            %dma_wait3A_194 = tpu.memref_squeeze %dma_wait3A_193 : memref<1x1x2x80xi32, #tpu.memory_space<hbm>> -> memref<2x80xi32, #tpu.memory_space<hbm>>
            tpu.wait_dma2 semaphore(%run_scoped3A_178 : memref<!tpu.dma_semaphore, #tpu.memory_space<semaphore_mem>>) src(%dma_wait3A_194 : memref<2x80xi32, #tpu.memory_space<hbm>>) dst(%arg8 : memref<2x80xi32, #tpu.memory_space<vmem>>)
            tpu.yield
          }) : () -> ()
          %dma_start3A_171 = arith.constant 0 : i32
          %dma_start3A_172 = arith.constant 0 : i32
          %dma_start3A_173 = tpu.memref_slice %arg8[%dma_start3A_171, %dma_start3A_172] : memref<2x80xi32, #tpu.memory_space<vmem>> -> memref<1x80xi32, #tpu.memory_space<vmem>>
          %dma_start3A_174 = tpu.memref_squeeze %dma_start3A_173 : memref<1x80xi32, #tpu.memory_space<vmem>> -> memref<80xi32, #tpu.memory_space<vmem>>
          %dma_start3A_175 = arith.constant 0 : i32
          %dma_start3A_176 = arith.constant 0 : i32
          %dma_start3A_177 = tpu.memref_slice %arg3[%dma_start3A_175, %dma_start3A_176] : memref<10000x128xf32, #tpu.memory_space<hbm>> -> memref<10000x128xf32, #tpu.memory_space<hbm>>
          tpu.enqueue_indirect_dma source(%dma_start3A_177 : memref<10000x128xf32, #tpu.memory_space<hbm>>) target(%arg12 : memref<80x128xf32, #tpu.memory_space<vmem>>) offsets(%dma_start3A_174 : memref<80xi32, #tpu.memory_space<vmem>>) semaphore(%arg17 : memref<!tpu.dma_semaphore, #tpu.memory_space<semaphore_mem>>)
        } else {
        }
        %sub3A_101 = arith.constant 2 : i32
        %sub3A_102 = arith.subi %add3A_89, %sub3A_101 : i32
        %lt3A_103 = arith.constant 125 : i32
        %lt3A_104 = arith.cmpi slt, %sub3A_102, %lt3A_103 : i32
        %convert_element_type3A_105 = arith.extui %lt3A_104 : i1 to i32
        %cond3A_106 = arith.constant 0 : i32
        %cond3A_107 = arith.cmpi ne, %convert_element_type3A_105, %cond3A_106 : i32
        scf.if %cond3A_107 {
          %dma_wait3A_171 = arith.constant 0 : i32
          %dma_wait3A_172 = arith.constant 0 : i32
          %dma_wait3A_173 = tpu.memref_slice %arg3[%dma_wait3A_171, %dma_wait3A_172] : memref<10000x128xf32, #tpu.memory_space<hbm>> -> memref<80x128xf32, #tpu.memory_space<hbm>>
          %dma_wait3A_174 = arith.constant 0 : i32
          %dma_wait3A_175 = arith.constant 0 : i32
          %dma_wait3A_176 = tpu.memref_slice %arg3[%dma_wait3A_174, %dma_wait3A_175] : memref<10000x128xf32, #tpu.memory_space<hbm>> -> memref<80x128xf32, #tpu.memory_space<hbm>>
          tpu.wait_dma2 semaphore(%arg19 : memref<!tpu.dma_semaphore, #tpu.memory_space<semaphore_mem>>) src(%dma_wait3A_176 : memref<80x128xf32, #tpu.memory_space<hbm>>) dst(%arg14 : memref<80x128xf32, #tpu.memory_space<vmem>>)
          %dma_start3A_177 = arith.constant 1 : i32
          %dma_start3A_178 = arith.constant 0 : i32
          %dma_start3A_179 = tpu.memref_slice %arg10[%dma_start3A_177, %dma_start3A_178] : memref<2x80xi32, #tpu.memory_space<vmem>> -> memref<1x80xi32, #tpu.memory_space<vmem>>
          %dma_start3A_180 = tpu.memref_squeeze %dma_start3A_179 : memref<1x80xi32, #tpu.memory_space<vmem>> -> memref<80xi32, #tpu.memory_space<vmem>>
          %dma_start3A_181 = arith.constant 0 : i32
          %dma_start3A_182 = arith.constant 0 : i32
          %dma_start3A_183 = tpu.memref_slice %arg16[%dma_start3A_181, %dma_start3A_182] : memref<10000x128xf32, #tpu.memory_space<vmem_shared>> -> memref<10000x128xf32, #tpu.memory_space<vmem_shared>>
          tpu.enqueue_indirect_dma source(%arg14 : memref<80x128xf32, #tpu.memory_space<vmem>>) target(%dma_start3A_183 : memref<10000x128xf32, #tpu.memory_space<vmem_shared>>) offsets(%dma_start3A_180 : memref<80xi32, #tpu.memory_space<vmem>>) semaphore(%arg23 : memref<!tpu.dma_semaphore, #tpu.memory_space<semaphore_mem>>) {add = true}
        } else {
        }
        %add3A_108 = arith.constant 1 : i32
        %add3A_109 = arith.addi %add3A_87, %add3A_108 : i32
        %sub3A_110 = arith.constant 4 : i32
        %sub3A_111 = arith.subi %add3A_109, %sub3A_110 : i32
        %lt3A_112 = arith.constant 124 : i32
        %lt3A_113 = arith.cmpi slt, %sub3A_111, %lt3A_112 : i32
        %convert_element_type3A_114 = arith.extui %lt3A_113 : i1 to i32
        %cond3A_115 = arith.constant 0 : i32
        %cond3A_116 = arith.cmpi ne, %convert_element_type3A_114, %cond3A_115 : i32
        scf.if %cond3A_116 {
          %dma_wait3A_171 = arith.constant 0 : i32
          %dma_wait3A_172 = arith.constant 0 : i32
          %dma_wait3A_173 = tpu.memref_slice %arg3[%dma_wait3A_171, %dma_wait3A_172] : memref<10000x128xf32, #tpu.memory_space<hbm>> -> memref<80x128xf32, #tpu.memory_space<hbm>>
          %dma_wait3A_174 = arith.constant 0 : i32
          %dma_wait3A_175 = arith.constant 0 : i32
          %dma_wait3A_176 = tpu.memref_slice %arg3[%dma_wait3A_174, %dma_wait3A_175] : memref<10000x128xf32, #tpu.memory_space<hbm>> -> memref<80x128xf32, #tpu.memory_space<hbm>>
          tpu.wait_dma2 semaphore(%arg22 : memref<!tpu.dma_semaphore, #tpu.memory_space<semaphore_mem>>) src(%dma_wait3A_176 : memref<80x128xf32, #tpu.memory_space<hbm>>) dst(%arg13 : memref<80x128xf32, #tpu.memory_space<vmem>>)
        } else {
        }
        %lt3A_117 = arith.constant 125 : i32
        %lt3A_118 = arith.cmpi slt, %add3A_109, %lt3A_117 : i32
        %convert_element_type3A_119 = arith.extui %lt3A_118 : i1 to i32
        %cond3A_120 = arith.constant 0 : i32
        %cond3A_121 = arith.cmpi ne, %convert_element_type3A_119, %cond3A_120 : i32
        scf.if %cond3A_121 {
          "tpu.region"() ({
            %run_scoped3A_178 = tpu.sem_alloc : memref<!tpu.dma_semaphore, #tpu.memory_space<semaphore_mem>>
            %dma_start3A_179 = arith.constant 0 : i32
            %dma_start3A_180 = arith.constant 0 : i32
            %dma_start3A_181 = tpu.memref_slice %arg4[%arg1, %add3A_109, %dma_start3A_179, %dma_start3A_180] : memref<16x125x2x80xi32, #tpu.memory_space<hbm>> -> memref<1x1x2x80xi32, #tpu.memory_space<hbm>>
            %dma_start3A_182 = tpu.memref_squeeze %dma_start3A_181 : memref<1x1x2x80xi32, #tpu.memory_space<hbm>> -> memref<2x80xi32, #tpu.memory_space<hbm>>
            %dma_start3A_183 = arith.constant 0 : i32
            %dma_start3A_184 = arith.constant 0 : i32
            %dma_start3A_185 = tpu.memref_slice %arg4[%arg1, %add3A_109, %dma_start3A_183, %dma_start3A_184] : memref<16x125x2x80xi32, #tpu.memory_space<hbm>> -> memref<1x1x2x80xi32, #tpu.memory_space<hbm>>
            %dma_start3A_186 = tpu.memref_squeeze %dma_start3A_185 : memref<1x1x2x80xi32, #tpu.memory_space<hbm>> -> memref<2x80xi32, #tpu.memory_space<hbm>>
            tpu.enqueue_dma source(%dma_start3A_186 : memref<2x80xi32, #tpu.memory_space<hbm>>) target(%arg9 : memref<2x80xi32, #tpu.memory_space<vmem>>) target_semaphore(%run_scoped3A_178 : memref<!tpu.dma_semaphore, #tpu.memory_space<semaphore_mem>>)
            %dma_wait3A_187 = arith.constant 0 : i32
            %dma_wait3A_188 = arith.constant 0 : i32
            %dma_wait3A_189 = tpu.memref_slice %arg4[%arg1, %add3A_109, %dma_wait3A_187, %dma_wait3A_188] : memref<16x125x2x80xi32, #tpu.memory_space<hbm>> -> memref<1x1x2x80xi32, #tpu.memory_space<hbm>>
            %dma_wait3A_190 = tpu.memref_squeeze %dma_wait3A_189 : memref<1x1x2x80xi32, #tpu.memory_space<hbm>> -> memref<2x80xi32, #tpu.memory_space<hbm>>
            %dma_wait3A_191 = arith.constant 0 : i32
            %dma_wait3A_192 = arith.constant 0 : i32
            %dma_wait3A_193 = tpu.memref_slice %arg4[%arg1, %add3A_109, %dma_wait3A_191, %dma_wait3A_192] : memref<16x125x2x80xi32, #tpu.memory_space<hbm>> -> memref<1x1x2x80xi32, #tpu.memory_space<hbm>>
            %dma_wait3A_194 = tpu.memref_squeeze %dma_wait3A_193 : memref<1x1x2x80xi32, #tpu.memory_space<hbm>> -> memref<2x80xi32, #tpu.memory_space<hbm>>
            tpu.wait_dma2 semaphore(%run_scoped3A_178 : memref<!tpu.dma_semaphore, #tpu.memory_space<semaphore_mem>>) src(%dma_wait3A_194 : memref<2x80xi32, #tpu.memory_space<hbm>>) dst(%arg9 : memref<2x80xi32, #tpu.memory_space<vmem>>)
            tpu.yield
          }) : () -> ()
          %dma_start3A_171 = arith.constant 0 : i32
          %dma_start3A_172 = arith.constant 0 : i32
          %dma_start3A_173 = tpu.memref_slice %arg9[%dma_start3A_171, %dma_start3A_172] : memref<2x80xi32, #tpu.memory_space<vmem>> -> memref<1x80xi32, #tpu.memory_space<vmem>>
          %dma_start3A_174 = tpu.memref_squeeze %dma_start3A_173 : memref<1x80xi32, #tpu.memory_space<vmem>> -> memref<80xi32, #tpu.memory_space<vmem>>
          %dma_start3A_175 = arith.constant 0 : i32
          %dma_start3A_176 = arith.constant 0 : i32
          %dma_start3A_177 = tpu.memref_slice %arg3[%dma_start3A_175, %dma_start3A_176] : memref<10000x128xf32, #tpu.memory_space<hbm>> -> memref<10000x128xf32, #tpu.memory_space<hbm>>
          tpu.enqueue_indirect_dma source(%dma_start3A_177 : memref<10000x128xf32, #tpu.memory_space<hbm>>) target(%arg13 : memref<80x128xf32, #tpu.memory_space<vmem>>) offsets(%dma_start3A_174 : memref<80xi32, #tpu.memory_space<vmem>>) semaphore(%arg18 : memref<!tpu.dma_semaphore, #tpu.memory_space<semaphore_mem>>)
        } else {
        }
        %sub3A_122 = arith.constant 2 : i32
        %sub3A_123 = arith.subi %add3A_109, %sub3A_122 : i32
        %lt3A_124 = arith.constant 125 : i32
        %lt3A_125 = arith.cmpi slt, %sub3A_123, %lt3A_124 : i32
        %convert_element_type3A_126 = arith.extui %lt3A_125 : i1 to i32
        %cond3A_127 = arith.constant 0 : i32
        %cond3A_128 = arith.cmpi ne, %convert_element_type3A_126, %cond3A_127 : i32
        scf.if %cond3A_128 {
          %dma_wait3A_171 = arith.constant 0 : i32
          %dma_wait3A_172 = arith.constant 0 : i32
          %dma_wait3A_173 = tpu.memref_slice %arg3[%dma_wait3A_171, %dma_wait3A_172] : memref<10000x128xf32, #tpu.memory_space<hbm>> -> memref<80x128xf32, #tpu.memory_space<hbm>>
          %dma_wait3A_174 = arith.constant 0 : i32
          %dma_wait3A_175 = arith.constant 0 : i32
          %dma_wait3A_176 = tpu.memref_slice %arg3[%dma_wait3A_174, %dma_wait3A_175] : memref<10000x128xf32, #tpu.memory_space<hbm>> -> memref<80x128xf32, #tpu.memory_space<hbm>>
          tpu.wait_dma2 semaphore(%arg20 : memref<!tpu.dma_semaphore, #tpu.memory_space<semaphore_mem>>) src(%dma_wait3A_176 : memref<80x128xf32, #tpu.memory_space<hbm>>) dst(%arg15 : memref<80x128xf32, #tpu.memory_space<vmem>>)
          %dma_start3A_177 = arith.constant 1 : i32
          %dma_start3A_178 = arith.constant 0 : i32
          %dma_start3A_179 = tpu.memref_slice %arg11[%dma_start3A_177, %dma_start3A_178] : memref<2x80xi32, #tpu.memory_space<vmem>> -> memref<1x80xi32, #tpu.memory_space<vmem>>
          %dma_start3A_180 = tpu.memref_squeeze %dma_start3A_179 : memref<1x80xi32, #tpu.memory_space<vmem>> -> memref<80xi32, #tpu.memory_space<vmem>>
          %dma_start3A_181 = arith.constant 0 : i32
          %dma_start3A_182 = arith.constant 0 : i32
          %dma_start3A_183 = tpu.memref_slice %arg16[%dma_start3A_181, %dma_start3A_182] : memref<10000x128xf32, #tpu.memory_space<vmem_shared>> -> memref<10000x128xf32, #tpu.memory_space<vmem_shared>>
          tpu.enqueue_indirect_dma source(%arg15 : memref<80x128xf32, #tpu.memory_space<vmem>>) target(%dma_start3A_183 : memref<10000x128xf32, #tpu.memory_space<vmem_shared>>) offsets(%dma_start3A_180 : memref<80xi32, #tpu.memory_space<vmem>>) semaphore(%arg24 : memref<!tpu.dma_semaphore, #tpu.memory_space<semaphore_mem>>) {add = true}
        } else {
        }
        %add3A_129 = arith.constant 2 : i32
        %add3A_130 = arith.addi %add3A_87, %add3A_129 : i32
        %sub3A_131 = arith.constant 4 : i32
        %sub3A_132 = arith.subi %add3A_130, %sub3A_131 : i32
        %lt3A_133 = arith.constant 124 : i32
        %lt3A_134 = arith.cmpi slt, %sub3A_132, %lt3A_133 : i32
        %convert_element_type3A_135 = arith.extui %lt3A_134 : i1 to i32
        %cond3A_136 = arith.constant 0 : i32
        %cond3A_137 = arith.cmpi ne, %convert_element_type3A_135, %cond3A_136 : i32
        scf.if %cond3A_137 {
          %dma_wait3A_171 = arith.constant 0 : i32
          %dma_wait3A_172 = arith.constant 0 : i32
          %dma_wait3A_173 = tpu.memref_slice %arg3[%dma_wait3A_171, %dma_wait3A_172] : memref<10000x128xf32, #tpu.memory_space<hbm>> -> memref<80x128xf32, #tpu.memory_space<hbm>>
          %dma_wait3A_174 = arith.constant 0 : i32
          %dma_wait3A_175 = arith.constant 0 : i32
          %dma_wait3A_176 = tpu.memref_slice %arg3[%dma_wait3A_174, %dma_wait3A_175] : memref<10000x128xf32, #tpu.memory_space<hbm>> -> memref<80x128xf32, #tpu.memory_space<hbm>>
          tpu.wait_dma2 semaphore(%arg23 : memref<!tpu.dma_semaphore, #tpu.memory_space<semaphore_mem>>) src(%dma_wait3A_176 : memref<80x128xf32, #tpu.memory_space<hbm>>) dst(%arg14 : memref<80x128xf32, #tpu.memory_space<vmem>>)
        } else {
        }
        %lt3A_138 = arith.constant 125 : i32
        %lt3A_139 = arith.cmpi slt, %add3A_130, %lt3A_138 : i32
        %convert_element_type3A_140 = arith.extui %lt3A_139 : i1 to i32
        %cond3A_141 = arith.constant 0 : i32
        %cond3A_142 = arith.cmpi ne, %convert_element_type3A_140, %cond3A_141 : i32
        scf.if %cond3A_142 {
          "tpu.region"() ({
            %run_scoped3A_178 = tpu.sem_alloc : memref<!tpu.dma_semaphore, #tpu.memory_space<semaphore_mem>>
            %dma_start3A_179 = arith.constant 0 : i32
            %dma_start3A_180 = arith.constant 0 : i32
            %dma_start3A_181 = tpu.memref_slice %arg4[%arg1, %add3A_130, %dma_start3A_179, %dma_start3A_180] : memref<16x125x2x80xi32, #tpu.memory_space<hbm>> -> memref<1x1x2x80xi32, #tpu.memory_space<hbm>>
            %dma_start3A_182 = tpu.memref_squeeze %dma_start3A_181 : memref<1x1x2x80xi32, #tpu.memory_space<hbm>> -> memref<2x80xi32, #tpu.memory_space<hbm>>
            %dma_start3A_183 = arith.constant 0 : i32
            %dma_start3A_184 = arith.constant 0 : i32
            %dma_start3A_185 = tpu.memref_slice %arg4[%arg1, %add3A_130, %dma_start3A_183, %dma_start3A_184] : memref<16x125x2x80xi32, #tpu.memory_space<hbm>> -> memref<1x1x2x80xi32, #tpu.memory_space<hbm>>
            %dma_start3A_186 = tpu.memref_squeeze %dma_start3A_185 : memref<1x1x2x80xi32, #tpu.memory_space<hbm>> -> memref<2x80xi32, #tpu.memory_space<hbm>>
            tpu.enqueue_dma source(%dma_start3A_186 : memref<2x80xi32, #tpu.memory_space<hbm>>) target(%arg10 : memref<2x80xi32, #tpu.memory_space<vmem>>) target_semaphore(%run_scoped3A_178 : memref<!tpu.dma_semaphore, #tpu.memory_space<semaphore_mem>>)
            %dma_wait3A_187 = arith.constant 0 : i32
            %dma_wait3A_188 = arith.constant 0 : i32
            %dma_wait3A_189 = tpu.memref_slice %arg4[%arg1, %add3A_130, %dma_wait3A_187, %dma_wait3A_188] : memref<16x125x2x80xi32, #tpu.memory_space<hbm>> -> memref<1x1x2x80xi32, #tpu.memory_space<hbm>>
            %dma_wait3A_190 = tpu.memref_squeeze %dma_wait3A_189 : memref<1x1x2x80xi32, #tpu.memory_space<hbm>> -> memref<2x80xi32, #tpu.memory_space<hbm>>
            %dma_wait3A_191 = arith.constant 0 : i32
            %dma_wait3A_192 = arith.constant 0 : i32
            %dma_wait3A_193 = tpu.memref_slice %arg4[%arg1, %add3A_130, %dma_wait3A_191, %dma_wait3A_192] : memref<16x125x2x80xi32, #tpu.memory_space<hbm>> -> memref<1x1x2x80xi32, #tpu.memory_space<hbm>>
            %dma_wait3A_194 = tpu.memref_squeeze %dma_wait3A_193 : memref<1x1x2x80xi32, #tpu.memory_space<hbm>> -> memref<2x80xi32, #tpu.memory_space<hbm>>
            tpu.wait_dma2 semaphore(%run_scoped3A_178 : memref<!tpu.dma_semaphore, #tpu.memory_space<semaphore_mem>>) src(%dma_wait3A_194 : memref<2x80xi32, #tpu.memory_space<hbm>>) dst(%arg10 : memref<2x80xi32, #tpu.memory_space<vmem>>)
            tpu.yield
          }) : () -> ()
          %dma_start3A_171 = arith.constant 0 : i32
          %dma_start3A_172 = arith.constant 0 : i32
          %dma_start3A_173 = tpu.memref_slice %arg10[%dma_start3A_171, %dma_start3A_172] : memref<2x80xi32, #tpu.memory_space<vmem>> -> memref<1x80xi32, #tpu.memory_space<vmem>>
          %dma_start3A_174 = tpu.memref_squeeze %dma_start3A_173 : memref<1x80xi32, #tpu.memory_space<vmem>> -> memref<80xi32, #tpu.memory_space<vmem>>
          %dma_start3A_175 = arith.constant 0 : i32
          %dma_start3A_176 = arith.constant 0 : i32
          %dma_start3A_177 = tpu.memref_slice %arg3[%dma_start3A_175, %dma_start3A_176] : memref<10000x128xf32, #tpu.memory_space<hbm>> -> memref<10000x128xf32, #tpu.memory_space<hbm>>
          tpu.enqueue_indirect_dma source(%dma_start3A_177 : memref<10000x128xf32, #tpu.memory_space<hbm>>) target(%arg14 : memref<80x128xf32, #tpu.memory_space<vmem>>) offsets(%dma_start3A_174 : memref<80xi32, #tpu.memory_space<vmem>>) semaphore(%arg19 : memref<!tpu.dma_semaphore, #tpu.memory_space<semaphore_mem>>)
        } else {
        }
        %sub3A_143 = arith.constant 2 : i32
        %sub3A_144 = arith.subi %add3A_130, %sub3A_143 : i32
        %lt3A_145 = arith.constant 125 : i32
        %lt3A_146 = arith.cmpi slt, %sub3A_144, %lt3A_145 : i32
        %convert_element_type3A_147 = arith.extui %lt3A_146 : i1 to i32
        %cond3A_148 = arith.constant 0 : i32
        %cond3A_149 = arith.cmpi ne, %convert_element_type3A_147, %cond3A_148 : i32
        scf.if %cond3A_149 {
          %dma_wait3A_171 = arith.constant 0 : i32
          %dma_wait3A_172 = arith.constant 0 : i32
          %dma_wait3A_173 = tpu.memref_slice %arg3[%dma_wait3A_171, %dma_wait3A_172] : memref<10000x128xf32, #tpu.memory_space<hbm>> -> memref<80x128xf32, #tpu.memory_space<hbm>>
          %dma_wait3A_174 = arith.constant 0 : i32
          %dma_wait3A_175 = arith.constant 0 : i32
          %dma_wait3A_176 = tpu.memref_slice %arg3[%dma_wait3A_174, %dma_wait3A_175] : memref<10000x128xf32, #tpu.memory_space<hbm>> -> memref<80x128xf32, #tpu.memory_space<hbm>>
          tpu.wait_dma2 semaphore(%arg17 : memref<!tpu.dma_semaphore, #tpu.memory_space<semaphore_mem>>) src(%dma_wait3A_176 : memref<80x128xf32, #tpu.memory_space<hbm>>) dst(%arg12 : memref<80x128xf32, #tpu.memory_space<vmem>>)
          %dma_start3A_177 = arith.constant 1 : i32
          %dma_start3A_178 = arith.constant 0 : i32
          %dma_start3A_179 = tpu.memref_slice %arg8[%dma_start3A_177, %dma_start3A_178] : memref<2x80xi32, #tpu.memory_space<vmem>> -> memref<1x80xi32, #tpu.memory_space<vmem>>
          %dma_start3A_180 = tpu.memref_squeeze %dma_start3A_179 : memref<1x80xi32, #tpu.memory_space<vmem>> -> memref<80xi32, #tpu.memory_space<vmem>>
          %dma_start3A_181 = arith.constant 0 : i32
          %dma_start3A_182 = arith.constant 0 : i32
          %dma_start3A_183 = tpu.memref_slice %arg16[%dma_start3A_181, %dma_start3A_182] : memref<10000x128xf32, #tpu.memory_space<vmem_shared>> -> memref<10000x128xf32, #tpu.memory_space<vmem_shared>>
          tpu.enqueue_indirect_dma source(%arg12 : memref<80x128xf32, #tpu.memory_space<vmem>>) target(%dma_start3A_183 : memref<10000x128xf32, #tpu.memory_space<vmem_shared>>) offsets(%dma_start3A_180 : memref<80xi32, #tpu.memory_space<vmem>>) semaphore(%arg21 : memref<!tpu.dma_semaphore, #tpu.memory_space<semaphore_mem>>) {add = true}
        } else {
        }
        %add3A_150 = arith.constant 3 : i32
        %add3A_151 = arith.addi %add3A_87, %add3A_150 : i32
        %sub3A_152 = arith.constant 4 : i32
        %sub3A_153 = arith.subi %add3A_151, %sub3A_152 : i32
        %lt3A_154 = arith.constant 124 : i32
        %lt3A_155 = arith.cmpi slt, %sub3A_153, %lt3A_154 : i32
        %convert_element_type3A_156 = arith.extui %lt3A_155 : i1 to i32
        %cond3A_157 = arith.constant 0 : i32
        %cond3A_158 = arith.cmpi ne, %convert_element_type3A_156, %cond3A_157 : i32
        scf.if %cond3A_158 {
          %dma_wait3A_171 = arith.constant 0 : i32
          %dma_wait3A_172 = arith.constant 0 : i32
          %dma_wait3A_173 = tpu.memref_slice %arg3[%dma_wait3A_171, %dma_wait3A_172] : memref<10000x128xf32, #tpu.memory_space<hbm>> -> memref<80x128xf32, #tpu.memory_space<hbm>>
          %dma_wait3A_174 = arith.constant 0 : i32
          %dma_wait3A_175 = arith.constant 0 : i32
          %dma_wait3A_176 = tpu.memref_slice %arg3[%dma_wait3A_174, %dma_wait3A_175] : memref<10000x128xf32, #tpu.memory_space<hbm>> -> memref<80x128xf32, #tpu.memory_space<hbm>>
          tpu.wait_dma2 semaphore(%arg24 : memref<!tpu.dma_semaphore, #tpu.memory_space<semaphore_mem>>) src(%dma_wait3A_176 : memref<80x128xf32, #tpu.memory_space<hbm>>) dst(%arg15 : memref<80x128xf32, #tpu.memory_space<vmem>>)
        } else {
        }
        %lt3A_159 = arith.constant 125 : i32
        %lt3A_160 = arith.cmpi slt, %add3A_151, %lt3A_159 : i32
        %convert_element_type3A_161 = arith.extui %lt3A_160 : i1 to i32
        %cond3A_162 = arith.constant 0 : i32
        %cond3A_163 = arith.cmpi ne, %convert_element_type3A_161, %cond3A_162 : i32
        scf.if %cond3A_163 {
          "tpu.region"() ({
            %run_scoped3A_178 = tpu.sem_alloc : memref<!tpu.dma_semaphore, #tpu.memory_space<semaphore_mem>>
            %dma_start3A_179 = arith.constant 0 : i32
            %dma_start3A_180 = arith.constant 0 : i32
            %dma_start3A_181 = tpu.memref_slice %arg4[%arg1, %add3A_151, %dma_start3A_179, %dma_start3A_180] : memref<16x125x2x80xi32, #tpu.memory_space<hbm>> -> memref<1x1x2x80xi32, #tpu.memory_space<hbm>>
            %dma_start3A_182 = tpu.memref_squeeze %dma_start3A_181 : memref<1x1x2x80xi32, #tpu.memory_space<hbm>> -> memref<2x80xi32, #tpu.memory_space<hbm>>
            %dma_start3A_183 = arith.constant 0 : i32
            %dma_start3A_184 = arith.constant 0 : i32
            %dma_start3A_185 = tpu.memref_slice %arg4[%arg1, %add3A_151, %dma_start3A_183, %dma_start3A_184] : memref<16x125x2x80xi32, #tpu.memory_space<hbm>> -> memref<1x1x2x80xi32, #tpu.memory_space<hbm>>
            %dma_start3A_186 = tpu.memref_squeeze %dma_start3A_185 : memref<1x1x2x80xi32, #tpu.memory_space<hbm>> -> memref<2x80xi32, #tpu.memory_space<hbm>>
            tpu.enqueue_dma source(%dma_start3A_186 : memref<2x80xi32, #tpu.memory_space<hbm>>) target(%arg11 : memref<2x80xi32, #tpu.memory_space<vmem>>) target_semaphore(%run_scoped3A_178 : memref<!tpu.dma_semaphore, #tpu.memory_space<semaphore_mem>>)
            %dma_wait3A_187 = arith.constant 0 : i32
            %dma_wait3A_188 = arith.constant 0 : i32
            %dma_wait3A_189 = tpu.memref_slice %arg4[%arg1, %add3A_151, %dma_wait3A_187, %dma_wait3A_188] : memref<16x125x2x80xi32, #tpu.memory_space<hbm>> -> memref<1x1x2x80xi32, #tpu.memory_space<hbm>>
            %dma_wait3A_190 = tpu.memref_squeeze %dma_wait3A_189 : memref<1x1x2x80xi32, #tpu.memory_space<hbm>> -> memref<2x80xi32, #tpu.memory_space<hbm>>
            %dma_wait3A_191 = arith.constant 0 : i32
            %dma_wait3A_192 = arith.constant 0 : i32
            %dma_wait3A_193 = tpu.memref_slice %arg4[%arg1, %add3A_151, %dma_wait3A_191, %dma_wait3A_192] : memref<16x125x2x80xi32, #tpu.memory_space<hbm>> -> memref<1x1x2x80xi32, #tpu.memory_space<hbm>>
            %dma_wait3A_194 = tpu.memref_squeeze %dma_wait3A_193 : memref<1x1x2x80xi32, #tpu.memory_space<hbm>> -> memref<2x80xi32, #tpu.memory_space<hbm>>
            tpu.wait_dma2 semaphore(%run_scoped3A_178 : memref<!tpu.dma_semaphore, #tpu.memory_space<semaphore_mem>>) src(%dma_wait3A_194 : memref<2x80xi32, #tpu.memory_space<hbm>>) dst(%arg11 : memref<2x80xi32, #tpu.memory_space<vmem>>)
            tpu.yield
          }) : () -> ()
          %dma_start3A_171 = arith.constant 0 : i32
          %dma_start3A_172 = arith.constant 0 : i32
          %dma_start3A_173 = tpu.memref_slice %arg11[%dma_start3A_171, %dma_start3A_172] : memref<2x80xi32, #tpu.memory_space<vmem>> -> memref<1x80xi32, #tpu.memory_space<vmem>>
          %dma_start3A_174 = tpu.memref_squeeze %dma_start3A_173 : memref<1x80xi32, #tpu.memory_space<vmem>> -> memref<80xi32, #tpu.memory_space<vmem>>
          %dma_start3A_175 = arith.constant 0 : i32
          %dma_start3A_176 = arith.constant 0 : i32
          %dma_start3A_177 = tpu.memref_slice %arg3[%dma_start3A_175, %dma_start3A_176] : memref<10000x128xf32, #tpu.memory_space<hbm>> -> memref<10000x128xf32, #tpu.memory_space<hbm>>
          tpu.enqueue_indirect_dma source(%dma_start3A_177 : memref<10000x128xf32, #tpu.memory_space<hbm>>) target(%arg15 : memref<80x128xf32, #tpu.memory_space<vmem>>) offsets(%dma_start3A_174 : memref<80xi32, #tpu.memory_space<vmem>>) semaphore(%arg20 : memref<!tpu.dma_semaphore, #tpu.memory_space<semaphore_mem>>)
        } else {
        }
        %sub3A_164 = arith.constant 2 : i32
        %sub3A_165 = arith.subi %add3A_151, %sub3A_164 : i32
        %lt3A_166 = arith.constant 125 : i32
        %lt3A_167 = arith.cmpi slt, %sub3A_165, %lt3A_166 : i32
        %convert_element_type3A_168 = arith.extui %lt3A_167 : i1 to i32
        %cond3A_169 = arith.constant 0 : i32
        %cond3A_170 = arith.cmpi ne, %convert_element_type3A_168, %cond3A_169 : i32
        scf.if %cond3A_170 {
          %dma_wait3A_171 = arith.constant 0 : i32
          %dma_wait3A_172 = arith.constant 0 : i32
          %dma_wait3A_173 = tpu.memref_slice %arg3[%dma_wait3A_171, %dma_wait3A_172] : memref<10000x128xf32, #tpu.memory_space<hbm>> -> memref<80x128xf32, #tpu.memory_space<hbm>>
          %dma_wait3A_174 = arith.constant 0 : i32
          %dma_wait3A_175 = arith.constant 0 : i32
          %dma_wait3A_176 = tpu.memref_slice %arg3[%dma_wait3A_174, %dma_wait3A_175] : memref<10000x128xf32, #tpu.memory_space<hbm>> -> memref<80x128xf32, #tpu.memory_space<hbm>>
          tpu.wait_dma2 semaphore(%arg18 : memref<!tpu.dma_semaphore, #tpu.memory_space<semaphore_mem>>) src(%dma_wait3A_176 : memref<80x128xf32, #tpu.memory_space<hbm>>) dst(%arg13 : memref<80x128xf32, #tpu.memory_space<vmem>>)
          %dma_start3A_177 = arith.constant 1 : i32
          %dma_start3A_178 = arith.constant 0 : i32
          %dma_start3A_179 = tpu.memref_slice %arg9[%dma_start3A_177, %dma_start3A_178] : memref<2x80xi32, #tpu.memory_space<vmem>> -> memref<1x80xi32, #tpu.memory_space<vmem>>
          %dma_start3A_180 = tpu.memref_squeeze %dma_start3A_179 : memref<1x80xi32, #tpu.memory_space<vmem>> -> memref<80xi32, #tpu.memory_space<vmem>>
          %dma_start3A_181 = arith.constant 0 : i32
          %dma_start3A_182 = arith.constant 0 : i32
          %dma_start3A_183 = tpu.memref_slice %arg16[%dma_start3A_181, %dma_start3A_182] : memref<10000x128xf32, #tpu.memory_space<vmem_shared>> -> memref<10000x128xf32, #tpu.memory_space<vmem_shared>>
          tpu.enqueue_indirect_dma source(%arg13 : memref<80x128xf32, #tpu.memory_space<vmem>>) target(%dma_start3A_183 : memref<10000x128xf32, #tpu.memory_space<vmem_shared>>) offsets(%dma_start3A_180 : memref<80xi32, #tpu.memory_space<vmem>>) semaphore(%arg22 : memref<!tpu.dma_semaphore, #tpu.memory_space<semaphore_mem>>) {add = true}
        } else {
        }
      }
      %scan3A_70 = arith.constant 31 : i32
      %dma_wait3A_71 = arith.constant 0 : i32
      %dma_wait3A_72 = arith.constant 0 : i32
      %dma_wait3A_73 = tpu.memref_slice %arg3[%dma_wait3A_71, %dma_wait3A_72] : memref<10000x128xf32, #tpu.memory_space<hbm>> -> memref<80x128xf32, #tpu.memory_space<hbm>>
      %dma_wait3A_74 = arith.constant 0 : i32
      %dma_wait3A_75 = arith.constant 0 : i32
      %dma_wait3A_76 = tpu.memref_slice %arg3[%dma_wait3A_74, %dma_wait3A_75] : memref<10000x128xf32, #tpu.memory_space<hbm>> -> memref<80x128xf32, #tpu.memory_space<hbm>>
      tpu.wait_dma2 semaphore(%arg21 : memref<!tpu.dma_semaphore, #tpu.memory_space<semaphore_mem>>) src(%dma_wait3A_76 : memref<80x128xf32, #tpu.memory_space<hbm>>) dst(%arg12 : memref<80x128xf32, #tpu.memory_space<vmem>>)
      %barrier3A_77 = arith.constant 0 : index
      tpu.barrier barrier_id(%barrier3A_77)
      %mul3A = arith.constant 624 : i32
      %mul3A_78 = arith.muli %arg1, %mul3A : i32
      %multiple_of3A = tpu.assume_multiple %mul3A_78, 8 : i32
      "tpu.region"() ({
        %run_scoped3A_84 = tpu.sem_alloc : memref<!tpu.dma_semaphore, #tpu.memory_space<semaphore_mem>>
        %dma_start3A_85 = arith.constant 0 : i32
        %dma_start3A_86 = tpu.memref_slice %arg7[%multiple_of3A, %dma_start3A_85] : memref<10000x128xf32, #tpu.memory_space<hbm>> -> memref<624x128xf32, #tpu.memory_space<hbm>>
        %dma_start3A_87 = arith.constant 0 : i32
        %dma_start3A_88 = tpu.memref_slice %arg16[%multiple_of3A, %dma_start3A_87] : memref<10000x128xf32, #tpu.memory_space<vmem_shared>> -> memref<624x128xf32, #tpu.memory_space<vmem_shared>>
        tpu.enqueue_dma source(%dma_start3A_88 : memref<624x128xf32, #tpu.memory_space<vmem_shared>>) target(%dma_start3A_86 : memref<624x128xf32, #tpu.memory_space<hbm>>) target_semaphore(%run_scoped3A_84 : memref<!tpu.dma_semaphore, #tpu.memory_space<semaphore_mem>>)
        %dma_wait3A_89 = arith.constant 0 : i32
        %dma_wait3A_90 = tpu.memref_slice %arg7[%multiple_of3A, %dma_wait3A_89] : memref<10000x128xf32, #tpu.memory_space<hbm>> -> memref<624x128xf32, #tpu.memory_space<hbm>>
        %dma_wait3A_91 = arith.constant 0 : i32
        %dma_wait3A_92 = tpu.memref_slice %arg16[%multiple_of3A, %dma_wait3A_91] : memref<10000x128xf32, #tpu.memory_space<vmem_shared>> -> memref<624x128xf32, #tpu.memory_space<vmem_shared>>
        tpu.wait_dma2 semaphore(%run_scoped3A_84 : memref<!tpu.dma_semaphore, #tpu.memory_space<semaphore_mem>>) src(%dma_wait3A_92 : memref<624x128xf32, #tpu.memory_space<vmem_shared>>) dst(%dma_wait3A_90 : memref<624x128xf32, #tpu.memory_space<hbm>>)
        tpu.yield
      }) : () -> ()
      %eq3A_79 = arith.constant 0 : i32
      %eq3A_80 = arith.cmpi eq, %arg1, %eq3A_79 : i32
      %convert_element_type3A_81 = arith.extui %eq3A_80 : i1 to i32
      %cond3A_82 = arith.constant 0 : i32
      %cond3A_83 = arith.cmpi ne, %convert_element_type3A_81, %cond3A_82 : i32
      scf.if %cond3A_83 {
        %multiple_of3A_84 = arith.constant 9984 : i32
        %multiple_of3A_85 = tpu.assume_multiple %multiple_of3A_84, 8 : i32
        "tpu.region"() ({
          %run_scoped3A_86 = tpu.sem_alloc : memref<!tpu.dma_semaphore, #tpu.memory_space<semaphore_mem>>
          %dma_start3A_87 = arith.constant 0 : i32
          %dma_start3A_88 = tpu.memref_slice %arg7[%multiple_of3A_85, %dma_start3A_87] : memref<10000x128xf32, #tpu.memory_space<hbm>> -> memref<16x128xf32, #tpu.memory_space<hbm>>
          %dma_start3A_89 = arith.constant 0 : i32
          %dma_start3A_90 = tpu.memref_slice %arg16[%multiple_of3A_85, %dma_start3A_89] : memref<10000x128xf32, #tpu.memory_space<vmem_shared>> -> memref<16x128xf32, #tpu.memory_space<vmem_shared>>
          tpu.enqueue_dma source(%dma_start3A_90 : memref<16x128xf32, #tpu.memory_space<vmem_shared>>) target(%dma_start3A_88 : memref<16x128xf32, #tpu.memory_space<hbm>>) target_semaphore(%run_scoped3A_86 : memref<!tpu.dma_semaphore, #tpu.memory_space<semaphore_mem>>)
          %dma_wait3A_91 = arith.constant 0 : i32
          %dma_wait3A_92 = tpu.memref_slice %arg7[%multiple_of3A_85, %dma_wait3A_91] : memref<10000x128xf32, #tpu.memory_space<hbm>> -> memref<16x128xf32, #tpu.memory_space<hbm>>
          %dma_wait3A_93 = arith.constant 0 : i32
          %dma_wait3A_94 = tpu.memref_slice %arg16[%multiple_of3A_85, %dma_wait3A_93] : memref<10000x128xf32, #tpu.memory_space<vmem_shared>> -> memref<16x128xf32, #tpu.memory_space<vmem_shared>>
          tpu.wait_dma2 semaphore(%run_scoped3A_86 : memref<!tpu.dma_semaphore, #tpu.memory_space<semaphore_mem>>) src(%dma_wait3A_94 : memref<16x128xf32, #tpu.memory_space<vmem_shared>>) dst(%dma_wait3A_92 : memref<16x128xf32, #tpu.memory_space<hbm>>)
          tpu.yield
        }) : () -> ()
      } else {
      }
    } else {
    }
    return
  }
}

#map = affine_map<(d0, d1) -> (0, 0, 0)>
#map1 = affine_map<(d0, d1) -> (0, 0)>
module attributes {stable_mosaic.version = 14 : i64} {
  func.func @_sc_degree_body(%arg0: i32, %arg1: i32, %arg2: memref<32x50x100xi32, #tpu.memory_space<hbm>>, %arg3: memref<10000x128xf32, #tpu.memory_space<hbm>>, %arg4: memref<100x128xf32, #tpu.memory_space<hbm>>, %arg5: memref<2x10000x128xf32, #tpu.memory_space<hbm>>, %arg6: memref<100xi32, #tpu.memory_space<vmem>>, %arg7: memref<100xi32, #tpu.memory_space<vmem>>, %arg8: memref<100xi32, #tpu.memory_space<vmem>>, %arg9: memref<100xi32, #tpu.memory_space<vmem>>, %arg10: memref<100x128xf32, #tpu.memory_space<vmem>>, %arg11: memref<10000x128xf32, #tpu.memory_space<vmem_shared>>, %arg12: memref<!tpu.dma_semaphore, #tpu.memory_space<semaphore_mem>>, %arg13: memref<!tpu.dma_semaphore, #tpu.memory_space<semaphore_mem>>, %arg14: memref<!tpu.dma_semaphore, #tpu.memory_space<semaphore_mem>>, %arg15: memref<!tpu.dma_semaphore, #tpu.memory_space<semaphore_mem>>) attributes {dimension_semantics = [#tpu.dimension_semantics<core_parallel>, #tpu.dimension_semantics<subcore_parallel>], iteration_bounds = array<i64: 2, 16>, scalar_prefetch = 0 : i64, scratch_operands = 10 : i64, tpu.core_type = #tpu.core_type<sc_vector_subcore>, window_params = [{transform_indices = #map}, {transform_indices = #map1}, {transform_indices = #map1}, {transform_indices = #map}]} {
    %mul3A = arith.constant 16 : i32
    %mul3A_0 = arith.muli %arg0, %mul3A : i32
    %add3A = arith.addi %mul3A_0, %arg1 : i32
    "tpu.region"() ({
      %run_scoped3A_28 = tpu.sem_alloc : memref<!tpu.dma_semaphore, #tpu.memory_space<semaphore_mem>>
      tpu.enqueue_dma source(%arg4 : memref<100x128xf32, #tpu.memory_space<hbm>>) target(%arg10 : memref<100x128xf32, #tpu.memory_space<vmem>>) target_semaphore(%run_scoped3A_28 : memref<!tpu.dma_semaphore, #tpu.memory_space<semaphore_mem>>)
      tpu.wait_dma2 semaphore(%run_scoped3A_28 : memref<!tpu.dma_semaphore, #tpu.memory_space<semaphore_mem>>) src(%arg4 : memref<100x128xf32, #tpu.memory_space<hbm>>) dst(%arg10 : memref<100x128xf32, #tpu.memory_space<vmem>>)
      tpu.yield
    }) : () -> ()
    %eq3A = arith.constant 0 : i32
    %eq3A_1 = arith.cmpi eq, %arg1, %eq3A : i32
    %convert_element_type3A = arith.extui %eq3A_1 : i1 to i32
    %cond3A = arith.constant 0 : i32
    %cond3A_2 = arith.cmpi ne, %convert_element_type3A, %cond3A : i32
    scf.if %cond3A_2 {
      "tpu.region"() ({
        %run_scoped3A_28 = tpu.sem_alloc : memref<!tpu.dma_semaphore, #tpu.memory_space<semaphore_mem>>
        tpu.enqueue_dma source(%arg3 : memref<10000x128xf32, #tpu.memory_space<hbm>>) target(%arg11 : memref<10000x128xf32, #tpu.memory_space<vmem_shared>>) target_semaphore(%run_scoped3A_28 : memref<!tpu.dma_semaphore, #tpu.memory_space<semaphore_mem>>)
        tpu.wait_dma2 semaphore(%run_scoped3A_28 : memref<!tpu.dma_semaphore, #tpu.memory_space<semaphore_mem>>) src(%arg3 : memref<10000x128xf32, #tpu.memory_space<hbm>>) dst(%arg11 : memref<10000x128xf32, #tpu.memory_space<vmem_shared>>)
        tpu.yield
      }) : () -> ()
    } else {
    }
    %barrier3A = arith.constant 0 : index
    tpu.barrier barrier_id(%barrier3A)
    %run_scoped3A = arith.constant 0 : i32
    "tpu.region"() ({
      %run_scoped3A_28 = tpu.sem_alloc : memref<!tpu.dma_semaphore, #tpu.memory_space<semaphore_mem>>
      %dma_start3A_29 = arith.constant 0 : i32
      %dma_start3A_30 = tpu.memref_slice %arg2[%add3A, %run_scoped3A, %dma_start3A_29] : memref<32x50x100xi32, #tpu.memory_space<hbm>> -> memref<1x1x100xi32, #tpu.memory_space<hbm>>
      %dma_start3A_31 = tpu.memref_squeeze %dma_start3A_30 : memref<1x1x100xi32, #tpu.memory_space<hbm>> -> memref<100xi32, #tpu.memory_space<hbm>>
      %dma_start3A_32 = arith.constant 0 : i32
      %dma_start3A_33 = tpu.memref_slice %arg2[%add3A, %run_scoped3A, %dma_start3A_32] : memref<32x50x100xi32, #tpu.memory_space<hbm>> -> memref<1x1x100xi32, #tpu.memory_space<hbm>>
      %dma_start3A_34 = tpu.memref_squeeze %dma_start3A_33 : memref<1x1x100xi32, #tpu.memory_space<hbm>> -> memref<100xi32, #tpu.memory_space<hbm>>
      tpu.enqueue_dma source(%dma_start3A_34 : memref<100xi32, #tpu.memory_space<hbm>>) target(%arg6 : memref<100xi32, #tpu.memory_space<vmem>>) target_semaphore(%run_scoped3A_28 : memref<!tpu.dma_semaphore, #tpu.memory_space<semaphore_mem>>)
      %dma_wait3A = arith.constant 0 : i32
      %dma_wait3A_35 = tpu.memref_slice %arg2[%add3A, %run_scoped3A, %dma_wait3A] : memref<32x50x100xi32, #tpu.memory_space<hbm>> -> memref<1x1x100xi32, #tpu.memory_space<hbm>>
      %dma_wait3A_36 = tpu.memref_squeeze %dma_wait3A_35 : memref<1x1x100xi32, #tpu.memory_space<hbm>> -> memref<100xi32, #tpu.memory_space<hbm>>
      %dma_wait3A_37 = arith.constant 0 : i32
      %dma_wait3A_38 = tpu.memref_slice %arg2[%add3A, %run_scoped3A, %dma_wait3A_37] : memref<32x50x100xi32, #tpu.memory_space<hbm>> -> memref<1x1x100xi32, #tpu.memory_space<hbm>>
      %dma_wait3A_39 = tpu.memref_squeeze %dma_wait3A_38 : memref<1x1x100xi32, #tpu.memory_space<hbm>> -> memref<100xi32, #tpu.memory_space<hbm>>
      tpu.wait_dma2 semaphore(%run_scoped3A_28 : memref<!tpu.dma_semaphore, #tpu.memory_space<semaphore_mem>>) src(%dma_wait3A_39 : memref<100xi32, #tpu.memory_space<hbm>>) dst(%arg6 : memref<100xi32, #tpu.memory_space<vmem>>)
      tpu.yield
    }) : () -> ()
    %dma_start3A = arith.constant 0 : i32
    %dma_start3A_3 = arith.constant 0 : i32
    %dma_start3A_4 = tpu.memref_slice %arg11[%dma_start3A, %dma_start3A_3] : memref<10000x128xf32, #tpu.memory_space<vmem_shared>> -> memref<10000x128xf32, #tpu.memory_space<vmem_shared>>
    tpu.enqueue_indirect_dma source(%arg10 : memref<100x128xf32, #tpu.memory_space<vmem>>) target(%dma_start3A_4 : memref<10000x128xf32, #tpu.memory_space<vmem_shared>>) offsets(%arg6 : memref<100xi32, #tpu.memory_space<vmem>>) semaphore(%arg12 : memref<!tpu.dma_semaphore, #tpu.memory_space<semaphore_mem>>) {add = true}
    %run_scoped3A_5 = arith.constant 1 : i32
    "tpu.region"() ({
      %run_scoped3A_28 = tpu.sem_alloc : memref<!tpu.dma_semaphore, #tpu.memory_space<semaphore_mem>>
      %dma_start3A_29 = arith.constant 0 : i32
      %dma_start3A_30 = tpu.memref_slice %arg2[%add3A, %run_scoped3A_5, %dma_start3A_29] : memref<32x50x100xi32, #tpu.memory_space<hbm>> -> memref<1x1x100xi32, #tpu.memory_space<hbm>>
      %dma_start3A_31 = tpu.memref_squeeze %dma_start3A_30 : memref<1x1x100xi32, #tpu.memory_space<hbm>> -> memref<100xi32, #tpu.memory_space<hbm>>
      %dma_start3A_32 = arith.constant 0 : i32
      %dma_start3A_33 = tpu.memref_slice %arg2[%add3A, %run_scoped3A_5, %dma_start3A_32] : memref<32x50x100xi32, #tpu.memory_space<hbm>> -> memref<1x1x100xi32, #tpu.memory_space<hbm>>
      %dma_start3A_34 = tpu.memref_squeeze %dma_start3A_33 : memref<1x1x100xi32, #tpu.memory_space<hbm>> -> memref<100xi32, #tpu.memory_space<hbm>>
      tpu.enqueue_dma source(%dma_start3A_34 : memref<100xi32, #tpu.memory_space<hbm>>) target(%arg7 : memref<100xi32, #tpu.memory_space<vmem>>) target_semaphore(%run_scoped3A_28 : memref<!tpu.dma_semaphore, #tpu.memory_space<semaphore_mem>>)
      %dma_wait3A = arith.constant 0 : i32
      %dma_wait3A_35 = tpu.memref_slice %arg2[%add3A, %run_scoped3A_5, %dma_wait3A] : memref<32x50x100xi32, #tpu.memory_space<hbm>> -> memref<1x1x100xi32, #tpu.memory_space<hbm>>
      %dma_wait3A_36 = tpu.memref_squeeze %dma_wait3A_35 : memref<1x1x100xi32, #tpu.memory_space<hbm>> -> memref<100xi32, #tpu.memory_space<hbm>>
      %dma_wait3A_37 = arith.constant 0 : i32
      %dma_wait3A_38 = tpu.memref_slice %arg2[%add3A, %run_scoped3A_5, %dma_wait3A_37] : memref<32x50x100xi32, #tpu.memory_space<hbm>> -> memref<1x1x100xi32, #tpu.memory_space<hbm>>
      %dma_wait3A_39 = tpu.memref_squeeze %dma_wait3A_38 : memref<1x1x100xi32, #tpu.memory_space<hbm>> -> memref<100xi32, #tpu.memory_space<hbm>>
      tpu.wait_dma2 semaphore(%run_scoped3A_28 : memref<!tpu.dma_semaphore, #tpu.memory_space<semaphore_mem>>) src(%dma_wait3A_39 : memref<100xi32, #tpu.memory_space<hbm>>) dst(%arg7 : memref<100xi32, #tpu.memory_space<vmem>>)
      tpu.yield
    }) : () -> ()
    %dma_start3A_6 = arith.constant 0 : i32
    %dma_start3A_7 = arith.constant 0 : i32
    %dma_start3A_8 = tpu.memref_slice %arg11[%dma_start3A_6, %dma_start3A_7] : memref<10000x128xf32, #tpu.memory_space<vmem_shared>> -> memref<10000x128xf32, #tpu.memory_space<vmem_shared>>
    tpu.enqueue_indirect_dma source(%arg10 : memref<100x128xf32, #tpu.memory_space<vmem>>) target(%dma_start3A_8 : memref<10000x128xf32, #tpu.memory_space<vmem_shared>>) offsets(%arg7 : memref<100xi32, #tpu.memory_space<vmem>>) semaphore(%arg13 : memref<!tpu.dma_semaphore, #tpu.memory_space<semaphore_mem>>) {add = true}
    %run_scoped3A_9 = arith.constant 2 : i32
    "tpu.region"() ({
      %run_scoped3A_28 = tpu.sem_alloc : memref<!tpu.dma_semaphore, #tpu.memory_space<semaphore_mem>>
      %dma_start3A_29 = arith.constant 0 : i32
      %dma_start3A_30 = tpu.memref_slice %arg2[%add3A, %run_scoped3A_9, %dma_start3A_29] : memref<32x50x100xi32, #tpu.memory_space<hbm>> -> memref<1x1x100xi32, #tpu.memory_space<hbm>>
      %dma_start3A_31 = tpu.memref_squeeze %dma_start3A_30 : memref<1x1x100xi32, #tpu.memory_space<hbm>> -> memref<100xi32, #tpu.memory_space<hbm>>
      %dma_start3A_32 = arith.constant 0 : i32
      %dma_start3A_33 = tpu.memref_slice %arg2[%add3A, %run_scoped3A_9, %dma_start3A_32] : memref<32x50x100xi32, #tpu.memory_space<hbm>> -> memref<1x1x100xi32, #tpu.memory_space<hbm>>
      %dma_start3A_34 = tpu.memref_squeeze %dma_start3A_33 : memref<1x1x100xi32, #tpu.memory_space<hbm>> -> memref<100xi32, #tpu.memory_space<hbm>>
      tpu.enqueue_dma source(%dma_start3A_34 : memref<100xi32, #tpu.memory_space<hbm>>) target(%arg8 : memref<100xi32, #tpu.memory_space<vmem>>) target_semaphore(%run_scoped3A_28 : memref<!tpu.dma_semaphore, #tpu.memory_space<semaphore_mem>>)
      %dma_wait3A = arith.constant 0 : i32
      %dma_wait3A_35 = tpu.memref_slice %arg2[%add3A, %run_scoped3A_9, %dma_wait3A] : memref<32x50x100xi32, #tpu.memory_space<hbm>> -> memref<1x1x100xi32, #tpu.memory_space<hbm>>
      %dma_wait3A_36 = tpu.memref_squeeze %dma_wait3A_35 : memref<1x1x100xi32, #tpu.memory_space<hbm>> -> memref<100xi32, #tpu.memory_space<hbm>>
      %dma_wait3A_37 = arith.constant 0 : i32
      %dma_wait3A_38 = tpu.memref_slice %arg2[%add3A, %run_scoped3A_9, %dma_wait3A_37] : memref<32x50x100xi32, #tpu.memory_space<hbm>> -> memref<1x1x100xi32, #tpu.memory_space<hbm>>
      %dma_wait3A_39 = tpu.memref_squeeze %dma_wait3A_38 : memref<1x1x100xi32, #tpu.memory_space<hbm>> -> memref<100xi32, #tpu.memory_space<hbm>>
      tpu.wait_dma2 semaphore(%run_scoped3A_28 : memref<!tpu.dma_semaphore, #tpu.memory_space<semaphore_mem>>) src(%dma_wait3A_39 : memref<100xi32, #tpu.memory_space<hbm>>) dst(%arg8 : memref<100xi32, #tpu.memory_space<vmem>>)
      tpu.yield
    }) : () -> ()
    %dma_start3A_10 = arith.constant 0 : i32
    %dma_start3A_11 = arith.constant 0 : i32
    %dma_start3A_12 = tpu.memref_slice %arg11[%dma_start3A_10, %dma_start3A_11] : memref<10000x128xf32, #tpu.memory_space<vmem_shared>> -> memref<10000x128xf32, #tpu.memory_space<vmem_shared>>
    tpu.enqueue_indirect_dma source(%arg10 : memref<100x128xf32, #tpu.memory_space<vmem>>) target(%dma_start3A_12 : memref<10000x128xf32, #tpu.memory_space<vmem_shared>>) offsets(%arg8 : memref<100xi32, #tpu.memory_space<vmem>>) semaphore(%arg14 : memref<!tpu.dma_semaphore, #tpu.memory_space<semaphore_mem>>) {add = true}
    %run_scoped3A_13 = arith.constant 3 : i32
    "tpu.region"() ({
      %run_scoped3A_28 = tpu.sem_alloc : memref<!tpu.dma_semaphore, #tpu.memory_space<semaphore_mem>>
      %dma_start3A_29 = arith.constant 0 : i32
      %dma_start3A_30 = tpu.memref_slice %arg2[%add3A, %run_scoped3A_13, %dma_start3A_29] : memref<32x50x100xi32, #tpu.memory_space<hbm>> -> memref<1x1x100xi32, #tpu.memory_space<hbm>>
      %dma_start3A_31 = tpu.memref_squeeze %dma_start3A_30 : memref<1x1x100xi32, #tpu.memory_space<hbm>> -> memref<100xi32, #tpu.memory_space<hbm>>
      %dma_start3A_32 = arith.constant 0 : i32
      %dma_start3A_33 = tpu.memref_slice %arg2[%add3A, %run_scoped3A_13, %dma_start3A_32] : memref<32x50x100xi32, #tpu.memory_space<hbm>> -> memref<1x1x100xi32, #tpu.memory_space<hbm>>
      %dma_start3A_34 = tpu.memref_squeeze %dma_start3A_33 : memref<1x1x100xi32, #tpu.memory_space<hbm>> -> memref<100xi32, #tpu.memory_space<hbm>>
      tpu.enqueue_dma source(%dma_start3A_34 : memref<100xi32, #tpu.memory_space<hbm>>) target(%arg9 : memref<100xi32, #tpu.memory_space<vmem>>) target_semaphore(%run_scoped3A_28 : memref<!tpu.dma_semaphore, #tpu.memory_space<semaphore_mem>>)
      %dma_wait3A = arith.constant 0 : i32
      %dma_wait3A_35 = tpu.memref_slice %arg2[%add3A, %run_scoped3A_13, %dma_wait3A] : memref<32x50x100xi32, #tpu.memory_space<hbm>> -> memref<1x1x100xi32, #tpu.memory_space<hbm>>
      %dma_wait3A_36 = tpu.memref_squeeze %dma_wait3A_35 : memref<1x1x100xi32, #tpu.memory_space<hbm>> -> memref<100xi32, #tpu.memory_space<hbm>>
      %dma_wait3A_37 = arith.constant 0 : i32
      %dma_wait3A_38 = tpu.memref_slice %arg2[%add3A, %run_scoped3A_13, %dma_wait3A_37] : memref<32x50x100xi32, #tpu.memory_space<hbm>> -> memref<1x1x100xi32, #tpu.memory_space<hbm>>
      %dma_wait3A_39 = tpu.memref_squeeze %dma_wait3A_38 : memref<1x1x100xi32, #tpu.memory_space<hbm>> -> memref<100xi32, #tpu.memory_space<hbm>>
      tpu.wait_dma2 semaphore(%run_scoped3A_28 : memref<!tpu.dma_semaphore, #tpu.memory_space<semaphore_mem>>) src(%dma_wait3A_39 : memref<100xi32, #tpu.memory_space<hbm>>) dst(%arg9 : memref<100xi32, #tpu.memory_space<vmem>>)
      tpu.yield
    }) : () -> ()
    %dma_start3A_14 = arith.constant 0 : i32
    %dma_start3A_15 = arith.constant 0 : i32
    %dma_start3A_16 = tpu.memref_slice %arg11[%dma_start3A_14, %dma_start3A_15] : memref<10000x128xf32, #tpu.memory_space<vmem_shared>> -> memref<10000x128xf32, #tpu.memory_space<vmem_shared>>
    tpu.enqueue_indirect_dma source(%arg10 : memref<100x128xf32, #tpu.memory_space<vmem>>) target(%dma_start3A_16 : memref<10000x128xf32, #tpu.memory_space<vmem_shared>>) offsets(%arg9 : memref<100xi32, #tpu.memory_space<vmem>>) semaphore(%arg15 : memref<!tpu.dma_semaphore, #tpu.memory_space<semaphore_mem>>) {add = true}
    %scan3A = arith.constant 0 : i32
    %scan3A_17 = arith.constant 0 : i32
    %scan3A_18 = arith.constant 12 : i32
    %scan3A_19 = arith.addi %scan3A_17, %scan3A_18 : i32
    %scan3A_20 = arith.constant 1 : i32
    scf.for %scan3A_28 = %scan3A_17 to %scan3A_19 step %scan3A_20  : i32 {
      %mul3A_29 = arith.constant 4 : i32
      %mul3A_30 = arith.muli %scan3A_28, %mul3A_29 : i32
      %add3A_31 = arith.constant 4 : i32
      %add3A_32 = arith.addi %add3A_31, %mul3A_30 : i32
      %add3A_33 = arith.constant 0 : i32
      %add3A_34 = arith.addi %add3A_32, %add3A_33 : i32
      %sub3A = arith.constant 4 : i32
      %sub3A_35 = arith.subi %add3A_34, %sub3A : i32
      %lt3A = arith.constant 50 : i32
      %lt3A_36 = arith.cmpi slt, %sub3A_35, %lt3A : i32
      %convert_element_type3A_37 = arith.extui %lt3A_36 : i1 to i32
      %cond3A_38 = arith.constant 0 : i32
      %cond3A_39 = arith.cmpi ne, %convert_element_type3A_37, %cond3A_38 : i32
      scf.if %cond3A_39 {
        tpu.wait_dma2 semaphore(%arg12 : memref<!tpu.dma_semaphore, #tpu.memory_space<semaphore_mem>>) src(%arg4 : memref<100x128xf32, #tpu.memory_space<hbm>>) dst(%arg10 : memref<100x128xf32, #tpu.memory_space<vmem>>)
      } else {
      }
      %lt3A_40 = arith.constant 50 : i32
      %lt3A_41 = arith.cmpi slt, %add3A_34, %lt3A_40 : i32
      %convert_element_type3A_42 = arith.extui %lt3A_41 : i1 to i32
      %cond3A_43 = arith.constant 0 : i32
      %cond3A_44 = arith.cmpi ne, %convert_element_type3A_42, %cond3A_43 : i32
      scf.if %cond3A_44 {
        "tpu.region"() ({
          %run_scoped3A_90 = tpu.sem_alloc : memref<!tpu.dma_semaphore, #tpu.memory_space<semaphore_mem>>
          %dma_start3A_91 = arith.constant 0 : i32
          %dma_start3A_92 = tpu.memref_slice %arg2[%add3A, %add3A_34, %dma_start3A_91] : memref<32x50x100xi32, #tpu.memory_space<hbm>> -> memref<1x1x100xi32, #tpu.memory_space<hbm>>
          %dma_start3A_93 = tpu.memref_squeeze %dma_start3A_92 : memref<1x1x100xi32, #tpu.memory_space<hbm>> -> memref<100xi32, #tpu.memory_space<hbm>>
          %dma_start3A_94 = arith.constant 0 : i32
          %dma_start3A_95 = tpu.memref_slice %arg2[%add3A, %add3A_34, %dma_start3A_94] : memref<32x50x100xi32, #tpu.memory_space<hbm>> -> memref<1x1x100xi32, #tpu.memory_space<hbm>>
          %dma_start3A_96 = tpu.memref_squeeze %dma_start3A_95 : memref<1x1x100xi32, #tpu.memory_space<hbm>> -> memref<100xi32, #tpu.memory_space<hbm>>
          tpu.enqueue_dma source(%dma_start3A_96 : memref<100xi32, #tpu.memory_space<hbm>>) target(%arg6 : memref<100xi32, #tpu.memory_space<vmem>>) target_semaphore(%run_scoped3A_90 : memref<!tpu.dma_semaphore, #tpu.memory_space<semaphore_mem>>)
          %dma_wait3A = arith.constant 0 : i32
          %dma_wait3A_97 = tpu.memref_slice %arg2[%add3A, %add3A_34, %dma_wait3A] : memref<32x50x100xi32, #tpu.memory_space<hbm>> -> memref<1x1x100xi32, #tpu.memory_space<hbm>>
          %dma_wait3A_98 = tpu.memref_squeeze %dma_wait3A_97 : memref<1x1x100xi32, #tpu.memory_space<hbm>> -> memref<100xi32, #tpu.memory_space<hbm>>
          %dma_wait3A_99 = arith.constant 0 : i32
          %dma_wait3A_100 = tpu.memref_slice %arg2[%add3A, %add3A_34, %dma_wait3A_99] : memref<32x50x100xi32, #tpu.memory_space<hbm>> -> memref<1x1x100xi32, #tpu.memory_space<hbm>>
          %dma_wait3A_101 = tpu.memref_squeeze %dma_wait3A_100 : memref<1x1x100xi32, #tpu.memory_space<hbm>> -> memref<100xi32, #tpu.memory_space<hbm>>
          tpu.wait_dma2 semaphore(%run_scoped3A_90 : memref<!tpu.dma_semaphore, #tpu.memory_space<semaphore_mem>>) src(%dma_wait3A_101 : memref<100xi32, #tpu.memory_space<hbm>>) dst(%arg6 : memref<100xi32, #tpu.memory_space<vmem>>)
          tpu.yield
        }) : () -> ()
        %dma_start3A_87 = arith.constant 0 : i32
        %dma_start3A_88 = arith.constant 0 : i32
        %dma_start3A_89 = tpu.memref_slice %arg11[%dma_start3A_87, %dma_start3A_88] : memref<10000x128xf32, #tpu.memory_space<vmem_shared>> -> memref<10000x128xf32, #tpu.memory_space<vmem_shared>>
        tpu.enqueue_indirect_dma source(%arg10 : memref<100x128xf32, #tpu.memory_space<vmem>>) target(%dma_start3A_89 : memref<10000x128xf32, #tpu.memory_space<vmem_shared>>) offsets(%arg6 : memref<100xi32, #tpu.memory_space<vmem>>) semaphore(%arg12 : memref<!tpu.dma_semaphore, #tpu.memory_space<semaphore_mem>>) {add = true}
      } else {
      }
      %add3A_45 = arith.constant 1 : i32
      %add3A_46 = arith.addi %add3A_32, %add3A_45 : i32
      %sub3A_47 = arith.constant 4 : i32
      %sub3A_48 = arith.subi %add3A_46, %sub3A_47 : i32
      %lt3A_49 = arith.constant 50 : i32
      %lt3A_50 = arith.cmpi slt, %sub3A_48, %lt3A_49 : i32
      %convert_element_type3A_51 = arith.extui %lt3A_50 : i1 to i32
      %cond3A_52 = arith.constant 0 : i32
      %cond3A_53 = arith.cmpi ne, %convert_element_type3A_51, %cond3A_52 : i32
      scf.if %cond3A_53 {
        tpu.wait_dma2 semaphore(%arg13 : memref<!tpu.dma_semaphore, #tpu.memory_space<semaphore_mem>>) src(%arg4 : memref<100x128xf32, #tpu.memory_space<hbm>>) dst(%arg10 : memref<100x128xf32, #tpu.memory_space<vmem>>)
      } else {
      }
      %lt3A_54 = arith.constant 50 : i32
      %lt3A_55 = arith.cmpi slt, %add3A_46, %lt3A_54 : i32
      %convert_element_type3A_56 = arith.extui %lt3A_55 : i1 to i32
      %cond3A_57 = arith.constant 0 : i32
      %cond3A_58 = arith.cmpi ne, %convert_element_type3A_56, %cond3A_57 : i32
      scf.if %cond3A_58 {
        "tpu.region"() ({
          %run_scoped3A_90 = tpu.sem_alloc : memref<!tpu.dma_semaphore, #tpu.memory_space<semaphore_mem>>
          %dma_start3A_91 = arith.constant 0 : i32
          %dma_start3A_92 = tpu.memref_slice %arg2[%add3A, %add3A_46, %dma_start3A_91] : memref<32x50x100xi32, #tpu.memory_space<hbm>> -> memref<1x1x100xi32, #tpu.memory_space<hbm>>
          %dma_start3A_93 = tpu.memref_squeeze %dma_start3A_92 : memref<1x1x100xi32, #tpu.memory_space<hbm>> -> memref<100xi32, #tpu.memory_space<hbm>>
          %dma_start3A_94 = arith.constant 0 : i32
          %dma_start3A_95 = tpu.memref_slice %arg2[%add3A, %add3A_46, %dma_start3A_94] : memref<32x50x100xi32, #tpu.memory_space<hbm>> -> memref<1x1x100xi32, #tpu.memory_space<hbm>>
          %dma_start3A_96 = tpu.memref_squeeze %dma_start3A_95 : memref<1x1x100xi32, #tpu.memory_space<hbm>> -> memref<100xi32, #tpu.memory_space<hbm>>
          tpu.enqueue_dma source(%dma_start3A_96 : memref<100xi32, #tpu.memory_space<hbm>>) target(%arg7 : memref<100xi32, #tpu.memory_space<vmem>>) target_semaphore(%run_scoped3A_90 : memref<!tpu.dma_semaphore, #tpu.memory_space<semaphore_mem>>)
          %dma_wait3A = arith.constant 0 : i32
          %dma_wait3A_97 = tpu.memref_slice %arg2[%add3A, %add3A_46, %dma_wait3A] : memref<32x50x100xi32, #tpu.memory_space<hbm>> -> memref<1x1x100xi32, #tpu.memory_space<hbm>>
          %dma_wait3A_98 = tpu.memref_squeeze %dma_wait3A_97 : memref<1x1x100xi32, #tpu.memory_space<hbm>> -> memref<100xi32, #tpu.memory_space<hbm>>
          %dma_wait3A_99 = arith.constant 0 : i32
          %dma_wait3A_100 = tpu.memref_slice %arg2[%add3A, %add3A_46, %dma_wait3A_99] : memref<32x50x100xi32, #tpu.memory_space<hbm>> -> memref<1x1x100xi32, #tpu.memory_space<hbm>>
          %dma_wait3A_101 = tpu.memref_squeeze %dma_wait3A_100 : memref<1x1x100xi32, #tpu.memory_space<hbm>> -> memref<100xi32, #tpu.memory_space<hbm>>
          tpu.wait_dma2 semaphore(%run_scoped3A_90 : memref<!tpu.dma_semaphore, #tpu.memory_space<semaphore_mem>>) src(%dma_wait3A_101 : memref<100xi32, #tpu.memory_space<hbm>>) dst(%arg7 : memref<100xi32, #tpu.memory_space<vmem>>)
          tpu.yield
        }) : () -> ()
        %dma_start3A_87 = arith.constant 0 : i32
        %dma_start3A_88 = arith.constant 0 : i32
        %dma_start3A_89 = tpu.memref_slice %arg11[%dma_start3A_87, %dma_start3A_88] : memref<10000x128xf32, #tpu.memory_space<vmem_shared>> -> memref<10000x128xf32, #tpu.memory_space<vmem_shared>>
        tpu.enqueue_indirect_dma source(%arg10 : memref<100x128xf32, #tpu.memory_space<vmem>>) target(%dma_start3A_89 : memref<10000x128xf32, #tpu.memory_space<vmem_shared>>) offsets(%arg7 : memref<100xi32, #tpu.memory_space<vmem>>) semaphore(%arg13 : memref<!tpu.dma_semaphore, #tpu.memory_space<semaphore_mem>>) {add = true}
      } else {
      }
      %add3A_59 = arith.constant 2 : i32
      %add3A_60 = arith.addi %add3A_32, %add3A_59 : i32
      %sub3A_61 = arith.constant 4 : i32
      %sub3A_62 = arith.subi %add3A_60, %sub3A_61 : i32
      %lt3A_63 = arith.constant 50 : i32
      %lt3A_64 = arith.cmpi slt, %sub3A_62, %lt3A_63 : i32
      %convert_element_type3A_65 = arith.extui %lt3A_64 : i1 to i32
      %cond3A_66 = arith.constant 0 : i32
      %cond3A_67 = arith.cmpi ne, %convert_element_type3A_65, %cond3A_66 : i32
      scf.if %cond3A_67 {
        tpu.wait_dma2 semaphore(%arg14 : memref<!tpu.dma_semaphore, #tpu.memory_space<semaphore_mem>>) src(%arg4 : memref<100x128xf32, #tpu.memory_space<hbm>>) dst(%arg10 : memref<100x128xf32, #tpu.memory_space<vmem>>)
      } else {
      }
      %lt3A_68 = arith.constant 50 : i32
      %lt3A_69 = arith.cmpi slt, %add3A_60, %lt3A_68 : i32
      %convert_element_type3A_70 = arith.extui %lt3A_69 : i1 to i32
      %cond3A_71 = arith.constant 0 : i32
      %cond3A_72 = arith.cmpi ne, %convert_element_type3A_70, %cond3A_71 : i32
      scf.if %cond3A_72 {
        "tpu.region"() ({
          %run_scoped3A_90 = tpu.sem_alloc : memref<!tpu.dma_semaphore, #tpu.memory_space<semaphore_mem>>
          %dma_start3A_91 = arith.constant 0 : i32
          %dma_start3A_92 = tpu.memref_slice %arg2[%add3A, %add3A_60, %dma_start3A_91] : memref<32x50x100xi32, #tpu.memory_space<hbm>> -> memref<1x1x100xi32, #tpu.memory_space<hbm>>
          %dma_start3A_93 = tpu.memref_squeeze %dma_start3A_92 : memref<1x1x100xi32, #tpu.memory_space<hbm>> -> memref<100xi32, #tpu.memory_space<hbm>>
          %dma_start3A_94 = arith.constant 0 : i32
          %dma_start3A_95 = tpu.memref_slice %arg2[%add3A, %add3A_60, %dma_start3A_94] : memref<32x50x100xi32, #tpu.memory_space<hbm>> -> memref<1x1x100xi32, #tpu.memory_space<hbm>>
          %dma_start3A_96 = tpu.memref_squeeze %dma_start3A_95 : memref<1x1x100xi32, #tpu.memory_space<hbm>> -> memref<100xi32, #tpu.memory_space<hbm>>
          tpu.enqueue_dma source(%dma_start3A_96 : memref<100xi32, #tpu.memory_space<hbm>>) target(%arg8 : memref<100xi32, #tpu.memory_space<vmem>>) target_semaphore(%run_scoped3A_90 : memref<!tpu.dma_semaphore, #tpu.memory_space<semaphore_mem>>)
          %dma_wait3A = arith.constant 0 : i32
          %dma_wait3A_97 = tpu.memref_slice %arg2[%add3A, %add3A_60, %dma_wait3A] : memref<32x50x100xi32, #tpu.memory_space<hbm>> -> memref<1x1x100xi32, #tpu.memory_space<hbm>>
          %dma_wait3A_98 = tpu.memref_squeeze %dma_wait3A_97 : memref<1x1x100xi32, #tpu.memory_space<hbm>> -> memref<100xi32, #tpu.memory_space<hbm>>
          %dma_wait3A_99 = arith.constant 0 : i32
          %dma_wait3A_100 = tpu.memref_slice %arg2[%add3A, %add3A_60, %dma_wait3A_99] : memref<32x50x100xi32, #tpu.memory_space<hbm>> -> memref<1x1x100xi32, #tpu.memory_space<hbm>>
          %dma_wait3A_101 = tpu.memref_squeeze %dma_wait3A_100 : memref<1x1x100xi32, #tpu.memory_space<hbm>> -> memref<100xi32, #tpu.memory_space<hbm>>
          tpu.wait_dma2 semaphore(%run_scoped3A_90 : memref<!tpu.dma_semaphore, #tpu.memory_space<semaphore_mem>>) src(%dma_wait3A_101 : memref<100xi32, #tpu.memory_space<hbm>>) dst(%arg8 : memref<100xi32, #tpu.memory_space<vmem>>)
          tpu.yield
        }) : () -> ()
        %dma_start3A_87 = arith.constant 0 : i32
        %dma_start3A_88 = arith.constant 0 : i32
        %dma_start3A_89 = tpu.memref_slice %arg11[%dma_start3A_87, %dma_start3A_88] : memref<10000x128xf32, #tpu.memory_space<vmem_shared>> -> memref<10000x128xf32, #tpu.memory_space<vmem_shared>>
        tpu.enqueue_indirect_dma source(%arg10 : memref<100x128xf32, #tpu.memory_space<vmem>>) target(%dma_start3A_89 : memref<10000x128xf32, #tpu.memory_space<vmem_shared>>) offsets(%arg8 : memref<100xi32, #tpu.memory_space<vmem>>) semaphore(%arg14 : memref<!tpu.dma_semaphore, #tpu.memory_space<semaphore_mem>>) {add = true}
      } else {
      }
      %add3A_73 = arith.constant 3 : i32
      %add3A_74 = arith.addi %add3A_32, %add3A_73 : i32
      %sub3A_75 = arith.constant 4 : i32
      %sub3A_76 = arith.subi %add3A_74, %sub3A_75 : i32
      %lt3A_77 = arith.constant 50 : i32
      %lt3A_78 = arith.cmpi slt, %sub3A_76, %lt3A_77 : i32
      %convert_element_type3A_79 = arith.extui %lt3A_78 : i1 to i32
      %cond3A_80 = arith.constant 0 : i32
      %cond3A_81 = arith.cmpi ne, %convert_element_type3A_79, %cond3A_80 : i32
      scf.if %cond3A_81 {
        tpu.wait_dma2 semaphore(%arg15 : memref<!tpu.dma_semaphore, #tpu.memory_space<semaphore_mem>>) src(%arg4 : memref<100x128xf32, #tpu.memory_space<hbm>>) dst(%arg10 : memref<100x128xf32, #tpu.memory_space<vmem>>)
      } else {
      }
      %lt3A_82 = arith.constant 50 : i32
      %lt3A_83 = arith.cmpi slt, %add3A_74, %lt3A_82 : i32
      %convert_element_type3A_84 = arith.extui %lt3A_83 : i1 to i32
      %cond3A_85 = arith.constant 0 : i32
      %cond3A_86 = arith.cmpi ne, %convert_element_type3A_84, %cond3A_85 : i32
      scf.if %cond3A_86 {
        "tpu.region"() ({
          %run_scoped3A_90 = tpu.sem_alloc : memref<!tpu.dma_semaphore, #tpu.memory_space<semaphore_mem>>
          %dma_start3A_91 = arith.constant 0 : i32
          %dma_start3A_92 = tpu.memref_slice %arg2[%add3A, %add3A_74, %dma_start3A_91] : memref<32x50x100xi32, #tpu.memory_space<hbm>> -> memref<1x1x100xi32, #tpu.memory_space<hbm>>
          %dma_start3A_93 = tpu.memref_squeeze %dma_start3A_92 : memref<1x1x100xi32, #tpu.memory_space<hbm>> -> memref<100xi32, #tpu.memory_space<hbm>>
          %dma_start3A_94 = arith.constant 0 : i32
          %dma_start3A_95 = tpu.memref_slice %arg2[%add3A, %add3A_74, %dma_start3A_94] : memref<32x50x100xi32, #tpu.memory_space<hbm>> -> memref<1x1x100xi32, #tpu.memory_space<hbm>>
          %dma_start3A_96 = tpu.memref_squeeze %dma_start3A_95 : memref<1x1x100xi32, #tpu.memory_space<hbm>> -> memref<100xi32, #tpu.memory_space<hbm>>
          tpu.enqueue_dma source(%dma_start3A_96 : memref<100xi32, #tpu.memory_space<hbm>>) target(%arg9 : memref<100xi32, #tpu.memory_space<vmem>>) target_semaphore(%run_scoped3A_90 : memref<!tpu.dma_semaphore, #tpu.memory_space<semaphore_mem>>)
          %dma_wait3A = arith.constant 0 : i32
          %dma_wait3A_97 = tpu.memref_slice %arg2[%add3A, %add3A_74, %dma_wait3A] : memref<32x50x100xi32, #tpu.memory_space<hbm>> -> memref<1x1x100xi32, #tpu.memory_space<hbm>>
          %dma_wait3A_98 = tpu.memref_squeeze %dma_wait3A_97 : memref<1x1x100xi32, #tpu.memory_space<hbm>> -> memref<100xi32, #tpu.memory_space<hbm>>
          %dma_wait3A_99 = arith.constant 0 : i32
          %dma_wait3A_100 = tpu.memref_slice %arg2[%add3A, %add3A_74, %dma_wait3A_99] : memref<32x50x100xi32, #tpu.memory_space<hbm>> -> memref<1x1x100xi32, #tpu.memory_space<hbm>>
          %dma_wait3A_101 = tpu.memref_squeeze %dma_wait3A_100 : memref<1x1x100xi32, #tpu.memory_space<hbm>> -> memref<100xi32, #tpu.memory_space<hbm>>
          tpu.wait_dma2 semaphore(%run_scoped3A_90 : memref<!tpu.dma_semaphore, #tpu.memory_space<semaphore_mem>>) src(%dma_wait3A_101 : memref<100xi32, #tpu.memory_space<hbm>>) dst(%arg9 : memref<100xi32, #tpu.memory_space<vmem>>)
          tpu.yield
        }) : () -> ()
        %dma_start3A_87 = arith.constant 0 : i32
        %dma_start3A_88 = arith.constant 0 : i32
        %dma_start3A_89 = tpu.memref_slice %arg11[%dma_start3A_87, %dma_start3A_88] : memref<10000x128xf32, #tpu.memory_space<vmem_shared>> -> memref<10000x128xf32, #tpu.memory_space<vmem_shared>>
        tpu.enqueue_indirect_dma source(%arg10 : memref<100x128xf32, #tpu.memory_space<vmem>>) target(%dma_start3A_89 : memref<10000x128xf32, #tpu.memory_space<vmem_shared>>) offsets(%arg9 : memref<100xi32, #tpu.memory_space<vmem>>) semaphore(%arg15 : memref<!tpu.dma_semaphore, #tpu.memory_space<semaphore_mem>>) {add = true}
      } else {
      }
    }
    %scan3A_21 = arith.constant 12 : i32
    tpu.wait_dma2 semaphore(%arg12 : memref<!tpu.dma_semaphore, #tpu.memory_space<semaphore_mem>>) src(%arg4 : memref<100x128xf32, #tpu.memory_space<hbm>>) dst(%arg10 : memref<100x128xf32, #tpu.memory_space<vmem>>)
    tpu.wait_dma2 semaphore(%arg13 : memref<!tpu.dma_semaphore, #tpu.memory_space<semaphore_mem>>) src(%arg4 : memref<100x128xf32, #tpu.memory_space<hbm>>) dst(%arg10 : memref<100x128xf32, #tpu.memory_space<vmem>>)
    %barrier3A_22 = arith.constant 0 : index
    tpu.barrier barrier_id(%barrier3A_22)
    %eq3A_23 = arith.constant 0 : i32
    %eq3A_24 = arith.cmpi eq, %arg1, %eq3A_23 : i32
    %convert_element_type3A_25 = arith.extui %eq3A_24 : i1 to i32
    %cond3A_26 = arith.constant 0 : i32
    %cond3A_27 = arith.cmpi ne, %convert_element_type3A_25, %cond3A_26 : i32
    scf.if %cond3A_27 {
      "tpu.region"() ({
        %run_scoped3A_28 = tpu.sem_alloc : memref<!tpu.dma_semaphore, #tpu.memory_space<semaphore_mem>>
        %dma_start3A_29 = arith.constant 0 : i32
        %dma_start3A_30 = arith.constant 0 : i32
        %dma_start3A_31 = tpu.memref_slice %arg5[%arg0, %dma_start3A_29, %dma_start3A_30] : memref<2x10000x128xf32, #tpu.memory_space<hbm>> -> memref<1x10000x128xf32, #tpu.memory_space<hbm>>
        %dma_start3A_32 = tpu.memref_squeeze %dma_start3A_31 : memref<1x10000x128xf32, #tpu.memory_space<hbm>> -> memref<10000x128xf32, #tpu.memory_space<hbm>>
        tpu.enqueue_dma source(%arg11 : memref<10000x128xf32, #tpu.memory_space<vmem_shared>>) target(%dma_start3A_32 : memref<10000x128xf32, #tpu.memory_space<hbm>>) target_semaphore(%run_scoped3A_28 : memref<!tpu.dma_semaphore, #tpu.memory_space<semaphore_mem>>)
        %dma_wait3A = arith.constant 0 : i32
        %dma_wait3A_33 = arith.constant 0 : i32
        %dma_wait3A_34 = tpu.memref_slice %arg5[%arg0, %dma_wait3A, %dma_wait3A_33] : memref<2x10000x128xf32, #tpu.memory_space<hbm>> -> memref<1x10000x128xf32, #tpu.memory_space<hbm>>
        %dma_wait3A_35 = tpu.memref_squeeze %dma_wait3A_34 : memref<1x10000x128xf32, #tpu.memory_space<hbm>> -> memref<10000x128xf32, #tpu.memory_space<hbm>>
        tpu.wait_dma2 semaphore(%run_scoped3A_28 : memref<!tpu.dma_semaphore, #tpu.memory_space<semaphore_mem>>) src(%arg11 : memref<10000x128xf32, #tpu.memory_space<vmem_shared>>) dst(%dma_wait3A_35 : memref<10000x128xf32, #tpu.memory_space<hbm>>)
        tpu.yield
      }) : () -> ()
    } else {
    }
    return
  }
}

#map = affine_map<(d0, d1) -> (0, 0)>
#map1 = affine_map<(d0, d1) -> (0, 0, 0, 0)>
module attributes {stable_mosaic.version = 14 : i64} {
  func.func @_sc_scatter_body(%arg0: i32, %arg1: i32, %arg2: memref<10000x128xf32, #tpu.memory_space<hbm>>, %arg3: memref<10000x128xf32, #tpu.memory_space<hbm>>, %arg4: memref<16x125x2x80xi32, #tpu.memory_space<hbm>>, %arg5: memref<10000x128xf32, #tpu.memory_space<hbm>>, %arg6: memref<10000x128xf32, #tpu.memory_space<hbm>>, %arg7: memref<10000x128xf32, #tpu.memory_space<hbm>>, %arg8: memref<2x80xi32, #tpu.memory_space<vmem>>, %arg9: memref<2x80xi32, #tpu.memory_space<vmem>>, %arg10: memref<2x80xi32, #tpu.memory_space<vmem>>, %arg11: memref<2x80xi32, #tpu.memory_space<vmem>>, %arg12: memref<80x128xf32, #tpu.memory_space<vmem>>, %arg13: memref<80x128xf32, #tpu.memory_space<vmem>>, %arg14: memref<80x128xf32, #tpu.memory_space<vmem>>, %arg15: memref<80x128xf32, #tpu.memory_space<vmem>>, %arg16: memref<10000x128xf32, #tpu.memory_space<vmem_shared>>, %arg17: memref<!tpu.dma_semaphore, #tpu.memory_space<semaphore_mem>>, %arg18: memref<!tpu.dma_semaphore, #tpu.memory_space<semaphore_mem>>, %arg19: memref<!tpu.dma_semaphore, #tpu.memory_space<semaphore_mem>>, %arg20: memref<!tpu.dma_semaphore, #tpu.memory_space<semaphore_mem>>, %arg21: memref<!tpu.dma_semaphore, #tpu.memory_space<semaphore_mem>>, %arg22: memref<!tpu.dma_semaphore, #tpu.memory_space<semaphore_mem>>, %arg23: memref<!tpu.dma_semaphore, #tpu.memory_space<semaphore_mem>>, %arg24: memref<!tpu.dma_semaphore, #tpu.memory_space<semaphore_mem>>) attributes {dimension_semantics = [#tpu.dimension_semantics<core_parallel>, #tpu.dimension_semantics<subcore_parallel>], iteration_bounds = array<i64: 2, 16>, scalar_prefetch = 0 : i64, scratch_operands = 17 : i64, tpu.core_type = #tpu.core_type<sc_vector_subcore>, window_params = [{transform_indices = #map}, {transform_indices = #map}, {transform_indices = #map1}, {transform_indices = #map}, {transform_indices = #map}, {transform_indices = #map}]} {
    %eq3A = arith.constant 0 : i32
    %eq3A_0 = arith.cmpi eq, %arg0, %eq3A : i32
    %convert_element_type3A = arith.extui %eq3A_0 : i1 to i32
    %cond3A = arith.constant 0 : i32
    %cond3A_1 = arith.cmpi ne, %convert_element_type3A, %cond3A : i32
    scf.if %cond3A_1 {
      %lt3A = arith.constant 10 : i32
      %lt3A_7 = arith.cmpi slt, %arg1, %lt3A : i32
      %convert_element_type3A_8 = arith.extui %lt3A_7 : i1 to i32
      %cond3A_9 = arith.constant 0 : i32
      %cond3A_10 = arith.cmpi ne, %convert_element_type3A_8, %cond3A_9 : i32
      scf.if %cond3A_10 {
        %mul3A_84 = arith.constant 1000 : i32
        %mul3A_85 = arith.muli %arg1, %mul3A_84 : i32
        %multiple_of3A_86 = tpu.assume_multiple %mul3A_85, 8 : i32
        "tpu.region"() ({
          %run_scoped3A_87 = tpu.sem_alloc : memref<!tpu.dma_semaphore, #tpu.memory_space<semaphore_mem>>
          %dma_start3A_88 = arith.constant 0 : i32
          %dma_start3A_89 = tpu.memref_slice %arg16[%multiple_of3A_86, %dma_start3A_88] : memref<10000x128xf32, #tpu.memory_space<vmem_shared>> -> memref<1000x128xf32, #tpu.memory_space<vmem_shared>>
          %dma_start3A_90 = arith.constant 0 : i32
          %dma_start3A_91 = tpu.memref_slice %arg5[%multiple_of3A_86, %dma_start3A_90] : memref<10000x128xf32, #tpu.memory_space<hbm>> -> memref<1000x128xf32, #tpu.memory_space<hbm>>
          tpu.enqueue_dma source(%dma_start3A_91 : memref<1000x128xf32, #tpu.memory_space<hbm>>) target(%dma_start3A_89 : memref<1000x128xf32, #tpu.memory_space<vmem_shared>>) target_semaphore(%run_scoped3A_87 : memref<!tpu.dma_semaphore, #tpu.memory_space<semaphore_mem>>)
          %dma_wait3A_92 = arith.constant 0 : i32
          %dma_wait3A_93 = tpu.memref_slice %arg16[%multiple_of3A_86, %dma_wait3A_92] : memref<10000x128xf32, #tpu.memory_space<vmem_shared>> -> memref<1000x128xf32, #tpu.memory_space<vmem_shared>>
          %dma_wait3A_94 = arith.constant 0 : i32
          %dma_wait3A_95 = tpu.memref_slice %arg5[%multiple_of3A_86, %dma_wait3A_94] : memref<10000x128xf32, #tpu.memory_space<hbm>> -> memref<1000x128xf32, #tpu.memory_space<hbm>>
          tpu.wait_dma2 semaphore(%run_scoped3A_87 : memref<!tpu.dma_semaphore, #tpu.memory_space<semaphore_mem>>) src(%dma_wait3A_95 : memref<1000x128xf32, #tpu.memory_space<hbm>>) dst(%dma_wait3A_93 : memref<1000x128xf32, #tpu.memory_space<vmem_shared>>)
          tpu.yield
        }) : () -> ()
      } else {
      }
      %barrier3A = arith.constant 0 : index
      tpu.barrier barrier_id(%barrier3A)
      %run_scoped3A = arith.constant 0 : i32
      "tpu.region"() ({
        %run_scoped3A_84 = tpu.sem_alloc : memref<!tpu.dma_semaphore, #tpu.memory_space<semaphore_mem>>
        %dma_start3A_85 = arith.constant 0 : i32
        %dma_start3A_86 = arith.constant 0 : i32
        %dma_start3A_87 = tpu.memref_slice %arg4[%arg1, %run_scoped3A, %dma_start3A_85, %dma_start3A_86] : memref<16x125x2x80xi32, #tpu.memory_space<hbm>> -> memref<1x1x2x80xi32, #tpu.memory_space<hbm>>
        %dma_start3A_88 = tpu.memref_squeeze %dma_start3A_87 : memref<1x1x2x80xi32, #tpu.memory_space<hbm>> -> memref<2x80xi32, #tpu.memory_space<hbm>>
        %dma_start3A_89 = arith.constant 0 : i32
        %dma_start3A_90 = arith.constant 0 : i32
        %dma_start3A_91 = tpu.memref_slice %arg4[%arg1, %run_scoped3A, %dma_start3A_89, %dma_start3A_90] : memref<16x125x2x80xi32, #tpu.memory_space<hbm>> -> memref<1x1x2x80xi32, #tpu.memory_space<hbm>>
        %dma_start3A_92 = tpu.memref_squeeze %dma_start3A_91 : memref<1x1x2x80xi32, #tpu.memory_space<hbm>> -> memref<2x80xi32, #tpu.memory_space<hbm>>
        tpu.enqueue_dma source(%dma_start3A_92 : memref<2x80xi32, #tpu.memory_space<hbm>>) target(%arg8 : memref<2x80xi32, #tpu.memory_space<vmem>>) target_semaphore(%run_scoped3A_84 : memref<!tpu.dma_semaphore, #tpu.memory_space<semaphore_mem>>)
        %dma_wait3A_93 = arith.constant 0 : i32
        %dma_wait3A_94 = arith.constant 0 : i32
        %dma_wait3A_95 = tpu.memref_slice %arg4[%arg1, %run_scoped3A, %dma_wait3A_93, %dma_wait3A_94] : memref<16x125x2x80xi32, #tpu.memory_space<hbm>> -> memref<1x1x2x80xi32, #tpu.memory_space<hbm>>
        %dma_wait3A_96 = tpu.memref_squeeze %dma_wait3A_95 : memref<1x1x2x80xi32, #tpu.memory_space<hbm>> -> memref<2x80xi32, #tpu.memory_space<hbm>>
        %dma_wait3A_97 = arith.constant 0 : i32
        %dma_wait3A_98 = arith.constant 0 : i32
        %dma_wait3A_99 = tpu.memref_slice %arg4[%arg1, %run_scoped3A, %dma_wait3A_97, %dma_wait3A_98] : memref<16x125x2x80xi32, #tpu.memory_space<hbm>> -> memref<1x1x2x80xi32, #tpu.memory_space<hbm>>
        %dma_wait3A_100 = tpu.memref_squeeze %dma_wait3A_99 : memref<1x1x2x80xi32, #tpu.memory_space<hbm>> -> memref<2x80xi32, #tpu.memory_space<hbm>>
        tpu.wait_dma2 semaphore(%run_scoped3A_84 : memref<!tpu.dma_semaphore, #tpu.memory_space<semaphore_mem>>) src(%dma_wait3A_100 : memref<2x80xi32, #tpu.memory_space<hbm>>) dst(%arg8 : memref<2x80xi32, #tpu.memory_space<vmem>>)
        tpu.yield
      }) : () -> ()
      %dma_start3A = arith.constant 0 : i32
      %dma_start3A_11 = arith.constant 0 : i32
      %dma_start3A_12 = tpu.memref_slice %arg8[%dma_start3A, %dma_start3A_11] : memref<2x80xi32, #tpu.memory_space<vmem>> -> memref<1x80xi32, #tpu.memory_space<vmem>>
      %dma_start3A_13 = tpu.memref_squeeze %dma_start3A_12 : memref<1x80xi32, #tpu.memory_space<vmem>> -> memref<80xi32, #tpu.memory_space<vmem>>
      %dma_start3A_14 = arith.constant 0 : i32
      %dma_start3A_15 = arith.constant 0 : i32
      %dma_start3A_16 = tpu.memref_slice %arg2[%dma_start3A_14, %dma_start3A_15] : memref<10000x128xf32, #tpu.memory_space<hbm>> -> memref<10000x128xf32, #tpu.memory_space<hbm>>
      tpu.enqueue_indirect_dma source(%dma_start3A_16 : memref<10000x128xf32, #tpu.memory_space<hbm>>) target(%arg12 : memref<80x128xf32, #tpu.memory_space<vmem>>) offsets(%dma_start3A_13 : memref<80xi32, #tpu.memory_space<vmem>>) semaphore(%arg17 : memref<!tpu.dma_semaphore, #tpu.memory_space<semaphore_mem>>)
      %run_scoped3A_17 = arith.constant 1 : i32
      "tpu.region"() ({
        %run_scoped3A_84 = tpu.sem_alloc : memref<!tpu.dma_semaphore, #tpu.memory_space<semaphore_mem>>
        %dma_start3A_85 = arith.constant 0 : i32
        %dma_start3A_86 = arith.constant 0 : i32
        %dma_start3A_87 = tpu.memref_slice %arg4[%arg1, %run_scoped3A_17, %dma_start3A_85, %dma_start3A_86] : memref<16x125x2x80xi32, #tpu.memory_space<hbm>> -> memref<1x1x2x80xi32, #tpu.memory_space<hbm>>
        %dma_start3A_88 = tpu.memref_squeeze %dma_start3A_87 : memref<1x1x2x80xi32, #tpu.memory_space<hbm>> -> memref<2x80xi32, #tpu.memory_space<hbm>>
        %dma_start3A_89 = arith.constant 0 : i32
        %dma_start3A_90 = arith.constant 0 : i32
        %dma_start3A_91 = tpu.memref_slice %arg4[%arg1, %run_scoped3A_17, %dma_start3A_89, %dma_start3A_90] : memref<16x125x2x80xi32, #tpu.memory_space<hbm>> -> memref<1x1x2x80xi32, #tpu.memory_space<hbm>>
        %dma_start3A_92 = tpu.memref_squeeze %dma_start3A_91 : memref<1x1x2x80xi32, #tpu.memory_space<hbm>> -> memref<2x80xi32, #tpu.memory_space<hbm>>
        tpu.enqueue_dma source(%dma_start3A_92 : memref<2x80xi32, #tpu.memory_space<hbm>>) target(%arg9 : memref<2x80xi32, #tpu.memory_space<vmem>>) target_semaphore(%run_scoped3A_84 : memref<!tpu.dma_semaphore, #tpu.memory_space<semaphore_mem>>)
        %dma_wait3A_93 = arith.constant 0 : i32
        %dma_wait3A_94 = arith.constant 0 : i32
        %dma_wait3A_95 = tpu.memref_slice %arg4[%arg1, %run_scoped3A_17, %dma_wait3A_93, %dma_wait3A_94] : memref<16x125x2x80xi32, #tpu.memory_space<hbm>> -> memref<1x1x2x80xi32, #tpu.memory_space<hbm>>
        %dma_wait3A_96 = tpu.memref_squeeze %dma_wait3A_95 : memref<1x1x2x80xi32, #tpu.memory_space<hbm>> -> memref<2x80xi32, #tpu.memory_space<hbm>>
        %dma_wait3A_97 = arith.constant 0 : i32
        %dma_wait3A_98 = arith.constant 0 : i32
        %dma_wait3A_99 = tpu.memref_slice %arg4[%arg1, %run_scoped3A_17, %dma_wait3A_97, %dma_wait3A_98] : memref<16x125x2x80xi32, #tpu.memory_space<hbm>> -> memref<1x1x2x80xi32, #tpu.memory_space<hbm>>
        %dma_wait3A_100 = tpu.memref_squeeze %dma_wait3A_99 : memref<1x1x2x80xi32, #tpu.memory_space<hbm>> -> memref<2x80xi32, #tpu.memory_space<hbm>>
        tpu.wait_dma2 semaphore(%run_scoped3A_84 : memref<!tpu.dma_semaphore, #tpu.memory_space<semaphore_mem>>) src(%dma_wait3A_100 : memref<2x80xi32, #tpu.memory_space<hbm>>) dst(%arg9 : memref<2x80xi32, #tpu.memory_space<vmem>>)
        tpu.yield
      }) : () -> ()
      %dma_start3A_18 = arith.constant 0 : i32
      %dma_start3A_19 = arith.constant 0 : i32
      %dma_start3A_20 = tpu.memref_slice %arg9[%dma_start3A_18, %dma_start3A_19] : memref<2x80xi32, #tpu.memory_space<vmem>> -> memref<1x80xi32, #tpu.memory_space<vmem>>
      %dma_start3A_21 = tpu.memref_squeeze %dma_start3A_20 : memref<1x80xi32, #tpu.memory_space<vmem>> -> memref<80xi32, #tpu.memory_space<vmem>>
      %dma_start3A_22 = arith.constant 0 : i32
      %dma_start3A_23 = arith.constant 0 : i32
      %dma_start3A_24 = tpu.memref_slice %arg2[%dma_start3A_22, %dma_start3A_23] : memref<10000x128xf32, #tpu.memory_space<hbm>> -> memref<10000x128xf32, #tpu.memory_space<hbm>>
      tpu.enqueue_indirect_dma source(%dma_start3A_24 : memref<10000x128xf32, #tpu.memory_space<hbm>>) target(%arg13 : memref<80x128xf32, #tpu.memory_space<vmem>>) offsets(%dma_start3A_21 : memref<80xi32, #tpu.memory_space<vmem>>) semaphore(%arg18 : memref<!tpu.dma_semaphore, #tpu.memory_space<semaphore_mem>>)
      %run_scoped3A_25 = arith.constant 2 : i32
      "tpu.region"() ({
        %run_scoped3A_84 = tpu.sem_alloc : memref<!tpu.dma_semaphore, #tpu.memory_space<semaphore_mem>>
        %dma_start3A_85 = arith.constant 0 : i32
        %dma_start3A_86 = arith.constant 0 : i32
        %dma_start3A_87 = tpu.memref_slice %arg4[%arg1, %run_scoped3A_25, %dma_start3A_85, %dma_start3A_86] : memref<16x125x2x80xi32, #tpu.memory_space<hbm>> -> memref<1x1x2x80xi32, #tpu.memory_space<hbm>>
        %dma_start3A_88 = tpu.memref_squeeze %dma_start3A_87 : memref<1x1x2x80xi32, #tpu.memory_space<hbm>> -> memref<2x80xi32, #tpu.memory_space<hbm>>
        %dma_start3A_89 = arith.constant 0 : i32
        %dma_start3A_90 = arith.constant 0 : i32
        %dma_start3A_91 = tpu.memref_slice %arg4[%arg1, %run_scoped3A_25, %dma_start3A_89, %dma_start3A_90] : memref<16x125x2x80xi32, #tpu.memory_space<hbm>> -> memref<1x1x2x80xi32, #tpu.memory_space<hbm>>
        %dma_start3A_92 = tpu.memref_squeeze %dma_start3A_91 : memref<1x1x2x80xi32, #tpu.memory_space<hbm>> -> memref<2x80xi32, #tpu.memory_space<hbm>>
        tpu.enqueue_dma source(%dma_start3A_92 : memref<2x80xi32, #tpu.memory_space<hbm>>) target(%arg10 : memref<2x80xi32, #tpu.memory_space<vmem>>) target_semaphore(%run_scoped3A_84 : memref<!tpu.dma_semaphore, #tpu.memory_space<semaphore_mem>>)
        %dma_wait3A_93 = arith.constant 0 : i32
        %dma_wait3A_94 = arith.constant 0 : i32
        %dma_wait3A_95 = tpu.memref_slice %arg4[%arg1, %run_scoped3A_25, %dma_wait3A_93, %dma_wait3A_94] : memref<16x125x2x80xi32, #tpu.memory_space<hbm>> -> memref<1x1x2x80xi32, #tpu.memory_space<hbm>>
        %dma_wait3A_96 = tpu.memref_squeeze %dma_wait3A_95 : memref<1x1x2x80xi32, #tpu.memory_space<hbm>> -> memref<2x80xi32, #tpu.memory_space<hbm>>
        %dma_wait3A_97 = arith.constant 0 : i32
        %dma_wait3A_98 = arith.constant 0 : i32
        %dma_wait3A_99 = tpu.memref_slice %arg4[%arg1, %run_scoped3A_25, %dma_wait3A_97, %dma_wait3A_98] : memref<16x125x2x80xi32, #tpu.memory_space<hbm>> -> memref<1x1x2x80xi32, #tpu.memory_space<hbm>>
        %dma_wait3A_100 = tpu.memref_squeeze %dma_wait3A_99 : memref<1x1x2x80xi32, #tpu.memory_space<hbm>> -> memref<2x80xi32, #tpu.memory_space<hbm>>
        tpu.wait_dma2 semaphore(%run_scoped3A_84 : memref<!tpu.dma_semaphore, #tpu.memory_space<semaphore_mem>>) src(%dma_wait3A_100 : memref<2x80xi32, #tpu.memory_space<hbm>>) dst(%arg10 : memref<2x80xi32, #tpu.memory_space<vmem>>)
        tpu.yield
      }) : () -> ()
      %dma_start3A_26 = arith.constant 0 : i32
      %dma_start3A_27 = arith.constant 0 : i32
      %dma_start3A_28 = tpu.memref_slice %arg10[%dma_start3A_26, %dma_start3A_27] : memref<2x80xi32, #tpu.memory_space<vmem>> -> memref<1x80xi32, #tpu.memory_space<vmem>>
      %dma_start3A_29 = tpu.memref_squeeze %dma_start3A_28 : memref<1x80xi32, #tpu.memory_space<vmem>> -> memref<80xi32, #tpu.memory_space<vmem>>
      %dma_start3A_30 = arith.constant 0 : i32
      %dma_start3A_31 = arith.constant 0 : i32
      %dma_start3A_32 = tpu.memref_slice %arg2[%dma_start3A_30, %dma_start3A_31] : memref<10000x128xf32, #tpu.memory_space<hbm>> -> memref<10000x128xf32, #tpu.memory_space<hbm>>
      tpu.enqueue_indirect_dma source(%dma_start3A_32 : memref<10000x128xf32, #tpu.memory_space<hbm>>) target(%arg14 : memref<80x128xf32, #tpu.memory_space<vmem>>) offsets(%dma_start3A_29 : memref<80xi32, #tpu.memory_space<vmem>>) semaphore(%arg19 : memref<!tpu.dma_semaphore, #tpu.memory_space<semaphore_mem>>)
      %dma_wait3A = arith.constant 0 : i32
      %dma_wait3A_33 = arith.constant 0 : i32
      %dma_wait3A_34 = tpu.memref_slice %arg2[%dma_wait3A, %dma_wait3A_33] : memref<10000x128xf32, #tpu.memory_space<hbm>> -> memref<80x128xf32, #tpu.memory_space<hbm>>
      %dma_wait3A_35 = arith.constant 0 : i32
      %dma_wait3A_36 = arith.constant 0 : i32
      %dma_wait3A_37 = tpu.memref_slice %arg2[%dma_wait3A_35, %dma_wait3A_36] : memref<10000x128xf32, #tpu.memory_space<hbm>> -> memref<80x128xf32, #tpu.memory_space<hbm>>
      tpu.wait_dma2 semaphore(%arg17 : memref<!tpu.dma_semaphore, #tpu.memory_space<semaphore_mem>>) src(%dma_wait3A_37 : memref<80x128xf32, #tpu.memory_space<hbm>>) dst(%arg12 : memref<80x128xf32, #tpu.memory_space<vmem>>)
      %dma_start3A_38 = arith.constant 1 : i32
      %dma_start3A_39 = arith.constant 0 : i32
      %dma_start3A_40 = tpu.memref_slice %arg8[%dma_start3A_38, %dma_start3A_39] : memref<2x80xi32, #tpu.memory_space<vmem>> -> memref<1x80xi32, #tpu.memory_space<vmem>>
      %dma_start3A_41 = tpu.memref_squeeze %dma_start3A_40 : memref<1x80xi32, #tpu.memory_space<vmem>> -> memref<80xi32, #tpu.memory_space<vmem>>
      %dma_start3A_42 = arith.constant 0 : i32
      %dma_start3A_43 = arith.constant 0 : i32
      %dma_start3A_44 = tpu.memref_slice %arg16[%dma_start3A_42, %dma_start3A_43] : memref<10000x128xf32, #tpu.memory_space<vmem_shared>> -> memref<10000x128xf32, #tpu.memory_space<vmem_shared>>
      tpu.enqueue_indirect_dma source(%arg12 : memref<80x128xf32, #tpu.memory_space<vmem>>) target(%dma_start3A_44 : memref<10000x128xf32, #tpu.memory_space<vmem_shared>>) offsets(%dma_start3A_41 : memref<80xi32, #tpu.memory_space<vmem>>) semaphore(%arg21 : memref<!tpu.dma_semaphore, #tpu.memory_space<semaphore_mem>>) {add = true}
      %run_scoped3A_45 = arith.constant 3 : i32
      "tpu.region"() ({
        %run_scoped3A_84 = tpu.sem_alloc : memref<!tpu.dma_semaphore, #tpu.memory_space<semaphore_mem>>
        %dma_start3A_85 = arith.constant 0 : i32
        %dma_start3A_86 = arith.constant 0 : i32
        %dma_start3A_87 = tpu.memref_slice %arg4[%arg1, %run_scoped3A_45, %dma_start3A_85, %dma_start3A_86] : memref<16x125x2x80xi32, #tpu.memory_space<hbm>> -> memref<1x1x2x80xi32, #tpu.memory_space<hbm>>
        %dma_start3A_88 = tpu.memref_squeeze %dma_start3A_87 : memref<1x1x2x80xi32, #tpu.memory_space<hbm>> -> memref<2x80xi32, #tpu.memory_space<hbm>>
        %dma_start3A_89 = arith.constant 0 : i32
        %dma_start3A_90 = arith.constant 0 : i32
        %dma_start3A_91 = tpu.memref_slice %arg4[%arg1, %run_scoped3A_45, %dma_start3A_89, %dma_start3A_90] : memref<16x125x2x80xi32, #tpu.memory_space<hbm>> -> memref<1x1x2x80xi32, #tpu.memory_space<hbm>>
        %dma_start3A_92 = tpu.memref_squeeze %dma_start3A_91 : memref<1x1x2x80xi32, #tpu.memory_space<hbm>> -> memref<2x80xi32, #tpu.memory_space<hbm>>
        tpu.enqueue_dma source(%dma_start3A_92 : memref<2x80xi32, #tpu.memory_space<hbm>>) target(%arg11 : memref<2x80xi32, #tpu.memory_space<vmem>>) target_semaphore(%run_scoped3A_84 : memref<!tpu.dma_semaphore, #tpu.memory_space<semaphore_mem>>)
        %dma_wait3A_93 = arith.constant 0 : i32
        %dma_wait3A_94 = arith.constant 0 : i32
        %dma_wait3A_95 = tpu.memref_slice %arg4[%arg1, %run_scoped3A_45, %dma_wait3A_93, %dma_wait3A_94] : memref<16x125x2x80xi32, #tpu.memory_space<hbm>> -> memref<1x1x2x80xi32, #tpu.memory_space<hbm>>
        %dma_wait3A_96 = tpu.memref_squeeze %dma_wait3A_95 : memref<1x1x2x80xi32, #tpu.memory_space<hbm>> -> memref<2x80xi32, #tpu.memory_space<hbm>>
        %dma_wait3A_97 = arith.constant 0 : i32
        %dma_wait3A_98 = arith.constant 0 : i32
        %dma_wait3A_99 = tpu.memref_slice %arg4[%arg1, %run_scoped3A_45, %dma_wait3A_97, %dma_wait3A_98] : memref<16x125x2x80xi32, #tpu.memory_space<hbm>> -> memref<1x1x2x80xi32, #tpu.memory_space<hbm>>
        %dma_wait3A_100 = tpu.memref_squeeze %dma_wait3A_99 : memref<1x1x2x80xi32, #tpu.memory_space<hbm>> -> memref<2x80xi32, #tpu.memory_space<hbm>>
        tpu.wait_dma2 semaphore(%run_scoped3A_84 : memref<!tpu.dma_semaphore, #tpu.memory_space<semaphore_mem>>) src(%dma_wait3A_100 : memref<2x80xi32, #tpu.memory_space<hbm>>) dst(%arg11 : memref<2x80xi32, #tpu.memory_space<vmem>>)
        tpu.yield
      }) : () -> ()
      %dma_start3A_46 = arith.constant 0 : i32
      %dma_start3A_47 = arith.constant 0 : i32
      %dma_start3A_48 = tpu.memref_slice %arg11[%dma_start3A_46, %dma_start3A_47] : memref<2x80xi32, #tpu.memory_space<vmem>> -> memref<1x80xi32, #tpu.memory_space<vmem>>
      %dma_start3A_49 = tpu.memref_squeeze %dma_start3A_48 : memref<1x80xi32, #tpu.memory_space<vmem>> -> memref<80xi32, #tpu.memory_space<vmem>>
      %dma_start3A_50 = arith.constant 0 : i32
      %dma_start3A_51 = arith.constant 0 : i32
      %dma_start3A_52 = tpu.memref_slice %arg2[%dma_start3A_50, %dma_start3A_51] : memref<10000x128xf32, #tpu.memory_space<hbm>> -> memref<10000x128xf32, #tpu.memory_space<hbm>>
      tpu.enqueue_indirect_dma source(%dma_start3A_52 : memref<10000x128xf32, #tpu.memory_space<hbm>>) target(%arg15 : memref<80x128xf32, #tpu.memory_space<vmem>>) offsets(%dma_start3A_49 : memref<80xi32, #tpu.memory_space<vmem>>) semaphore(%arg20 : memref<!tpu.dma_semaphore, #tpu.memory_space<semaphore_mem>>)
      %dma_wait3A_53 = arith.constant 0 : i32
      %dma_wait3A_54 = arith.constant 0 : i32
      %dma_wait3A_55 = tpu.memref_slice %arg2[%dma_wait3A_53, %dma_wait3A_54] : memref<10000x128xf32, #tpu.memory_space<hbm>> -> memref<80x128xf32, #tpu.memory_space<hbm>>
      %dma_wait3A_56 = arith.constant 0 : i32
      %dma_wait3A_57 = arith.constant 0 : i32
      %dma_wait3A_58 = tpu.memref_slice %arg2[%dma_wait3A_56, %dma_wait3A_57] : memref<10000x128xf32, #tpu.memory_space<hbm>> -> memref<80x128xf32, #tpu.memory_space<hbm>>
      tpu.wait_dma2 semaphore(%arg18 : memref<!tpu.dma_semaphore, #tpu.memory_space<semaphore_mem>>) src(%dma_wait3A_58 : memref<80x128xf32, #tpu.memory_space<hbm>>) dst(%arg13 : memref<80x128xf32, #tpu.memory_space<vmem>>)
      %dma_start3A_59 = arith.constant 1 : i32
      %dma_start3A_60 = arith.constant 0 : i32
      %dma_start3A_61 = tpu.memref_slice %arg9[%dma_start3A_59, %dma_start3A_60] : memref<2x80xi32, #tpu.memory_space<vmem>> -> memref<1x80xi32, #tpu.memory_space<vmem>>
      %dma_start3A_62 = tpu.memref_squeeze %dma_start3A_61 : memref<1x80xi32, #tpu.memory_space<vmem>> -> memref<80xi32, #tpu.memory_space<vmem>>
      %dma_start3A_63 = arith.constant 0 : i32
      %dma_start3A_64 = arith.constant 0 : i32
      %dma_start3A_65 = tpu.memref_slice %arg16[%dma_start3A_63, %dma_start3A_64] : memref<10000x128xf32, #tpu.memory_space<vmem_shared>> -> memref<10000x128xf32, #tpu.memory_space<vmem_shared>>
      tpu.enqueue_indirect_dma source(%arg13 : memref<80x128xf32, #tpu.memory_space<vmem>>) target(%dma_start3A_65 : memref<10000x128xf32, #tpu.memory_space<vmem_shared>>) offsets(%dma_start3A_62 : memref<80xi32, #tpu.memory_space<vmem>>) semaphore(%arg22 : memref<!tpu.dma_semaphore, #tpu.memory_space<semaphore_mem>>) {add = true}
      %scan3A = arith.constant 0 : i32
      %scan3A_66 = arith.constant 0 : i32
      %scan3A_67 = arith.constant 31 : i32
      %scan3A_68 = arith.addi %scan3A_66, %scan3A_67 : i32
      %scan3A_69 = arith.constant 1 : i32
      scf.for %scan3A_84 = %scan3A_66 to %scan3A_68 step %scan3A_69  : i32 {
        %mul3A_85 = arith.constant 4 : i32
        %mul3A_86 = arith.muli %scan3A_84, %mul3A_85 : i32
        %add3A = arith.constant 4 : i32
        %add3A_87 = arith.addi %add3A, %mul3A_86 : i32
        %add3A_88 = arith.constant 0 : i32
        %add3A_89 = arith.addi %add3A_87, %add3A_88 : i32
        %sub3A = arith.constant 4 : i32
        %sub3A_90 = arith.subi %add3A_89, %sub3A : i32
        %lt3A_91 = arith.constant 124 : i32
        %lt3A_92 = arith.cmpi slt, %sub3A_90, %lt3A_91 : i32
        %convert_element_type3A_93 = arith.extui %lt3A_92 : i1 to i32
        %cond3A_94 = arith.constant 0 : i32
        %cond3A_95 = arith.cmpi ne, %convert_element_type3A_93, %cond3A_94 : i32
        scf.if %cond3A_95 {
          %dma_wait3A_171 = arith.constant 0 : i32
          %dma_wait3A_172 = arith.constant 0 : i32
          %dma_wait3A_173 = tpu.memref_slice %arg2[%dma_wait3A_171, %dma_wait3A_172] : memref<10000x128xf32, #tpu.memory_space<hbm>> -> memref<80x128xf32, #tpu.memory_space<hbm>>
          %dma_wait3A_174 = arith.constant 0 : i32
          %dma_wait3A_175 = arith.constant 0 : i32
          %dma_wait3A_176 = tpu.memref_slice %arg2[%dma_wait3A_174, %dma_wait3A_175] : memref<10000x128xf32, #tpu.memory_space<hbm>> -> memref<80x128xf32, #tpu.memory_space<hbm>>
          tpu.wait_dma2 semaphore(%arg21 : memref<!tpu.dma_semaphore, #tpu.memory_space<semaphore_mem>>) src(%dma_wait3A_176 : memref<80x128xf32, #tpu.memory_space<hbm>>) dst(%arg12 : memref<80x128xf32, #tpu.memory_space<vmem>>)
        } else {
        }
        %lt3A_96 = arith.constant 125 : i32
        %lt3A_97 = arith.cmpi slt, %add3A_89, %lt3A_96 : i32
        %convert_element_type3A_98 = arith.extui %lt3A_97 : i1 to i32
        %cond3A_99 = arith.constant 0 : i32
        %cond3A_100 = arith.cmpi ne, %convert_element_type3A_98, %cond3A_99 : i32
        scf.if %cond3A_100 {
          "tpu.region"() ({
            %run_scoped3A_178 = tpu.sem_alloc : memref<!tpu.dma_semaphore, #tpu.memory_space<semaphore_mem>>
            %dma_start3A_179 = arith.constant 0 : i32
            %dma_start3A_180 = arith.constant 0 : i32
            %dma_start3A_181 = tpu.memref_slice %arg4[%arg1, %add3A_89, %dma_start3A_179, %dma_start3A_180] : memref<16x125x2x80xi32, #tpu.memory_space<hbm>> -> memref<1x1x2x80xi32, #tpu.memory_space<hbm>>
            %dma_start3A_182 = tpu.memref_squeeze %dma_start3A_181 : memref<1x1x2x80xi32, #tpu.memory_space<hbm>> -> memref<2x80xi32, #tpu.memory_space<hbm>>
            %dma_start3A_183 = arith.constant 0 : i32
            %dma_start3A_184 = arith.constant 0 : i32
            %dma_start3A_185 = tpu.memref_slice %arg4[%arg1, %add3A_89, %dma_start3A_183, %dma_start3A_184] : memref<16x125x2x80xi32, #tpu.memory_space<hbm>> -> memref<1x1x2x80xi32, #tpu.memory_space<hbm>>
            %dma_start3A_186 = tpu.memref_squeeze %dma_start3A_185 : memref<1x1x2x80xi32, #tpu.memory_space<hbm>> -> memref<2x80xi32, #tpu.memory_space<hbm>>
            tpu.enqueue_dma source(%dma_start3A_186 : memref<2x80xi32, #tpu.memory_space<hbm>>) target(%arg8 : memref<2x80xi32, #tpu.memory_space<vmem>>) target_semaphore(%run_scoped3A_178 : memref<!tpu.dma_semaphore, #tpu.memory_space<semaphore_mem>>)
            %dma_wait3A_187 = arith.constant 0 : i32
            %dma_wait3A_188 = arith.constant 0 : i32
            %dma_wait3A_189 = tpu.memref_slice %arg4[%arg1, %add3A_89, %dma_wait3A_187, %dma_wait3A_188] : memref<16x125x2x80xi32, #tpu.memory_space<hbm>> -> memref<1x1x2x80xi32, #tpu.memory_space<hbm>>
            %dma_wait3A_190 = tpu.memref_squeeze %dma_wait3A_189 : memref<1x1x2x80xi32, #tpu.memory_space<hbm>> -> memref<2x80xi32, #tpu.memory_space<hbm>>
            %dma_wait3A_191 = arith.constant 0 : i32
            %dma_wait3A_192 = arith.constant 0 : i32
            %dma_wait3A_193 = tpu.memref_slice %arg4[%arg1, %add3A_89, %dma_wait3A_191, %dma_wait3A_192] : memref<16x125x2x80xi32, #tpu.memory_space<hbm>> -> memref<1x1x2x80xi32, #tpu.memory_space<hbm>>
            %dma_wait3A_194 = tpu.memref_squeeze %dma_wait3A_193 : memref<1x1x2x80xi32, #tpu.memory_space<hbm>> -> memref<2x80xi32, #tpu.memory_space<hbm>>
            tpu.wait_dma2 semaphore(%run_scoped3A_178 : memref<!tpu.dma_semaphore, #tpu.memory_space<semaphore_mem>>) src(%dma_wait3A_194 : memref<2x80xi32, #tpu.memory_space<hbm>>) dst(%arg8 : memref<2x80xi32, #tpu.memory_space<vmem>>)
            tpu.yield
          }) : () -> ()
          %dma_start3A_171 = arith.constant 0 : i32
          %dma_start3A_172 = arith.constant 0 : i32
          %dma_start3A_173 = tpu.memref_slice %arg8[%dma_start3A_171, %dma_start3A_172] : memref<2x80xi32, #tpu.memory_space<vmem>> -> memref<1x80xi32, #tpu.memory_space<vmem>>
          %dma_start3A_174 = tpu.memref_squeeze %dma_start3A_173 : memref<1x80xi32, #tpu.memory_space<vmem>> -> memref<80xi32, #tpu.memory_space<vmem>>
          %dma_start3A_175 = arith.constant 0 : i32
          %dma_start3A_176 = arith.constant 0 : i32
          %dma_start3A_177 = tpu.memref_slice %arg2[%dma_start3A_175, %dma_start3A_176] : memref<10000x128xf32, #tpu.memory_space<hbm>> -> memref<10000x128xf32, #tpu.memory_space<hbm>>
          tpu.enqueue_indirect_dma source(%dma_start3A_177 : memref<10000x128xf32, #tpu.memory_space<hbm>>) target(%arg12 : memref<80x128xf32, #tpu.memory_space<vmem>>) offsets(%dma_start3A_174 : memref<80xi32, #tpu.memory_space<vmem>>) semaphore(%arg17 : memref<!tpu.dma_semaphore, #tpu.memory_space<semaphore_mem>>)
        } else {
        }
        %sub3A_101 = arith.constant 2 : i32
        %sub3A_102 = arith.subi %add3A_89, %sub3A_101 : i32
        %lt3A_103 = arith.constant 125 : i32
        %lt3A_104 = arith.cmpi slt, %sub3A_102, %lt3A_103 : i32
        %convert_element_type3A_105 = arith.extui %lt3A_104 : i1 to i32
        %cond3A_106 = arith.constant 0 : i32
        %cond3A_107 = arith.cmpi ne, %convert_element_type3A_105, %cond3A_106 : i32
        scf.if %cond3A_107 {
          %dma_wait3A_171 = arith.constant 0 : i32
          %dma_wait3A_172 = arith.constant 0 : i32
          %dma_wait3A_173 = tpu.memref_slice %arg2[%dma_wait3A_171, %dma_wait3A_172] : memref<10000x128xf32, #tpu.memory_space<hbm>> -> memref<80x128xf32, #tpu.memory_space<hbm>>
          %dma_wait3A_174 = arith.constant 0 : i32
          %dma_wait3A_175 = arith.constant 0 : i32
          %dma_wait3A_176 = tpu.memref_slice %arg2[%dma_wait3A_174, %dma_wait3A_175] : memref<10000x128xf32, #tpu.memory_space<hbm>> -> memref<80x128xf32, #tpu.memory_space<hbm>>
          tpu.wait_dma2 semaphore(%arg19 : memref<!tpu.dma_semaphore, #tpu.memory_space<semaphore_mem>>) src(%dma_wait3A_176 : memref<80x128xf32, #tpu.memory_space<hbm>>) dst(%arg14 : memref<80x128xf32, #tpu.memory_space<vmem>>)
          %dma_start3A_177 = arith.constant 1 : i32
          %dma_start3A_178 = arith.constant 0 : i32
          %dma_start3A_179 = tpu.memref_slice %arg10[%dma_start3A_177, %dma_start3A_178] : memref<2x80xi32, #tpu.memory_space<vmem>> -> memref<1x80xi32, #tpu.memory_space<vmem>>
          %dma_start3A_180 = tpu.memref_squeeze %dma_start3A_179 : memref<1x80xi32, #tpu.memory_space<vmem>> -> memref<80xi32, #tpu.memory_space<vmem>>
          %dma_start3A_181 = arith.constant 0 : i32
          %dma_start3A_182 = arith.constant 0 : i32
          %dma_start3A_183 = tpu.memref_slice %arg16[%dma_start3A_181, %dma_start3A_182] : memref<10000x128xf32, #tpu.memory_space<vmem_shared>> -> memref<10000x128xf32, #tpu.memory_space<vmem_shared>>
          tpu.enqueue_indirect_dma source(%arg14 : memref<80x128xf32, #tpu.memory_space<vmem>>) target(%dma_start3A_183 : memref<10000x128xf32, #tpu.memory_space<vmem_shared>>) offsets(%dma_start3A_180 : memref<80xi32, #tpu.memory_space<vmem>>) semaphore(%arg23 : memref<!tpu.dma_semaphore, #tpu.memory_space<semaphore_mem>>) {add = true}
        } else {
        }
        %add3A_108 = arith.constant 1 : i32
        %add3A_109 = arith.addi %add3A_87, %add3A_108 : i32
        %sub3A_110 = arith.constant 4 : i32
        %sub3A_111 = arith.subi %add3A_109, %sub3A_110 : i32
        %lt3A_112 = arith.constant 124 : i32
        %lt3A_113 = arith.cmpi slt, %sub3A_111, %lt3A_112 : i32
        %convert_element_type3A_114 = arith.extui %lt3A_113 : i1 to i32
        %cond3A_115 = arith.constant 0 : i32
        %cond3A_116 = arith.cmpi ne, %convert_element_type3A_114, %cond3A_115 : i32
        scf.if %cond3A_116 {
          %dma_wait3A_171 = arith.constant 0 : i32
          %dma_wait3A_172 = arith.constant 0 : i32
          %dma_wait3A_173 = tpu.memref_slice %arg2[%dma_wait3A_171, %dma_wait3A_172] : memref<10000x128xf32, #tpu.memory_space<hbm>> -> memref<80x128xf32, #tpu.memory_space<hbm>>
          %dma_wait3A_174 = arith.constant 0 : i32
          %dma_wait3A_175 = arith.constant 0 : i32
          %dma_wait3A_176 = tpu.memref_slice %arg2[%dma_wait3A_174, %dma_wait3A_175] : memref<10000x128xf32, #tpu.memory_space<hbm>> -> memref<80x128xf32, #tpu.memory_space<hbm>>
          tpu.wait_dma2 semaphore(%arg22 : memref<!tpu.dma_semaphore, #tpu.memory_space<semaphore_mem>>) src(%dma_wait3A_176 : memref<80x128xf32, #tpu.memory_space<hbm>>) dst(%arg13 : memref<80x128xf32, #tpu.memory_space<vmem>>)
        } else {
        }
        %lt3A_117 = arith.constant 125 : i32
        %lt3A_118 = arith.cmpi slt, %add3A_109, %lt3A_117 : i32
        %convert_element_type3A_119 = arith.extui %lt3A_118 : i1 to i32
        %cond3A_120 = arith.constant 0 : i32
        %cond3A_121 = arith.cmpi ne, %convert_element_type3A_119, %cond3A_120 : i32
        scf.if %cond3A_121 {
          "tpu.region"() ({
            %run_scoped3A_178 = tpu.sem_alloc : memref<!tpu.dma_semaphore, #tpu.memory_space<semaphore_mem>>
            %dma_start3A_179 = arith.constant 0 : i32
            %dma_start3A_180 = arith.constant 0 : i32
            %dma_start3A_181 = tpu.memref_slice %arg4[%arg1, %add3A_109, %dma_start3A_179, %dma_start3A_180] : memref<16x125x2x80xi32, #tpu.memory_space<hbm>> -> memref<1x1x2x80xi32, #tpu.memory_space<hbm>>
            %dma_start3A_182 = tpu.memref_squeeze %dma_start3A_181 : memref<1x1x2x80xi32, #tpu.memory_space<hbm>> -> memref<2x80xi32, #tpu.memory_space<hbm>>
            %dma_start3A_183 = arith.constant 0 : i32
            %dma_start3A_184 = arith.constant 0 : i32
            %dma_start3A_185 = tpu.memref_slice %arg4[%arg1, %add3A_109, %dma_start3A_183, %dma_start3A_184] : memref<16x125x2x80xi32, #tpu.memory_space<hbm>> -> memref<1x1x2x80xi32, #tpu.memory_space<hbm>>
            %dma_start3A_186 = tpu.memref_squeeze %dma_start3A_185 : memref<1x1x2x80xi32, #tpu.memory_space<hbm>> -> memref<2x80xi32, #tpu.memory_space<hbm>>
            tpu.enqueue_dma source(%dma_start3A_186 : memref<2x80xi32, #tpu.memory_space<hbm>>) target(%arg9 : memref<2x80xi32, #tpu.memory_space<vmem>>) target_semaphore(%run_scoped3A_178 : memref<!tpu.dma_semaphore, #tpu.memory_space<semaphore_mem>>)
            %dma_wait3A_187 = arith.constant 0 : i32
            %dma_wait3A_188 = arith.constant 0 : i32
            %dma_wait3A_189 = tpu.memref_slice %arg4[%arg1, %add3A_109, %dma_wait3A_187, %dma_wait3A_188] : memref<16x125x2x80xi32, #tpu.memory_space<hbm>> -> memref<1x1x2x80xi32, #tpu.memory_space<hbm>>
            %dma_wait3A_190 = tpu.memref_squeeze %dma_wait3A_189 : memref<1x1x2x80xi32, #tpu.memory_space<hbm>> -> memref<2x80xi32, #tpu.memory_space<hbm>>
            %dma_wait3A_191 = arith.constant 0 : i32
            %dma_wait3A_192 = arith.constant 0 : i32
            %dma_wait3A_193 = tpu.memref_slice %arg4[%arg1, %add3A_109, %dma_wait3A_191, %dma_wait3A_192] : memref<16x125x2x80xi32, #tpu.memory_space<hbm>> -> memref<1x1x2x80xi32, #tpu.memory_space<hbm>>
            %dma_wait3A_194 = tpu.memref_squeeze %dma_wait3A_193 : memref<1x1x2x80xi32, #tpu.memory_space<hbm>> -> memref<2x80xi32, #tpu.memory_space<hbm>>
            tpu.wait_dma2 semaphore(%run_scoped3A_178 : memref<!tpu.dma_semaphore, #tpu.memory_space<semaphore_mem>>) src(%dma_wait3A_194 : memref<2x80xi32, #tpu.memory_space<hbm>>) dst(%arg9 : memref<2x80xi32, #tpu.memory_space<vmem>>)
            tpu.yield
          }) : () -> ()
          %dma_start3A_171 = arith.constant 0 : i32
          %dma_start3A_172 = arith.constant 0 : i32
          %dma_start3A_173 = tpu.memref_slice %arg9[%dma_start3A_171, %dma_start3A_172] : memref<2x80xi32, #tpu.memory_space<vmem>> -> memref<1x80xi32, #tpu.memory_space<vmem>>
          %dma_start3A_174 = tpu.memref_squeeze %dma_start3A_173 : memref<1x80xi32, #tpu.memory_space<vmem>> -> memref<80xi32, #tpu.memory_space<vmem>>
          %dma_start3A_175 = arith.constant 0 : i32
          %dma_start3A_176 = arith.constant 0 : i32
          %dma_start3A_177 = tpu.memref_slice %arg2[%dma_start3A_175, %dma_start3A_176] : memref<10000x128xf32, #tpu.memory_space<hbm>> -> memref<10000x128xf32, #tpu.memory_space<hbm>>
          tpu.enqueue_indirect_dma source(%dma_start3A_177 : memref<10000x128xf32, #tpu.memory_space<hbm>>) target(%arg13 : memref<80x128xf32, #tpu.memory_space<vmem>>) offsets(%dma_start3A_174 : memref<80xi32, #tpu.memory_space<vmem>>) semaphore(%arg18 : memref<!tpu.dma_semaphore, #tpu.memory_space<semaphore_mem>>)
        } else {
        }
        %sub3A_122 = arith.constant 2 : i32
        %sub3A_123 = arith.subi %add3A_109, %sub3A_122 : i32
        %lt3A_124 = arith.constant 125 : i32
        %lt3A_125 = arith.cmpi slt, %sub3A_123, %lt3A_124 : i32
        %convert_element_type3A_126 = arith.extui %lt3A_125 : i1 to i32
        %cond3A_127 = arith.constant 0 : i32
        %cond3A_128 = arith.cmpi ne, %convert_element_type3A_126, %cond3A_127 : i32
        scf.if %cond3A_128 {
          %dma_wait3A_171 = arith.constant 0 : i32
          %dma_wait3A_172 = arith.constant 0 : i32
          %dma_wait3A_173 = tpu.memref_slice %arg2[%dma_wait3A_171, %dma_wait3A_172] : memref<10000x128xf32, #tpu.memory_space<hbm>> -> memref<80x128xf32, #tpu.memory_space<hbm>>
          %dma_wait3A_174 = arith.constant 0 : i32
          %dma_wait3A_175 = arith.constant 0 : i32
          %dma_wait3A_176 = tpu.memref_slice %arg2[%dma_wait3A_174, %dma_wait3A_175] : memref<10000x128xf32, #tpu.memory_space<hbm>> -> memref<80x128xf32, #tpu.memory_space<hbm>>
          tpu.wait_dma2 semaphore(%arg20 : memref<!tpu.dma_semaphore, #tpu.memory_space<semaphore_mem>>) src(%dma_wait3A_176 : memref<80x128xf32, #tpu.memory_space<hbm>>) dst(%arg15 : memref<80x128xf32, #tpu.memory_space<vmem>>)
          %dma_start3A_177 = arith.constant 1 : i32
          %dma_start3A_178 = arith.constant 0 : i32
          %dma_start3A_179 = tpu.memref_slice %arg11[%dma_start3A_177, %dma_start3A_178] : memref<2x80xi32, #tpu.memory_space<vmem>> -> memref<1x80xi32, #tpu.memory_space<vmem>>
          %dma_start3A_180 = tpu.memref_squeeze %dma_start3A_179 : memref<1x80xi32, #tpu.memory_space<vmem>> -> memref<80xi32, #tpu.memory_space<vmem>>
          %dma_start3A_181 = arith.constant 0 : i32
          %dma_start3A_182 = arith.constant 0 : i32
          %dma_start3A_183 = tpu.memref_slice %arg16[%dma_start3A_181, %dma_start3A_182] : memref<10000x128xf32, #tpu.memory_space<vmem_shared>> -> memref<10000x128xf32, #tpu.memory_space<vmem_shared>>
          tpu.enqueue_indirect_dma source(%arg15 : memref<80x128xf32, #tpu.memory_space<vmem>>) target(%dma_start3A_183 : memref<10000x128xf32, #tpu.memory_space<vmem_shared>>) offsets(%dma_start3A_180 : memref<80xi32, #tpu.memory_space<vmem>>) semaphore(%arg24 : memref<!tpu.dma_semaphore, #tpu.memory_space<semaphore_mem>>) {add = true}
        } else {
        }
        %add3A_129 = arith.constant 2 : i32
        %add3A_130 = arith.addi %add3A_87, %add3A_129 : i32
        %sub3A_131 = arith.constant 4 : i32
        %sub3A_132 = arith.subi %add3A_130, %sub3A_131 : i32
        %lt3A_133 = arith.constant 124 : i32
        %lt3A_134 = arith.cmpi slt, %sub3A_132, %lt3A_133 : i32
        %convert_element_type3A_135 = arith.extui %lt3A_134 : i1 to i32
        %cond3A_136 = arith.constant 0 : i32
        %cond3A_137 = arith.cmpi ne, %convert_element_type3A_135, %cond3A_136 : i32
        scf.if %cond3A_137 {
          %dma_wait3A_171 = arith.constant 0 : i32
          %dma_wait3A_172 = arith.constant 0 : i32
          %dma_wait3A_173 = tpu.memref_slice %arg2[%dma_wait3A_171, %dma_wait3A_172] : memref<10000x128xf32, #tpu.memory_space<hbm>> -> memref<80x128xf32, #tpu.memory_space<hbm>>
          %dma_wait3A_174 = arith.constant 0 : i32
          %dma_wait3A_175 = arith.constant 0 : i32
          %dma_wait3A_176 = tpu.memref_slice %arg2[%dma_wait3A_174, %dma_wait3A_175] : memref<10000x128xf32, #tpu.memory_space<hbm>> -> memref<80x128xf32, #tpu.memory_space<hbm>>
          tpu.wait_dma2 semaphore(%arg23 : memref<!tpu.dma_semaphore, #tpu.memory_space<semaphore_mem>>) src(%dma_wait3A_176 : memref<80x128xf32, #tpu.memory_space<hbm>>) dst(%arg14 : memref<80x128xf32, #tpu.memory_space<vmem>>)
        } else {
        }
        %lt3A_138 = arith.constant 125 : i32
        %lt3A_139 = arith.cmpi slt, %add3A_130, %lt3A_138 : i32
        %convert_element_type3A_140 = arith.extui %lt3A_139 : i1 to i32
        %cond3A_141 = arith.constant 0 : i32
        %cond3A_142 = arith.cmpi ne, %convert_element_type3A_140, %cond3A_141 : i32
        scf.if %cond3A_142 {
          "tpu.region"() ({
            %run_scoped3A_178 = tpu.sem_alloc : memref<!tpu.dma_semaphore, #tpu.memory_space<semaphore_mem>>
            %dma_start3A_179 = arith.constant 0 : i32
            %dma_start3A_180 = arith.constant 0 : i32
            %dma_start3A_181 = tpu.memref_slice %arg4[%arg1, %add3A_130, %dma_start3A_179, %dma_start3A_180] : memref<16x125x2x80xi32, #tpu.memory_space<hbm>> -> memref<1x1x2x80xi32, #tpu.memory_space<hbm>>
            %dma_start3A_182 = tpu.memref_squeeze %dma_start3A_181 : memref<1x1x2x80xi32, #tpu.memory_space<hbm>> -> memref<2x80xi32, #tpu.memory_space<hbm>>
            %dma_start3A_183 = arith.constant 0 : i32
            %dma_start3A_184 = arith.constant 0 : i32
            %dma_start3A_185 = tpu.memref_slice %arg4[%arg1, %add3A_130, %dma_start3A_183, %dma_start3A_184] : memref<16x125x2x80xi32, #tpu.memory_space<hbm>> -> memref<1x1x2x80xi32, #tpu.memory_space<hbm>>
            %dma_start3A_186 = tpu.memref_squeeze %dma_start3A_185 : memref<1x1x2x80xi32, #tpu.memory_space<hbm>> -> memref<2x80xi32, #tpu.memory_space<hbm>>
            tpu.enqueue_dma source(%dma_start3A_186 : memref<2x80xi32, #tpu.memory_space<hbm>>) target(%arg10 : memref<2x80xi32, #tpu.memory_space<vmem>>) target_semaphore(%run_scoped3A_178 : memref<!tpu.dma_semaphore, #tpu.memory_space<semaphore_mem>>)
            %dma_wait3A_187 = arith.constant 0 : i32
            %dma_wait3A_188 = arith.constant 0 : i32
            %dma_wait3A_189 = tpu.memref_slice %arg4[%arg1, %add3A_130, %dma_wait3A_187, %dma_wait3A_188] : memref<16x125x2x80xi32, #tpu.memory_space<hbm>> -> memref<1x1x2x80xi32, #tpu.memory_space<hbm>>
            %dma_wait3A_190 = tpu.memref_squeeze %dma_wait3A_189 : memref<1x1x2x80xi32, #tpu.memory_space<hbm>> -> memref<2x80xi32, #tpu.memory_space<hbm>>
            %dma_wait3A_191 = arith.constant 0 : i32
            %dma_wait3A_192 = arith.constant 0 : i32
            %dma_wait3A_193 = tpu.memref_slice %arg4[%arg1, %add3A_130, %dma_wait3A_191, %dma_wait3A_192] : memref<16x125x2x80xi32, #tpu.memory_space<hbm>> -> memref<1x1x2x80xi32, #tpu.memory_space<hbm>>
            %dma_wait3A_194 = tpu.memref_squeeze %dma_wait3A_193 : memref<1x1x2x80xi32, #tpu.memory_space<hbm>> -> memref<2x80xi32, #tpu.memory_space<hbm>>
            tpu.wait_dma2 semaphore(%run_scoped3A_178 : memref<!tpu.dma_semaphore, #tpu.memory_space<semaphore_mem>>) src(%dma_wait3A_194 : memref<2x80xi32, #tpu.memory_space<hbm>>) dst(%arg10 : memref<2x80xi32, #tpu.memory_space<vmem>>)
            tpu.yield
          }) : () -> ()
          %dma_start3A_171 = arith.constant 0 : i32
          %dma_start3A_172 = arith.constant 0 : i32
          %dma_start3A_173 = tpu.memref_slice %arg10[%dma_start3A_171, %dma_start3A_172] : memref<2x80xi32, #tpu.memory_space<vmem>> -> memref<1x80xi32, #tpu.memory_space<vmem>>
          %dma_start3A_174 = tpu.memref_squeeze %dma_start3A_173 : memref<1x80xi32, #tpu.memory_space<vmem>> -> memref<80xi32, #tpu.memory_space<vmem>>
          %dma_start3A_175 = arith.constant 0 : i32
          %dma_start3A_176 = arith.constant 0 : i32
          %dma_start3A_177 = tpu.memref_slice %arg2[%dma_start3A_175, %dma_start3A_176] : memref<10000x128xf32, #tpu.memory_space<hbm>> -> memref<10000x128xf32, #tpu.memory_space<hbm>>
          tpu.enqueue_indirect_dma source(%dma_start3A_177 : memref<10000x128xf32, #tpu.memory_space<hbm>>) target(%arg14 : memref<80x128xf32, #tpu.memory_space<vmem>>) offsets(%dma_start3A_174 : memref<80xi32, #tpu.memory_space<vmem>>) semaphore(%arg19 : memref<!tpu.dma_semaphore, #tpu.memory_space<semaphore_mem>>)
        } else {
        }
        %sub3A_143 = arith.constant 2 : i32
        %sub3A_144 = arith.subi %add3A_130, %sub3A_143 : i32
        %lt3A_145 = arith.constant 125 : i32
        %lt3A_146 = arith.cmpi slt, %sub3A_144, %lt3A_145 : i32
        %convert_element_type3A_147 = arith.extui %lt3A_146 : i1 to i32
        %cond3A_148 = arith.constant 0 : i32
        %cond3A_149 = arith.cmpi ne, %convert_element_type3A_147, %cond3A_148 : i32
        scf.if %cond3A_149 {
          %dma_wait3A_171 = arith.constant 0 : i32
          %dma_wait3A_172 = arith.constant 0 : i32
          %dma_wait3A_173 = tpu.memref_slice %arg2[%dma_wait3A_171, %dma_wait3A_172] : memref<10000x128xf32, #tpu.memory_space<hbm>> -> memref<80x128xf32, #tpu.memory_space<hbm>>
          %dma_wait3A_174 = arith.constant 0 : i32
          %dma_wait3A_175 = arith.constant 0 : i32
          %dma_wait3A_176 = tpu.memref_slice %arg2[%dma_wait3A_174, %dma_wait3A_175] : memref<10000x128xf32, #tpu.memory_space<hbm>> -> memref<80x128xf32, #tpu.memory_space<hbm>>
          tpu.wait_dma2 semaphore(%arg17 : memref<!tpu.dma_semaphore, #tpu.memory_space<semaphore_mem>>) src(%dma_wait3A_176 : memref<80x128xf32, #tpu.memory_space<hbm>>) dst(%arg12 : memref<80x128xf32, #tpu.memory_space<vmem>>)
          %dma_start3A_177 = arith.constant 1 : i32
          %dma_start3A_178 = arith.constant 0 : i32
          %dma_start3A_179 = tpu.memref_slice %arg8[%dma_start3A_177, %dma_start3A_178] : memref<2x80xi32, #tpu.memory_space<vmem>> -> memref<1x80xi32, #tpu.memory_space<vmem>>
          %dma_start3A_180 = tpu.memref_squeeze %dma_start3A_179 : memref<1x80xi32, #tpu.memory_space<vmem>> -> memref<80xi32, #tpu.memory_space<vmem>>
          %dma_start3A_181 = arith.constant 0 : i32
          %dma_start3A_182 = arith.constant 0 : i32
          %dma_start3A_183 = tpu.memref_slice %arg16[%dma_start3A_181, %dma_start3A_182] : memref<10000x128xf32, #tpu.memory_space<vmem_shared>> -> memref<10000x128xf32, #tpu.memory_space<vmem_shared>>
          tpu.enqueue_indirect_dma source(%arg12 : memref<80x128xf32, #tpu.memory_space<vmem>>) target(%dma_start3A_183 : memref<10000x128xf32, #tpu.memory_space<vmem_shared>>) offsets(%dma_start3A_180 : memref<80xi32, #tpu.memory_space<vmem>>) semaphore(%arg21 : memref<!tpu.dma_semaphore, #tpu.memory_space<semaphore_mem>>) {add = true}
        } else {
        }
        %add3A_150 = arith.constant 3 : i32
        %add3A_151 = arith.addi %add3A_87, %add3A_150 : i32
        %sub3A_152 = arith.constant 4 : i32
        %sub3A_153 = arith.subi %add3A_151, %sub3A_152 : i32
        %lt3A_154 = arith.constant 124 : i32
        %lt3A_155 = arith.cmpi slt, %sub3A_153, %lt3A_154 : i32
        %convert_element_type3A_156 = arith.extui %lt3A_155 : i1 to i32
        %cond3A_157 = arith.constant 0 : i32
        %cond3A_158 = arith.cmpi ne, %convert_element_type3A_156, %cond3A_157 : i32
        scf.if %cond3A_158 {
          %dma_wait3A_171 = arith.constant 0 : i32
          %dma_wait3A_172 = arith.constant 0 : i32
          %dma_wait3A_173 = tpu.memref_slice %arg2[%dma_wait3A_171, %dma_wait3A_172] : memref<10000x128xf32, #tpu.memory_space<hbm>> -> memref<80x128xf32, #tpu.memory_space<hbm>>
          %dma_wait3A_174 = arith.constant 0 : i32
          %dma_wait3A_175 = arith.constant 0 : i32
          %dma_wait3A_176 = tpu.memref_slice %arg2[%dma_wait3A_174, %dma_wait3A_175] : memref<10000x128xf32, #tpu.memory_space<hbm>> -> memref<80x128xf32, #tpu.memory_space<hbm>>
          tpu.wait_dma2 semaphore(%arg24 : memref<!tpu.dma_semaphore, #tpu.memory_space<semaphore_mem>>) src(%dma_wait3A_176 : memref<80x128xf32, #tpu.memory_space<hbm>>) dst(%arg15 : memref<80x128xf32, #tpu.memory_space<vmem>>)
        } else {
        }
        %lt3A_159 = arith.constant 125 : i32
        %lt3A_160 = arith.cmpi slt, %add3A_151, %lt3A_159 : i32
        %convert_element_type3A_161 = arith.extui %lt3A_160 : i1 to i32
        %cond3A_162 = arith.constant 0 : i32
        %cond3A_163 = arith.cmpi ne, %convert_element_type3A_161, %cond3A_162 : i32
        scf.if %cond3A_163 {
          "tpu.region"() ({
            %run_scoped3A_178 = tpu.sem_alloc : memref<!tpu.dma_semaphore, #tpu.memory_space<semaphore_mem>>
            %dma_start3A_179 = arith.constant 0 : i32
            %dma_start3A_180 = arith.constant 0 : i32
            %dma_start3A_181 = tpu.memref_slice %arg4[%arg1, %add3A_151, %dma_start3A_179, %dma_start3A_180] : memref<16x125x2x80xi32, #tpu.memory_space<hbm>> -> memref<1x1x2x80xi32, #tpu.memory_space<hbm>>
            %dma_start3A_182 = tpu.memref_squeeze %dma_start3A_181 : memref<1x1x2x80xi32, #tpu.memory_space<hbm>> -> memref<2x80xi32, #tpu.memory_space<hbm>>
            %dma_start3A_183 = arith.constant 0 : i32
            %dma_start3A_184 = arith.constant 0 : i32
            %dma_start3A_185 = tpu.memref_slice %arg4[%arg1, %add3A_151, %dma_start3A_183, %dma_start3A_184] : memref<16x125x2x80xi32, #tpu.memory_space<hbm>> -> memref<1x1x2x80xi32, #tpu.memory_space<hbm>>
            %dma_start3A_186 = tpu.memref_squeeze %dma_start3A_185 : memref<1x1x2x80xi32, #tpu.memory_space<hbm>> -> memref<2x80xi32, #tpu.memory_space<hbm>>
            tpu.enqueue_dma source(%dma_start3A_186 : memref<2x80xi32, #tpu.memory_space<hbm>>) target(%arg11 : memref<2x80xi32, #tpu.memory_space<vmem>>) target_semaphore(%run_scoped3A_178 : memref<!tpu.dma_semaphore, #tpu.memory_space<semaphore_mem>>)
            %dma_wait3A_187 = arith.constant 0 : i32
            %dma_wait3A_188 = arith.constant 0 : i32
            %dma_wait3A_189 = tpu.memref_slice %arg4[%arg1, %add3A_151, %dma_wait3A_187, %dma_wait3A_188] : memref<16x125x2x80xi32, #tpu.memory_space<hbm>> -> memref<1x1x2x80xi32, #tpu.memory_space<hbm>>
            %dma_wait3A_190 = tpu.memref_squeeze %dma_wait3A_189 : memref<1x1x2x80xi32, #tpu.memory_space<hbm>> -> memref<2x80xi32, #tpu.memory_space<hbm>>
            %dma_wait3A_191 = arith.constant 0 : i32
            %dma_wait3A_192 = arith.constant 0 : i32
            %dma_wait3A_193 = tpu.memref_slice %arg4[%arg1, %add3A_151, %dma_wait3A_191, %dma_wait3A_192] : memref<16x125x2x80xi32, #tpu.memory_space<hbm>> -> memref<1x1x2x80xi32, #tpu.memory_space<hbm>>
            %dma_wait3A_194 = tpu.memref_squeeze %dma_wait3A_193 : memref<1x1x2x80xi32, #tpu.memory_space<hbm>> -> memref<2x80xi32, #tpu.memory_space<hbm>>
            tpu.wait_dma2 semaphore(%run_scoped3A_178 : memref<!tpu.dma_semaphore, #tpu.memory_space<semaphore_mem>>) src(%dma_wait3A_194 : memref<2x80xi32, #tpu.memory_space<hbm>>) dst(%arg11 : memref<2x80xi32, #tpu.memory_space<vmem>>)
            tpu.yield
          }) : () -> ()
          %dma_start3A_171 = arith.constant 0 : i32
          %dma_start3A_172 = arith.constant 0 : i32
          %dma_start3A_173 = tpu.memref_slice %arg11[%dma_start3A_171, %dma_start3A_172] : memref<2x80xi32, #tpu.memory_space<vmem>> -> memref<1x80xi32, #tpu.memory_space<vmem>>
          %dma_start3A_174 = tpu.memref_squeeze %dma_start3A_173 : memref<1x80xi32, #tpu.memory_space<vmem>> -> memref<80xi32, #tpu.memory_space<vmem>>
          %dma_start3A_175 = arith.constant 0 : i32
          %dma_start3A_176 = arith.constant 0 : i32
          %dma_start3A_177 = tpu.memref_slice %arg2[%dma_start3A_175, %dma_start3A_176] : memref<10000x128xf32, #tpu.memory_space<hbm>> -> memref<10000x128xf32, #tpu.memory_space<hbm>>
          tpu.enqueue_indirect_dma source(%dma_start3A_177 : memref<10000x128xf32, #tpu.memory_space<hbm>>) target(%arg15 : memref<80x128xf32, #tpu.memory_space<vmem>>) offsets(%dma_start3A_174 : memref<80xi32, #tpu.memory_space<vmem>>) semaphore(%arg20 : memref<!tpu.dma_semaphore, #tpu.memory_space<semaphore_mem>>)
        } else {
        }
        %sub3A_164 = arith.constant 2 : i32
        %sub3A_165 = arith.subi %add3A_151, %sub3A_164 : i32
        %lt3A_166 = arith.constant 125 : i32
        %lt3A_167 = arith.cmpi slt, %sub3A_165, %lt3A_166 : i32
        %convert_element_type3A_168 = arith.extui %lt3A_167 : i1 to i32
        %cond3A_169 = arith.constant 0 : i32
        %cond3A_170 = arith.cmpi ne, %convert_element_type3A_168, %cond3A_169 : i32
        scf.if %cond3A_170 {
          %dma_wait3A_171 = arith.constant 0 : i32
          %dma_wait3A_172 = arith.constant 0 : i32
          %dma_wait3A_173 = tpu.memref_slice %arg2[%dma_wait3A_171, %dma_wait3A_172] : memref<10000x128xf32, #tpu.memory_space<hbm>> -> memref<80x128xf32, #tpu.memory_space<hbm>>
          %dma_wait3A_174 = arith.constant 0 : i32
          %dma_wait3A_175 = arith.constant 0 : i32
          %dma_wait3A_176 = tpu.memref_slice %arg2[%dma_wait3A_174, %dma_wait3A_175] : memref<10000x128xf32, #tpu.memory_space<hbm>> -> memref<80x128xf32, #tpu.memory_space<hbm>>
          tpu.wait_dma2 semaphore(%arg18 : memref<!tpu.dma_semaphore, #tpu.memory_space<semaphore_mem>>) src(%dma_wait3A_176 : memref<80x128xf32, #tpu.memory_space<hbm>>) dst(%arg13 : memref<80x128xf32, #tpu.memory_space<vmem>>)
          %dma_start3A_177 = arith.constant 1 : i32
          %dma_start3A_178 = arith.constant 0 : i32
          %dma_start3A_179 = tpu.memref_slice %arg9[%dma_start3A_177, %dma_start3A_178] : memref<2x80xi32, #tpu.memory_space<vmem>> -> memref<1x80xi32, #tpu.memory_space<vmem>>
          %dma_start3A_180 = tpu.memref_squeeze %dma_start3A_179 : memref<1x80xi32, #tpu.memory_space<vmem>> -> memref<80xi32, #tpu.memory_space<vmem>>
          %dma_start3A_181 = arith.constant 0 : i32
          %dma_start3A_182 = arith.constant 0 : i32
          %dma_start3A_183 = tpu.memref_slice %arg16[%dma_start3A_181, %dma_start3A_182] : memref<10000x128xf32, #tpu.memory_space<vmem_shared>> -> memref<10000x128xf32, #tpu.memory_space<vmem_shared>>
          tpu.enqueue_indirect_dma source(%arg13 : memref<80x128xf32, #tpu.memory_space<vmem>>) target(%dma_start3A_183 : memref<10000x128xf32, #tpu.memory_space<vmem_shared>>) offsets(%dma_start3A_180 : memref<80xi32, #tpu.memory_space<vmem>>) semaphore(%arg22 : memref<!tpu.dma_semaphore, #tpu.memory_space<semaphore_mem>>) {add = true}
        } else {
        }
      }
      %scan3A_70 = arith.constant 31 : i32
      %dma_wait3A_71 = arith.constant 0 : i32
      %dma_wait3A_72 = arith.constant 0 : i32
      %dma_wait3A_73 = tpu.memref_slice %arg2[%dma_wait3A_71, %dma_wait3A_72] : memref<10000x128xf32, #tpu.memory_space<hbm>> -> memref<80x128xf32, #tpu.memory_space<hbm>>
      %dma_wait3A_74 = arith.constant 0 : i32
      %dma_wait3A_75 = arith.constant 0 : i32
      %dma_wait3A_76 = tpu.memref_slice %arg2[%dma_wait3A_74, %dma_wait3A_75] : memref<10000x128xf32, #tpu.memory_space<hbm>> -> memref<80x128xf32, #tpu.memory_space<hbm>>
      tpu.wait_dma2 semaphore(%arg21 : memref<!tpu.dma_semaphore, #tpu.memory_space<semaphore_mem>>) src(%dma_wait3A_76 : memref<80x128xf32, #tpu.memory_space<hbm>>) dst(%arg12 : memref<80x128xf32, #tpu.memory_space<vmem>>)
      %barrier3A_77 = arith.constant 0 : index
      tpu.barrier barrier_id(%barrier3A_77)
      %mul3A = arith.constant 624 : i32
      %mul3A_78 = arith.muli %arg1, %mul3A : i32
      %multiple_of3A = tpu.assume_multiple %mul3A_78, 8 : i32
      "tpu.region"() ({
        %run_scoped3A_84 = tpu.sem_alloc : memref<!tpu.dma_semaphore, #tpu.memory_space<semaphore_mem>>
        %dma_start3A_85 = arith.constant 0 : i32
        %dma_start3A_86 = tpu.memref_slice %arg6[%multiple_of3A, %dma_start3A_85] : memref<10000x128xf32, #tpu.memory_space<hbm>> -> memref<624x128xf32, #tpu.memory_space<hbm>>
        %dma_start3A_87 = arith.constant 0 : i32
        %dma_start3A_88 = tpu.memref_slice %arg16[%multiple_of3A, %dma_start3A_87] : memref<10000x128xf32, #tpu.memory_space<vmem_shared>> -> memref<624x128xf32, #tpu.memory_space<vmem_shared>>
        tpu.enqueue_dma source(%dma_start3A_88 : memref<624x128xf32, #tpu.memory_space<vmem_shared>>) target(%dma_start3A_86 : memref<624x128xf32, #tpu.memory_space<hbm>>) target_semaphore(%run_scoped3A_84 : memref<!tpu.dma_semaphore, #tpu.memory_space<semaphore_mem>>)
        %dma_wait3A_89 = arith.constant 0 : i32
        %dma_wait3A_90 = tpu.memref_slice %arg6[%multiple_of3A, %dma_wait3A_89] : memref<10000x128xf32, #tpu.memory_space<hbm>> -> memref<624x128xf32, #tpu.memory_space<hbm>>
        %dma_wait3A_91 = arith.constant 0 : i32
        %dma_wait3A_92 = tpu.memref_slice %arg16[%multiple_of3A, %dma_wait3A_91] : memref<10000x128xf32, #tpu.memory_space<vmem_shared>> -> memref<624x128xf32, #tpu.memory_space<vmem_shared>>
        tpu.wait_dma2 semaphore(%run_scoped3A_84 : memref<!tpu.dma_semaphore, #tpu.memory_space<semaphore_mem>>) src(%dma_wait3A_92 : memref<624x128xf32, #tpu.memory_space<vmem_shared>>) dst(%dma_wait3A_90 : memref<624x128xf32, #tpu.memory_space<hbm>>)
        tpu.yield
      }) : () -> ()
      %eq3A_79 = arith.constant 0 : i32
      %eq3A_80 = arith.cmpi eq, %arg1, %eq3A_79 : i32
      %convert_element_type3A_81 = arith.extui %eq3A_80 : i1 to i32
      %cond3A_82 = arith.constant 0 : i32
      %cond3A_83 = arith.cmpi ne, %convert_element_type3A_81, %cond3A_82 : i32
      scf.if %cond3A_83 {
        %multiple_of3A_84 = arith.constant 9984 : i32
        %multiple_of3A_85 = tpu.assume_multiple %multiple_of3A_84, 8 : i32
        "tpu.region"() ({
          %run_scoped3A_86 = tpu.sem_alloc : memref<!tpu.dma_semaphore, #tpu.memory_space<semaphore_mem>>
          %dma_start3A_87 = arith.constant 0 : i32
          %dma_start3A_88 = tpu.memref_slice %arg6[%multiple_of3A_85, %dma_start3A_87] : memref<10000x128xf32, #tpu.memory_space<hbm>> -> memref<16x128xf32, #tpu.memory_space<hbm>>
          %dma_start3A_89 = arith.constant 0 : i32
          %dma_start3A_90 = tpu.memref_slice %arg16[%multiple_of3A_85, %dma_start3A_89] : memref<10000x128xf32, #tpu.memory_space<vmem_shared>> -> memref<16x128xf32, #tpu.memory_space<vmem_shared>>
          tpu.enqueue_dma source(%dma_start3A_90 : memref<16x128xf32, #tpu.memory_space<vmem_shared>>) target(%dma_start3A_88 : memref<16x128xf32, #tpu.memory_space<hbm>>) target_semaphore(%run_scoped3A_86 : memref<!tpu.dma_semaphore, #tpu.memory_space<semaphore_mem>>)
          %dma_wait3A_91 = arith.constant 0 : i32
          %dma_wait3A_92 = tpu.memref_slice %arg6[%multiple_of3A_85, %dma_wait3A_91] : memref<10000x128xf32, #tpu.memory_space<hbm>> -> memref<16x128xf32, #tpu.memory_space<hbm>>
          %dma_wait3A_93 = arith.constant 0 : i32
          %dma_wait3A_94 = tpu.memref_slice %arg16[%multiple_of3A_85, %dma_wait3A_93] : memref<10000x128xf32, #tpu.memory_space<vmem_shared>> -> memref<16x128xf32, #tpu.memory_space<vmem_shared>>
          tpu.wait_dma2 semaphore(%run_scoped3A_86 : memref<!tpu.dma_semaphore, #tpu.memory_space<semaphore_mem>>) src(%dma_wait3A_94 : memref<16x128xf32, #tpu.memory_space<vmem_shared>>) dst(%dma_wait3A_92 : memref<16x128xf32, #tpu.memory_space<hbm>>)
          tpu.yield
        }) : () -> ()
      } else {
      }
    } else {
    }
    %eq3A_2 = arith.constant 1 : i32
    %eq3A_3 = arith.cmpi eq, %arg0, %eq3A_2 : i32
    %convert_element_type3A_4 = arith.extui %eq3A_3 : i1 to i32
    %cond3A_5 = arith.constant 0 : i32
    %cond3A_6 = arith.cmpi ne, %convert_element_type3A_4, %cond3A_5 : i32
    scf.if %cond3A_6 {
      %lt3A = arith.constant 10 : i32
      %lt3A_7 = arith.cmpi slt, %arg1, %lt3A : i32
      %convert_element_type3A_8 = arith.extui %lt3A_7 : i1 to i32
      %cond3A_9 = arith.constant 0 : i32
      %cond3A_10 = arith.cmpi ne, %convert_element_type3A_8, %cond3A_9 : i32
      scf.if %cond3A_10 {
        %mul3A_84 = arith.constant 1000 : i32
        %mul3A_85 = arith.muli %arg1, %mul3A_84 : i32
        %multiple_of3A_86 = tpu.assume_multiple %mul3A_85, 8 : i32
        "tpu.region"() ({
          %run_scoped3A_87 = tpu.sem_alloc : memref<!tpu.dma_semaphore, #tpu.memory_space<semaphore_mem>>
          %dma_start3A_88 = arith.constant 0 : i32
          %dma_start3A_89 = tpu.memref_slice %arg16[%multiple_of3A_86, %dma_start3A_88] : memref<10000x128xf32, #tpu.memory_space<vmem_shared>> -> memref<1000x128xf32, #tpu.memory_space<vmem_shared>>
          %dma_start3A_90 = arith.constant 0 : i32
          %dma_start3A_91 = tpu.memref_slice %arg5[%multiple_of3A_86, %dma_start3A_90] : memref<10000x128xf32, #tpu.memory_space<hbm>> -> memref<1000x128xf32, #tpu.memory_space<hbm>>
          tpu.enqueue_dma source(%dma_start3A_91 : memref<1000x128xf32, #tpu.memory_space<hbm>>) target(%dma_start3A_89 : memref<1000x128xf32, #tpu.memory_space<vmem_shared>>) target_semaphore(%run_scoped3A_87 : memref<!tpu.dma_semaphore, #tpu.memory_space<semaphore_mem>>)
          %dma_wait3A_92 = arith.constant 0 : i32
          %dma_wait3A_93 = tpu.memref_slice %arg16[%multiple_of3A_86, %dma_wait3A_92] : memref<10000x128xf32, #tpu.memory_space<vmem_shared>> -> memref<1000x128xf32, #tpu.memory_space<vmem_shared>>
          %dma_wait3A_94 = arith.constant 0 : i32
          %dma_wait3A_95 = tpu.memref_slice %arg5[%multiple_of3A_86, %dma_wait3A_94] : memref<10000x128xf32, #tpu.memory_space<hbm>> -> memref<1000x128xf32, #tpu.memory_space<hbm>>
          tpu.wait_dma2 semaphore(%run_scoped3A_87 : memref<!tpu.dma_semaphore, #tpu.memory_space<semaphore_mem>>) src(%dma_wait3A_95 : memref<1000x128xf32, #tpu.memory_space<hbm>>) dst(%dma_wait3A_93 : memref<1000x128xf32, #tpu.memory_space<vmem_shared>>)
          tpu.yield
        }) : () -> ()
      } else {
      }
      %barrier3A = arith.constant 0 : index
      tpu.barrier barrier_id(%barrier3A)
      %run_scoped3A = arith.constant 0 : i32
      "tpu.region"() ({
        %run_scoped3A_84 = tpu.sem_alloc : memref<!tpu.dma_semaphore, #tpu.memory_space<semaphore_mem>>
        %dma_start3A_85 = arith.constant 0 : i32
        %dma_start3A_86 = arith.constant 0 : i32
        %dma_start3A_87 = tpu.memref_slice %arg4[%arg1, %run_scoped3A, %dma_start3A_85, %dma_start3A_86] : memref<16x125x2x80xi32, #tpu.memory_space<hbm>> -> memref<1x1x2x80xi32, #tpu.memory_space<hbm>>
        %dma_start3A_88 = tpu.memref_squeeze %dma_start3A_87 : memref<1x1x2x80xi32, #tpu.memory_space<hbm>> -> memref<2x80xi32, #tpu.memory_space<hbm>>
        %dma_start3A_89 = arith.constant 0 : i32
        %dma_start3A_90 = arith.constant 0 : i32
        %dma_start3A_91 = tpu.memref_slice %arg4[%arg1, %run_scoped3A, %dma_start3A_89, %dma_start3A_90] : memref<16x125x2x80xi32, #tpu.memory_space<hbm>> -> memref<1x1x2x80xi32, #tpu.memory_space<hbm>>
        %dma_start3A_92 = tpu.memref_squeeze %dma_start3A_91 : memref<1x1x2x80xi32, #tpu.memory_space<hbm>> -> memref<2x80xi32, #tpu.memory_space<hbm>>
        tpu.enqueue_dma source(%dma_start3A_92 : memref<2x80xi32, #tpu.memory_space<hbm>>) target(%arg8 : memref<2x80xi32, #tpu.memory_space<vmem>>) target_semaphore(%run_scoped3A_84 : memref<!tpu.dma_semaphore, #tpu.memory_space<semaphore_mem>>)
        %dma_wait3A_93 = arith.constant 0 : i32
        %dma_wait3A_94 = arith.constant 0 : i32
        %dma_wait3A_95 = tpu.memref_slice %arg4[%arg1, %run_scoped3A, %dma_wait3A_93, %dma_wait3A_94] : memref<16x125x2x80xi32, #tpu.memory_space<hbm>> -> memref<1x1x2x80xi32, #tpu.memory_space<hbm>>
        %dma_wait3A_96 = tpu.memref_squeeze %dma_wait3A_95 : memref<1x1x2x80xi32, #tpu.memory_space<hbm>> -> memref<2x80xi32, #tpu.memory_space<hbm>>
        %dma_wait3A_97 = arith.constant 0 : i32
        %dma_wait3A_98 = arith.constant 0 : i32
        %dma_wait3A_99 = tpu.memref_slice %arg4[%arg1, %run_scoped3A, %dma_wait3A_97, %dma_wait3A_98] : memref<16x125x2x80xi32, #tpu.memory_space<hbm>> -> memref<1x1x2x80xi32, #tpu.memory_space<hbm>>
        %dma_wait3A_100 = tpu.memref_squeeze %dma_wait3A_99 : memref<1x1x2x80xi32, #tpu.memory_space<hbm>> -> memref<2x80xi32, #tpu.memory_space<hbm>>
        tpu.wait_dma2 semaphore(%run_scoped3A_84 : memref<!tpu.dma_semaphore, #tpu.memory_space<semaphore_mem>>) src(%dma_wait3A_100 : memref<2x80xi32, #tpu.memory_space<hbm>>) dst(%arg8 : memref<2x80xi32, #tpu.memory_space<vmem>>)
        tpu.yield
      }) : () -> ()
      %dma_start3A = arith.constant 0 : i32
      %dma_start3A_11 = arith.constant 0 : i32
      %dma_start3A_12 = tpu.memref_slice %arg8[%dma_start3A, %dma_start3A_11] : memref<2x80xi32, #tpu.memory_space<vmem>> -> memref<1x80xi32, #tpu.memory_space<vmem>>
      %dma_start3A_13 = tpu.memref_squeeze %dma_start3A_12 : memref<1x80xi32, #tpu.memory_space<vmem>> -> memref<80xi32, #tpu.memory_space<vmem>>
      %dma_start3A_14 = arith.constant 0 : i32
      %dma_start3A_15 = arith.constant 0 : i32
      %dma_start3A_16 = tpu.memref_slice %arg3[%dma_start3A_14, %dma_start3A_15] : memref<10000x128xf32, #tpu.memory_space<hbm>> -> memref<10000x128xf32, #tpu.memory_space<hbm>>
      tpu.enqueue_indirect_dma source(%dma_start3A_16 : memref<10000x128xf32, #tpu.memory_space<hbm>>) target(%arg12 : memref<80x128xf32, #tpu.memory_space<vmem>>) offsets(%dma_start3A_13 : memref<80xi32, #tpu.memory_space<vmem>>) semaphore(%arg17 : memref<!tpu.dma_semaphore, #tpu.memory_space<semaphore_mem>>)
      %run_scoped3A_17 = arith.constant 1 : i32
      "tpu.region"() ({
        %run_scoped3A_84 = tpu.sem_alloc : memref<!tpu.dma_semaphore, #tpu.memory_space<semaphore_mem>>
        %dma_start3A_85 = arith.constant 0 : i32
        %dma_start3A_86 = arith.constant 0 : i32
        %dma_start3A_87 = tpu.memref_slice %arg4[%arg1, %run_scoped3A_17, %dma_start3A_85, %dma_start3A_86] : memref<16x125x2x80xi32, #tpu.memory_space<hbm>> -> memref<1x1x2x80xi32, #tpu.memory_space<hbm>>
        %dma_start3A_88 = tpu.memref_squeeze %dma_start3A_87 : memref<1x1x2x80xi32, #tpu.memory_space<hbm>> -> memref<2x80xi32, #tpu.memory_space<hbm>>
        %dma_start3A_89 = arith.constant 0 : i32
        %dma_start3A_90 = arith.constant 0 : i32
        %dma_start3A_91 = tpu.memref_slice %arg4[%arg1, %run_scoped3A_17, %dma_start3A_89, %dma_start3A_90] : memref<16x125x2x80xi32, #tpu.memory_space<hbm>> -> memref<1x1x2x80xi32, #tpu.memory_space<hbm>>
        %dma_start3A_92 = tpu.memref_squeeze %dma_start3A_91 : memref<1x1x2x80xi32, #tpu.memory_space<hbm>> -> memref<2x80xi32, #tpu.memory_space<hbm>>
        tpu.enqueue_dma source(%dma_start3A_92 : memref<2x80xi32, #tpu.memory_space<hbm>>) target(%arg9 : memref<2x80xi32, #tpu.memory_space<vmem>>) target_semaphore(%run_scoped3A_84 : memref<!tpu.dma_semaphore, #tpu.memory_space<semaphore_mem>>)
        %dma_wait3A_93 = arith.constant 0 : i32
        %dma_wait3A_94 = arith.constant 0 : i32
        %dma_wait3A_95 = tpu.memref_slice %arg4[%arg1, %run_scoped3A_17, %dma_wait3A_93, %dma_wait3A_94] : memref<16x125x2x80xi32, #tpu.memory_space<hbm>> -> memref<1x1x2x80xi32, #tpu.memory_space<hbm>>
        %dma_wait3A_96 = tpu.memref_squeeze %dma_wait3A_95 : memref<1x1x2x80xi32, #tpu.memory_space<hbm>> -> memref<2x80xi32, #tpu.memory_space<hbm>>
        %dma_wait3A_97 = arith.constant 0 : i32
        %dma_wait3A_98 = arith.constant 0 : i32
        %dma_wait3A_99 = tpu.memref_slice %arg4[%arg1, %run_scoped3A_17, %dma_wait3A_97, %dma_wait3A_98] : memref<16x125x2x80xi32, #tpu.memory_space<hbm>> -> memref<1x1x2x80xi32, #tpu.memory_space<hbm>>
        %dma_wait3A_100 = tpu.memref_squeeze %dma_wait3A_99 : memref<1x1x2x80xi32, #tpu.memory_space<hbm>> -> memref<2x80xi32, #tpu.memory_space<hbm>>
        tpu.wait_dma2 semaphore(%run_scoped3A_84 : memref<!tpu.dma_semaphore, #tpu.memory_space<semaphore_mem>>) src(%dma_wait3A_100 : memref<2x80xi32, #tpu.memory_space<hbm>>) dst(%arg9 : memref<2x80xi32, #tpu.memory_space<vmem>>)
        tpu.yield
      }) : () -> ()
      %dma_start3A_18 = arith.constant 0 : i32
      %dma_start3A_19 = arith.constant 0 : i32
      %dma_start3A_20 = tpu.memref_slice %arg9[%dma_start3A_18, %dma_start3A_19] : memref<2x80xi32, #tpu.memory_space<vmem>> -> memref<1x80xi32, #tpu.memory_space<vmem>>
      %dma_start3A_21 = tpu.memref_squeeze %dma_start3A_20 : memref<1x80xi32, #tpu.memory_space<vmem>> -> memref<80xi32, #tpu.memory_space<vmem>>
      %dma_start3A_22 = arith.constant 0 : i32
      %dma_start3A_23 = arith.constant 0 : i32
      %dma_start3A_24 = tpu.memref_slice %arg3[%dma_start3A_22, %dma_start3A_23] : memref<10000x128xf32, #tpu.memory_space<hbm>> -> memref<10000x128xf32, #tpu.memory_space<hbm>>
      tpu.enqueue_indirect_dma source(%dma_start3A_24 : memref<10000x128xf32, #tpu.memory_space<hbm>>) target(%arg13 : memref<80x128xf32, #tpu.memory_space<vmem>>) offsets(%dma_start3A_21 : memref<80xi32, #tpu.memory_space<vmem>>) semaphore(%arg18 : memref<!tpu.dma_semaphore, #tpu.memory_space<semaphore_mem>>)
      %run_scoped3A_25 = arith.constant 2 : i32
      "tpu.region"() ({
        %run_scoped3A_84 = tpu.sem_alloc : memref<!tpu.dma_semaphore, #tpu.memory_space<semaphore_mem>>
        %dma_start3A_85 = arith.constant 0 : i32
        %dma_start3A_86 = arith.constant 0 : i32
        %dma_start3A_87 = tpu.memref_slice %arg4[%arg1, %run_scoped3A_25, %dma_start3A_85, %dma_start3A_86] : memref<16x125x2x80xi32, #tpu.memory_space<hbm>> -> memref<1x1x2x80xi32, #tpu.memory_space<hbm>>
        %dma_start3A_88 = tpu.memref_squeeze %dma_start3A_87 : memref<1x1x2x80xi32, #tpu.memory_space<hbm>> -> memref<2x80xi32, #tpu.memory_space<hbm>>
        %dma_start3A_89 = arith.constant 0 : i32
        %dma_start3A_90 = arith.constant 0 : i32
        %dma_start3A_91 = tpu.memref_slice %arg4[%arg1, %run_scoped3A_25, %dma_start3A_89, %dma_start3A_90] : memref<16x125x2x80xi32, #tpu.memory_space<hbm>> -> memref<1x1x2x80xi32, #tpu.memory_space<hbm>>
        %dma_start3A_92 = tpu.memref_squeeze %dma_start3A_91 : memref<1x1x2x80xi32, #tpu.memory_space<hbm>> -> memref<2x80xi32, #tpu.memory_space<hbm>>
        tpu.enqueue_dma source(%dma_start3A_92 : memref<2x80xi32, #tpu.memory_space<hbm>>) target(%arg10 : memref<2x80xi32, #tpu.memory_space<vmem>>) target_semaphore(%run_scoped3A_84 : memref<!tpu.dma_semaphore, #tpu.memory_space<semaphore_mem>>)
        %dma_wait3A_93 = arith.constant 0 : i32
        %dma_wait3A_94 = arith.constant 0 : i32
        %dma_wait3A_95 = tpu.memref_slice %arg4[%arg1, %run_scoped3A_25, %dma_wait3A_93, %dma_wait3A_94] : memref<16x125x2x80xi32, #tpu.memory_space<hbm>> -> memref<1x1x2x80xi32, #tpu.memory_space<hbm>>
        %dma_wait3A_96 = tpu.memref_squeeze %dma_wait3A_95 : memref<1x1x2x80xi32, #tpu.memory_space<hbm>> -> memref<2x80xi32, #tpu.memory_space<hbm>>
        %dma_wait3A_97 = arith.constant 0 : i32
        %dma_wait3A_98 = arith.constant 0 : i32
        %dma_wait3A_99 = tpu.memref_slice %arg4[%arg1, %run_scoped3A_25, %dma_wait3A_97, %dma_wait3A_98] : memref<16x125x2x80xi32, #tpu.memory_space<hbm>> -> memref<1x1x2x80xi32, #tpu.memory_space<hbm>>
        %dma_wait3A_100 = tpu.memref_squeeze %dma_wait3A_99 : memref<1x1x2x80xi32, #tpu.memory_space<hbm>> -> memref<2x80xi32, #tpu.memory_space<hbm>>
        tpu.wait_dma2 semaphore(%run_scoped3A_84 : memref<!tpu.dma_semaphore, #tpu.memory_space<semaphore_mem>>) src(%dma_wait3A_100 : memref<2x80xi32, #tpu.memory_space<hbm>>) dst(%arg10 : memref<2x80xi32, #tpu.memory_space<vmem>>)
        tpu.yield
      }) : () -> ()
      %dma_start3A_26 = arith.constant 0 : i32
      %dma_start3A_27 = arith.constant 0 : i32
      %dma_start3A_28 = tpu.memref_slice %arg10[%dma_start3A_26, %dma_start3A_27] : memref<2x80xi32, #tpu.memory_space<vmem>> -> memref<1x80xi32, #tpu.memory_space<vmem>>
      %dma_start3A_29 = tpu.memref_squeeze %dma_start3A_28 : memref<1x80xi32, #tpu.memory_space<vmem>> -> memref<80xi32, #tpu.memory_space<vmem>>
      %dma_start3A_30 = arith.constant 0 : i32
      %dma_start3A_31 = arith.constant 0 : i32
      %dma_start3A_32 = tpu.memref_slice %arg3[%dma_start3A_30, %dma_start3A_31] : memref<10000x128xf32, #tpu.memory_space<hbm>> -> memref<10000x128xf32, #tpu.memory_space<hbm>>
      tpu.enqueue_indirect_dma source(%dma_start3A_32 : memref<10000x128xf32, #tpu.memory_space<hbm>>) target(%arg14 : memref<80x128xf32, #tpu.memory_space<vmem>>) offsets(%dma_start3A_29 : memref<80xi32, #tpu.memory_space<vmem>>) semaphore(%arg19 : memref<!tpu.dma_semaphore, #tpu.memory_space<semaphore_mem>>)
      %dma_wait3A = arith.constant 0 : i32
      %dma_wait3A_33 = arith.constant 0 : i32
      %dma_wait3A_34 = tpu.memref_slice %arg3[%dma_wait3A, %dma_wait3A_33] : memref<10000x128xf32, #tpu.memory_space<hbm>> -> memref<80x128xf32, #tpu.memory_space<hbm>>
      %dma_wait3A_35 = arith.constant 0 : i32
      %dma_wait3A_36 = arith.constant 0 : i32
      %dma_wait3A_37 = tpu.memref_slice %arg3[%dma_wait3A_35, %dma_wait3A_36] : memref<10000x128xf32, #tpu.memory_space<hbm>> -> memref<80x128xf32, #tpu.memory_space<hbm>>
      tpu.wait_dma2 semaphore(%arg17 : memref<!tpu.dma_semaphore, #tpu.memory_space<semaphore_mem>>) src(%dma_wait3A_37 : memref<80x128xf32, #tpu.memory_space<hbm>>) dst(%arg12 : memref<80x128xf32, #tpu.memory_space<vmem>>)
      %dma_start3A_38 = arith.constant 1 : i32
      %dma_start3A_39 = arith.constant 0 : i32
      %dma_start3A_40 = tpu.memref_slice %arg8[%dma_start3A_38, %dma_start3A_39] : memref<2x80xi32, #tpu.memory_space<vmem>> -> memref<1x80xi32, #tpu.memory_space<vmem>>
      %dma_start3A_41 = tpu.memref_squeeze %dma_start3A_40 : memref<1x80xi32, #tpu.memory_space<vmem>> -> memref<80xi32, #tpu.memory_space<vmem>>
      %dma_start3A_42 = arith.constant 0 : i32
      %dma_start3A_43 = arith.constant 0 : i32
      %dma_start3A_44 = tpu.memref_slice %arg16[%dma_start3A_42, %dma_start3A_43] : memref<10000x128xf32, #tpu.memory_space<vmem_shared>> -> memref<10000x128xf32, #tpu.memory_space<vmem_shared>>
      tpu.enqueue_indirect_dma source(%arg12 : memref<80x128xf32, #tpu.memory_space<vmem>>) target(%dma_start3A_44 : memref<10000x128xf32, #tpu.memory_space<vmem_shared>>) offsets(%dma_start3A_41 : memref<80xi32, #tpu.memory_space<vmem>>) semaphore(%arg21 : memref<!tpu.dma_semaphore, #tpu.memory_space<semaphore_mem>>) {add = true}
      %run_scoped3A_45 = arith.constant 3 : i32
      "tpu.region"() ({
        %run_scoped3A_84 = tpu.sem_alloc : memref<!tpu.dma_semaphore, #tpu.memory_space<semaphore_mem>>
        %dma_start3A_85 = arith.constant 0 : i32
        %dma_start3A_86 = arith.constant 0 : i32
        %dma_start3A_87 = tpu.memref_slice %arg4[%arg1, %run_scoped3A_45, %dma_start3A_85, %dma_start3A_86] : memref<16x125x2x80xi32, #tpu.memory_space<hbm>> -> memref<1x1x2x80xi32, #tpu.memory_space<hbm>>
        %dma_start3A_88 = tpu.memref_squeeze %dma_start3A_87 : memref<1x1x2x80xi32, #tpu.memory_space<hbm>> -> memref<2x80xi32, #tpu.memory_space<hbm>>
        %dma_start3A_89 = arith.constant 0 : i32
        %dma_start3A_90 = arith.constant 0 : i32
        %dma_start3A_91 = tpu.memref_slice %arg4[%arg1, %run_scoped3A_45, %dma_start3A_89, %dma_start3A_90] : memref<16x125x2x80xi32, #tpu.memory_space<hbm>> -> memref<1x1x2x80xi32, #tpu.memory_space<hbm>>
        %dma_start3A_92 = tpu.memref_squeeze %dma_start3A_91 : memref<1x1x2x80xi32, #tpu.memory_space<hbm>> -> memref<2x80xi32, #tpu.memory_space<hbm>>
        tpu.enqueue_dma source(%dma_start3A_92 : memref<2x80xi32, #tpu.memory_space<hbm>>) target(%arg11 : memref<2x80xi32, #tpu.memory_space<vmem>>) target_semaphore(%run_scoped3A_84 : memref<!tpu.dma_semaphore, #tpu.memory_space<semaphore_mem>>)
        %dma_wait3A_93 = arith.constant 0 : i32
        %dma_wait3A_94 = arith.constant 0 : i32
        %dma_wait3A_95 = tpu.memref_slice %arg4[%arg1, %run_scoped3A_45, %dma_wait3A_93, %dma_wait3A_94] : memref<16x125x2x80xi32, #tpu.memory_space<hbm>> -> memref<1x1x2x80xi32, #tpu.memory_space<hbm>>
        %dma_wait3A_96 = tpu.memref_squeeze %dma_wait3A_95 : memref<1x1x2x80xi32, #tpu.memory_space<hbm>> -> memref<2x80xi32, #tpu.memory_space<hbm>>
        %dma_wait3A_97 = arith.constant 0 : i32
        %dma_wait3A_98 = arith.constant 0 : i32
        %dma_wait3A_99 = tpu.memref_slice %arg4[%arg1, %run_scoped3A_45, %dma_wait3A_97, %dma_wait3A_98] : memref<16x125x2x80xi32, #tpu.memory_space<hbm>> -> memref<1x1x2x80xi32, #tpu.memory_space<hbm>>
        %dma_wait3A_100 = tpu.memref_squeeze %dma_wait3A_99 : memref<1x1x2x80xi32, #tpu.memory_space<hbm>> -> memref<2x80xi32, #tpu.memory_space<hbm>>
        tpu.wait_dma2 semaphore(%run_scoped3A_84 : memref<!tpu.dma_semaphore, #tpu.memory_space<semaphore_mem>>) src(%dma_wait3A_100 : memref<2x80xi32, #tpu.memory_space<hbm>>) dst(%arg11 : memref<2x80xi32, #tpu.memory_space<vmem>>)
        tpu.yield
      }) : () -> ()
      %dma_start3A_46 = arith.constant 0 : i32
      %dma_start3A_47 = arith.constant 0 : i32
      %dma_start3A_48 = tpu.memref_slice %arg11[%dma_start3A_46, %dma_start3A_47] : memref<2x80xi32, #tpu.memory_space<vmem>> -> memref<1x80xi32, #tpu.memory_space<vmem>>
      %dma_start3A_49 = tpu.memref_squeeze %dma_start3A_48 : memref<1x80xi32, #tpu.memory_space<vmem>> -> memref<80xi32, #tpu.memory_space<vmem>>
      %dma_start3A_50 = arith.constant 0 : i32
      %dma_start3A_51 = arith.constant 0 : i32
      %dma_start3A_52 = tpu.memref_slice %arg3[%dma_start3A_50, %dma_start3A_51] : memref<10000x128xf32, #tpu.memory_space<hbm>> -> memref<10000x128xf32, #tpu.memory_space<hbm>>
      tpu.enqueue_indirect_dma source(%dma_start3A_52 : memref<10000x128xf32, #tpu.memory_space<hbm>>) target(%arg15 : memref<80x128xf32, #tpu.memory_space<vmem>>) offsets(%dma_start3A_49 : memref<80xi32, #tpu.memory_space<vmem>>) semaphore(%arg20 : memref<!tpu.dma_semaphore, #tpu.memory_space<semaphore_mem>>)
      %dma_wait3A_53 = arith.constant 0 : i32
      %dma_wait3A_54 = arith.constant 0 : i32
      %dma_wait3A_55 = tpu.memref_slice %arg3[%dma_wait3A_53, %dma_wait3A_54] : memref<10000x128xf32, #tpu.memory_space<hbm>> -> memref<80x128xf32, #tpu.memory_space<hbm>>
      %dma_wait3A_56 = arith.constant 0 : i32
      %dma_wait3A_57 = arith.constant 0 : i32
      %dma_wait3A_58 = tpu.memref_slice %arg3[%dma_wait3A_56, %dma_wait3A_57] : memref<10000x128xf32, #tpu.memory_space<hbm>> -> memref<80x128xf32, #tpu.memory_space<hbm>>
      tpu.wait_dma2 semaphore(%arg18 : memref<!tpu.dma_semaphore, #tpu.memory_space<semaphore_mem>>) src(%dma_wait3A_58 : memref<80x128xf32, #tpu.memory_space<hbm>>) dst(%arg13 : memref<80x128xf32, #tpu.memory_space<vmem>>)
      %dma_start3A_59 = arith.constant 1 : i32
      %dma_start3A_60 = arith.constant 0 : i32
      %dma_start3A_61 = tpu.memref_slice %arg9[%dma_start3A_59, %dma_start3A_60] : memref<2x80xi32, #tpu.memory_space<vmem>> -> memref<1x80xi32, #tpu.memory_space<vmem>>
      %dma_start3A_62 = tpu.memref_squeeze %dma_start3A_61 : memref<1x80xi32, #tpu.memory_space<vmem>> -> memref<80xi32, #tpu.memory_space<vmem>>
      %dma_start3A_63 = arith.constant 0 : i32
      %dma_start3A_64 = arith.constant 0 : i32
      %dma_start3A_65 = tpu.memref_slice %arg16[%dma_start3A_63, %dma_start3A_64] : memref<10000x128xf32, #tpu.memory_space<vmem_shared>> -> memref<10000x128xf32, #tpu.memory_space<vmem_shared>>
      tpu.enqueue_indirect_dma source(%arg13 : memref<80x128xf32, #tpu.memory_space<vmem>>) target(%dma_start3A_65 : memref<10000x128xf32, #tpu.memory_space<vmem_shared>>) offsets(%dma_start3A_62 : memref<80xi32, #tpu.memory_space<vmem>>) semaphore(%arg22 : memref<!tpu.dma_semaphore, #tpu.memory_space<semaphore_mem>>) {add = true}
      %scan3A = arith.constant 0 : i32
      %scan3A_66 = arith.constant 0 : i32
      %scan3A_67 = arith.constant 31 : i32
      %scan3A_68 = arith.addi %scan3A_66, %scan3A_67 : i32
      %scan3A_69 = arith.constant 1 : i32
      scf.for %scan3A_84 = %scan3A_66 to %scan3A_68 step %scan3A_69  : i32 {
        %mul3A_85 = arith.constant 4 : i32
        %mul3A_86 = arith.muli %scan3A_84, %mul3A_85 : i32
        %add3A = arith.constant 4 : i32
        %add3A_87 = arith.addi %add3A, %mul3A_86 : i32
        %add3A_88 = arith.constant 0 : i32
        %add3A_89 = arith.addi %add3A_87, %add3A_88 : i32
        %sub3A = arith.constant 4 : i32
        %sub3A_90 = arith.subi %add3A_89, %sub3A : i32
        %lt3A_91 = arith.constant 124 : i32
        %lt3A_92 = arith.cmpi slt, %sub3A_90, %lt3A_91 : i32
        %convert_element_type3A_93 = arith.extui %lt3A_92 : i1 to i32
        %cond3A_94 = arith.constant 0 : i32
        %cond3A_95 = arith.cmpi ne, %convert_element_type3A_93, %cond3A_94 : i32
        scf.if %cond3A_95 {
          %dma_wait3A_171 = arith.constant 0 : i32
          %dma_wait3A_172 = arith.constant 0 : i32
          %dma_wait3A_173 = tpu.memref_slice %arg3[%dma_wait3A_171, %dma_wait3A_172] : memref<10000x128xf32, #tpu.memory_space<hbm>> -> memref<80x128xf32, #tpu.memory_space<hbm>>
          %dma_wait3A_174 = arith.constant 0 : i32
          %dma_wait3A_175 = arith.constant 0 : i32
          %dma_wait3A_176 = tpu.memref_slice %arg3[%dma_wait3A_174, %dma_wait3A_175] : memref<10000x128xf32, #tpu.memory_space<hbm>> -> memref<80x128xf32, #tpu.memory_space<hbm>>
          tpu.wait_dma2 semaphore(%arg21 : memref<!tpu.dma_semaphore, #tpu.memory_space<semaphore_mem>>) src(%dma_wait3A_176 : memref<80x128xf32, #tpu.memory_space<hbm>>) dst(%arg12 : memref<80x128xf32, #tpu.memory_space<vmem>>)
        } else {
        }
        %lt3A_96 = arith.constant 125 : i32
        %lt3A_97 = arith.cmpi slt, %add3A_89, %lt3A_96 : i32
        %convert_element_type3A_98 = arith.extui %lt3A_97 : i1 to i32
        %cond3A_99 = arith.constant 0 : i32
        %cond3A_100 = arith.cmpi ne, %convert_element_type3A_98, %cond3A_99 : i32
        scf.if %cond3A_100 {
          "tpu.region"() ({
            %run_scoped3A_178 = tpu.sem_alloc : memref<!tpu.dma_semaphore, #tpu.memory_space<semaphore_mem>>
            %dma_start3A_179 = arith.constant 0 : i32
            %dma_start3A_180 = arith.constant 0 : i32
            %dma_start3A_181 = tpu.memref_slice %arg4[%arg1, %add3A_89, %dma_start3A_179, %dma_start3A_180] : memref<16x125x2x80xi32, #tpu.memory_space<hbm>> -> memref<1x1x2x80xi32, #tpu.memory_space<hbm>>
            %dma_start3A_182 = tpu.memref_squeeze %dma_start3A_181 : memref<1x1x2x80xi32, #tpu.memory_space<hbm>> -> memref<2x80xi32, #tpu.memory_space<hbm>>
            %dma_start3A_183 = arith.constant 0 : i32
            %dma_start3A_184 = arith.constant 0 : i32
            %dma_start3A_185 = tpu.memref_slice %arg4[%arg1, %add3A_89, %dma_start3A_183, %dma_start3A_184] : memref<16x125x2x80xi32, #tpu.memory_space<hbm>> -> memref<1x1x2x80xi32, #tpu.memory_space<hbm>>
            %dma_start3A_186 = tpu.memref_squeeze %dma_start3A_185 : memref<1x1x2x80xi32, #tpu.memory_space<hbm>> -> memref<2x80xi32, #tpu.memory_space<hbm>>
            tpu.enqueue_dma source(%dma_start3A_186 : memref<2x80xi32, #tpu.memory_space<hbm>>) target(%arg8 : memref<2x80xi32, #tpu.memory_space<vmem>>) target_semaphore(%run_scoped3A_178 : memref<!tpu.dma_semaphore, #tpu.memory_space<semaphore_mem>>)
            %dma_wait3A_187 = arith.constant 0 : i32
            %dma_wait3A_188 = arith.constant 0 : i32
            %dma_wait3A_189 = tpu.memref_slice %arg4[%arg1, %add3A_89, %dma_wait3A_187, %dma_wait3A_188] : memref<16x125x2x80xi32, #tpu.memory_space<hbm>> -> memref<1x1x2x80xi32, #tpu.memory_space<hbm>>
            %dma_wait3A_190 = tpu.memref_squeeze %dma_wait3A_189 : memref<1x1x2x80xi32, #tpu.memory_space<hbm>> -> memref<2x80xi32, #tpu.memory_space<hbm>>
            %dma_wait3A_191 = arith.constant 0 : i32
            %dma_wait3A_192 = arith.constant 0 : i32
            %dma_wait3A_193 = tpu.memref_slice %arg4[%arg1, %add3A_89, %dma_wait3A_191, %dma_wait3A_192] : memref<16x125x2x80xi32, #tpu.memory_space<hbm>> -> memref<1x1x2x80xi32, #tpu.memory_space<hbm>>
            %dma_wait3A_194 = tpu.memref_squeeze %dma_wait3A_193 : memref<1x1x2x80xi32, #tpu.memory_space<hbm>> -> memref<2x80xi32, #tpu.memory_space<hbm>>
            tpu.wait_dma2 semaphore(%run_scoped3A_178 : memref<!tpu.dma_semaphore, #tpu.memory_space<semaphore_mem>>) src(%dma_wait3A_194 : memref<2x80xi32, #tpu.memory_space<hbm>>) dst(%arg8 : memref<2x80xi32, #tpu.memory_space<vmem>>)
            tpu.yield
          }) : () -> ()
          %dma_start3A_171 = arith.constant 0 : i32
          %dma_start3A_172 = arith.constant 0 : i32
          %dma_start3A_173 = tpu.memref_slice %arg8[%dma_start3A_171, %dma_start3A_172] : memref<2x80xi32, #tpu.memory_space<vmem>> -> memref<1x80xi32, #tpu.memory_space<vmem>>
          %dma_start3A_174 = tpu.memref_squeeze %dma_start3A_173 : memref<1x80xi32, #tpu.memory_space<vmem>> -> memref<80xi32, #tpu.memory_space<vmem>>
          %dma_start3A_175 = arith.constant 0 : i32
          %dma_start3A_176 = arith.constant 0 : i32
          %dma_start3A_177 = tpu.memref_slice %arg3[%dma_start3A_175, %dma_start3A_176] : memref<10000x128xf32, #tpu.memory_space<hbm>> -> memref<10000x128xf32, #tpu.memory_space<hbm>>
          tpu.enqueue_indirect_dma source(%dma_start3A_177 : memref<10000x128xf32, #tpu.memory_space<hbm>>) target(%arg12 : memref<80x128xf32, #tpu.memory_space<vmem>>) offsets(%dma_start3A_174 : memref<80xi32, #tpu.memory_space<vmem>>) semaphore(%arg17 : memref<!tpu.dma_semaphore, #tpu.memory_space<semaphore_mem>>)
        } else {
        }
        %sub3A_101 = arith.constant 2 : i32
        %sub3A_102 = arith.subi %add3A_89, %sub3A_101 : i32
        %lt3A_103 = arith.constant 125 : i32
        %lt3A_104 = arith.cmpi slt, %sub3A_102, %lt3A_103 : i32
        %convert_element_type3A_105 = arith.extui %lt3A_104 : i1 to i32
        %cond3A_106 = arith.constant 0 : i32
        %cond3A_107 = arith.cmpi ne, %convert_element_type3A_105, %cond3A_106 : i32
        scf.if %cond3A_107 {
          %dma_wait3A_171 = arith.constant 0 : i32
          %dma_wait3A_172 = arith.constant 0 : i32
          %dma_wait3A_173 = tpu.memref_slice %arg3[%dma_wait3A_171, %dma_wait3A_172] : memref<10000x128xf32, #tpu.memory_space<hbm>> -> memref<80x128xf32, #tpu.memory_space<hbm>>
          %dma_wait3A_174 = arith.constant 0 : i32
          %dma_wait3A_175 = arith.constant 0 : i32
          %dma_wait3A_176 = tpu.memref_slice %arg3[%dma_wait3A_174, %dma_wait3A_175] : memref<10000x128xf32, #tpu.memory_space<hbm>> -> memref<80x128xf32, #tpu.memory_space<hbm>>
          tpu.wait_dma2 semaphore(%arg19 : memref<!tpu.dma_semaphore, #tpu.memory_space<semaphore_mem>>) src(%dma_wait3A_176 : memref<80x128xf32, #tpu.memory_space<hbm>>) dst(%arg14 : memref<80x128xf32, #tpu.memory_space<vmem>>)
          %dma_start3A_177 = arith.constant 1 : i32
          %dma_start3A_178 = arith.constant 0 : i32
          %dma_start3A_179 = tpu.memref_slice %arg10[%dma_start3A_177, %dma_start3A_178] : memref<2x80xi32, #tpu.memory_space<vmem>> -> memref<1x80xi32, #tpu.memory_space<vmem>>
          %dma_start3A_180 = tpu.memref_squeeze %dma_start3A_179 : memref<1x80xi32, #tpu.memory_space<vmem>> -> memref<80xi32, #tpu.memory_space<vmem>>
          %dma_start3A_181 = arith.constant 0 : i32
          %dma_start3A_182 = arith.constant 0 : i32
          %dma_start3A_183 = tpu.memref_slice %arg16[%dma_start3A_181, %dma_start3A_182] : memref<10000x128xf32, #tpu.memory_space<vmem_shared>> -> memref<10000x128xf32, #tpu.memory_space<vmem_shared>>
          tpu.enqueue_indirect_dma source(%arg14 : memref<80x128xf32, #tpu.memory_space<vmem>>) target(%dma_start3A_183 : memref<10000x128xf32, #tpu.memory_space<vmem_shared>>) offsets(%dma_start3A_180 : memref<80xi32, #tpu.memory_space<vmem>>) semaphore(%arg23 : memref<!tpu.dma_semaphore, #tpu.memory_space<semaphore_mem>>) {add = true}
        } else {
        }
        %add3A_108 = arith.constant 1 : i32
        %add3A_109 = arith.addi %add3A_87, %add3A_108 : i32
        %sub3A_110 = arith.constant 4 : i32
        %sub3A_111 = arith.subi %add3A_109, %sub3A_110 : i32
        %lt3A_112 = arith.constant 124 : i32
        %lt3A_113 = arith.cmpi slt, %sub3A_111, %lt3A_112 : i32
        %convert_element_type3A_114 = arith.extui %lt3A_113 : i1 to i32
        %cond3A_115 = arith.constant 0 : i32
        %cond3A_116 = arith.cmpi ne, %convert_element_type3A_114, %cond3A_115 : i32
        scf.if %cond3A_116 {
          %dma_wait3A_171 = arith.constant 0 : i32
          %dma_wait3A_172 = arith.constant 0 : i32
          %dma_wait3A_173 = tpu.memref_slice %arg3[%dma_wait3A_171, %dma_wait3A_172] : memref<10000x128xf32, #tpu.memory_space<hbm>> -> memref<80x128xf32, #tpu.memory_space<hbm>>
          %dma_wait3A_174 = arith.constant 0 : i32
          %dma_wait3A_175 = arith.constant 0 : i32
          %dma_wait3A_176 = tpu.memref_slice %arg3[%dma_wait3A_174, %dma_wait3A_175] : memref<10000x128xf32, #tpu.memory_space<hbm>> -> memref<80x128xf32, #tpu.memory_space<hbm>>
          tpu.wait_dma2 semaphore(%arg22 : memref<!tpu.dma_semaphore, #tpu.memory_space<semaphore_mem>>) src(%dma_wait3A_176 : memref<80x128xf32, #tpu.memory_space<hbm>>) dst(%arg13 : memref<80x128xf32, #tpu.memory_space<vmem>>)
        } else {
        }
        %lt3A_117 = arith.constant 125 : i32
        %lt3A_118 = arith.cmpi slt, %add3A_109, %lt3A_117 : i32
        %convert_element_type3A_119 = arith.extui %lt3A_118 : i1 to i32
        %cond3A_120 = arith.constant 0 : i32
        %cond3A_121 = arith.cmpi ne, %convert_element_type3A_119, %cond3A_120 : i32
        scf.if %cond3A_121 {
          "tpu.region"() ({
            %run_scoped3A_178 = tpu.sem_alloc : memref<!tpu.dma_semaphore, #tpu.memory_space<semaphore_mem>>
            %dma_start3A_179 = arith.constant 0 : i32
            %dma_start3A_180 = arith.constant 0 : i32
            %dma_start3A_181 = tpu.memref_slice %arg4[%arg1, %add3A_109, %dma_start3A_179, %dma_start3A_180] : memref<16x125x2x80xi32, #tpu.memory_space<hbm>> -> memref<1x1x2x80xi32, #tpu.memory_space<hbm>>
            %dma_start3A_182 = tpu.memref_squeeze %dma_start3A_181 : memref<1x1x2x80xi32, #tpu.memory_space<hbm>> -> memref<2x80xi32, #tpu.memory_space<hbm>>
            %dma_start3A_183 = arith.constant 0 : i32
            %dma_start3A_184 = arith.constant 0 : i32
            %dma_start3A_185 = tpu.memref_slice %arg4[%arg1, %add3A_109, %dma_start3A_183, %dma_start3A_184] : memref<16x125x2x80xi32, #tpu.memory_space<hbm>> -> memref<1x1x2x80xi32, #tpu.memory_space<hbm>>
            %dma_start3A_186 = tpu.memref_squeeze %dma_start3A_185 : memref<1x1x2x80xi32, #tpu.memory_space<hbm>> -> memref<2x80xi32, #tpu.memory_space<hbm>>
            tpu.enqueue_dma source(%dma_start3A_186 : memref<2x80xi32, #tpu.memory_space<hbm>>) target(%arg9 : memref<2x80xi32, #tpu.memory_space<vmem>>) target_semaphore(%run_scoped3A_178 : memref<!tpu.dma_semaphore, #tpu.memory_space<semaphore_mem>>)
            %dma_wait3A_187 = arith.constant 0 : i32
            %dma_wait3A_188 = arith.constant 0 : i32
            %dma_wait3A_189 = tpu.memref_slice %arg4[%arg1, %add3A_109, %dma_wait3A_187, %dma_wait3A_188] : memref<16x125x2x80xi32, #tpu.memory_space<hbm>> -> memref<1x1x2x80xi32, #tpu.memory_space<hbm>>
            %dma_wait3A_190 = tpu.memref_squeeze %dma_wait3A_189 : memref<1x1x2x80xi32, #tpu.memory_space<hbm>> -> memref<2x80xi32, #tpu.memory_space<hbm>>
            %dma_wait3A_191 = arith.constant 0 : i32
            %dma_wait3A_192 = arith.constant 0 : i32
            %dma_wait3A_193 = tpu.memref_slice %arg4[%arg1, %add3A_109, %dma_wait3A_191, %dma_wait3A_192] : memref<16x125x2x80xi32, #tpu.memory_space<hbm>> -> memref<1x1x2x80xi32, #tpu.memory_space<hbm>>
            %dma_wait3A_194 = tpu.memref_squeeze %dma_wait3A_193 : memref<1x1x2x80xi32, #tpu.memory_space<hbm>> -> memref<2x80xi32, #tpu.memory_space<hbm>>
            tpu.wait_dma2 semaphore(%run_scoped3A_178 : memref<!tpu.dma_semaphore, #tpu.memory_space<semaphore_mem>>) src(%dma_wait3A_194 : memref<2x80xi32, #tpu.memory_space<hbm>>) dst(%arg9 : memref<2x80xi32, #tpu.memory_space<vmem>>)
            tpu.yield
          }) : () -> ()
          %dma_start3A_171 = arith.constant 0 : i32
          %dma_start3A_172 = arith.constant 0 : i32
          %dma_start3A_173 = tpu.memref_slice %arg9[%dma_start3A_171, %dma_start3A_172] : memref<2x80xi32, #tpu.memory_space<vmem>> -> memref<1x80xi32, #tpu.memory_space<vmem>>
          %dma_start3A_174 = tpu.memref_squeeze %dma_start3A_173 : memref<1x80xi32, #tpu.memory_space<vmem>> -> memref<80xi32, #tpu.memory_space<vmem>>
          %dma_start3A_175 = arith.constant 0 : i32
          %dma_start3A_176 = arith.constant 0 : i32
          %dma_start3A_177 = tpu.memref_slice %arg3[%dma_start3A_175, %dma_start3A_176] : memref<10000x128xf32, #tpu.memory_space<hbm>> -> memref<10000x128xf32, #tpu.memory_space<hbm>>
          tpu.enqueue_indirect_dma source(%dma_start3A_177 : memref<10000x128xf32, #tpu.memory_space<hbm>>) target(%arg13 : memref<80x128xf32, #tpu.memory_space<vmem>>) offsets(%dma_start3A_174 : memref<80xi32, #tpu.memory_space<vmem>>) semaphore(%arg18 : memref<!tpu.dma_semaphore, #tpu.memory_space<semaphore_mem>>)
        } else {
        }
        %sub3A_122 = arith.constant 2 : i32
        %sub3A_123 = arith.subi %add3A_109, %sub3A_122 : i32
        %lt3A_124 = arith.constant 125 : i32
        %lt3A_125 = arith.cmpi slt, %sub3A_123, %lt3A_124 : i32
        %convert_element_type3A_126 = arith.extui %lt3A_125 : i1 to i32
        %cond3A_127 = arith.constant 0 : i32
        %cond3A_128 = arith.cmpi ne, %convert_element_type3A_126, %cond3A_127 : i32
        scf.if %cond3A_128 {
          %dma_wait3A_171 = arith.constant 0 : i32
          %dma_wait3A_172 = arith.constant 0 : i32
          %dma_wait3A_173 = tpu.memref_slice %arg3[%dma_wait3A_171, %dma_wait3A_172] : memref<10000x128xf32, #tpu.memory_space<hbm>> -> memref<80x128xf32, #tpu.memory_space<hbm>>
          %dma_wait3A_174 = arith.constant 0 : i32
          %dma_wait3A_175 = arith.constant 0 : i32
          %dma_wait3A_176 = tpu.memref_slice %arg3[%dma_wait3A_174, %dma_wait3A_175] : memref<10000x128xf32, #tpu.memory_space<hbm>> -> memref<80x128xf32, #tpu.memory_space<hbm>>
          tpu.wait_dma2 semaphore(%arg20 : memref<!tpu.dma_semaphore, #tpu.memory_space<semaphore_mem>>) src(%dma_wait3A_176 : memref<80x128xf32, #tpu.memory_space<hbm>>) dst(%arg15 : memref<80x128xf32, #tpu.memory_space<vmem>>)
          %dma_start3A_177 = arith.constant 1 : i32
          %dma_start3A_178 = arith.constant 0 : i32
          %dma_start3A_179 = tpu.memref_slice %arg11[%dma_start3A_177, %dma_start3A_178] : memref<2x80xi32, #tpu.memory_space<vmem>> -> memref<1x80xi32, #tpu.memory_space<vmem>>
          %dma_start3A_180 = tpu.memref_squeeze %dma_start3A_179 : memref<1x80xi32, #tpu.memory_space<vmem>> -> memref<80xi32, #tpu.memory_space<vmem>>
          %dma_start3A_181 = arith.constant 0 : i32
          %dma_start3A_182 = arith.constant 0 : i32
          %dma_start3A_183 = tpu.memref_slice %arg16[%dma_start3A_181, %dma_start3A_182] : memref<10000x128xf32, #tpu.memory_space<vmem_shared>> -> memref<10000x128xf32, #tpu.memory_space<vmem_shared>>
          tpu.enqueue_indirect_dma source(%arg15 : memref<80x128xf32, #tpu.memory_space<vmem>>) target(%dma_start3A_183 : memref<10000x128xf32, #tpu.memory_space<vmem_shared>>) offsets(%dma_start3A_180 : memref<80xi32, #tpu.memory_space<vmem>>) semaphore(%arg24 : memref<!tpu.dma_semaphore, #tpu.memory_space<semaphore_mem>>) {add = true}
        } else {
        }
        %add3A_129 = arith.constant 2 : i32
        %add3A_130 = arith.addi %add3A_87, %add3A_129 : i32
        %sub3A_131 = arith.constant 4 : i32
        %sub3A_132 = arith.subi %add3A_130, %sub3A_131 : i32
        %lt3A_133 = arith.constant 124 : i32
        %lt3A_134 = arith.cmpi slt, %sub3A_132, %lt3A_133 : i32
        %convert_element_type3A_135 = arith.extui %lt3A_134 : i1 to i32
        %cond3A_136 = arith.constant 0 : i32
        %cond3A_137 = arith.cmpi ne, %convert_element_type3A_135, %cond3A_136 : i32
        scf.if %cond3A_137 {
          %dma_wait3A_171 = arith.constant 0 : i32
          %dma_wait3A_172 = arith.constant 0 : i32
          %dma_wait3A_173 = tpu.memref_slice %arg3[%dma_wait3A_171, %dma_wait3A_172] : memref<10000x128xf32, #tpu.memory_space<hbm>> -> memref<80x128xf32, #tpu.memory_space<hbm>>
          %dma_wait3A_174 = arith.constant 0 : i32
          %dma_wait3A_175 = arith.constant 0 : i32
          %dma_wait3A_176 = tpu.memref_slice %arg3[%dma_wait3A_174, %dma_wait3A_175] : memref<10000x128xf32, #tpu.memory_space<hbm>> -> memref<80x128xf32, #tpu.memory_space<hbm>>
          tpu.wait_dma2 semaphore(%arg23 : memref<!tpu.dma_semaphore, #tpu.memory_space<semaphore_mem>>) src(%dma_wait3A_176 : memref<80x128xf32, #tpu.memory_space<hbm>>) dst(%arg14 : memref<80x128xf32, #tpu.memory_space<vmem>>)
        } else {
        }
        %lt3A_138 = arith.constant 125 : i32
        %lt3A_139 = arith.cmpi slt, %add3A_130, %lt3A_138 : i32
        %convert_element_type3A_140 = arith.extui %lt3A_139 : i1 to i32
        %cond3A_141 = arith.constant 0 : i32
        %cond3A_142 = arith.cmpi ne, %convert_element_type3A_140, %cond3A_141 : i32
        scf.if %cond3A_142 {
          "tpu.region"() ({
            %run_scoped3A_178 = tpu.sem_alloc : memref<!tpu.dma_semaphore, #tpu.memory_space<semaphore_mem>>
            %dma_start3A_179 = arith.constant 0 : i32
            %dma_start3A_180 = arith.constant 0 : i32
            %dma_start3A_181 = tpu.memref_slice %arg4[%arg1, %add3A_130, %dma_start3A_179, %dma_start3A_180] : memref<16x125x2x80xi32, #tpu.memory_space<hbm>> -> memref<1x1x2x80xi32, #tpu.memory_space<hbm>>
            %dma_start3A_182 = tpu.memref_squeeze %dma_start3A_181 : memref<1x1x2x80xi32, #tpu.memory_space<hbm>> -> memref<2x80xi32, #tpu.memory_space<hbm>>
            %dma_start3A_183 = arith.constant 0 : i32
            %dma_start3A_184 = arith.constant 0 : i32
            %dma_start3A_185 = tpu.memref_slice %arg4[%arg1, %add3A_130, %dma_start3A_183, %dma_start3A_184] : memref<16x125x2x80xi32, #tpu.memory_space<hbm>> -> memref<1x1x2x80xi32, #tpu.memory_space<hbm>>
            %dma_start3A_186 = tpu.memref_squeeze %dma_start3A_185 : memref<1x1x2x80xi32, #tpu.memory_space<hbm>> -> memref<2x80xi32, #tpu.memory_space<hbm>>
            tpu.enqueue_dma source(%dma_start3A_186 : memref<2x80xi32, #tpu.memory_space<hbm>>) target(%arg10 : memref<2x80xi32, #tpu.memory_space<vmem>>) target_semaphore(%run_scoped3A_178 : memref<!tpu.dma_semaphore, #tpu.memory_space<semaphore_mem>>)
            %dma_wait3A_187 = arith.constant 0 : i32
            %dma_wait3A_188 = arith.constant 0 : i32
            %dma_wait3A_189 = tpu.memref_slice %arg4[%arg1, %add3A_130, %dma_wait3A_187, %dma_wait3A_188] : memref<16x125x2x80xi32, #tpu.memory_space<hbm>> -> memref<1x1x2x80xi32, #tpu.memory_space<hbm>>
            %dma_wait3A_190 = tpu.memref_squeeze %dma_wait3A_189 : memref<1x1x2x80xi32, #tpu.memory_space<hbm>> -> memref<2x80xi32, #tpu.memory_space<hbm>>
            %dma_wait3A_191 = arith.constant 0 : i32
            %dma_wait3A_192 = arith.constant 0 : i32
            %dma_wait3A_193 = tpu.memref_slice %arg4[%arg1, %add3A_130, %dma_wait3A_191, %dma_wait3A_192] : memref<16x125x2x80xi32, #tpu.memory_space<hbm>> -> memref<1x1x2x80xi32, #tpu.memory_space<hbm>>
            %dma_wait3A_194 = tpu.memref_squeeze %dma_wait3A_193 : memref<1x1x2x80xi32, #tpu.memory_space<hbm>> -> memref<2x80xi32, #tpu.memory_space<hbm>>
            tpu.wait_dma2 semaphore(%run_scoped3A_178 : memref<!tpu.dma_semaphore, #tpu.memory_space<semaphore_mem>>) src(%dma_wait3A_194 : memref<2x80xi32, #tpu.memory_space<hbm>>) dst(%arg10 : memref<2x80xi32, #tpu.memory_space<vmem>>)
            tpu.yield
          }) : () -> ()
          %dma_start3A_171 = arith.constant 0 : i32
          %dma_start3A_172 = arith.constant 0 : i32
          %dma_start3A_173 = tpu.memref_slice %arg10[%dma_start3A_171, %dma_start3A_172] : memref<2x80xi32, #tpu.memory_space<vmem>> -> memref<1x80xi32, #tpu.memory_space<vmem>>
          %dma_start3A_174 = tpu.memref_squeeze %dma_start3A_173 : memref<1x80xi32, #tpu.memory_space<vmem>> -> memref<80xi32, #tpu.memory_space<vmem>>
          %dma_start3A_175 = arith.constant 0 : i32
          %dma_start3A_176 = arith.constant 0 : i32
          %dma_start3A_177 = tpu.memref_slice %arg3[%dma_start3A_175, %dma_start3A_176] : memref<10000x128xf32, #tpu.memory_space<hbm>> -> memref<10000x128xf32, #tpu.memory_space<hbm>>
          tpu.enqueue_indirect_dma source(%dma_start3A_177 : memref<10000x128xf32, #tpu.memory_space<hbm>>) target(%arg14 : memref<80x128xf32, #tpu.memory_space<vmem>>) offsets(%dma_start3A_174 : memref<80xi32, #tpu.memory_space<vmem>>) semaphore(%arg19 : memref<!tpu.dma_semaphore, #tpu.memory_space<semaphore_mem>>)
        } else {
        }
        %sub3A_143 = arith.constant 2 : i32
        %sub3A_144 = arith.subi %add3A_130, %sub3A_143 : i32
        %lt3A_145 = arith.constant 125 : i32
        %lt3A_146 = arith.cmpi slt, %sub3A_144, %lt3A_145 : i32
        %convert_element_type3A_147 = arith.extui %lt3A_146 : i1 to i32
        %cond3A_148 = arith.constant 0 : i32
        %cond3A_149 = arith.cmpi ne, %convert_element_type3A_147, %cond3A_148 : i32
        scf.if %cond3A_149 {
          %dma_wait3A_171 = arith.constant 0 : i32
          %dma_wait3A_172 = arith.constant 0 : i32
          %dma_wait3A_173 = tpu.memref_slice %arg3[%dma_wait3A_171, %dma_wait3A_172] : memref<10000x128xf32, #tpu.memory_space<hbm>> -> memref<80x128xf32, #tpu.memory_space<hbm>>
          %dma_wait3A_174 = arith.constant 0 : i32
          %dma_wait3A_175 = arith.constant 0 : i32
          %dma_wait3A_176 = tpu.memref_slice %arg3[%dma_wait3A_174, %dma_wait3A_175] : memref<10000x128xf32, #tpu.memory_space<hbm>> -> memref<80x128xf32, #tpu.memory_space<hbm>>
          tpu.wait_dma2 semaphore(%arg17 : memref<!tpu.dma_semaphore, #tpu.memory_space<semaphore_mem>>) src(%dma_wait3A_176 : memref<80x128xf32, #tpu.memory_space<hbm>>) dst(%arg12 : memref<80x128xf32, #tpu.memory_space<vmem>>)
          %dma_start3A_177 = arith.constant 1 : i32
          %dma_start3A_178 = arith.constant 0 : i32
          %dma_start3A_179 = tpu.memref_slice %arg8[%dma_start3A_177, %dma_start3A_178] : memref<2x80xi32, #tpu.memory_space<vmem>> -> memref<1x80xi32, #tpu.memory_space<vmem>>
          %dma_start3A_180 = tpu.memref_squeeze %dma_start3A_179 : memref<1x80xi32, #tpu.memory_space<vmem>> -> memref<80xi32, #tpu.memory_space<vmem>>
          %dma_start3A_181 = arith.constant 0 : i32
          %dma_start3A_182 = arith.constant 0 : i32
          %dma_start3A_183 = tpu.memref_slice %arg16[%dma_start3A_181, %dma_start3A_182] : memref<10000x128xf32, #tpu.memory_space<vmem_shared>> -> memref<10000x128xf32, #tpu.memory_space<vmem_shared>>
          tpu.enqueue_indirect_dma source(%arg12 : memref<80x128xf32, #tpu.memory_space<vmem>>) target(%dma_start3A_183 : memref<10000x128xf32, #tpu.memory_space<vmem_shared>>) offsets(%dma_start3A_180 : memref<80xi32, #tpu.memory_space<vmem>>) semaphore(%arg21 : memref<!tpu.dma_semaphore, #tpu.memory_space<semaphore_mem>>) {add = true}
        } else {
        }
        %add3A_150 = arith.constant 3 : i32
        %add3A_151 = arith.addi %add3A_87, %add3A_150 : i32
        %sub3A_152 = arith.constant 4 : i32
        %sub3A_153 = arith.subi %add3A_151, %sub3A_152 : i32
        %lt3A_154 = arith.constant 124 : i32
        %lt3A_155 = arith.cmpi slt, %sub3A_153, %lt3A_154 : i32
        %convert_element_type3A_156 = arith.extui %lt3A_155 : i1 to i32
        %cond3A_157 = arith.constant 0 : i32
        %cond3A_158 = arith.cmpi ne, %convert_element_type3A_156, %cond3A_157 : i32
        scf.if %cond3A_158 {
          %dma_wait3A_171 = arith.constant 0 : i32
          %dma_wait3A_172 = arith.constant 0 : i32
          %dma_wait3A_173 = tpu.memref_slice %arg3[%dma_wait3A_171, %dma_wait3A_172] : memref<10000x128xf32, #tpu.memory_space<hbm>> -> memref<80x128xf32, #tpu.memory_space<hbm>>
          %dma_wait3A_174 = arith.constant 0 : i32
          %dma_wait3A_175 = arith.constant 0 : i32
          %dma_wait3A_176 = tpu.memref_slice %arg3[%dma_wait3A_174, %dma_wait3A_175] : memref<10000x128xf32, #tpu.memory_space<hbm>> -> memref<80x128xf32, #tpu.memory_space<hbm>>
          tpu.wait_dma2 semaphore(%arg24 : memref<!tpu.dma_semaphore, #tpu.memory_space<semaphore_mem>>) src(%dma_wait3A_176 : memref<80x128xf32, #tpu.memory_space<hbm>>) dst(%arg15 : memref<80x128xf32, #tpu.memory_space<vmem>>)
        } else {
        }
        %lt3A_159 = arith.constant 125 : i32
        %lt3A_160 = arith.cmpi slt, %add3A_151, %lt3A_159 : i32
        %convert_element_type3A_161 = arith.extui %lt3A_160 : i1 to i32
        %cond3A_162 = arith.constant 0 : i32
        %cond3A_163 = arith.cmpi ne, %convert_element_type3A_161, %cond3A_162 : i32
        scf.if %cond3A_163 {
          "tpu.region"() ({
            %run_scoped3A_178 = tpu.sem_alloc : memref<!tpu.dma_semaphore, #tpu.memory_space<semaphore_mem>>
            %dma_start3A_179 = arith.constant 0 : i32
            %dma_start3A_180 = arith.constant 0 : i32
            %dma_start3A_181 = tpu.memref_slice %arg4[%arg1, %add3A_151, %dma_start3A_179, %dma_start3A_180] : memref<16x125x2x80xi32, #tpu.memory_space<hbm>> -> memref<1x1x2x80xi32, #tpu.memory_space<hbm>>
            %dma_start3A_182 = tpu.memref_squeeze %dma_start3A_181 : memref<1x1x2x80xi32, #tpu.memory_space<hbm>> -> memref<2x80xi32, #tpu.memory_space<hbm>>
            %dma_start3A_183 = arith.constant 0 : i32
            %dma_start3A_184 = arith.constant 0 : i32
            %dma_start3A_185 = tpu.memref_slice %arg4[%arg1, %add3A_151, %dma_start3A_183, %dma_start3A_184] : memref<16x125x2x80xi32, #tpu.memory_space<hbm>> -> memref<1x1x2x80xi32, #tpu.memory_space<hbm>>
            %dma_start3A_186 = tpu.memref_squeeze %dma_start3A_185 : memref<1x1x2x80xi32, #tpu.memory_space<hbm>> -> memref<2x80xi32, #tpu.memory_space<hbm>>
            tpu.enqueue_dma source(%dma_start3A_186 : memref<2x80xi32, #tpu.memory_space<hbm>>) target(%arg11 : memref<2x80xi32, #tpu.memory_space<vmem>>) target_semaphore(%run_scoped3A_178 : memref<!tpu.dma_semaphore, #tpu.memory_space<semaphore_mem>>)
            %dma_wait3A_187 = arith.constant 0 : i32
            %dma_wait3A_188 = arith.constant 0 : i32
            %dma_wait3A_189 = tpu.memref_slice %arg4[%arg1, %add3A_151, %dma_wait3A_187, %dma_wait3A_188] : memref<16x125x2x80xi32, #tpu.memory_space<hbm>> -> memref<1x1x2x80xi32, #tpu.memory_space<hbm>>
            %dma_wait3A_190 = tpu.memref_squeeze %dma_wait3A_189 : memref<1x1x2x80xi32, #tpu.memory_space<hbm>> -> memref<2x80xi32, #tpu.memory_space<hbm>>
            %dma_wait3A_191 = arith.constant 0 : i32
            %dma_wait3A_192 = arith.constant 0 : i32
            %dma_wait3A_193 = tpu.memref_slice %arg4[%arg1, %add3A_151, %dma_wait3A_191, %dma_wait3A_192] : memref<16x125x2x80xi32, #tpu.memory_space<hbm>> -> memref<1x1x2x80xi32, #tpu.memory_space<hbm>>
            %dma_wait3A_194 = tpu.memref_squeeze %dma_wait3A_193 : memref<1x1x2x80xi32, #tpu.memory_space<hbm>> -> memref<2x80xi32, #tpu.memory_space<hbm>>
            tpu.wait_dma2 semaphore(%run_scoped3A_178 : memref<!tpu.dma_semaphore, #tpu.memory_space<semaphore_mem>>) src(%dma_wait3A_194 : memref<2x80xi32, #tpu.memory_space<hbm>>) dst(%arg11 : memref<2x80xi32, #tpu.memory_space<vmem>>)
            tpu.yield
          }) : () -> ()
          %dma_start3A_171 = arith.constant 0 : i32
          %dma_start3A_172 = arith.constant 0 : i32
          %dma_start3A_173 = tpu.memref_slice %arg11[%dma_start3A_171, %dma_start3A_172] : memref<2x80xi32, #tpu.memory_space<vmem>> -> memref<1x80xi32, #tpu.memory_space<vmem>>
          %dma_start3A_174 = tpu.memref_squeeze %dma_start3A_173 : memref<1x80xi32, #tpu.memory_space<vmem>> -> memref<80xi32, #tpu.memory_space<vmem>>
          %dma_start3A_175 = arith.constant 0 : i32
          %dma_start3A_176 = arith.constant 0 : i32
          %dma_start3A_177 = tpu.memref_slice %arg3[%dma_start3A_175, %dma_start3A_176] : memref<10000x128xf32, #tpu.memory_space<hbm>> -> memref<10000x128xf32, #tpu.memory_space<hbm>>
          tpu.enqueue_indirect_dma source(%dma_start3A_177 : memref<10000x128xf32, #tpu.memory_space<hbm>>) target(%arg15 : memref<80x128xf32, #tpu.memory_space<vmem>>) offsets(%dma_start3A_174 : memref<80xi32, #tpu.memory_space<vmem>>) semaphore(%arg20 : memref<!tpu.dma_semaphore, #tpu.memory_space<semaphore_mem>>)
        } else {
        }
        %sub3A_164 = arith.constant 2 : i32
        %sub3A_165 = arith.subi %add3A_151, %sub3A_164 : i32
        %lt3A_166 = arith.constant 125 : i32
        %lt3A_167 = arith.cmpi slt, %sub3A_165, %lt3A_166 : i32
        %convert_element_type3A_168 = arith.extui %lt3A_167 : i1 to i32
        %cond3A_169 = arith.constant 0 : i32
        %cond3A_170 = arith.cmpi ne, %convert_element_type3A_168, %cond3A_169 : i32
        scf.if %cond3A_170 {
          %dma_wait3A_171 = arith.constant 0 : i32
          %dma_wait3A_172 = arith.constant 0 : i32
          %dma_wait3A_173 = tpu.memref_slice %arg3[%dma_wait3A_171, %dma_wait3A_172] : memref<10000x128xf32, #tpu.memory_space<hbm>> -> memref<80x128xf32, #tpu.memory_space<hbm>>
          %dma_wait3A_174 = arith.constant 0 : i32
          %dma_wait3A_175 = arith.constant 0 : i32
          %dma_wait3A_176 = tpu.memref_slice %arg3[%dma_wait3A_174, %dma_wait3A_175] : memref<10000x128xf32, #tpu.memory_space<hbm>> -> memref<80x128xf32, #tpu.memory_space<hbm>>
          tpu.wait_dma2 semaphore(%arg18 : memref<!tpu.dma_semaphore, #tpu.memory_space<semaphore_mem>>) src(%dma_wait3A_176 : memref<80x128xf32, #tpu.memory_space<hbm>>) dst(%arg13 : memref<80x128xf32, #tpu.memory_space<vmem>>)
          %dma_start3A_177 = arith.constant 1 : i32
          %dma_start3A_178 = arith.constant 0 : i32
          %dma_start3A_179 = tpu.memref_slice %arg9[%dma_start3A_177, %dma_start3A_178] : memref<2x80xi32, #tpu.memory_space<vmem>> -> memref<1x80xi32, #tpu.memory_space<vmem>>
          %dma_start3A_180 = tpu.memref_squeeze %dma_start3A_179 : memref<1x80xi32, #tpu.memory_space<vmem>> -> memref<80xi32, #tpu.memory_space<vmem>>
          %dma_start3A_181 = arith.constant 0 : i32
          %dma_start3A_182 = arith.constant 0 : i32
          %dma_start3A_183 = tpu.memref_slice %arg16[%dma_start3A_181, %dma_start3A_182] : memref<10000x128xf32, #tpu.memory_space<vmem_shared>> -> memref<10000x128xf32, #tpu.memory_space<vmem_shared>>
          tpu.enqueue_indirect_dma source(%arg13 : memref<80x128xf32, #tpu.memory_space<vmem>>) target(%dma_start3A_183 : memref<10000x128xf32, #tpu.memory_space<vmem_shared>>) offsets(%dma_start3A_180 : memref<80xi32, #tpu.memory_space<vmem>>) semaphore(%arg22 : memref<!tpu.dma_semaphore, #tpu.memory_space<semaphore_mem>>) {add = true}
        } else {
        }
      }
      %scan3A_70 = arith.constant 31 : i32
      %dma_wait3A_71 = arith.constant 0 : i32
      %dma_wait3A_72 = arith.constant 0 : i32
      %dma_wait3A_73 = tpu.memref_slice %arg3[%dma_wait3A_71, %dma_wait3A_72] : memref<10000x128xf32, #tpu.memory_space<hbm>> -> memref<80x128xf32, #tpu.memory_space<hbm>>
      %dma_wait3A_74 = arith.constant 0 : i32
      %dma_wait3A_75 = arith.constant 0 : i32
      %dma_wait3A_76 = tpu.memref_slice %arg3[%dma_wait3A_74, %dma_wait3A_75] : memref<10000x128xf32, #tpu.memory_space<hbm>> -> memref<80x128xf32, #tpu.memory_space<hbm>>
      tpu.wait_dma2 semaphore(%arg21 : memref<!tpu.dma_semaphore, #tpu.memory_space<semaphore_mem>>) src(%dma_wait3A_76 : memref<80x128xf32, #tpu.memory_space<hbm>>) dst(%arg12 : memref<80x128xf32, #tpu.memory_space<vmem>>)
      %barrier3A_77 = arith.constant 0 : index
      tpu.barrier barrier_id(%barrier3A_77)
      %mul3A = arith.constant 624 : i32
      %mul3A_78 = arith.muli %arg1, %mul3A : i32
      %multiple_of3A = tpu.assume_multiple %mul3A_78, 8 : i32
      "tpu.region"() ({
        %run_scoped3A_84 = tpu.sem_alloc : memref<!tpu.dma_semaphore, #tpu.memory_space<semaphore_mem>>
        %dma_start3A_85 = arith.constant 0 : i32
        %dma_start3A_86 = tpu.memref_slice %arg7[%multiple_of3A, %dma_start3A_85] : memref<10000x128xf32, #tpu.memory_space<hbm>> -> memref<624x128xf32, #tpu.memory_space<hbm>>
        %dma_start3A_87 = arith.constant 0 : i32
        %dma_start3A_88 = tpu.memref_slice %arg16[%multiple_of3A, %dma_start3A_87] : memref<10000x128xf32, #tpu.memory_space<vmem_shared>> -> memref<624x128xf32, #tpu.memory_space<vmem_shared>>
        tpu.enqueue_dma source(%dma_start3A_88 : memref<624x128xf32, #tpu.memory_space<vmem_shared>>) target(%dma_start3A_86 : memref<624x128xf32, #tpu.memory_space<hbm>>) target_semaphore(%run_scoped3A_84 : memref<!tpu.dma_semaphore, #tpu.memory_space<semaphore_mem>>)
        %dma_wait3A_89 = arith.constant 0 : i32
        %dma_wait3A_90 = tpu.memref_slice %arg7[%multiple_of3A, %dma_wait3A_89] : memref<10000x128xf32, #tpu.memory_space<hbm>> -> memref<624x128xf32, #tpu.memory_space<hbm>>
        %dma_wait3A_91 = arith.constant 0 : i32
        %dma_wait3A_92 = tpu.memref_slice %arg16[%multiple_of3A, %dma_wait3A_91] : memref<10000x128xf32, #tpu.memory_space<vmem_shared>> -> memref<624x128xf32, #tpu.memory_space<vmem_shared>>
        tpu.wait_dma2 semaphore(%run_scoped3A_84 : memref<!tpu.dma_semaphore, #tpu.memory_space<semaphore_mem>>) src(%dma_wait3A_92 : memref<624x128xf32, #tpu.memory_space<vmem_shared>>) dst(%dma_wait3A_90 : memref<624x128xf32, #tpu.memory_space<hbm>>)
        tpu.yield
      }) : () -> ()
      %eq3A_79 = arith.constant 0 : i32
      %eq3A_80 = arith.cmpi eq, %arg1, %eq3A_79 : i32
      %convert_element_type3A_81 = arith.extui %eq3A_80 : i1 to i32
      %cond3A_82 = arith.constant 0 : i32
      %cond3A_83 = arith.cmpi ne, %convert_element_type3A_81, %cond3A_82 : i32
      scf.if %cond3A_83 {
        %multiple_of3A_84 = arith.constant 9984 : i32
        %multiple_of3A_85 = tpu.assume_multiple %multiple_of3A_84, 8 : i32
        "tpu.region"() ({
          %run_scoped3A_86 = tpu.sem_alloc : memref<!tpu.dma_semaphore, #tpu.memory_space<semaphore_mem>>
          %dma_start3A_87 = arith.constant 0 : i32
          %dma_start3A_88 = tpu.memref_slice %arg7[%multiple_of3A_85, %dma_start3A_87] : memref<10000x128xf32, #tpu.memory_space<hbm>> -> memref<16x128xf32, #tpu.memory_space<hbm>>
          %dma_start3A_89 = arith.constant 0 : i32
          %dma_start3A_90 = tpu.memref_slice %arg16[%multiple_of3A_85, %dma_start3A_89] : memref<10000x128xf32, #tpu.memory_space<vmem_shared>> -> memref<16x128xf32, #tpu.memory_space<vmem_shared>>
          tpu.enqueue_dma source(%dma_start3A_90 : memref<16x128xf32, #tpu.memory_space<vmem_shared>>) target(%dma_start3A_88 : memref<16x128xf32, #tpu.memory_space<hbm>>) target_semaphore(%run_scoped3A_86 : memref<!tpu.dma_semaphore, #tpu.memory_space<semaphore_mem>>)
          %dma_wait3A_91 = arith.constant 0 : i32
          %dma_wait3A_92 = tpu.memref_slice %arg7[%multiple_of3A_85, %dma_wait3A_91] : memref<10000x128xf32, #tpu.memory_space<hbm>> -> memref<16x128xf32, #tpu.memory_space<hbm>>
          %dma_wait3A_93 = arith.constant 0 : i32
          %dma_wait3A_94 = tpu.memref_slice %arg16[%multiple_of3A_85, %dma_wait3A_93] : memref<10000x128xf32, #tpu.memory_space<vmem_shared>> -> memref<16x128xf32, #tpu.memory_space<vmem_shared>>
          tpu.wait_dma2 semaphore(%run_scoped3A_86 : memref<!tpu.dma_semaphore, #tpu.memory_space<semaphore_mem>>) src(%dma_wait3A_94 : memref<16x128xf32, #tpu.memory_space<vmem_shared>>) dst(%dma_wait3A_92 : memref<16x128xf32, #tpu.memory_space<hbm>>)
          tpu.yield
        }) : () -> ()
      } else {
      }
    } else {
    }
    return
  }
}

module attributes {stable_mosaic.version = 14 : i64} {
  func.func @_tc_mm_body(%arg0: memref<10000x256xf32, #tpu.memory_space<vmem>>, %arg1: memref<256x256xf32, #tpu.memory_space<vmem>>, %arg2: memref<10000x256xf32, #tpu.memory_space<vmem>>) attributes {dimension_semantics = [], scalar_prefetch = 0 : i64, scratch_operands = 0 : i64, tpu.core_type = #tpu.core_type<tc>} {
    %get3A = arith.constant 0 : index
    %get3A_0 = arith.constant 0 : index
    %get3A_1 = vector.load %arg0[%get3A, %get3A_0] : memref<10000x256xf32, #tpu.memory_space<vmem>>, vector<10000x256xf32>
    %get3A_2 = arith.constant 0 : index
    %get3A_3 = arith.constant 0 : index
    %get3A_4 = vector.load %arg1[%get3A_2, %get3A_3] : memref<256x256xf32, #tpu.memory_space<vmem>>, vector<256x256xf32>
    %dot_general3A = arith.constant dense<0.000000e+00> : vector<10000x256xf32>
    %dot_general3A_5 = tpu.matmul %get3A_1, %get3A_4, %dot_general3A {dimension_numbers = #tpu.dot_dimension_numbers<[1], [0], [0], [1], [0, 0, 1, 1], [], []>, transpose_lhs_hint = false} : vector<10000x256xf32>, vector<256x256xf32>, vector<10000x256xf32> -> vector<10000x256xf32>
    %swap3A = arith.constant 0 : index
    %swap3A_6 = arith.constant 0 : index
    %swap3A_7 = vector.load %arg2[%swap3A, %swap3A_6] : memref<10000x256xf32, #tpu.memory_space<vmem>>, vector<10000x256xf32>
    tpu.vector_store %arg2[%swap3A, %swap3A_6], %dot_general3A_5 {strides = array<i32>} : memref<10000x256xf32, #tpu.memory_space<vmem>>, vector<10000x256xf32>,
    return
  }
}

module attributes {stable_mosaic.version = 14 : i64} {
  func.func @_tc1_body(%arg0: memref<2x10000x128xf32, #tpu.memory_space<vmem>>, %arg1: memref<10000x256xf32, #tpu.memory_space<vmem>>, %arg2: memref<10000xf32, #tpu.memory_space<vmem>>, %arg3: memref<10000x128xf32, #tpu.memory_space<vmem>>, %arg4: memref<10000x128xf32, #tpu.memory_space<vmem>>) attributes {dimension_semantics = [], scalar_prefetch = 0 : i64, scratch_operands = 0 : i64, tpu.core_type = #tpu.core_type<tc>} {
    %get3A = arith.constant 0 : index
    %get3A_0 = arith.constant 0 : index
    %get3A_1 = arith.constant 0 : index
    %get3A_2 = vector.load %arg0[%get3A, %get3A_0, %get3A_1] : memref<2x10000x128xf32, #tpu.memory_space<vmem>>, vector<2x10000x128xf32>
    %reduce_sum3A = arith.constant dense<0.000000e+00> : vector<10000xf32>
    %reduce_sum3A_3 = vector.multi_reduction <add>, %get3A_2, %reduce_sum3A [0, 2] : vector<2x10000x128xf32> to vector<10000xf32>
    %add3A = arith.constant 1.000000e+00 : f32
    %add3A_4 = vector.broadcast %add3A : f32 to vector<10000xf32>
    %add3A_5 = arith.addf %reduce_sum3A_3, %add3A_4 : vector<10000xf32>
    %rsqrt3A = math.rsqrt %add3A_5 : vector<10000xf32>
    %get3A_6 = arith.constant 0 : index
    %get3A_7 = arith.constant 0 : index
    %get3A_8 = vector.load %arg1[%get3A_6, %get3A_7] : memref<10000x256xf32, #tpu.memory_space<vmem>>, vector<10000x256xf32>
    %broadcast_in_dim3A = vector.shape_cast %rsqrt3A : vector<10000xf32> to vector<10000x1xf32>
    %mul3A = vector.broadcast %broadcast_in_dim3A : vector<10000x1xf32> to vector<10000x256xf32>
    %mul3A_9 = arith.mulf %get3A_8, %mul3A : vector<10000x256xf32>
    %swap3A = arith.constant 0 : index
    %swap3A_10 = vector.load %arg2[%swap3A] : memref<10000xf32, #tpu.memory_space<vmem>>, vector<10000xf32>
    tpu.vector_store %arg2[%swap3A], %rsqrt3A {strides = array<i32>} : memref<10000xf32, #tpu.memory_space<vmem>>, vector<10000xf32>,
    %slice3A = vector.extract_strided_slice %mul3A_9 {offsets = [0, 0], sizes = [10000, 128], strides = [1, 1]} : vector<10000x256xf32> to vector<10000x128xf32>
    %swap3A_11 = arith.constant 0 : index
    %swap3A_12 = arith.constant 0 : index
    %swap3A_13 = vector.load %arg3[%swap3A_11, %swap3A_12] : memref<10000x128xf32, #tpu.memory_space<vmem>>, vector<10000x128xf32>
    tpu.vector_store %arg3[%swap3A_11, %swap3A_12], %slice3A {strides = array<i32>} : memref<10000x128xf32, #tpu.memory_space<vmem>>, vector<10000x128xf32>,
    %slice3A_14 = vector.extract_strided_slice %mul3A_9 {offsets = [0, 128], sizes = [10000, 128], strides = [1, 1]} : vector<10000x256xf32> to vector<10000x128xf32>
    %swap3A_15 = arith.constant 0 : index
    %swap3A_16 = arith.constant 0 : index
    %swap3A_17 = vector.load %arg4[%swap3A_15, %swap3A_16] : memref<10000x128xf32, #tpu.memory_space<vmem>>, vector<10000x128xf32>
    tpu.vector_store %arg4[%swap3A_15, %swap3A_16], %slice3A_14 {strides = array<i32>} : memref<10000x128xf32, #tpu.memory_space<vmem>>, vector<10000x128xf32>,
    return
  }
}

module attributes {stable_mosaic.version = 14 : i64} {
  func.func @_tc_mid_body(%arg0: memref<10000x128xf32, #tpu.memory_space<vmem>>, %arg1: memref<10000x128xf32, #tpu.memory_space<vmem>>, %arg2: memref<10000x128xf32, #tpu.memory_space<vmem>>, %arg3: memref<10000x128xf32, #tpu.memory_space<vmem>>, %arg4: memref<10000xf32, #tpu.memory_space<vmem>>, %arg5: memref<256xf32, #tpu.memory_space<vmem>>, %arg6: memref<256x256xf32, #tpu.memory_space<vmem>>, %arg7: memref<10000x128xf32, #tpu.memory_space<vmem>>, %arg8: memref<10000x128xf32, #tpu.memory_space<vmem>>) attributes {dimension_semantics = [], scalar_prefetch = 0 : i64, scratch_operands = 0 : i64, tpu.core_type = #tpu.core_type<tc>} {
    %get3A = arith.constant 0 : index
    %get3A_0 = vector.load %arg4[%get3A] : memref<10000xf32, #tpu.memory_space<vmem>>, vector<10000xf32>
    %get3A_1 = arith.constant 0 : index
    %get3A_2 = vector.load %arg5[%get3A_1] : memref<256xf32, #tpu.memory_space<vmem>>, vector<256xf32>
    %broadcast_in_dim3A = vector.shape_cast %get3A_0 : vector<10000xf32> to vector<10000x1xf32>
    %get3A_3 = arith.constant 0 : index
    %get3A_4 = arith.constant 0 : index
    %get3A_5 = vector.load %arg0[%get3A_3, %get3A_4] : memref<10000x128xf32, #tpu.memory_space<vmem>>, vector<10000x128xf32>
    %get3A_6 = arith.constant 0 : index
    %get3A_7 = arith.constant 0 : index
    %get3A_8 = vector.load %arg2[%get3A_6, %get3A_7] : memref<10000x128xf32, #tpu.memory_space<vmem>>, vector<10000x128xf32>
    %add3A = arith.addf %get3A_5, %get3A_8 : vector<10000x128xf32>
    %mul3A = vector.broadcast %broadcast_in_dim3A : vector<10000x1xf32> to vector<10000x128xf32>
    %mul3A_9 = arith.mulf %mul3A, %add3A : vector<10000x128xf32>
    %slice3A = vector.extract_strided_slice %get3A_2 {offsets = [0], sizes = [128], strides = [1]} : vector<256xf32> to vector<128xf32>
    %broadcast_in_dim3A_10 = vector.shape_cast %slice3A : vector<128xf32> to vector<1x128xf32>
    %add3A_11 = vector.broadcast %broadcast_in_dim3A_10 : vector<1x128xf32> to vector<10000x128xf32>
    %add3A_12 = arith.addf %mul3A_9, %add3A_11 : vector<10000x128xf32>
    %tanh3A = math.tanh %add3A_12 : vector<10000x128xf32>
    %broadcast_in_dim3A_13 = vector.shape_cast %get3A_0 : vector<10000xf32> to vector<10000x1xf32>
    %get3A_14 = arith.constant 0 : index
    %get3A_15 = arith.constant 0 : index
    %get3A_16 = vector.load %arg1[%get3A_14, %get3A_15] : memref<10000x128xf32, #tpu.memory_space<vmem>>, vector<10000x128xf32>
    %get3A_17 = arith.constant 0 : index
    %get3A_18 = arith.constant 0 : index
    %get3A_19 = vector.load %arg3[%get3A_17, %get3A_18] : memref<10000x128xf32, #tpu.memory_space<vmem>>, vector<10000x128xf32>
    %add3A_20 = arith.addf %get3A_16, %get3A_19 : vector<10000x128xf32>
    %mul3A_21 = vector.broadcast %broadcast_in_dim3A_13 : vector<10000x1xf32> to vector<10000x128xf32>
    %mul3A_22 = arith.mulf %mul3A_21, %add3A_20 : vector<10000x128xf32>
    %slice3A_23 = vector.extract_strided_slice %get3A_2 {offsets = [128], sizes = [128], strides = [1]} : vector<256xf32> to vector<128xf32>
    %broadcast_in_dim3A_24 = vector.shape_cast %slice3A_23 : vector<128xf32> to vector<1x128xf32>
    %add3A_25 = vector.broadcast %broadcast_in_dim3A_24 : vector<1x128xf32> to vector<10000x128xf32>
    %add3A_26 = arith.addf %mul3A_22, %add3A_25 : vector<10000x128xf32>
    %tanh3A_27 = math.tanh %add3A_26 : vector<10000x128xf32>
    %concatenate3A = tpu.concatenate %tanh3A, %tanh3A_27 in 1 : vector<10000x128xf32>, vector<10000x128xf32> -> vector<10000x256xf32>
    %get3A_28 = arith.constant 0 : index
    %get3A_29 = arith.constant 0 : index
    %get3A_30 = vector.load %arg6[%get3A_28, %get3A_29] : memref<256x256xf32, #tpu.memory_space<vmem>>, vector<256x256xf32>
    %dot_general3A = arith.constant dense<0.000000e+00> : vector<10000x256xf32>
    %dot_general3A_31 = tpu.matmul %concatenate3A, %get3A_30, %dot_general3A {dimension_numbers = #tpu.dot_dimension_numbers<[1], [0], [0], [1], [0, 0, 1, 1], [], []>, transpose_lhs_hint = false} : vector<10000x256xf32>, vector<256x256xf32>, vector<10000x256xf32> -> vector<10000x256xf32>
    %broadcast_in_dim3A_32 = vector.shape_cast %get3A_0 : vector<10000xf32> to vector<10000x1xf32>
    %mul3A_33 = vector.broadcast %broadcast_in_dim3A_32 : vector<10000x1xf32> to vector<10000x256xf32>
    %mul3A_34 = arith.mulf %dot_general3A_31, %mul3A_33 : vector<10000x256xf32>
    %slice3A_35 = vector.extract_strided_slice %mul3A_34 {offsets = [0, 0], sizes = [10000, 128], strides = [1, 1]} : vector<10000x256xf32> to vector<10000x128xf32>
    %swap3A = arith.constant 0 : index
    %swap3A_36 = arith.constant 0 : index
    %swap3A_37 = vector.load %arg7[%swap3A, %swap3A_36] : memref<10000x128xf32, #tpu.memory_space<vmem>>, vector<10000x128xf32>
    tpu.vector_store %arg7[%swap3A, %swap3A_36], %slice3A_35 {strides = array<i32>} : memref<10000x128xf32, #tpu.memory_space<vmem>>, vector<10000x128xf32>,
    %slice3A_38 = vector.extract_strided_slice %mul3A_34 {offsets = [0, 128], sizes = [10000, 128], strides = [1, 1]} : vector<10000x256xf32> to vector<10000x128xf32>
    %swap3A_39 = arith.constant 0 : index
    %swap3A_40 = arith.constant 0 : index
    %swap3A_41 = vector.load %arg8[%swap3A_39, %swap3A_40] : memref<10000x128xf32, #tpu.memory_space<vmem>>, vector<10000x128xf32>
    tpu.vector_store %arg8[%swap3A_39, %swap3A_40], %slice3A_38 {strides = array<i32>} : memref<10000x128xf32, #tpu.memory_space<vmem>>, vector<10000x128xf32>,
    return
  }
}

module attributes {stable_mosaic.version = 14 : i64} {
  func.func @_tc_fin_body(%arg0: memref<10000x128xf32, #tpu.memory_space<vmem>>, %arg1: memref<10000x128xf32, #tpu.memory_space<vmem>>, %arg2: memref<10000x128xf32, #tpu.memory_space<vmem>>, %arg3: memref<10000x128xf32, #tpu.memory_space<vmem>>, %arg4: memref<10000xf32, #tpu.memory_space<vmem>>, %arg5: memref<256xf32, #tpu.memory_space<vmem>>, %arg6: memref<256x1xf32, #tpu.memory_space<vmem>>, %arg7: memref<1xf32, #tpu.memory_space<vmem>>, %arg8: memref<10000x1xf32, #tpu.memory_space<vmem>>) attributes {dimension_semantics = [], scalar_prefetch = 0 : i64, scratch_operands = 0 : i64, tpu.core_type = #tpu.core_type<tc>} {
    %get3A = arith.constant 0 : index
    %get3A_0 = vector.load %arg4[%get3A] : memref<10000xf32, #tpu.memory_space<vmem>>, vector<10000xf32>
    %get3A_1 = arith.constant 0 : index
    %get3A_2 = vector.load %arg5[%get3A_1] : memref<256xf32, #tpu.memory_space<vmem>>, vector<256xf32>
    %broadcast_in_dim3A = vector.shape_cast %get3A_0 : vector<10000xf32> to vector<10000x1xf32>
    %get3A_3 = arith.constant 0 : index
    %get3A_4 = arith.constant 0 : index
    %get3A_5 = vector.load %arg0[%get3A_3, %get3A_4] : memref<10000x128xf32, #tpu.memory_space<vmem>>, vector<10000x128xf32>
    %get3A_6 = arith.constant 0 : index
    %get3A_7 = arith.constant 0 : index
    %get3A_8 = vector.load %arg2[%get3A_6, %get3A_7] : memref<10000x128xf32, #tpu.memory_space<vmem>>, vector<10000x128xf32>
    %add3A = arith.addf %get3A_5, %get3A_8 : vector<10000x128xf32>
    %mul3A = vector.broadcast %broadcast_in_dim3A : vector<10000x1xf32> to vector<10000x128xf32>
    %mul3A_9 = arith.mulf %mul3A, %add3A : vector<10000x128xf32>
    %slice3A = vector.extract_strided_slice %get3A_2 {offsets = [0], sizes = [128], strides = [1]} : vector<256xf32> to vector<128xf32>
    %broadcast_in_dim3A_10 = vector.shape_cast %slice3A : vector<128xf32> to vector<1x128xf32>
    %add3A_11 = vector.broadcast %broadcast_in_dim3A_10 : vector<1x128xf32> to vector<10000x128xf32>
    %add3A_12 = arith.addf %mul3A_9, %add3A_11 : vector<10000x128xf32>
    %tanh3A = math.tanh %add3A_12 : vector<10000x128xf32>
    %broadcast_in_dim3A_13 = vector.shape_cast %get3A_0 : vector<10000xf32> to vector<10000x1xf32>
    %get3A_14 = arith.constant 0 : index
    %get3A_15 = arith.constant 0 : index
    %get3A_16 = vector.load %arg1[%get3A_14, %get3A_15] : memref<10000x128xf32, #tpu.memory_space<vmem>>, vector<10000x128xf32>
    %get3A_17 = arith.constant 0 : index
    %get3A_18 = arith.constant 0 : index
    %get3A_19 = vector.load %arg3[%get3A_17, %get3A_18] : memref<10000x128xf32, #tpu.memory_space<vmem>>, vector<10000x128xf32>
    %add3A_20 = arith.addf %get3A_16, %get3A_19 : vector<10000x128xf32>
    %mul3A_21 = vector.broadcast %broadcast_in_dim3A_13 : vector<10000x1xf32> to vector<10000x128xf32>
    %mul3A_22 = arith.mulf %mul3A_21, %add3A_20 : vector<10000x128xf32>
    %slice3A_23 = vector.extract_strided_slice %get3A_2 {offsets = [128], sizes = [128], strides = [1]} : vector<256xf32> to vector<128xf32>
    %broadcast_in_dim3A_24 = vector.shape_cast %slice3A_23 : vector<128xf32> to vector<1x128xf32>
    %add3A_25 = vector.broadcast %broadcast_in_dim3A_24 : vector<1x128xf32> to vector<10000x128xf32>
    %add3A_26 = arith.addf %mul3A_22, %add3A_25 : vector<10000x128xf32>
    %tanh3A_27 = math.tanh %add3A_26 : vector<10000x128xf32>
    %concatenate3A = tpu.concatenate %tanh3A, %tanh3A_27 in 1 : vector<10000x128xf32>, vector<10000x128xf32> -> vector<10000x256xf32>
    %get3A_28 = arith.constant 0 : index
    %get3A_29 = arith.constant 0 : index
    %get3A_30 = vector.load %arg6[%get3A_28, %get3A_29] : memref<256x1xf32, #tpu.memory_space<vmem>>, vector<256x1xf32>
    %dot_general3A = arith.constant dense<0.000000e+00> : vector<10000x1xf32>
    %dot_general3A_31 = tpu.matmul %concatenate3A, %get3A_30, %dot_general3A {dimension_numbers = #tpu.dot_dimension_numbers<[1], [0], [0], [1], [0, 0, 1, 1], [], []>, transpose_lhs_hint = false} : vector<10000x256xf32>, vector<256x1xf32>, vector<10000x1xf32> -> vector<10000x1xf32>
    %get3A_32 = arith.constant 0 : index
    %get3A_33 = vector.load %arg7[%get3A_32] : memref<1xf32, #tpu.memory_space<vmem>>, vector<1xf32>
    %broadcast_in_dim3A_34 = vector.shape_cast %get3A_33 : vector<1xf32> to vector<1x1xf32>
    %add3A_35 = vector.broadcast %broadcast_in_dim3A_34 : vector<1x1xf32> to vector<10000x1xf32>
    %add3A_36 = arith.addf %dot_general3A_31, %add3A_35 : vector<10000x1xf32>
    %swap3A = arith.constant 0 : index
    %swap3A_37 = arith.constant 0 : index
    %swap3A_38 = vector.load %arg8[%swap3A, %swap3A_37] : memref<10000x1xf32, #tpu.memory_space<vmem>>, vector<10000x1xf32>
    tpu.vector_store %arg8[%swap3A, %swap3A_37], %add3A_36 {strides = array<i32>} : memref<10000x1xf32, #tpu.memory_space<vmem>>, vector<10000x1xf32>,
    return
  }
}

</mosaic_0001>

<sc_bundles>
// kernel: kernel.12.cloned.1.call-start
scs
__scs_entry_jumppad:
0x0: {  	(pc) =	sbr.rel $0x88, $3  }
0x1: {  	(tag) =	ssettag $0x0;
	lr =	simm.s32 $0x1  }
0x2: {  	[smem:$0x3F99] =	sst lr;
	_ =	strace $0xD0000000  }
0x3: {  	_ = 	snop  }
0x4: {  	_ = 	snop  }
0x5: {  	_ = 	snop  }
0x6: {  	_ = 	snop  }
0x7: {  	_ = 	snop  }
__scs_overlays_trampoline_lowered:
0x8: {  	[smem:$0x3FA8] =	sst s0  }
0x9: {  	[smem:$0x3FA9] =	sst s1  }
0xa: {  	[smem:$0x3FAA] =	sst s2  }
0xb: {  	[smem:$0x3FAB] =	sst s3  }
0xc: {  	[smem:$0x3FAC] =	sst s4  }
0xd: {  	[smem:$0x3FAD] =	sst s5  }
0xe: {  	[smem:$0x3FAE] =	sst s6  }
0xf: {  	[smem:$0x3FAF] =	sst s7  }
0x10: {  	[smem:$0x3FB0] =	sst s8  }
0x11: {  	[smem:$0x3FB1] =	sst s9;
	s0 =	simm.s32 @!p0 $0x0  }
0x12: {  	s1 =	sld [smem:$0x3F97];
	s0 =	simm.s32 @p0 $0x1  }
0x13: {  	[smem:$0x3FB2] =	sst s0;
	s0 =	simm.s32 @!p1 $0x0  }
0x14: {  	s2 =	sld [smem:$0x3F96];
	s0 =	simm.s32 @p1 $0x1  }
0x15: {  	[smem:$0x3FB3] =	sst s0;
	s0 =	simm.s32 @!p2 $0x0  }
0x16: {  	s3 =	sld [smem:$0x3FDB];
	s0 =	simm.s32 @p2 $0x1  }
0x17: {  	s4 =	simm.s32 $0x1BF5;
	[smem:$0x3FB5] =	sst s0  }
0x18: {  	s0 =	sld [smem:$0x3F98];
	_ =	swait.ge [sflag:s4], $0x0  }
0x19: {  	s7 =	sld [smem:$0x3F99]  }
0x1a: {  	s8 =	sadd.s32 $0xFFFFE003, lr  }
0x1b: {  	s9 =	sadd.s32 $0xFFFFFEF7, lr;
	s5 =	simm.s32 $0xFFFFFFFF;
	p2 =	slt.u32 s8, $0xFFFFF086  }
0x1c: {  	p1 =	slt.u32 s9, $0xF7A;
	s5 =	simm.s32 @!p2 $0x0  }
0x1d: {  	s5 =	simm.s32 @p1 $0x1;
	p0 =	seq.s32 s7, s2  }
0x1e: {  	s7 =	smul.u32 @!p0 $0xF7A, s2;
	p2 =	seq.s32 @!p0 s5, $0x0  }
0x1f: {  	s9 =	smul.u32 $0xF7A, s1;
	s8 =	simm.s32 @!p0 $0x1BF5;
	p2 =	por !p2, p0  }
0x20: {  	[sflag:s8] =	ssyncset.s32 @!p0 $0xFFFFF086;
	s6 =	sadd.s32 @!p0 s3, s7;
	s7 =	simm.s32 @!p0 $0x108  }
0x21: {  	s3 =	sadd.s32 s3, s9;
	s6 =	sadd.s32 @!p0 $0x88, s6;
	s7 =	simm.s32 @p2 $0x1082  }
0x22: {  	[simem:s7], [sflag:s8] =	dma.local @!p0 [hbm:s6], $0xF7A  }
0x23: {  	s9 =	sor.u32 $0xD0000000, s2;
	s6 =	simm.s32 $0x108;
	_ =	swait.ge @!p0 [sflag:s8], $0x0  }
0x24: {  	s3 =	sadd.s32 $0x88, s3;
	s6 =	simm.s32 @!p1 $0x1082;
	[sflag:s4] =	ssyncset.s32 $0xFFFFF086  }
0x25: {  	[simem:s6], [sflag:s4] =	dma.local [hbm:s3], $0xF7A  }
0x26: {  	[smem:$0x3F99] =	sst s1;
	(tag) =	ssettag s2;
	_ =	strace s9  }
0x27: {  	s1 =	sld [smem:$0x3FA9]  }
0x28: {  	s2 =	sld [smem:$0x3FAA]  }
0x29: {  	s4 =	sld [smem:$0x3FAC]  }
0x2a: {  	p0 =	seq.s32 s5, $0x0;
	s5 =	sld [smem:$0x3FAD]  }
0x2b: {  	s6 =	sld [smem:$0x3FAE]  }
0x2c: {  	s7 =	sld [smem:$0x3FAF]  }
0x2d: {  	s3 =	simm.s32 $0x108;
	s8 =	sld [smem:$0x3FB0]  }
0x2e: {  	s3 =	simm.s32 @!p0 $0x1082;
	s9 =	sld [smem:$0x3FB1]  }
0x2f: {  	lr =	sadd.s32 s0, s3;
	s0 =	sld [smem:$0x3FA8]  }
0x30: {  	s3 =	sld [smem:$0x3FAB]  }
0x31: {  	[smem:$0x3FB4] =	sst s10  }
0x32: {  	s10 =	sld [smem:$0x3FB2];
	_ =	sdelay $0x3  }
0x33: {  	p0 =	seq.s32 s10, $0x1;
	s10 =	sld [smem:$0x3FB4];
	_ =	sdelay $0x3  }
0x34: {  	[smem:$0x3FB4] =	sst s10  }
0x35: {  	s10 =	sld [smem:$0x3FB3];
	_ =	sdelay $0x3  }
0x36: {  	p1 =	seq.s32 s10, $0x1;
	s10 =	sld [smem:$0x3FB4];
	_ =	sdelay $0x3  }
0x37: {  	[smem:$0x3FB4] =	sst s10  }
0x38: {  	s10 =	sld [smem:$0x3FB5]  }
0x39: {  	_ = 	snop;
	(pc) =	sbr.ind lr, $3  }
0x3a: {  	_ = 	snop  }
0x3b: {  	_ = 	snop  }
0x3c: {  	p2 =	seq.s32 s10, $0x1;
	s10 =	sld [smem:$0x3FB4]  }
0x3d: {  	_ =	shalt  }
0x3e: {  	_ =	shalt  }
0x3f: {  	_ =	shalt  }
0x40: {  	_ =	shalt  }
0x41: {  	_ =	shalt  }
0x42: {  	_ =	shalt  }
0x43: {  	_ =	shalt  }
0x44: {  	_ =	shalt  }
0x45: {  	_ =	shalt  }
0x46: {  	_ =	shalt  }
0x47: {  	_ =	shalt  }
0x48: {  	_ =	shalt  }
0x49: {  	_ =	shalt  }
0x4a: {  	_ =	shalt  }
0x4b: {  	_ =	shalt  }
0x4c: {  	_ =	shalt  }
0x4d: {  	_ =	shalt  }
0x4e: {  	_ =	shalt  }
0x4f: {  	_ =	shalt  }
0x50: {  	_ =	shalt  }
0x51: {  	_ =	shalt  }
0x52: {  	_ =	shalt  }
0x53: {  	_ =	shalt  }
0x54: {  	_ =	shalt  }
0x55: {  	_ =	shalt  }
0x56: {  	_ =	shalt  }
0x57: {  	_ =	shalt  }
0x58: {  	_ =	shalt  }
0x59: {  	_ =	shalt  }
0x5a: {  	_ =	shalt  }
0x5b: {  	_ =	shalt  }
0x5c: {  	_ =	shalt  }
0x5d: {  	_ =	shalt  }
0x5e: {  	_ =	shalt  }
0x5f: {  	_ =	shalt  }
0x60: {  	_ =	shalt  }
0x61: {  	_ =	shalt  }
0x62: {  	_ =	shalt  }
0x63: {  	_ =	shalt  }
0x64: {  	_ =	shalt  }
0x65: {  	_ =	shalt  }
0x66: {  	_ =	shalt  }
0x67: {  	_ =	shalt  }
0x68: {  	_ =	shalt  }
0x69: {  	_ =	shalt  }
0x6a: {  	_ =	shalt  }
0x6b: {  	_ =	shalt  }
0x6c: {  	_ =	shalt  }
0x6d: {  	_ =	shalt  }
0x6e: {  	_ =	shalt  }
0x6f: {  	_ =	shalt  }
0x70: {  	_ =	shalt  }
0x71: {  	_ =	shalt  }
0x72: {  	_ =	shalt  }
0x73: {  	_ =	shalt  }
0x74: {  	_ =	shalt  }
0x75: {  	_ =	shalt  }
0x76: {  	_ =	shalt  }
0x77: {  	_ =	shalt  }
0x78: {  	_ =	shalt  }
0x79: {  	_ =	shalt  }
0x7a: {  	_ =	shalt  }
0x7b: {  	_ =	shalt  }
0x7c: {  	_ =	shalt  }
0x7d: {  	_ =	shalt  }
0x7e: {  	_ =	shalt  }
0x7f: {  	_ =	shalt  }
0x80: {  	_ =	shalt  }
0x81: {  	_ =	shalt  }
0x82: {  	_ =	shalt  }
0x83: {  	_ =	shalt  }
0x84: {  	_ =	shalt  }
0x85: {  	_ =	shalt  }
0x86: {  	_ =	shalt  }
0x87: {  	_ =	shalt  }
.Lfunc_end0:
.L_simem_size_0:
called_computation.1_lowered:
.L_overlay_start_0:
0x88: {  	s2 =	sld [smem:$0x3FD9]  }
0x89: {  	s3 =	sld [smem:$0x3FFE];
	_ =	sdelay $0x1  }
0x8a: {  	s1 =	srdreg.scid  }
0x8b: {  	s0 =	sand.u32 $0x1, s1  }
0x8c: {  	s16 =	sshll.u32 s0, $0xA;
	s2 =	sadd.s32 s3, s2  }
0x8d: {  	s2 =	sadd.s32 s2, s16  }
0x8e: {  	[smem:$0x3FC0] =	sst s2  }
0x8f: {  	_ = 	snop  }
0x90: {  	(tm) =	ssettm $0x1  }
0x91: {  	s17 =	sld [smem:$0x3FFB];
	_ =	sdelay $0x3  }
0x92: {  	_ =	strace s17  }
0x93: {  	s2 =	sld [smem:$0x3FFC];
	_ =	sdelay $0x3  }
0x94: {  	_ =	strace s2  }
0x95: {  	s2 =	sld [smem:$0x3FFD];
	_ =	sdelay $0x3  }
0x96: {  	_ =	strace s2  }
0x97: {  	_ =	strace $0x8FFFFFFF  }
0x98: {  	s18 =	sld [smem:$0x3FDB];
	_ =	sdelay $0x1  }
0x99: {  	s19 =	simm.s32 $_scs_section_size  }
0x9a: {  	s4 =	simm.s32 $_size__tile_overlayer_lowered;
	s5 =	simm.s32 $_tile_overlayer_lowered  }
0x9b: {  	s22 =	simm.s32 $0x1BFF;
	s21 =	sshll.u32 s5, $0x1;
	s2 =	sadd.s32 s19, s18  }
0x9c: {  	s6 =	simm.s32 $0x0;
	s20 =	sshll.u32 s4, $0x1;
	s4 =	sadd.s32 s21, s2  }
0x9d: {  	[timem:s6], [sflag:s22] =	dma.local [hbm:s4], s20  }
0x9e: {  	_ =	swait.ge [sflag:s22], s20  }
0x9f: {  	s3 =	ssub.s32 $0x0, s20;
	[sflag:s22] =	ssyncset.done $0x0  }
0xa0: {  	[sflag:s22] =	ssyncadd.s32 s3;
	_ =	sdelay $0x1  }
0xa1: {  	s23 =	simm.s32 $0x1B8B  }
0xa2: {  	_ =	swait.ge [sflag:s23], $0x1  }
0xa3: {  	[sflag:s23] =	ssyncset.done $0x0  }
0xa4: {  	s25 =	simm.s32 $0x1B8E;
	s24 =	sld [smem:$0x3FFE];
	[sflag:s23] =	ssyncadd.s32 $0xFFFFFFFF  }
0xa5: {  	s26 =	simm.s32 $execute0_lowered;
	[smem:$0x3FD2] =	sst s25  }
0xa6: {  	s4 =	sshll.u32 s26, $0x1;
	_ =	strace $0x80000049;
	[dreg:$0x1] =	wrdreg $0xFFFFFFFF  }
0xa7: {  	s28 =	simm.s32 $_size_execute0_lowered;
	s2 =	sadd.s32 s2, s4;
	[dreg:$0x0] =	wrdreg $0x0  }
0xa8: {  	s4 =	sshll.u32 s28, $0x1;
	[dreg:$0x2] =	wrdreg s2  }
0xa9: {  	[dreg:$0x3] =	wrdreg s4  }
0xaa: {  	[dreg:$0x4] =	wrdreg $0xC0  }
0xab: {  	_ =	task [dreg:s6], $0x5FFFF  }
0xac: {  	[dreg:$0x1] =	wrdreg $0xFFFFFFFF  }
0xad: {  	[dreg:$0x0] =	wrdreg $0x60  }
0xae: {  	[dreg:$0x2] =	wrdreg s24  }
0xaf: {  	[dreg:$0x3] =	wrdreg $0xA4000  }
0xb0: {  	[dreg:$0x4] =	wrdreg $0x9  }
0xb1: {  	_ =	task.clear_ibuf [dreg:s6], $0x5FFFF;
	_ =	strace $0x90000049  }
0xb2: {  	s29 =	simm.s32 $0x9;
	_ =	strace $0x8000004B  }
0xb3: {  	_ =	swait.ge [sflag:s29], $0x1  }
0xb4: {  	[sflag:s29] =	ssyncadd.s32 $0xFFFFFFFF  }
0xb5: {  	_ =	strace $0x9000004B  }
0xb6: {  	_ =	sfence  }
0xb7: {  	s30 =	sld [smem:$0x0];
	_ =	sdelay $0x2  }
0xb8: {  	s31 =	sshll.u32 s1, $0xD;
	s1 =	sshrl.u32 s1, $0x2  }
0xb9: {  	s3 =	sand.u32 $0x4000, s31;
	s1 =	sadd.s32 s1, s30  }
0xba: {  	s0 =	sor.u32 s3, s0;
	s1 =	sshll.u32 s1, $0x11  }
0xbb: {  	s0 =	sor.u32 s1, s0  }
0xbc: {  	s0 =	sadd.s32 $0x8F2B, s0  }
0xbd: {  	[sflag:s0] =	ssyncadd.remote.s32 $0x1  }
0xbe: {  	_ =	sfence.sel $0xFFFF  }
0xbf: {  	[dreg:$0x0] =	wrdreg $0xFFFFFFFF;
	(pc) =	sbr.abs _section_cstart, $3  }
0xc0: {  	[dreg:$0x1] =	wrdreg $0xFFFFFFFF  }
0xc1: {  	_ =	task.clear_ibuf [dreg:s6], $0x2FFFF;
	_ =	strace $0x9FFFFFFF  }
0xc2: {  	(tm) =	ssettm $0x7FFFFFFF  }
0xc3: {  	_ =	shalt  }
tec
execute0_lowered:
.L_overlay_start_1:
0x0: {  	(tag) =	ssettag $0x1  }
0x1: {  	s0 =	rddreg [dreg:$0x0]  }
0x2: {  	s1 =	rddreg [dreg:$0x1]  }
0x3: {  	s2 =	simm.s32 $0x0;
	s12 =	stileid.u32;
	s4 =	srdreg.scid  }
0x4: {  	s28 =	simm.s32 $0x5400;
	s29 =	simm.s32 $0x1;
	s6 =	smul.u32 $0x3E80, s12  }
0x5: {  	s30 =	simm.s32 $0x80;
	s31 =	simm.s32 $0x300;
	s9 =	smul.u32 $0x7D000, s12  }
0x6: {  	[smem:$0x7FF] =	sst s2;
	s3 =	sadd.s32 $0x31E00, s0;
	s11 =	smul.u32 $0x7D00, s12  }
0x7: {  	s5 =	sadd.s32 $0x59000, s0;
	s4 =	sand.u32 $0x1, s4;
	s18 =	smul.u32 $0x4E000, s12  }
0x8: {  	s7 =	sadd.s32 $0xCEA00, s0;
	s13 =	sadd.s32 $0x80200, s0;
	s20 =	smul.u32 $0x2700, s12  }
0x9: {  	s14 =	sadd.s32 $0xA7400, s0;
	s24 =	smul.u32 $0xFA0, s12;
	s25 =	sadd.s32 $0x138000, s1  }
0xa: {  	p1 =	sgt.u32 s12, $0x9;
	p2 =	sne.s32 s12, $0x0;
	p3 =	seq.s32 s12, $0x0  }
0xb: {  	_ =	strace $0x8000004A;
	s8 =	ssub.s32 $0x2, s4;
	[dreg:$0x3] =	wrdreg s13  }
0xc: {  	p0 =	seq.s32 s4, $0x1;
	[dreg:$0x4] =	wrdreg s14;
	s26 =	sshrl.u32 s25, $0x3  }
0xd: {  	s25 =	simm.s32 $0x2;
	s6 =	sadd.s32 s6, s0;
	s10 =	sshrl.u32 s8, $0x1  }
0xe: {  	s16 =	sshrl.u32 s9, $0x2;
	s17 =	sshrl.u32 s11, $0x3;
	s9 =	sshrl.u32 s18, $0x2  }
0xf: {  	s23 =	sadd.s32 s13, s20;
	[dreg:$0xf] =	wrdreg s26;
	s15 =	ssub.s32 s8, s10  }
0x10: {  	s4 =	sadd.s32 s16, s1;
	s8 =	sadd.s32 s7, s17;
	s6 =	sadd.s32 $0xAC00, s6  }
0x11: {  	s9 =	sadd.s32 s9, s1;
	[dreg:$0xa] =	wrdreg s23;
	s17 =	sadd.s32 s24, s7  }
0x12: {  	s24 =	simm.s32 $0x2C00;
	s7 =	simm.s32 $0x280;
	[dreg:$0x5] =	wrdreg s6  }
0x13: {  	s10 =	simm.s32 $0x0;
	s19 =	sadd.s32 $0x20, s8;
	[dreg:$0x9] =	wrdreg s9  }
0x14: {  	s21 =	sadd.s32 $0x40, s8;
	s22 =	sadd.s32 $0x60, s8;
	[dreg:$0x6] =	wrdreg s19  }
0x15: {  	s6 =	sadd.s32 s14, s20;
	s0 =	smax.u32 s15, $0x1;
	[dreg:$0x7] =	wrdreg s21  }
0x16: {  	s20 =	simm.s32 $0x9;
	s14 =	simm.s32 $0x180;
	[dreg:$0x8] =	wrdreg s22  }
.Ltmp0:
0x17: {  	s15 =	simm.s32 $0x5;
	[dreg:$0xb] =	wrdreg s6;
	(pc) =	sbr.rel .LBB2_1-.Ltmp0, $4  }
0x18: {  	s9 =	simm.s32 $0x8;
	[dreg:$0xc] =	wrdreg s0;
	s0 =	sshll.u32 @!p1 s12, $0x6  }
0x19: {  	s21 =	simm.s32 $0x50;
	s22 =	simm.s32 $0x400;
	s0 =	sor.u32 @!p1 $0x1C09, s0  }
0x1a: {  	s6 =	simm.s32 $0x3;
	[dreg:$0xd] =	wrdreg s0;
	s0 =	sshrl.u32 @!p1 s4, $0x3  }
0x1b: {  	s4 =	simm.s32 $0x6;
	[dreg:$0xe] =	wrdreg s0;
	s0 =	simm.s32 $0x7C00  }
.LBB2_10:
0x1c: {  	s12 =	sadd.s32 $0x27000, s12;
	s13 =	rddreg [dreg:$0xf]  }
0x1d: {  	[hbm:s12], [sflag:s11] =	dma.local [spmem:s13], $0x100  }
0x1e: {  	_ =	swait.ge [sflag:s20], $0x100  }
0x1f: {  	[sflag:s20] =	ssyncset.done $0x0  }
0x20: {  	[sflag:s20] =	ssyncadd.s32 $0xFFFFFF00  }
.LBB2_11:
0x21: {  	s10 =	sadd.s32 $0x1, s10;
	s11 =	rddreg [dreg:$0xc]  }
0x22: {  	p4 =	sne.s32 s10, s11  }
.Ltmp1:
0x23: {  	_ = 	snop;
	(pc) =	sbr.rel @!p4 .LBB2_12-.Ltmp1, $1  }
0x24: {  	_ =	sdelay $0x3  }
.LBB2_1:
.Ltmp2:
0x25: {  	(pc) =	sbr.rel @!p0 .LBB2_2-.Ltmp2, $1  }
0x26: {  	_ =	sdelay $0x3  }
0x27: {  	s11 =	rddreg [dreg:$0x5]  }
0x28: {  	s12 =	rddreg [dreg:$0xd]  }
0x29: {  	s13 =	rddreg [dreg:$0xe]  }
0x2a: {  	[spmem:s13], [sflag:s12] =	dma.local @!p1 [hbm:s11], $0x3E80  }
0x2b: {  	s11 =	simm.s32 @!p1 $0x9  }
0x2c: {  	_ =	swait.ge @!p1 [sflag:s11], $0x3E80  }
0x2d: {  	[sflag:s11] =	ssyncset.done @!p1 $0x0  }
0x2e: {  	[sflag:s11] =	ssyncadd.s32 @!p1 $0xFFFFC180  }
0x2f: {  	[bflag:$0x0] =	sbarrier.arrive $0xFFFF  }
0x30: {  	[tilespmem:s2], [sflag:$0x9] =	stream.linear.gather [hbm4b:s8+s2], $0x100, $0x38;
	[tilespmem:$0x1DC80] =	vst v63  }
0x31: {  	_ =	swait.ge [sflag:s20], $0x100  }
0x32: {  	[sflag:s20] =	ssyncset.done $0x0  }
0x33: {  	[sflag:s20] =	ssyncadd.s32 $0xFFFFFF00  }
0x34: {  	[tilespmem:s22], [sflag:$0x1] =	stream.indirect.gather [hbm4b:s5+s21], $0x80, s2, s21, $0xb8;
	[tilespmem:$0x1DC80] =	vst v63  }
0x35: {  	s18 =	simm.s32 $0x100;
	s16 =	rddreg [dreg:$0x6]  }
0x36: {  	[tilespmem:s18], [sflag:$0x9] =	stream.linear.gather [hbm4b:s16+s2], $0x100, $0x38;
	[tilespmem:$0x1DC80] =	vst v63  }
0x37: {  	_ =	swait.ge [sflag:s20], $0x100  }
0x38: {  	[sflag:s20] =	ssyncset.done $0x0  }
0x39: {  	[sflag:s20] =	ssyncadd.s32 $0xFFFFFF00  }
0x3a: {  	[tilespmem:s24], [sflag:$0x2] =	stream.indirect.gather [hbm4b:s5+s21], $0x80, s18, s21, $0xb8;
	[tilespmem:$0x1DC80] =	vst v63  }
0x3b: {  	s23 =	simm.s32 $0x200;
	s19 =	rddreg [dreg:$0x7]  }
0x3c: {  	[tilespmem:s23], [sflag:$0x9] =	stream.linear.gather [hbm4b:s19+s2], $0x100, $0x38;
	[tilespmem:$0x1DC80] =	vst v63  }
0x3d: {  	_ =	swait.ge [sflag:s20], $0x100  }
0x3e: {  	[sflag:s20] =	ssyncset.done $0x0  }
0x3f: {  	[sflag:s20] =	ssyncadd.s32 $0xFFFFFF00  }
0x40: {  	[tilespmem:s28], [sflag:$0x3] =	stream.indirect.gather [hbm4b:s5+s21], $0x80, s23, s21, $0xb8;
	[tilespmem:$0x1DC80] =	vst v63  }
0x41: {  	_ =	swait.ge [sflag:s29], $0x2800  }
0x42: {  	[sflag:s29] =	ssyncset.done $0x0  }
0x43: {  	[sflag:s29] =	ssyncadd.s32 $0xFFFFD800  }
0x44: {  	[spmem:s1] =	stream.indirect.scatter.add.f32 [tilespmem:s22], [sflag:$0x5], $0x80, s30, s21, $0xb8;
	[tilespmem:$0x1DC80] =	vst v63  }
0x45: {  	s26 =	rddreg [dreg:$0x8]  }
0x46: {  	[tilespmem:s31], [sflag:$0x9] =	stream.linear.gather [hbm4b:s26+s2], $0x100, $0x38;
	[tilespmem:$0x1DC80] =	vst v63  }
0x47: {  	_ =	swait.ge [sflag:s20], $0x100  }
0x48: {  	[sflag:s20] =	ssyncset.done $0x0  }
0x49: {  	[sflag:s20] =	ssyncadd.s32 $0xFFFFFF00  }
0x4a: {  	[tilespmem:s0], [sflag:$0x4] =	stream.indirect.gather [hbm4b:s5+s21], $0x80, s31, s21, $0xb8;
	[tilespmem:$0x1DC80] =	vst v63  }
0x4b: {  	_ =	swait.ge [sflag:s25], $0x2800  }
0x4c: {  	[sflag:s25] =	ssyncset.done $0x0  }
0x4d: {  	s11 =	simm.s32 $0xFFFFF100;
	[sflag:s25] =	ssyncadd.s32 $0xFFFFD800  }
0x4e: {  	[spmem:s1] =	stream.indirect.scatter.add.f32 [tilespmem:s24], [sflag:$0x6], $0x80, s14, s21, $0xb8;
	[tilespmem:$0x1DC80] =	vst v63  }
.LBB2_7:
0x4f: {  	_ =	swait.ge [sflag:s15], $0x2800  }
0x50: {  	s12 =	sadd.s32 s11, s17;
	[sflag:s15] =	ssyncset.done $0x0  }
0x51: {  	s13 =	sadd.s32 $0xF80, s12;
	[sflag:s15] =	ssyncadd.s32 $0xFFFFD800  }
0x52: {  	[tilespmem:s2], [sflag:$0x9] =	stream.linear.gather [hbm4b:s13+s2], $0x100, $0x38;
	[tilespmem:$0x1DC80] =	vst v63  }
0x53: {  	_ =	swait.ge [sflag:s20], $0x100  }
0x54: {  	[sflag:s20] =	ssyncset.done $0x0  }
0x55: {  	[sflag:s20] =	ssyncadd.s32 $0xFFFFFF00  }
0x56: {  	[tilespmem:s22], [sflag:$0x1] =	stream.indirect.gather [hbm4b:s5+s21], $0x80, s2, s21, $0xb8;
	[tilespmem:$0x1DC80] =	vst v63  }
0x57: {  	_ =	swait.ge [sflag:s6], $0x2800  }
0x58: {  	[sflag:s6] =	ssyncset.done $0x0  }
0x59: {  	[sflag:s6] =	ssyncadd.s32 $0xFFFFD800  }
0x5a: {  	[spmem:s1] =	stream.indirect.scatter.add.f32 [tilespmem:s28], [sflag:$0x7], $0x80, s7, s21, $0xb8;
	[tilespmem:$0x1DC80] =	vst v63  }
0x5b: {  	_ =	swait.ge [sflag:s4], $0x2800  }
0x5c: {  	p4 =	seq.s32 s11, $0x0;
	[sflag:s4] =	ssyncset.done $0x0  }
0x5d: {  	s13 =	simm.s32 @p4 $0x4;
	[sflag:s4] =	ssyncadd.s32 $0xFFFFD800  }
0x5e: {  	_ =	swait.ge @p4 [sflag:s13], $0x2800  }
0x5f: {  	s16 =	simm.s32 @p4 $0x380;
	[sflag:s13] =	ssyncset.done @p4 $0x0  }
0x60: {  	s18 =	simm.s32 @p4 $0x7C00;
	[sflag:s13] =	ssyncadd.s32 @p4 $0xFFFFD800;
	s13 =	simm.s32 @p4 $0x50  }
0x61: {  	[spmem:s1] =	stream.indirect.scatter.add.f32 @p4 [tilespmem:s18], [sflag:$0x8], $0x80, s16, s13, $0xb8;
	[tilespmem:$0x1DC80] =	vst v63  }
0x62: {  	s13 =	simm.s32 @p4 $0x7  }
0x63: {  	_ =	swait.ge @p4 [sflag:s13], $0x2800  }
0x64: {  	[sflag:s13] =	ssyncset.done @p4 $0x0  }
0x65: {  	[sflag:s13] =	ssyncadd.s32 @p4 $0xFFFFD800;
	s13 =	sadd.s32 @!p4 s11, s17  }
0x66: {  	s19 =	simm.s32 @!p4 $0x100;
	s18 =	simm.s32 @!p4 $0x0;
	s16 =	sadd.s32 @!p4 $0xFA0, s13  }
0x67: {  	[tilespmem:s19], [sflag:$0x9] =	stream.linear.gather @!p4 [hbm4b:s16+s18], $0x100, $0x38;
	[tilespmem:$0x1DC80] =	vst v63  }
0x68: {  	s16 =	simm.s32 @!p4 $0x9  }
0x69: {  	_ =	swait.ge @!p4 [sflag:s16], $0x100  }
0x6a: {  	[sflag:s16] =	ssyncset.done @!p4 $0x0  }
0x6b: {  	s23 =	simm.s32 @!p4 $0x50;
	s26 =	simm.s32 @!p4 $0x2C00;
	[sflag:s16] =	ssyncadd.s32 @!p4 $0xFFFFFF00  }
0x6c: {  	[tilespmem:s26], [sflag:$0x2] =	stream.indirect.gather @!p4 [hbm4b:s5+s23], $0x80, s19, s23, $0xb8;
	[tilespmem:$0x1DC80] =	vst v63  }
0x6d: {  	s19 =	simm.s32 @!p4 $0x4  }
0x6e: {  	_ =	swait.ge @!p4 [sflag:s19], $0x2800  }
0x6f: {  	[sflag:s19] =	ssyncset.done @!p4 $0x0  }
0x70: {  	s26 =	simm.s32 @!p4 $0x7C00;
	[sflag:s19] =	ssyncadd.s32 @!p4 $0xFFFFD800;
	s19 =	simm.s32 @!p4 $0x380  }
0x71: {  	[spmem:s1] =	stream.indirect.scatter.add.f32 @!p4 [tilespmem:s26], [sflag:$0x8], $0x80, s19, s23, $0xb8;
	[tilespmem:$0x1DC80] =	vst v63  }
0x72: {  	s19 =	simm.s32 @!p4 $0x7  }
0x73: {  	_ =	swait.ge @!p4 [sflag:s19], $0x2800  }
0x74: {  	[sflag:s19] =	ssyncset.done @!p4 $0x0  }
0x75: {  	s13 =	sadd.s32 @!p4 $0xFC0, s13;
	[sflag:s19] =	ssyncadd.s32 @!p4 $0xFFFFD800;
	s19 =	simm.s32 @!p4 $0x200  }
0x76: {  	[tilespmem:s19], [sflag:$0x9] =	stream.linear.gather @!p4 [hbm4b:s13+s18], $0x100, $0x38;
	[tilespmem:$0x1DC80] =	vst v63  }
0x77: {  	_ =	swait.ge @!p4 [sflag:s16], $0x100  }
0x78: {  	[sflag:s16] =	ssyncset.done @!p4 $0x0  }
0x79: {  	s13 =	simm.s32 @!p4 $0x5400;
	[sflag:s16] =	ssyncadd.s32 @!p4 $0xFFFFFF00  }
0x7a: {  	[tilespmem:s13], [sflag:$0x3] =	stream.indirect.gather @!p4 [hbm4b:s5+s23], $0x80, s19, s23, $0xb8;
	[tilespmem:$0x1DC80] =	vst v63  }
0x7b: {  	_ =	swait.ge [sflag:s29], $0x2800  }
0x7c: {  	[sflag:s29] =	ssyncset.done $0x0  }
.Ltmp3:
0x7d: {  	[sflag:s29] =	ssyncadd.s32 $0xFFFFD800;
	(pc) =	sbr.rel @p4 .LBB2_9-.Ltmp3, $4  }
0x7e: {  	[spmem:s1] =	stream.indirect.scatter.add.f32 [tilespmem:s22], [sflag:$0x5], $0x80, s30, s21, $0xb8;
	[tilespmem:$0x1DC80] =	vst v63  }
0x7f: {  	_ =	swait.ge [sflag:s9], $0x2800  }
0x80: {  	[sflag:s9] =	ssyncset.done $0x0  }
0x81: {  	[sflag:s9] =	ssyncadd.s32 $0xFFFFD800  }
0x82: {  	s12 =	sadd.s32 $0xFE0, s12  }
0x83: {  	[tilespmem:s31], [sflag:$0x9] =	stream.linear.gather [hbm4b:s12+s2], $0x100, $0x38;
	[tilespmem:$0x1DC80] =	vst v63  }
0x84: {  	_ =	swait.ge [sflag:s20], $0x100  }
0x85: {  	[sflag:s20] =	ssyncset.done $0x0  }
0x86: {  	[sflag:s20] =	ssyncadd.s32 $0xFFFFFF00  }
0x87: {  	[tilespmem:s0], [sflag:$0x4] =	stream.indirect.gather [hbm4b:s5+s21], $0x80, s31, s21, $0xb8;
	[tilespmem:$0x1DC80] =	vst v63  }
.Ltmp4:
0x88: {  	_ = 	snop;
	(pc) =	sbr.rel .LBB2_7-.Ltmp4, $4  }
0x89: {  	_ =	swait.ge [sflag:s25], $0x2800  }
0x8a: {  	[sflag:s25] =	ssyncset.done $0x0  }
0x8b: {  	s11 =	sadd.s32 $0x80, s11;
	[sflag:s25] =	ssyncadd.s32 $0xFFFFD800  }
0x8c: {  	[spmem:s1] =	stream.indirect.scatter.add.f32 [tilespmem:s24], [sflag:$0x6], $0x80, s14, s21, $0xb8;
	[tilespmem:$0x1DC80] =	vst v63  }
.LBB2_2:
0x8d: {  	s11 =	rddreg [dreg:$0x5]  }
0x8e: {  	s12 =	rddreg [dreg:$0xd]  }
0x8f: {  	s13 =	rddreg [dreg:$0xe]  }
0x90: {  	[spmem:s13], [sflag:s12] =	dma.local @!p1 [hbm:s11], $0x3E80  }
0x91: {  	s11 =	simm.s32 @!p1 $0x9  }
0x92: {  	_ =	swait.ge @!p1 [sflag:s11], $0x3E80  }
0x93: {  	[sflag:s11] =	ssyncset.done @!p1 $0x0  }
0x94: {  	[sflag:s11] =	ssyncadd.s32 @!p1 $0xFFFFC180  }
0x95: {  	[bflag:$0x0] =	sbarrier.arrive $0xFFFF  }
0x96: {  	[tilespmem:s2], [sflag:$0x9] =	stream.linear.gather [hbm4b:s8+s2], $0x100, $0x38;
	[tilespmem:$0x1DC80] =	vst v63  }
0x97: {  	_ =	swait.ge [sflag:s20], $0x100  }
0x98: {  	[sflag:s20] =	ssyncset.done $0x0  }
0x99: {  	[sflag:s20] =	ssyncadd.s32 $0xFFFFFF00  }
0x9a: {  	[tilespmem:s22], [sflag:$0x1] =	stream.indirect.gather [hbm4b:s3+s21], $0x80, s2, s21, $0xb8;
	[tilespmem:$0x1DC80] =	vst v63  }
0x9b: {  	s18 =	simm.s32 $0x100;
	s16 =	rddreg [dreg:$0x6]  }
0x9c: {  	[tilespmem:s18], [sflag:$0x9] =	stream.linear.gather [hbm4b:s16+s2], $0x100, $0x38;
	[tilespmem:$0x1DC80] =	vst v63  }
0x9d: {  	_ =	swait.ge [sflag:s20], $0x100  }
0x9e: {  	[sflag:s20] =	ssyncset.done $0x0  }
0x9f: {  	[sflag:s20] =	ssyncadd.s32 $0xFFFFFF00  }
0xa0: {  	[tilespmem:s24], [sflag:$0x2] =	stream.indirect.gather [hbm4b:s3+s21], $0x80, s18, s21, $0xb8;
	[tilespmem:$0x1DC80] =	vst v63  }
0xa1: {  	s23 =	simm.s32 $0x200;
	s19 =	rddreg [dreg:$0x7]  }
0xa2: {  	[tilespmem:s23], [sflag:$0x9] =	stream.linear.gather [hbm4b:s19+s2], $0x100, $0x38;
	[tilespmem:$0x1DC80] =	vst v63  }
0xa3: {  	_ =	swait.ge [sflag:s20], $0x100  }
0xa4: {  	[sflag:s20] =	ssyncset.done $0x0  }
0xa5: {  	[sflag:s20] =	ssyncadd.s32 $0xFFFFFF00  }
0xa6: {  	[tilespmem:s28], [sflag:$0x3] =	stream.indirect.gather [hbm4b:s3+s21], $0x80, s23, s21, $0xb8;
	[tilespmem:$0x1DC80] =	vst v63  }
0xa7: {  	_ =	swait.ge [sflag:s29], $0x2800  }
0xa8: {  	[sflag:s29] =	ssyncset.done $0x0  }
0xa9: {  	[sflag:s29] =	ssyncadd.s32 $0xFFFFD800  }
0xaa: {  	[spmem:s1] =	stream.indirect.scatter.add.f32 [tilespmem:s22], [sflag:$0x5], $0x80, s30, s21, $0xb8;
	[tilespmem:$0x1DC80] =	vst v63  }
0xab: {  	s26 =	rddreg [dreg:$0x8]  }
0xac: {  	[tilespmem:s31], [sflag:$0x9] =	stream.linear.gather [hbm4b:s26+s2], $0x100, $0x38;
	[tilespmem:$0x1DC80] =	vst v63  }
0xad: {  	_ =	swait.ge [sflag:s20], $0x100  }
0xae: {  	[sflag:s20] =	ssyncset.done $0x0  }
0xaf: {  	[sflag:s20] =	ssyncadd.s32 $0xFFFFFF00  }
0xb0: {  	[tilespmem:s0], [sflag:$0x4] =	stream.indirect.gather [hbm4b:s3+s21], $0x80, s31, s21, $0xb8;
	[tilespmem:$0x1DC80] =	vst v63  }
0xb1: {  	_ =	swait.ge [sflag:s25], $0x2800  }
0xb2: {  	[sflag:s25] =	ssyncset.done $0x0  }
0xb3: {  	s11 =	simm.s32 $0xFFFFF100;
	[sflag:s25] =	ssyncadd.s32 $0xFFFFD800  }
0xb4: {  	[spmem:s1] =	stream.indirect.scatter.add.f32 [tilespmem:s24], [sflag:$0x6], $0x80, s14, s21, $0xb8;
	[tilespmem:$0x1DC80] =	vst v63  }
.LBB2_3:
0xb5: {  	_ =	swait.ge [sflag:s15], $0x2800  }
0xb6: {  	s12 =	sadd.s32 s11, s17;
	[sflag:s15] =	ssyncset.done $0x0  }
0xb7: {  	s13 =	sadd.s32 $0xF80, s12;
	[sflag:s15] =	ssyncadd.s32 $0xFFFFD800  }
0xb8: {  	[tilespmem:s2], [sflag:$0x9] =	stream.linear.gather [hbm4b:s13+s2], $0x100, $0x38;
	[tilespmem:$0x1DC80] =	vst v63  }
0xb9: {  	_ =	swait.ge [sflag:s20], $0x100  }
0xba: {  	[sflag:s20] =	ssyncset.done $0x0  }
0xbb: {  	[sflag:s20] =	ssyncadd.s32 $0xFFFFFF00  }
0xbc: {  	[tilespmem:s22], [sflag:$0x1] =	stream.indirect.gather [hbm4b:s3+s21], $0x80, s2, s21, $0xb8;
	[tilespmem:$0x1DC80] =	vst v63  }
0xbd: {  	_ =	swait.ge [sflag:s6], $0x2800  }
0xbe: {  	[sflag:s6] =	ssyncset.done $0x0  }
0xbf: {  	[sflag:s6] =	ssyncadd.s32 $0xFFFFD800  }
0xc0: {  	[spmem:s1] =	stream.indirect.scatter.add.f32 [tilespmem:s28], [sflag:$0x7], $0x80, s7, s21, $0xb8;
	[tilespmem:$0x1DC80] =	vst v63  }
0xc1: {  	_ =	swait.ge [sflag:s4], $0x2800  }
0xc2: {  	p4 =	seq.s32 s11, $0x0;
	[sflag:s4] =	ssyncset.done $0x0  }
0xc3: {  	s13 =	simm.s32 @p4 $0x4;
	[sflag:s4] =	ssyncadd.s32 $0xFFFFD800  }
0xc4: {  	_ =	swait.ge @p4 [sflag:s13], $0x2800  }
0xc5: {  	s16 =	simm.s32 @p4 $0x380;
	[sflag:s13] =	ssyncset.done @p4 $0x0  }
0xc6: {  	s23 =	simm.s32 @p4 $0x7C00;
	[sflag:s13] =	ssyncadd.s32 @p4 $0xFFFFD800;
	s13 =	simm.s32 @p4 $0x50  }
0xc7: {  	[spmem:s1] =	stream.indirect.scatter.add.f32 @p4 [tilespmem:s23], [sflag:$0x8], $0x80, s16, s13, $0xb8;
	[tilespmem:$0x1DC80] =	vst v63  }
0xc8: {  	s13 =	simm.s32 @p4 $0x7  }
0xc9: {  	_ =	swait.ge @p4 [sflag:s13], $0x2800  }
0xca: {  	[sflag:s13] =	ssyncset.done @p4 $0x0  }
0xcb: {  	[sflag:s13] =	ssyncadd.s32 @p4 $0xFFFFD800;
	s13 =	sadd.s32 @!p4 s11, s17  }
0xcc: {  	s18 =	simm.s32 @!p4 $0x100;
	s23 =	simm.s32 @!p4 $0x0;
	s16 =	sadd.s32 @!p4 $0xFA0, s13  }
0xcd: {  	[tilespmem:s18], [sflag:$0x9] =	stream.linear.gather @!p4 [hbm4b:s16+s23], $0x100, $0x38;
	[tilespmem:$0x1DC80] =	vst v63  }
0xce: {  	s16 =	simm.s32 @!p4 $0x9  }
0xcf: {  	_ =	swait.ge @!p4 [sflag:s16], $0x100  }
0xd0: {  	[sflag:s16] =	ssyncset.done @!p4 $0x0  }
0xd1: {  	s19 =	simm.s32 @!p4 $0x50;
	s26 =	simm.s32 @!p4 $0x2C00;
	[sflag:s16] =	ssyncadd.s32 @!p4 $0xFFFFFF00  }
0xd2: {  	[tilespmem:s26], [sflag:$0x2] =	stream.indirect.gather @!p4 [hbm4b:s3+s19], $0x80, s18, s19, $0xb8;
	[tilespmem:$0x1DC80] =	vst v63  }
0xd3: {  	s18 =	simm.s32 @!p4 $0x4  }
0xd4: {  	_ =	swait.ge @!p4 [sflag:s18], $0x2800  }
0xd5: {  	[sflag:s18] =	ssyncset.done @!p4 $0x0  }
0xd6: {  	s26 =	simm.s32 @!p4 $0x7C00;
	[sflag:s18] =	ssyncadd.s32 @!p4 $0xFFFFD800;
	s18 =	simm.s32 @!p4 $0x380  }
0xd7: {  	[spmem:s1] =	stream.indirect.scatter.add.f32 @!p4 [tilespmem:s26], [sflag:$0x8], $0x80, s18, s19, $0xb8;
	[tilespmem:$0x1DC80] =	vst v63  }
0xd8: {  	s18 =	simm.s32 @!p4 $0x7  }
0xd9: {  	_ =	swait.ge @!p4 [sflag:s18], $0x2800  }
0xda: {  	[sflag:s18] =	ssyncset.done @!p4 $0x0  }
0xdb: {  	s13 =	sadd.s32 @!p4 $0xFC0, s13;
	[sflag:s18] =	ssyncadd.s32 @!p4 $0xFFFFD800;
	s18 =	simm.s32 @!p4 $0x200  }
0xdc: {  	[tilespmem:s18], [sflag:$0x9] =	stream.linear.gather @!p4 [hbm4b:s13+s23], $0x100, $0x38;
	[tilespmem:$0x1DC80] =	vst v63  }
0xdd: {  	_ =	swait.ge @!p4 [sflag:s16], $0x100  }
0xde: {  	[sflag:s16] =	ssyncset.done @!p4 $0x0  }
0xdf: {  	s13 =	simm.s32 @!p4 $0x5400;
	[sflag:s16] =	ssyncadd.s32 @!p4 $0xFFFFFF00  }
0xe0: {  	[tilespmem:s13], [sflag:$0x3] =	stream.indirect.gather @!p4 [hbm4b:s3+s19], $0x80, s18, s19, $0xb8;
	[tilespmem:$0x1DC80] =	vst v63  }
0xe1: {  	_ =	swait.ge [sflag:s29], $0x2800  }
0xe2: {  	[sflag:s29] =	ssyncset.done $0x0  }
.Ltmp5:
0xe3: {  	[sflag:s29] =	ssyncadd.s32 $0xFFFFD800;
	(pc) =	sbr.rel @p4 .LBB2_5-.Ltmp5, $4  }
0xe4: {  	[spmem:s1] =	stream.indirect.scatter.add.f32 [tilespmem:s22], [sflag:$0x5], $0x80, s30, s21, $0xb8;
	[tilespmem:$0x1DC80] =	vst v63  }
0xe5: {  	_ =	swait.ge [sflag:s9], $0x2800  }
0xe6: {  	[sflag:s9] =	ssyncset.done $0x0  }
0xe7: {  	[sflag:s9] =	ssyncadd.s32 $0xFFFFD800  }
0xe8: {  	s12 =	sadd.s32 $0xFE0, s12  }
0xe9: {  	[tilespmem:s31], [sflag:$0x9] =	stream.linear.gather [hbm4b:s12+s2], $0x100, $0x38;
	[tilespmem:$0x1DC80] =	vst v63  }
0xea: {  	_ =	swait.ge [sflag:s20], $0x100  }
0xeb: {  	[sflag:s20] =	ssyncset.done $0x0  }
0xec: {  	[sflag:s20] =	ssyncadd.s32 $0xFFFFFF00  }
0xed: {  	[tilespmem:s0], [sflag:$0x4] =	stream.indirect.gather [hbm4b:s3+s21], $0x80, s31, s21, $0xb8;
	[tilespmem:$0x1DC80] =	vst v63  }
.Ltmp6:
0xee: {  	_ = 	snop;
	(pc) =	sbr.rel .LBB2_3-.Ltmp6, $4  }
0xef: {  	_ =	swait.ge [sflag:s25], $0x2800  }
0xf0: {  	[sflag:s25] =	ssyncset.done $0x0  }
0xf1: {  	s11 =	sadd.s32 $0x80, s11;
	[sflag:s25] =	ssyncadd.s32 $0xFFFFD800  }
0xf2: {  	[spmem:s1] =	stream.indirect.scatter.add.f32 [tilespmem:s24], [sflag:$0x6], $0x80, s14, s21, $0xb8;
	[tilespmem:$0x1DC80] =	vst v63  }
.LBB2_9:
0xf3: {  	_ =	swait.ge [sflag:s15], $0x2800  }
0xf4: {  	[sflag:s15] =	ssyncset.done $0x0  }
0xf5: {  	[sflag:s15] =	ssyncadd.s32 $0xFFFFD800  }
0xf6: {  	s11 =	stileid.u32;
	[bflag:$0x0] =	sbarrier.arrive $0xFFFF  }
0xf7: {  	s11 =	sshll.u32 s11, $0x6;
	s12 =	rddreg [dreg:$0x9]  }
0xf8: {  	s11 =	sor.u32 $0x1C09, s11;
	s13 =	rddreg [dreg:$0xb];
	s12 =	sshrl.u32 s12, $0x3  }
0xf9: {  	[hbm:s13], [sflag:s11] =	dma.local [spmem:s12], $0x2700  }
.Ltmp7:
0xfa: {  	_ = 	snop;
	(pc) =	sbr.rel @p2 .LBB2_11-.Ltmp7, $4  }
.Ltmp8:
0xfb: {  	_ = 	snop;
	(pc) =	sbr.rel @!p2 .LBB2_10-.Ltmp8, $4  }
0xfc: {  	_ =	swait.ge [sflag:s20], $0x2700  }
0xfd: {  	[sflag:s20] =	ssyncset.done $0x0  }
0xfe: {  	s12 =	rddreg [dreg:$0x4];
	[sflag:s20] =	ssyncadd.s32 $0xFFFFD900  }
0xff: {  	_ = 	snop  }
.LBB2_5:
0x100: {  	_ =	swait.ge [sflag:s15], $0x2800  }
0x101: {  	[sflag:s15] =	ssyncset.done $0x0  }
0x102: {  	[sflag:s15] =	ssyncadd.s32 $0xFFFFD800  }
0x103: {  	s11 =	stileid.u32;
	[bflag:$0x0] =	sbarrier.arrive $0xFFFF  }
0x104: {  	s11 =	sshll.u32 s11, $0x6;
	s12 =	rddreg [dreg:$0x9]  }
0x105: {  	s11 =	sor.u32 $0x1C09, s11;
	s13 =	rddreg [dreg:$0xa];
	s12 =	sshrl.u32 s12, $0x3  }
0x106: {  	[hbm:s13], [sflag:s11] =	dma.local [spmem:s12], $0x2700  }
.Ltmp9:
0x107: {  	_ = 	snop;
	(pc) =	sbr.rel @!p3 .LBB2_11-.Ltmp9, $4  }
.Ltmp10:
0x108: {  	_ = 	snop;
	(pc) =	sbr.rel @p3 .LBB2_10-.Ltmp10, $4  }
0x109: {  	_ =	swait.ge [sflag:s20], $0x2700  }
0x10a: {  	[sflag:s20] =	ssyncset.done $0x0  }
0x10b: {  	s12 =	rddreg [dreg:$0x3];
	[sflag:s20] =	ssyncadd.s32 $0xFFFFD900  }
0x10c: {  	_ = 	snop  }
.LBB2_12:
0x10d: {  	_ =	sfence.sel $0x180000  }
0x10e: {  	[bflag:$0x0] =	sbarrier.arrive $0xFFFF  }
0x10f: {  	_ =	strace $0x9000004A  }
0x110: {  	[bflag:$0x2] =	sbarrier.arrive $0xFFFF  }
0x111: {  	s0 =	rddreg [dreg:$0x2]  }
0x112: {  	s0 =	sadd.s32 @!p2 $0x100000, s0  }
0x113: {  	[sflag:s0] =	ssyncadd.tile.s32 @!p2 $0x1;
	_ =	shalt  }
.Lfunc_end2:
_tile_overlayer_lowered:
.L_overlay_start_2:
0x114: {  	(tag) =	ssettag $0x2  }
0x115: {  	s0 =	rddreg [dreg:$0x0];
	s2 =	stileid.u32  }
0x116: {  	s1 =	rddreg [dreg:$0x1];
	p0 =	sne.s32 s2, $0x0  }
0x117: {  	s3 =	rddreg [dreg:$0x2];
	[bflag:$0x3] =	sbarrier.arrive $0xFFFF;
	s2 =	simm.s32 @!p0 $0x1C09  }
0x118: {  	[timem:s3], [sflag:s2] =	dma.local @!p0 [hbm:s0], s1  }
0x119: {  	s0 =	simm.s32 @!p0 $0x9  }
0x11a: {  	_ =	swait.ge @!p0 [sflag:s0], s1  }
0x11b: {  	s1 =	ssub.s32 @!p0 $0x0, s1;
	[sflag:s0] =	ssyncset.done @!p0 $0x0  }
0x11c: {  	[sflag:s0] =	ssyncadd.s32 @!p0 s1  }
0x11d: {  	[bflag:$0x3] =	sbarrier.arrive $0xFFFF  }
0x11e: {  	_ =	shalt  }

// kernel: kernel.15.cloned.1.call-start
scs
__scs_entry_jumppad:
0x0: {  	(pc) =	sbr.rel $0x88, $3  }
0x1: {  	(tag) =	ssettag $0x0;
	lr =	simm.s32 $0x1  }
0x2: {  	[smem:$0x3F99] =	sst lr;
	_ =	strace $0xD0000000  }
0x3: {  	_ = 	snop  }
0x4: {  	_ = 	snop  }
0x5: {  	_ = 	snop  }
0x6: {  	_ = 	snop  }
0x7: {  	_ = 	snop  }
__scs_overlays_trampoline_lowered:
0x8: {  	[smem:$0x3FA8] =	sst s0  }
0x9: {  	[smem:$0x3FA9] =	sst s1  }
0xa: {  	[smem:$0x3FAA] =	sst s2  }
0xb: {  	[smem:$0x3FAB] =	sst s3  }
0xc: {  	[smem:$0x3FAC] =	sst s4  }
0xd: {  	[smem:$0x3FAD] =	sst s5  }
0xe: {  	[smem:$0x3FAE] =	sst s6  }
0xf: {  	[smem:$0x3FAF] =	sst s7  }
0x10: {  	[smem:$0x3FB0] =	sst s8  }
0x11: {  	[smem:$0x3FB1] =	sst s9;
	s0 =	simm.s32 @!p0 $0x0  }
0x12: {  	s1 =	sld [smem:$0x3F97];
	s0 =	simm.s32 @p0 $0x1  }
0x13: {  	[smem:$0x3FB2] =	sst s0;
	s0 =	simm.s32 @!p1 $0x0  }
0x14: {  	s2 =	sld [smem:$0x3F96];
	s0 =	simm.s32 @p1 $0x1  }
0x15: {  	[smem:$0x3FB3] =	sst s0;
	s0 =	simm.s32 @!p2 $0x0  }
0x16: {  	s3 =	sld [smem:$0x3FDB];
	s0 =	simm.s32 @p2 $0x1  }
0x17: {  	s4 =	simm.s32 $0x1BF5;
	[smem:$0x3FB5] =	sst s0  }
0x18: {  	s0 =	sld [smem:$0x3F98];
	_ =	swait.ge [sflag:s4], $0x0  }
0x19: {  	s7 =	sld [smem:$0x3F99]  }
0x1a: {  	s8 =	sadd.s32 $0xFFFFE003, lr  }
0x1b: {  	s9 =	sadd.s32 $0xFFFFFEF7, lr;
	s5 =	simm.s32 $0xFFFFFFFF;
	p2 =	slt.u32 s8, $0xFFFFF086  }
0x1c: {  	p1 =	slt.u32 s9, $0xF7A;
	s5 =	simm.s32 @!p2 $0x0  }
0x1d: {  	s5 =	simm.s32 @p1 $0x1;
	p0 =	seq.s32 s7, s2  }
0x1e: {  	s7 =	smul.u32 @!p0 $0xF7A, s2;
	p2 =	seq.s32 @!p0 s5, $0x0  }
0x1f: {  	s9 =	smul.u32 $0xF7A, s1;
	s8 =	simm.s32 @!p0 $0x1BF5;
	p2 =	por !p2, p0  }
0x20: {  	[sflag:s8] =	ssyncset.s32 @!p0 $0xFFFFF086;
	s6 =	sadd.s32 @!p0 s3, s7;
	s7 =	simm.s32 @!p0 $0x108  }
0x21: {  	s3 =	sadd.s32 s3, s9;
	s6 =	sadd.s32 @!p0 $0x88, s6;
	s7 =	simm.s32 @p2 $0x1082  }
0x22: {  	[simem:s7], [sflag:s8] =	dma.local @!p0 [hbm:s6], $0xF7A  }
0x23: {  	s9 =	sor.u32 $0xD0000000, s2;
	s6 =	simm.s32 $0x108;
	_ =	swait.ge @!p0 [sflag:s8], $0x0  }
0x24: {  	s3 =	sadd.s32 $0x88, s3;
	s6 =	simm.s32 @!p1 $0x1082;
	[sflag:s4] =	ssyncset.s32 $0xFFFFF086  }
0x25: {  	[simem:s6], [sflag:s4] =	dma.local [hbm:s3], $0xF7A  }
0x26: {  	[smem:$0x3F99] =	sst s1;
	(tag) =	ssettag s2;
	_ =	strace s9  }
0x27: {  	s1 =	sld [smem:$0x3FA9]  }
0x28: {  	s2 =	sld [smem:$0x3FAA]  }
0x29: {  	s4 =	sld [smem:$0x3FAC]  }
0x2a: {  	p0 =	seq.s32 s5, $0x0;
	s5 =	sld [smem:$0x3FAD]  }
0x2b: {  	s6 =	sld [smem:$0x3FAE]  }
0x2c: {  	s7 =	sld [smem:$0x3FAF]  }
0x2d: {  	s3 =	simm.s32 $0x108;
	s8 =	sld [smem:$0x3FB0]  }
0x2e: {  	s3 =	simm.s32 @!p0 $0x1082;
	s9 =	sld [smem:$0x3FB1]  }
0x2f: {  	lr =	sadd.s32 s0, s3;
	s0 =	sld [smem:$0x3FA8]  }
0x30: {  	s3 =	sld [smem:$0x3FAB]  }
0x31: {  	[smem:$0x3FB4] =	sst s10  }
0x32: {  	s10 =	sld [smem:$0x3FB2];
	_ =	sdelay $0x3  }
0x33: {  	p0 =	seq.s32 s10, $0x1;
	s10 =	sld [smem:$0x3FB4];
	_ =	sdelay $0x3  }
0x34: {  	[smem:$0x3FB4] =	sst s10  }
0x35: {  	s10 =	sld [smem:$0x3FB3];
	_ =	sdelay $0x3  }
0x36: {  	p1 =	seq.s32 s10, $0x1;
	s10 =	sld [smem:$0x3FB4];
	_ =	sdelay $0x3  }
0x37: {  	[smem:$0x3FB4] =	sst s10  }
0x38: {  	s10 =	sld [smem:$0x3FB5]  }
0x39: {  	_ = 	snop;
	(pc) =	sbr.ind lr, $3  }
0x3a: {  	_ = 	snop  }
0x3b: {  	_ = 	snop  }
0x3c: {  	p2 =	seq.s32 s10, $0x1;
	s10 =	sld [smem:$0x3FB4]  }
0x3d: {  	_ =	shalt  }
0x3e: {  	_ =	shalt  }
0x3f: {  	_ =	shalt  }
0x40: {  	_ =	shalt  }
0x41: {  	_ =	shalt  }
0x42: {  	_ =	shalt  }
0x43: {  	_ =	shalt  }
0x44: {  	_ =	shalt  }
0x45: {  	_ =	shalt  }
0x46: {  	_ =	shalt  }
0x47: {  	_ =	shalt  }
0x48: {  	_ =	shalt  }
0x49: {  	_ =	shalt  }
0x4a: {  	_ =	shalt  }
0x4b: {  	_ =	shalt  }
0x4c: {  	_ =	shalt  }
0x4d: {  	_ =	shalt  }
0x4e: {  	_ =	shalt  }
0x4f: {  	_ =	shalt  }
0x50: {  	_ =	shalt  }
0x51: {  	_ =	shalt  }
0x52: {  	_ =	shalt  }
0x53: {  	_ =	shalt  }
0x54: {  	_ =	shalt  }
0x55: {  	_ =	shalt  }
0x56: {  	_ =	shalt  }
0x57: {  	_ =	shalt  }
0x58: {  	_ =	shalt  }
0x59: {  	_ =	shalt  }
0x5a: {  	_ =	shalt  }
0x5b: {  	_ =	shalt  }
0x5c: {  	_ =	shalt  }
0x5d: {  	_ =	shalt  }
0x5e: {  	_ =	shalt  }
0x5f: {  	_ =	shalt  }
0x60: {  	_ =	shalt  }
0x61: {  	_ =	shalt  }
0x62: {  	_ =	shalt  }
0x63: {  	_ =	shalt  }
0x64: {  	_ =	shalt  }
0x65: {  	_ =	shalt  }
0x66: {  	_ =	shalt  }
0x67: {  	_ =	shalt  }
0x68: {  	_ =	shalt  }
0x69: {  	_ =	shalt  }
0x6a: {  	_ =	shalt  }
0x6b: {  	_ =	shalt  }
0x6c: {  	_ =	shalt  }
0x6d: {  	_ =	shalt  }
0x6e: {  	_ =	shalt  }
0x6f: {  	_ =	shalt  }
0x70: {  	_ =	shalt  }
0x71: {  	_ =	shalt  }
0x72: {  	_ =	shalt  }
0x73: {  	_ =	shalt  }
0x74: {  	_ =	shalt  }
0x75: {  	_ =	shalt  }
0x76: {  	_ =	shalt  }
0x77: {  	_ =	shalt  }
0x78: {  	_ =	shalt  }
0x79: {  	_ =	shalt  }
0x7a: {  	_ =	shalt  }
0x7b: {  	_ =	shalt  }
0x7c: {  	_ =	shalt  }
0x7d: {  	_ =	shalt  }
0x7e: {  	_ =	shalt  }
0x7f: {  	_ =	shalt  }
0x80: {  	_ =	shalt  }
0x81: {  	_ =	shalt  }
0x82: {  	_ =	shalt  }
0x83: {  	_ =	shalt  }
0x84: {  	_ =	shalt  }
0x85: {  	_ =	shalt  }
0x86: {  	_ =	shalt  }
0x87: {  	_ =	shalt  }
.Lfunc_end0:
.L_simem_size_0:
called_computation.2_lowered:
.L_overlay_start_0:
0x88: {  	s2 =	sld [smem:$0x3FD9]  }
0x89: {  	s3 =	sld [smem:$0x3FFE];
	_ =	sdelay $0x1  }
0x8a: {  	s1 =	srdreg.scid  }
0x8b: {  	s0 =	sand.u32 $0x1, s1  }
0x8c: {  	s16 =	sshll.u32 s0, $0xA;
	s2 =	sadd.s32 s3, s2  }
0x8d: {  	s2 =	sadd.s32 s2, s16  }
0x8e: {  	[smem:$0x3FC0] =	sst s2  }
0x8f: {  	_ = 	snop  }
0x90: {  	(tm) =	ssettm $0x1  }
0x91: {  	s17 =	sld [smem:$0x3FFB];
	_ =	sdelay $0x3  }
0x92: {  	_ =	strace s17  }
0x93: {  	s2 =	sld [smem:$0x3FFC];
	_ =	sdelay $0x3  }
0x94: {  	_ =	strace s2  }
0x95: {  	s2 =	sld [smem:$0x3FFD];
	_ =	sdelay $0x3  }
0x96: {  	_ =	strace s2  }
0x97: {  	_ =	strace $0x8FFFFFFF  }
0x98: {  	s18 =	sld [smem:$0x3FDB];
	_ =	sdelay $0x1  }
0x99: {  	s19 =	simm.s32 $_scs_section_size  }
0x9a: {  	s4 =	simm.s32 $_size__tile_overlayer_lowered;
	s5 =	simm.s32 $_tile_overlayer_lowered  }
0x9b: {  	s22 =	simm.s32 $0x1BFF;
	s21 =	sshll.u32 s5, $0x1;
	s2 =	sadd.s32 s19, s18  }
0x9c: {  	s6 =	simm.s32 $0x0;
	s20 =	sshll.u32 s4, $0x1;
	s4 =	sadd.s32 s21, s2  }
0x9d: {  	[timem:s6], [sflag:s22] =	dma.local [hbm:s4], s20  }
0x9e: {  	_ =	swait.ge [sflag:s22], s20  }
0x9f: {  	s3 =	ssub.s32 $0x0, s20;
	[sflag:s22] =	ssyncset.done $0x0  }
0xa0: {  	[sflag:s22] =	ssyncadd.s32 s3;
	_ =	sdelay $0x1  }
0xa1: {  	s23 =	simm.s32 $0x1B8B  }
0xa2: {  	_ =	swait.ge [sflag:s23], $0x1  }
0xa3: {  	[sflag:s23] =	ssyncset.done $0x0  }
0xa4: {  	s25 =	simm.s32 $0x1B8E;
	s24 =	sld [smem:$0x3FFE];
	[sflag:s23] =	ssyncadd.s32 $0xFFFFFFFF  }
0xa5: {  	s26 =	simm.s32 $execute0_lowered;
	[smem:$0x3FD2] =	sst s25  }
0xa6: {  	s4 =	sshll.u32 s26, $0x1;
	_ =	strace $0x8000004C;
	[dreg:$0x1] =	wrdreg $0xFFFFFFFF  }
0xa7: {  	s28 =	simm.s32 $_size_execute0_lowered;
	s2 =	sadd.s32 s2, s4;
	[dreg:$0x0] =	wrdreg $0x0  }
0xa8: {  	s4 =	sshll.u32 s28, $0x1;
	[dreg:$0x2] =	wrdreg s2  }
0xa9: {  	[dreg:$0x3] =	wrdreg s4  }
0xaa: {  	[dreg:$0x4] =	wrdreg $0xC0  }
0xab: {  	_ =	task [dreg:s6], $0x5FFFF  }
0xac: {  	[dreg:$0x1] =	wrdreg $0xFFFFFFFF  }
0xad: {  	[dreg:$0x0] =	wrdreg $0x60  }
0xae: {  	[dreg:$0x2] =	wrdreg s24  }
0xaf: {  	[dreg:$0x3] =	wrdreg $0xA4000  }
0xb0: {  	[dreg:$0x4] =	wrdreg $0x9  }
0xb1: {  	_ =	task.clear_ibuf [dreg:s6], $0x5FFFF;
	_ =	strace $0x9000004C  }
0xb2: {  	s29 =	simm.s32 $0x9;
	_ =	strace $0x8000004E  }
0xb3: {  	_ =	swait.ge [sflag:s29], $0x1  }
0xb4: {  	[sflag:s29] =	ssyncadd.s32 $0xFFFFFFFF  }
0xb5: {  	_ =	strace $0x9000004E  }
0xb6: {  	_ =	sfence  }
0xb7: {  	s30 =	sld [smem:$0x0];
	_ =	sdelay $0x2  }
0xb8: {  	s31 =	sshll.u32 s1, $0xD;
	s1 =	sshrl.u32 s1, $0x2  }
0xb9: {  	s3 =	sand.u32 $0x4000, s31;
	s1 =	sadd.s32 s1, s30  }
0xba: {  	s0 =	sor.u32 s3, s0;
	s1 =	sshll.u32 s1, $0x11  }
0xbb: {  	s0 =	sor.u32 s1, s0  }
0xbc: {  	s0 =	sadd.s32 $0x8F2B, s0  }
0xbd: {  	[sflag:s0] =	ssyncadd.remote.s32 $0x1  }
0xbe: {  	_ =	sfence.sel $0xFFFF  }
0xbf: {  	[dreg:$0x0] =	wrdreg $0xFFFFFFFF;
	(pc) =	sbr.abs _section_cstart, $3  }
0xc0: {  	[dreg:$0x1] =	wrdreg $0xFFFFFFFF  }
0xc1: {  	_ =	task.clear_ibuf [dreg:s6], $0x2FFFF;
	_ =	strace $0x9FFFFFFF  }
0xc2: {  	(tm) =	ssettm $0x7FFFFFFF  }
0xc3: {  	_ =	shalt  }
tec
execute0_lowered:
.L_overlay_start_1:
0x0: {  	(tag) =	ssettag $0x1  }
0x1: {  	s0 =	rddreg [dreg:$0x0]  }
0x2: {  	s1 =	rddreg [dreg:$0x1]  }
0x3: {  	s2 =	simm.s32 $0x0;
	s12 =	stileid.u32;
	s4 =	srdreg.scid  }
0x4: {  	s28 =	simm.s32 $0x5400;
	s29 =	simm.s32 $0x1;
	s6 =	smul.u32 $0x3E80, s12  }
0x5: {  	s30 =	simm.s32 $0x80;
	s31 =	simm.s32 $0x300;
	s9 =	smul.u32 $0x7D000, s12  }
0x6: {  	[smem:$0x7FF] =	sst s2;
	s3 =	sadd.s32 $0x31E00, s0;
	s11 =	smul.u32 $0x7D00, s12  }
0x7: {  	s5 =	sadd.s32 $0x59000, s0;
	s4 =	sand.u32 $0x1, s4;
	s18 =	smul.u32 $0x4E000, s12  }
0x8: {  	s7 =	sadd.s32 $0xCEA00, s0;
	s13 =	sadd.s32 $0x80200, s0;
	s20 =	smul.u32 $0x2700, s12  }
0x9: {  	s14 =	sadd.s32 $0xA7400, s0;
	s24 =	smul.u32 $0xFA0, s12;
	s25 =	sadd.s32 $0x138000, s1  }
0xa: {  	p1 =	sgt.u32 s12, $0x9;
	p2 =	sne.s32 s12, $0x0;
	p3 =	seq.s32 s12, $0x0  }
0xb: {  	_ =	strace $0x8000004D;
	s8 =	ssub.s32 $0x2, s4;
	[dreg:$0x3] =	wrdreg s13  }
0xc: {  	p0 =	seq.s32 s4, $0x1;
	[dreg:$0x4] =	wrdreg s14;
	s26 =	sshrl.u32 s25, $0x3  }
0xd: {  	s25 =	simm.s32 $0x2;
	s6 =	sadd.s32 s6, s0;
	s10 =	sshrl.u32 s8, $0x1  }
0xe: {  	s16 =	sshrl.u32 s9, $0x2;
	s17 =	sshrl.u32 s11, $0x3;
	s9 =	sshrl.u32 s18, $0x2  }
0xf: {  	s23 =	sadd.s32 s13, s20;
	[dreg:$0xf] =	wrdreg s26;
	s15 =	ssub.s32 s8, s10  }
0x10: {  	s4 =	sadd.s32 s16, s1;
	s8 =	sadd.s32 s7, s17;
	s6 =	sadd.s32 $0xAC00, s6  }
0x11: {  	s9 =	sadd.s32 s9, s1;
	[dreg:$0xa] =	wrdreg s23;
	s17 =	sadd.s32 s24, s7  }
0x12: {  	s24 =	simm.s32 $0x2C00;
	s7 =	simm.s32 $0x280;
	[dreg:$0x5] =	wrdreg s6  }
0x13: {  	s10 =	simm.s32 $0x0;
	s19 =	sadd.s32 $0x20, s8;
	[dreg:$0x9] =	wrdreg s9  }
0x14: {  	s21 =	sadd.s32 $0x40, s8;
	s22 =	sadd.s32 $0x60, s8;
	[dreg:$0x6] =	wrdreg s19  }
0x15: {  	s6 =	sadd.s32 s14, s20;
	s0 =	smax.u32 s15, $0x1;
	[dreg:$0x7] =	wrdreg s21  }
0x16: {  	s20 =	simm.s32 $0x9;
	s14 =	simm.s32 $0x180;
	[dreg:$0x8] =	wrdreg s22  }
.Ltmp0:
0x17: {  	s15 =	simm.s32 $0x5;
	[dreg:$0xb] =	wrdreg s6;
	(pc) =	sbr.rel .LBB2_1-.Ltmp0, $4  }
0x18: {  	s9 =	simm.s32 $0x8;
	[dreg:$0xc] =	wrdreg s0;
	s0 =	sshll.u32 @!p1 s12, $0x6  }
0x19: {  	s21 =	simm.s32 $0x50;
	s22 =	simm.s32 $0x400;
	s0 =	sor.u32 @!p1 $0x1C09, s0  }
0x1a: {  	s6 =	simm.s32 $0x3;
	[dreg:$0xd] =	wrdreg s0;
	s0 =	sshrl.u32 @!p1 s4, $0x3  }
0x1b: {  	s4 =	simm.s32 $0x6;
	[dreg:$0xe] =	wrdreg s0;
	s0 =	simm.s32 $0x7C00  }
.LBB2_10:
0x1c: {  	s12 =	sadd.s32 $0x27000, s12;
	s13 =	rddreg [dreg:$0xf]  }
0x1d: {  	[hbm:s12], [sflag:s11] =	dma.local [spmem:s13], $0x100  }
0x1e: {  	_ =	swait.ge [sflag:s20], $0x100  }
0x1f: {  	[sflag:s20] =	ssyncset.done $0x0  }
0x20: {  	[sflag:s20] =	ssyncadd.s32 $0xFFFFFF00  }
.LBB2_11:
0x21: {  	s10 =	sadd.s32 $0x1, s10;
	s11 =	rddreg [dreg:$0xc]  }
0x22: {  	p4 =	sne.s32 s10, s11  }
.Ltmp1:
0x23: {  	_ = 	snop;
	(pc) =	sbr.rel @!p4 .LBB2_12-.Ltmp1, $1  }
0x24: {  	_ =	sdelay $0x3  }
.LBB2_1:
.Ltmp2:
0x25: {  	(pc) =	sbr.rel @!p0 .LBB2_2-.Ltmp2, $1  }
0x26: {  	_ =	sdelay $0x3  }
0x27: {  	s11 =	rddreg [dreg:$0x5]  }
0x28: {  	s12 =	rddreg [dreg:$0xd]  }
0x29: {  	s13 =	rddreg [dreg:$0xe]  }
0x2a: {  	[spmem:s13], [sflag:s12] =	dma.local @!p1 [hbm:s11], $0x3E80  }
0x2b: {  	s11 =	simm.s32 @!p1 $0x9  }
0x2c: {  	_ =	swait.ge @!p1 [sflag:s11], $0x3E80  }
0x2d: {  	[sflag:s11] =	ssyncset.done @!p1 $0x0  }
0x2e: {  	[sflag:s11] =	ssyncadd.s32 @!p1 $0xFFFFC180  }
0x2f: {  	[bflag:$0x0] =	sbarrier.arrive $0xFFFF  }
0x30: {  	[tilespmem:s2], [sflag:$0x9] =	stream.linear.gather [hbm4b:s8+s2], $0x100, $0x38;
	[tilespmem:$0x1DC80] =	vst v63  }
0x31: {  	_ =	swait.ge [sflag:s20], $0x100  }
0x32: {  	[sflag:s20] =	ssyncset.done $0x0  }
0x33: {  	[sflag:s20] =	ssyncadd.s32 $0xFFFFFF00  }
0x34: {  	[tilespmem:s22], [sflag:$0x1] =	stream.indirect.gather [hbm4b:s5+s21], $0x80, s2, s21, $0xb8;
	[tilespmem:$0x1DC80] =	vst v63  }
0x35: {  	s18 =	simm.s32 $0x100;
	s16 =	rddreg [dreg:$0x6]  }
0x36: {  	[tilespmem:s18], [sflag:$0x9] =	stream.linear.gather [hbm4b:s16+s2], $0x100, $0x38;
	[tilespmem:$0x1DC80] =	vst v63  }
0x37: {  	_ =	swait.ge [sflag:s20], $0x100  }
0x38: {  	[sflag:s20] =	ssyncset.done $0x0  }
0x39: {  	[sflag:s20] =	ssyncadd.s32 $0xFFFFFF00  }
0x3a: {  	[tilespmem:s24], [sflag:$0x2] =	stream.indirect.gather [hbm4b:s5+s21], $0x80, s18, s21, $0xb8;
	[tilespmem:$0x1DC80] =	vst v63  }
0x3b: {  	s23 =	simm.s32 $0x200;
	s19 =	rddreg [dreg:$0x7]  }
0x3c: {  	[tilespmem:s23], [sflag:$0x9] =	stream.linear.gather [hbm4b:s19+s2], $0x100, $0x38;
	[tilespmem:$0x1DC80] =	vst v63  }
0x3d: {  	_ =	swait.ge [sflag:s20], $0x100  }
0x3e: {  	[sflag:s20] =	ssyncset.done $0x0  }
0x3f: {  	[sflag:s20] =	ssyncadd.s32 $0xFFFFFF00  }
0x40: {  	[tilespmem:s28], [sflag:$0x3] =	stream.indirect.gather [hbm4b:s5+s21], $0x80, s23, s21, $0xb8;
	[tilespmem:$0x1DC80] =	vst v63  }
0x41: {  	_ =	swait.ge [sflag:s29], $0x2800  }
0x42: {  	[sflag:s29] =	ssyncset.done $0x0  }
0x43: {  	[sflag:s29] =	ssyncadd.s32 $0xFFFFD800  }
0x44: {  	[spmem:s1] =	stream.indirect.scatter.add.f32 [tilespmem:s22], [sflag:$0x5], $0x80, s30, s21, $0xb8;
	[tilespmem:$0x1DC80] =	vst v63  }
0x45: {  	s26 =	rddreg [dreg:$0x8]  }
0x46: {  	[tilespmem:s31], [sflag:$0x9] =	stream.linear.gather [hbm4b:s26+s2], $0x100, $0x38;
	[tilespmem:$0x1DC80] =	vst v63  }
0x47: {  	_ =	swait.ge [sflag:s20], $0x100  }
0x48: {  	[sflag:s20] =	ssyncset.done $0x0  }
0x49: {  	[sflag:s20] =	ssyncadd.s32 $0xFFFFFF00  }
0x4a: {  	[tilespmem:s0], [sflag:$0x4] =	stream.indirect.gather [hbm4b:s5+s21], $0x80, s31, s21, $0xb8;
	[tilespmem:$0x1DC80] =	vst v63  }
0x4b: {  	_ =	swait.ge [sflag:s25], $0x2800  }
0x4c: {  	[sflag:s25] =	ssyncset.done $0x0  }
0x4d: {  	s11 =	simm.s32 $0xFFFFF100;
	[sflag:s25] =	ssyncadd.s32 $0xFFFFD800  }
0x4e: {  	[spmem:s1] =	stream.indirect.scatter.add.f32 [tilespmem:s24], [sflag:$0x6], $0x80, s14, s21, $0xb8;
	[tilespmem:$0x1DC80] =	vst v63  }
.LBB2_7:
0x4f: {  	_ =	swait.ge [sflag:s15], $0x2800  }
0x50: {  	s12 =	sadd.s32 s11, s17;
	[sflag:s15] =	ssyncset.done $0x0  }
0x51: {  	s13 =	sadd.s32 $0xF80, s12;
	[sflag:s15] =	ssyncadd.s32 $0xFFFFD800  }
0x52: {  	[tilespmem:s2], [sflag:$0x9] =	stream.linear.gather [hbm4b:s13+s2], $0x100, $0x38;
	[tilespmem:$0x1DC80] =	vst v63  }
0x53: {  	_ =	swait.ge [sflag:s20], $0x100  }
0x54: {  	[sflag:s20] =	ssyncset.done $0x0  }
0x55: {  	[sflag:s20] =	ssyncadd.s32 $0xFFFFFF00  }
0x56: {  	[tilespmem:s22], [sflag:$0x1] =	stream.indirect.gather [hbm4b:s5+s21], $0x80, s2, s21, $0xb8;
	[tilespmem:$0x1DC80] =	vst v63  }
0x57: {  	_ =	swait.ge [sflag:s6], $0x2800  }
0x58: {  	[sflag:s6] =	ssyncset.done $0x0  }
0x59: {  	[sflag:s6] =	ssyncadd.s32 $0xFFFFD800  }
0x5a: {  	[spmem:s1] =	stream.indirect.scatter.add.f32 [tilespmem:s28], [sflag:$0x7], $0x80, s7, s21, $0xb8;
	[tilespmem:$0x1DC80] =	vst v63  }
0x5b: {  	_ =	swait.ge [sflag:s4], $0x2800  }
0x5c: {  	p4 =	seq.s32 s11, $0x0;
	[sflag:s4] =	ssyncset.done $0x0  }
0x5d: {  	s13 =	simm.s32 @p4 $0x4;
	[sflag:s4] =	ssyncadd.s32 $0xFFFFD800  }
0x5e: {  	_ =	swait.ge @p4 [sflag:s13], $0x2800  }
0x5f: {  	s16 =	simm.s32 @p4 $0x380;
	[sflag:s13] =	ssyncset.done @p4 $0x0  }
0x60: {  	s18 =	simm.s32 @p4 $0x7C00;
	[sflag:s13] =	ssyncadd.s32 @p4 $0xFFFFD800;
	s13 =	simm.s32 @p4 $0x50  }
0x61: {  	[spmem:s1] =	stream.indirect.scatter.add.f32 @p4 [tilespmem:s18], [sflag:$0x8], $0x80, s16, s13, $0xb8;
	[tilespmem:$0x1DC80] =	vst v63  }
0x62: {  	s13 =	simm.s32 @p4 $0x7  }
0x63: {  	_ =	swait.ge @p4 [sflag:s13], $0x2800  }
0x64: {  	[sflag:s13] =	ssyncset.done @p4 $0x0  }
0x65: {  	[sflag:s13] =	ssyncadd.s32 @p4 $0xFFFFD800;
	s13 =	sadd.s32 @!p4 s11, s17  }
0x66: {  	s19 =	simm.s32 @!p4 $0x100;
	s18 =	simm.s32 @!p4 $0x0;
	s16 =	sadd.s32 @!p4 $0xFA0, s13  }
0x67: {  	[tilespmem:s19], [sflag:$0x9] =	stream.linear.gather @!p4 [hbm4b:s16+s18], $0x100, $0x38;
	[tilespmem:$0x1DC80] =	vst v63  }
0x68: {  	s16 =	simm.s32 @!p4 $0x9  }
0x69: {  	_ =	swait.ge @!p4 [sflag:s16], $0x100  }
0x6a: {  	[sflag:s16] =	ssyncset.done @!p4 $0x0  }
0x6b: {  	s23 =	simm.s32 @!p4 $0x50;
	s26 =	simm.s32 @!p4 $0x2C00;
	[sflag:s16] =	ssyncadd.s32 @!p4 $0xFFFFFF00  }
0x6c: {  	[tilespmem:s26], [sflag:$0x2] =	stream.indirect.gather @!p4 [hbm4b:s5+s23], $0x80, s19, s23, $0xb8;
	[tilespmem:$0x1DC80] =	vst v63  }
0x6d: {  	s19 =	simm.s32 @!p4 $0x4  }
0x6e: {  	_ =	swait.ge @!p4 [sflag:s19], $0x2800  }
0x6f: {  	[sflag:s19] =	ssyncset.done @!p4 $0x0  }
0x70: {  	s26 =	simm.s32 @!p4 $0x7C00;
	[sflag:s19] =	ssyncadd.s32 @!p4 $0xFFFFD800;
	s19 =	simm.s32 @!p4 $0x380  }
0x71: {  	[spmem:s1] =	stream.indirect.scatter.add.f32 @!p4 [tilespmem:s26], [sflag:$0x8], $0x80, s19, s23, $0xb8;
	[tilespmem:$0x1DC80] =	vst v63  }
0x72: {  	s19 =	simm.s32 @!p4 $0x7  }
0x73: {  	_ =	swait.ge @!p4 [sflag:s19], $0x2800  }
0x74: {  	[sflag:s19] =	ssyncset.done @!p4 $0x0  }
0x75: {  	s13 =	sadd.s32 @!p4 $0xFC0, s13;
	[sflag:s19] =	ssyncadd.s32 @!p4 $0xFFFFD800;
	s19 =	simm.s32 @!p4 $0x200  }
0x76: {  	[tilespmem:s19], [sflag:$0x9] =	stream.linear.gather @!p4 [hbm4b:s13+s18], $0x100, $0x38;
	[tilespmem:$0x1DC80] =	vst v63  }
0x77: {  	_ =	swait.ge @!p4 [sflag:s16], $0x100  }
0x78: {  	[sflag:s16] =	ssyncset.done @!p4 $0x0  }
0x79: {  	s13 =	simm.s32 @!p4 $0x5400;
	[sflag:s16] =	ssyncadd.s32 @!p4 $0xFFFFFF00  }
0x7a: {  	[tilespmem:s13], [sflag:$0x3] =	stream.indirect.gather @!p4 [hbm4b:s5+s23], $0x80, s19, s23, $0xb8;
	[tilespmem:$0x1DC80] =	vst v63  }
0x7b: {  	_ =	swait.ge [sflag:s29], $0x2800  }
0x7c: {  	[sflag:s29] =	ssyncset.done $0x0  }
.Ltmp3:
0x7d: {  	[sflag:s29] =	ssyncadd.s32 $0xFFFFD800;
	(pc) =	sbr.rel @p4 .LBB2_9-.Ltmp3, $4  }
0x7e: {  	[spmem:s1] =	stream.indirect.scatter.add.f32 [tilespmem:s22], [sflag:$0x5], $0x80, s30, s21, $0xb8;
	[tilespmem:$0x1DC80] =	vst v63  }
0x7f: {  	_ =	swait.ge [sflag:s9], $0x2800  }
0x80: {  	[sflag:s9] =	ssyncset.done $0x0  }
0x81: {  	[sflag:s9] =	ssyncadd.s32 $0xFFFFD800  }
0x82: {  	s12 =	sadd.s32 $0xFE0, s12  }
0x83: {  	[tilespmem:s31], [sflag:$0x9] =	stream.linear.gather [hbm4b:s12+s2], $0x100, $0x38;
	[tilespmem:$0x1DC80] =	vst v63  }
0x84: {  	_ =	swait.ge [sflag:s20], $0x100  }
0x85: {  	[sflag:s20] =	ssyncset.done $0x0  }
0x86: {  	[sflag:s20] =	ssyncadd.s32 $0xFFFFFF00  }
0x87: {  	[tilespmem:s0], [sflag:$0x4] =	stream.indirect.gather [hbm4b:s5+s21], $0x80, s31, s21, $0xb8;
	[tilespmem:$0x1DC80] =	vst v63  }
.Ltmp4:
0x88: {  	_ = 	snop;
	(pc) =	sbr.rel .LBB2_7-.Ltmp4, $4  }
0x89: {  	_ =	swait.ge [sflag:s25], $0x2800  }
0x8a: {  	[sflag:s25] =	ssyncset.done $0x0  }
0x8b: {  	s11 =	sadd.s32 $0x80, s11;
	[sflag:s25] =	ssyncadd.s32 $0xFFFFD800  }
0x8c: {  	[spmem:s1] =	stream.indirect.scatter.add.f32 [tilespmem:s24], [sflag:$0x6], $0x80, s14, s21, $0xb8;
	[tilespmem:$0x1DC80] =	vst v63  }
.LBB2_2:
0x8d: {  	s11 =	rddreg [dreg:$0x5]  }
0x8e: {  	s12 =	rddreg [dreg:$0xd]  }
0x8f: {  	s13 =	rddreg [dreg:$0xe]  }
0x90: {  	[spmem:s13], [sflag:s12] =	dma.local @!p1 [hbm:s11], $0x3E80  }
0x91: {  	s11 =	simm.s32 @!p1 $0x9  }
0x92: {  	_ =	swait.ge @!p1 [sflag:s11], $0x3E80  }
0x93: {  	[sflag:s11] =	ssyncset.done @!p1 $0x0  }
0x94: {  	[sflag:s11] =	ssyncadd.s32 @!p1 $0xFFFFC180  }
0x95: {  	[bflag:$0x0] =	sbarrier.arrive $0xFFFF  }
0x96: {  	[tilespmem:s2], [sflag:$0x9] =	stream.linear.gather [hbm4b:s8+s2], $0x100, $0x38;
	[tilespmem:$0x1DC80] =	vst v63  }
0x97: {  	_ =	swait.ge [sflag:s20], $0x100  }
0x98: {  	[sflag:s20] =	ssyncset.done $0x0  }
0x99: {  	[sflag:s20] =	ssyncadd.s32 $0xFFFFFF00  }
0x9a: {  	[tilespmem:s22], [sflag:$0x1] =	stream.indirect.gather [hbm4b:s3+s21], $0x80, s2, s21, $0xb8;
	[tilespmem:$0x1DC80] =	vst v63  }
0x9b: {  	s18 =	simm.s32 $0x100;
	s16 =	rddreg [dreg:$0x6]  }
0x9c: {  	[tilespmem:s18], [sflag:$0x9] =	stream.linear.gather [hbm4b:s16+s2], $0x100, $0x38;
	[tilespmem:$0x1DC80] =	vst v63  }
0x9d: {  	_ =	swait.ge [sflag:s20], $0x100  }
0x9e: {  	[sflag:s20] =	ssyncset.done $0x0  }
0x9f: {  	[sflag:s20] =	ssyncadd.s32 $0xFFFFFF00  }
0xa0: {  	[tilespmem:s24], [sflag:$0x2] =	stream.indirect.gather [hbm4b:s3+s21], $0x80, s18, s21, $0xb8;
	[tilespmem:$0x1DC80] =	vst v63  }
0xa1: {  	s23 =	simm.s32 $0x200;
	s19 =	rddreg [dreg:$0x7]  }
0xa2: {  	[tilespmem:s23], [sflag:$0x9] =	stream.linear.gather [hbm4b:s19+s2], $0x100, $0x38;
	[tilespmem:$0x1DC80] =	vst v63  }
0xa3: {  	_ =	swait.ge [sflag:s20], $0x100  }
0xa4: {  	[sflag:s20] =	ssyncset.done $0x0  }
0xa5: {  	[sflag:s20] =	ssyncadd.s32 $0xFFFFFF00  }
0xa6: {  	[tilespmem:s28], [sflag:$0x3] =	stream.indirect.gather [hbm4b:s3+s21], $0x80, s23, s21, $0xb8;
	[tilespmem:$0x1DC80] =	vst v63  }
0xa7: {  	_ =	swait.ge [sflag:s29], $0x2800  }
0xa8: {  	[sflag:s29] =	ssyncset.done $0x0  }
0xa9: {  	[sflag:s29] =	ssyncadd.s32 $0xFFFFD800  }
0xaa: {  	[spmem:s1] =	stream.indirect.scatter.add.f32 [tilespmem:s22], [sflag:$0x5], $0x80, s30, s21, $0xb8;
	[tilespmem:$0x1DC80] =	vst v63  }
0xab: {  	s26 =	rddreg [dreg:$0x8]  }
0xac: {  	[tilespmem:s31], [sflag:$0x9] =	stream.linear.gather [hbm4b:s26+s2], $0x100, $0x38;
	[tilespmem:$0x1DC80] =	vst v63  }
0xad: {  	_ =	swait.ge [sflag:s20], $0x100  }
0xae: {  	[sflag:s20] =	ssyncset.done $0x0  }
0xaf: {  	[sflag:s20] =	ssyncadd.s32 $0xFFFFFF00  }
0xb0: {  	[tilespmem:s0], [sflag:$0x4] =	stream.indirect.gather [hbm4b:s3+s21], $0x80, s31, s21, $0xb8;
	[tilespmem:$0x1DC80] =	vst v63  }
0xb1: {  	_ =	swait.ge [sflag:s25], $0x2800  }
0xb2: {  	[sflag:s25] =	ssyncset.done $0x0  }
0xb3: {  	s11 =	simm.s32 $0xFFFFF100;
	[sflag:s25] =	ssyncadd.s32 $0xFFFFD800  }
0xb4: {  	[spmem:s1] =	stream.indirect.scatter.add.f32 [tilespmem:s24], [sflag:$0x6], $0x80, s14, s21, $0xb8;
	[tilespmem:$0x1DC80] =	vst v63  }
.LBB2_3:
0xb5: {  	_ =	swait.ge [sflag:s15], $0x2800  }
0xb6: {  	s12 =	sadd.s32 s11, s17;
	[sflag:s15] =	ssyncset.done $0x0  }
0xb7: {  	s13 =	sadd.s32 $0xF80, s12;
	[sflag:s15] =	ssyncadd.s32 $0xFFFFD800  }
0xb8: {  	[tilespmem:s2], [sflag:$0x9] =	stream.linear.gather [hbm4b:s13+s2], $0x100, $0x38;
	[tilespmem:$0x1DC80] =	vst v63  }
0xb9: {  	_ =	swait.ge [sflag:s20], $0x100  }
0xba: {  	[sflag:s20] =	ssyncset.done $0x0  }
0xbb: {  	[sflag:s20] =	ssyncadd.s32 $0xFFFFFF00  }
0xbc: {  	[tilespmem:s22], [sflag:$0x1] =	stream.indirect.gather [hbm4b:s3+s21], $0x80, s2, s21, $0xb8;
	[tilespmem:$0x1DC80] =	vst v63  }
0xbd: {  	_ =	swait.ge [sflag:s6], $0x2800  }
0xbe: {  	[sflag:s6] =	ssyncset.done $0x0  }
0xbf: {  	[sflag:s6] =	ssyncadd.s32 $0xFFFFD800  }
0xc0: {  	[spmem:s1] =	stream.indirect.scatter.add.f32 [tilespmem:s28], [sflag:$0x7], $0x80, s7, s21, $0xb8;
	[tilespmem:$0x1DC80] =	vst v63  }
0xc1: {  	_ =	swait.ge [sflag:s4], $0x2800  }
0xc2: {  	p4 =	seq.s32 s11, $0x0;
	[sflag:s4] =	ssyncset.done $0x0  }
0xc3: {  	s13 =	simm.s32 @p4 $0x4;
	[sflag:s4] =	ssyncadd.s32 $0xFFFFD800  }
0xc4: {  	_ =	swait.ge @p4 [sflag:s13], $0x2800  }
0xc5: {  	s16 =	simm.s32 @p4 $0x380;
	[sflag:s13] =	ssyncset.done @p4 $0x0  }
0xc6: {  	s23 =	simm.s32 @p4 $0x7C00;
	[sflag:s13] =	ssyncadd.s32 @p4 $0xFFFFD800;
	s13 =	simm.s32 @p4 $0x50  }
0xc7: {  	[spmem:s1] =	stream.indirect.scatter.add.f32 @p4 [tilespmem:s23], [sflag:$0x8], $0x80, s16, s13, $0xb8;
	[tilespmem:$0x1DC80] =	vst v63  }
0xc8: {  	s13 =	simm.s32 @p4 $0x7  }
0xc9: {  	_ =	swait.ge @p4 [sflag:s13], $0x2800  }
0xca: {  	[sflag:s13] =	ssyncset.done @p4 $0x0  }
0xcb: {  	[sflag:s13] =	ssyncadd.s32 @p4 $0xFFFFD800;
	s13 =	sadd.s32 @!p4 s11, s17  }
0xcc: {  	s18 =	simm.s32 @!p4 $0x100;
	s23 =	simm.s32 @!p4 $0x0;
	s16 =	sadd.s32 @!p4 $0xFA0, s13  }
0xcd: {  	[tilespmem:s18], [sflag:$0x9] =	stream.linear.gather @!p4 [hbm4b:s16+s23], $0x100, $0x38;
	[tilespmem:$0x1DC80] =	vst v63  }
0xce: {  	s16 =	simm.s32 @!p4 $0x9  }
0xcf: {  	_ =	swait.ge @!p4 [sflag:s16], $0x100  }
0xd0: {  	[sflag:s16] =	ssyncset.done @!p4 $0x0  }
0xd1: {  	s19 =	simm.s32 @!p4 $0x50;
	s26 =	simm.s32 @!p4 $0x2C00;
	[sflag:s16] =	ssyncadd.s32 @!p4 $0xFFFFFF00  }
0xd2: {  	[tilespmem:s26], [sflag:$0x2] =	stream.indirect.gather @!p4 [hbm4b:s3+s19], $0x80, s18, s19, $0xb8;
	[tilespmem:$0x1DC80] =	vst v63  }
0xd3: {  	s18 =	simm.s32 @!p4 $0x4  }
0xd4: {  	_ =	swait.ge @!p4 [sflag:s18], $0x2800  }
0xd5: {  	[sflag:s18] =	ssyncset.done @!p4 $0x0  }
0xd6: {  	s26 =	simm.s32 @!p4 $0x7C00;
	[sflag:s18] =	ssyncadd.s32 @!p4 $0xFFFFD800;
	s18 =	simm.s32 @!p4 $0x380  }
0xd7: {  	[spmem:s1] =	stream.indirect.scatter.add.f32 @!p4 [tilespmem:s26], [sflag:$0x8], $0x80, s18, s19, $0xb8;
	[tilespmem:$0x1DC80] =	vst v63  }
0xd8: {  	s18 =	simm.s32 @!p4 $0x7  }
0xd9: {  	_ =	swait.ge @!p4 [sflag:s18], $0x2800  }
0xda: {  	[sflag:s18] =	ssyncset.done @!p4 $0x0  }
0xdb: {  	s13 =	sadd.s32 @!p4 $0xFC0, s13;
	[sflag:s18] =	ssyncadd.s32 @!p4 $0xFFFFD800;
	s18 =	simm.s32 @!p4 $0x200  }
0xdc: {  	[tilespmem:s18], [sflag:$0x9] =	stream.linear.gather @!p4 [hbm4b:s13+s23], $0x100, $0x38;
	[tilespmem:$0x1DC80] =	vst v63  }
0xdd: {  	_ =	swait.ge @!p4 [sflag:s16], $0x100  }
0xde: {  	[sflag:s16] =	ssyncset.done @!p4 $0x0  }
0xdf: {  	s13 =	simm.s32 @!p4 $0x5400;
	[sflag:s16] =	ssyncadd.s32 @!p4 $0xFFFFFF00  }
0xe0: {  	[tilespmem:s13], [sflag:$0x3] =	stream.indirect.gather @!p4 [hbm4b:s3+s19], $0x80, s18, s19, $0xb8;
	[tilespmem:$0x1DC80] =	vst v63  }
0xe1: {  	_ =	swait.ge [sflag:s29], $0x2800  }
0xe2: {  	[sflag:s29] =	ssyncset.done $0x0  }
.Ltmp5:
0xe3: {  	[sflag:s29] =	ssyncadd.s32 $0xFFFFD800;
	(pc) =	sbr.rel @p4 .LBB2_5-.Ltmp5, $4  }
0xe4: {  	[spmem:s1] =	stream.indirect.scatter.add.f32 [tilespmem:s22], [sflag:$0x5], $0x80, s30, s21, $0xb8;
	[tilespmem:$0x1DC80] =	vst v63  }
0xe5: {  	_ =	swait.ge [sflag:s9], $0x2800  }
0xe6: {  	[sflag:s9] =	ssyncset.done $0x0  }
0xe7: {  	[sflag:s9] =	ssyncadd.s32 $0xFFFFD800  }
0xe8: {  	s12 =	sadd.s32 $0xFE0, s12  }
0xe9: {  	[tilespmem:s31], [sflag:$0x9] =	stream.linear.gather [hbm4b:s12+s2], $0x100, $0x38;
	[tilespmem:$0x1DC80] =	vst v63  }
0xea: {  	_ =	swait.ge [sflag:s20], $0x100  }
0xeb: {  	[sflag:s20] =	ssyncset.done $0x0  }
0xec: {  	[sflag:s20] =	ssyncadd.s32 $0xFFFFFF00  }
0xed: {  	[tilespmem:s0], [sflag:$0x4] =	stream.indirect.gather [hbm4b:s3+s21], $0x80, s31, s21, $0xb8;
	[tilespmem:$0x1DC80] =	vst v63  }
.Ltmp6:
0xee: {  	_ = 	snop;
	(pc) =	sbr.rel .LBB2_3-.Ltmp6, $4  }
0xef: {  	_ =	swait.ge [sflag:s25], $0x2800  }
0xf0: {  	[sflag:s25] =	ssyncset.done $0x0  }
0xf1: {  	s11 =	sadd.s32 $0x80, s11;
	[sflag:s25] =	ssyncadd.s32 $0xFFFFD800  }
0xf2: {  	[spmem:s1] =	stream.indirect.scatter.add.f32 [tilespmem:s24], [sflag:$0x6], $0x80, s14, s21, $0xb8;
	[tilespmem:$0x1DC80] =	vst v63  }
.LBB2_9:
0xf3: {  	_ =	swait.ge [sflag:s15], $0x2800  }
0xf4: {  	[sflag:s15] =	ssyncset.done $0x0  }
0xf5: {  	[sflag:s15] =	ssyncadd.s32 $0xFFFFD800  }
0xf6: {  	s11 =	stileid.u32;
	[bflag:$0x0] =	sbarrier.arrive $0xFFFF  }
0xf7: {  	s11 =	sshll.u32 s11, $0x6;
	s12 =	rddreg [dreg:$0x9]  }
0xf8: {  	s11 =	sor.u32 $0x1C09, s11;
	s13 =	rddreg [dreg:$0xb];
	s12 =	sshrl.u32 s12, $0x3  }
0xf9: {  	[hbm:s13], [sflag:s11] =	dma.local [spmem:s12], $0x2700  }
.Ltmp7:
0xfa: {  	_ = 	snop;
	(pc) =	sbr.rel @p2 .LBB2_11-.Ltmp7, $4  }
.Ltmp8:
0xfb: {  	_ = 	snop;
	(pc) =	sbr.rel @!p2 .LBB2_10-.Ltmp8, $4  }
0xfc: {  	_ =	swait.ge [sflag:s20], $0x2700  }
0xfd: {  	[sflag:s20] =	ssyncset.done $0x0  }
0xfe: {  	s12 =	rddreg [dreg:$0x4];
	[sflag:s20] =	ssyncadd.s32 $0xFFFFD900  }
0xff: {  	_ = 	snop  }
.LBB2_5:
0x100: {  	_ =	swait.ge [sflag:s15], $0x2800  }
0x101: {  	[sflag:s15] =	ssyncset.done $0x0  }
0x102: {  	[sflag:s15] =	ssyncadd.s32 $0xFFFFD800  }
0x103: {  	s11 =	stileid.u32;
	[bflag:$0x0] =	sbarrier.arrive $0xFFFF  }
0x104: {  	s11 =	sshll.u32 s11, $0x6;
	s12 =	rddreg [dreg:$0x9]  }
0x105: {  	s11 =	sor.u32 $0x1C09, s11;
	s13 =	rddreg [dreg:$0xa];
	s12 =	sshrl.u32 s12, $0x3  }
0x106: {  	[hbm:s13], [sflag:s11] =	dma.local [spmem:s12], $0x2700  }
.Ltmp9:
0x107: {  	_ = 	snop;
	(pc) =	sbr.rel @!p3 .LBB2_11-.Ltmp9, $4  }
.Ltmp10:
0x108: {  	_ = 	snop;
	(pc) =	sbr.rel @p3 .LBB2_10-.Ltmp10, $4  }
0x109: {  	_ =	swait.ge [sflag:s20], $0x2700  }
0x10a: {  	[sflag:s20] =	ssyncset.done $0x0  }
0x10b: {  	s12 =	rddreg [dreg:$0x3];
	[sflag:s20] =	ssyncadd.s32 $0xFFFFD900  }
0x10c: {  	_ = 	snop  }
.LBB2_12:
0x10d: {  	_ =	sfence.sel $0x180000  }
0x10e: {  	[bflag:$0x0] =	sbarrier.arrive $0xFFFF  }
0x10f: {  	_ =	strace $0x9000004D  }
0x110: {  	[bflag:$0x2] =	sbarrier.arrive $0xFFFF  }
0x111: {  	s0 =	rddreg [dreg:$0x2]  }
0x112: {  	s0 =	sadd.s32 @!p2 $0x100000, s0  }
0x113: {  	[sflag:s0] =	ssyncadd.tile.s32 @!p2 $0x1;
	_ =	shalt  }
.Lfunc_end2:
_tile_overlayer_lowered:
.L_overlay_start_2:
0x114: {  	(tag) =	ssettag $0x2  }
0x115: {  	s0 =	rddreg [dreg:$0x0];
	s2 =	stileid.u32  }
0x116: {  	s1 =	rddreg [dreg:$0x1];
	p0 =	sne.s32 s2, $0x0  }
0x117: {  	s3 =	rddreg [dreg:$0x2];
	[bflag:$0x3] =	sbarrier.arrive $0xFFFF;
	s2 =	simm.s32 @!p0 $0x1C09  }
0x118: {  	[timem:s3], [sflag:s2] =	dma.local @!p0 [hbm:s0], s1  }
0x119: {  	s0 =	simm.s32 @!p0 $0x9  }
0x11a: {  	_ =	swait.ge @!p0 [sflag:s0], s1  }
0x11b: {  	s1 =	ssub.s32 @!p0 $0x0, s1;
	[sflag:s0] =	ssyncset.done @!p0 $0x0  }
0x11c: {  	[sflag:s0] =	ssyncadd.s32 @!p0 s1  }
0x11d: {  	[bflag:$0x3] =	sbarrier.arrive $0xFFFF  }
0x11e: {  	_ =	shalt  }

// kernel: kernel.9.cloned.1.call-start
scs
__scs_entry_jumppad:
0x0: {  	(pc) =	sbr.rel $0x88, $3  }
0x1: {  	(tag) =	ssettag $0x0;
	lr =	simm.s32 $0x1  }
0x2: {  	[smem:$0x3F99] =	sst lr;
	_ =	strace $0xD0000000  }
0x3: {  	_ = 	snop  }
0x4: {  	_ = 	snop  }
0x5: {  	_ = 	snop  }
0x6: {  	_ = 	snop  }
0x7: {  	_ = 	snop  }
__scs_overlays_trampoline_lowered:
0x8: {  	[smem:$0x3FA8] =	sst s0  }
0x9: {  	[smem:$0x3FA9] =	sst s1  }
0xa: {  	[smem:$0x3FAA] =	sst s2  }
0xb: {  	[smem:$0x3FAB] =	sst s3  }
0xc: {  	[smem:$0x3FAC] =	sst s4  }
0xd: {  	[smem:$0x3FAD] =	sst s5  }
0xe: {  	[smem:$0x3FAE] =	sst s6  }
0xf: {  	[smem:$0x3FAF] =	sst s7  }
0x10: {  	[smem:$0x3FB0] =	sst s8  }
0x11: {  	[smem:$0x3FB1] =	sst s9;
	s0 =	simm.s32 @!p0 $0x0  }
0x12: {  	s1 =	sld [smem:$0x3F97];
	s0 =	simm.s32 @p0 $0x1  }
0x13: {  	[smem:$0x3FB2] =	sst s0;
	s0 =	simm.s32 @!p1 $0x0  }
0x14: {  	s2 =	sld [smem:$0x3F96];
	s0 =	simm.s32 @p1 $0x1  }
0x15: {  	[smem:$0x3FB3] =	sst s0;
	s0 =	simm.s32 @!p2 $0x0  }
0x16: {  	s3 =	sld [smem:$0x3FDB];
	s0 =	simm.s32 @p2 $0x1  }
0x17: {  	s4 =	simm.s32 $0x1BF5;
	[smem:$0x3FB5] =	sst s0  }
0x18: {  	s0 =	sld [smem:$0x3F98];
	_ =	swait.ge [sflag:s4], $0x0  }
0x19: {  	s7 =	sld [smem:$0x3F99]  }
0x1a: {  	s8 =	sadd.s32 $0xFFFFE003, lr  }
0x1b: {  	s9 =	sadd.s32 $0xFFFFFEF7, lr;
	s5 =	simm.s32 $0xFFFFFFFF;
	p2 =	slt.u32 s8, $0xFFFFF086  }
0x1c: {  	p1 =	slt.u32 s9, $0xF7A;
	s5 =	simm.s32 @!p2 $0x0  }
0x1d: {  	s5 =	simm.s32 @p1 $0x1;
	p0 =	seq.s32 s7, s2  }
0x1e: {  	s7 =	smul.u32 @!p0 $0xF7A, s2;
	p2 =	seq.s32 @!p0 s5, $0x0  }
0x1f: {  	s9 =	smul.u32 $0xF7A, s1;
	s8 =	simm.s32 @!p0 $0x1BF5;
	p2 =	por !p2, p0  }
0x20: {  	[sflag:s8] =	ssyncset.s32 @!p0 $0xFFFFF086;
	s6 =	sadd.s32 @!p0 s3, s7;
	s7 =	simm.s32 @!p0 $0x108  }
0x21: {  	s3 =	sadd.s32 s3, s9;
	s6 =	sadd.s32 @!p0 $0x88, s6;
	s7 =	simm.s32 @p2 $0x1082  }
0x22: {  	[simem:s7], [sflag:s8] =	dma.local @!p0 [hbm:s6], $0xF7A  }
0x23: {  	s9 =	sor.u32 $0xD0000000, s2;
	s6 =	simm.s32 $0x108;
	_ =	swait.ge @!p0 [sflag:s8], $0x0  }
0x24: {  	s3 =	sadd.s32 $0x88, s3;
	s6 =	simm.s32 @!p1 $0x1082;
	[sflag:s4] =	ssyncset.s32 $0xFFFFF086  }
0x25: {  	[simem:s6], [sflag:s4] =	dma.local [hbm:s3], $0xF7A  }
0x26: {  	[smem:$0x3F99] =	sst s1;
	(tag) =	ssettag s2;
	_ =	strace s9  }
0x27: {  	s1 =	sld [smem:$0x3FA9]  }
0x28: {  	s2 =	sld [smem:$0x3FAA]  }
0x29: {  	s4 =	sld [smem:$0x3FAC]  }
0x2a: {  	p0 =	seq.s32 s5, $0x0;
	s5 =	sld [smem:$0x3FAD]  }
0x2b: {  	s6 =	sld [smem:$0x3FAE]  }
0x2c: {  	s7 =	sld [smem:$0x3FAF]  }
0x2d: {  	s3 =	simm.s32 $0x108;
	s8 =	sld [smem:$0x3FB0]  }
0x2e: {  	s3 =	simm.s32 @!p0 $0x1082;
	s9 =	sld [smem:$0x3FB1]  }
0x2f: {  	lr =	sadd.s32 s0, s3;
	s0 =	sld [smem:$0x3FA8]  }
0x30: {  	s3 =	sld [smem:$0x3FAB]  }
0x31: {  	[smem:$0x3FB4] =	sst s10  }
0x32: {  	s10 =	sld [smem:$0x3FB2];
	_ =	sdelay $0x3  }
0x33: {  	p0 =	seq.s32 s10, $0x1;
	s10 =	sld [smem:$0x3FB4];
	_ =	sdelay $0x3  }
0x34: {  	[smem:$0x3FB4] =	sst s10  }
0x35: {  	s10 =	sld [smem:$0x3FB3];
	_ =	sdelay $0x3  }
0x36: {  	p1 =	seq.s32 s10, $0x1;
	s10 =	sld [smem:$0x3FB4];
	_ =	sdelay $0x3  }
0x37: {  	[smem:$0x3FB4] =	sst s10  }
0x38: {  	s10 =	sld [smem:$0x3FB5]  }
0x39: {  	_ = 	snop;
	(pc) =	sbr.ind lr, $3  }
0x3a: {  	_ = 	snop  }
0x3b: {  	_ = 	snop  }
0x3c: {  	p2 =	seq.s32 s10, $0x1;
	s10 =	sld [smem:$0x3FB4]  }
0x3d: {  	_ =	shalt  }
0x3e: {  	_ =	shalt  }
0x3f: {  	_ =	shalt  }
0x40: {  	_ =	shalt  }
0x41: {  	_ =	shalt  }
0x42: {  	_ =	shalt  }
0x43: {  	_ =	shalt  }
0x44: {  	_ =	shalt  }
0x45: {  	_ =	shalt  }
0x46: {  	_ =	shalt  }
0x47: {  	_ =	shalt  }
0x48: {  	_ =	shalt  }
0x49: {  	_ =	shalt  }
0x4a: {  	_ =	shalt  }
0x4b: {  	_ =	shalt  }
0x4c: {  	_ =	shalt  }
0x4d: {  	_ =	shalt  }
0x4e: {  	_ =	shalt  }
0x4f: {  	_ =	shalt  }
0x50: {  	_ =	shalt  }
0x51: {  	_ =	shalt  }
0x52: {  	_ =	shalt  }
0x53: {  	_ =	shalt  }
0x54: {  	_ =	shalt  }
0x55: {  	_ =	shalt  }
0x56: {  	_ =	shalt  }
0x57: {  	_ =	shalt  }
0x58: {  	_ =	shalt  }
0x59: {  	_ =	shalt  }
0x5a: {  	_ =	shalt  }
0x5b: {  	_ =	shalt  }
0x5c: {  	_ =	shalt  }
0x5d: {  	_ =	shalt  }
0x5e: {  	_ =	shalt  }
0x5f: {  	_ =	shalt  }
0x60: {  	_ =	shalt  }
0x61: {  	_ =	shalt  }
0x62: {  	_ =	shalt  }
0x63: {  	_ =	shalt  }
0x64: {  	_ =	shalt  }
0x65: {  	_ =	shalt  }
0x66: {  	_ =	shalt  }
0x67: {  	_ =	shalt  }
0x68: {  	_ =	shalt  }
0x69: {  	_ =	shalt  }
0x6a: {  	_ =	shalt  }
0x6b: {  	_ =	shalt  }
0x6c: {  	_ =	shalt  }
0x6d: {  	_ =	shalt  }
0x6e: {  	_ =	shalt  }
0x6f: {  	_ =	shalt  }
0x70: {  	_ =	shalt  }
0x71: {  	_ =	shalt  }
0x72: {  	_ =	shalt  }
0x73: {  	_ =	shalt  }
0x74: {  	_ =	shalt  }
0x75: {  	_ =	shalt  }
0x76: {  	_ =	shalt  }
0x77: {  	_ =	shalt  }
0x78: {  	_ =	shalt  }
0x79: {  	_ =	shalt  }
0x7a: {  	_ =	shalt  }
0x7b: {  	_ =	shalt  }
0x7c: {  	_ =	shalt  }
0x7d: {  	_ =	shalt  }
0x7e: {  	_ =	shalt  }
0x7f: {  	_ =	shalt  }
0x80: {  	_ =	shalt  }
0x81: {  	_ =	shalt  }
0x82: {  	_ =	shalt  }
0x83: {  	_ =	shalt  }
0x84: {  	_ =	shalt  }
0x85: {  	_ =	shalt  }
0x86: {  	_ =	shalt  }
0x87: {  	_ =	shalt  }
.Lfunc_end0:
.L_simem_size_0:
called_computation_lowered:
.L_overlay_start_0:
0x88: {  	s2 =	sld [smem:$0x3FD9]  }
0x89: {  	s3 =	sld [smem:$0x3FFE];
	_ =	sdelay $0x1  }
0x8a: {  	s1 =	srdreg.scid  }
0x8b: {  	s0 =	sand.u32 $0x1, s1  }
0x8c: {  	s16 =	sshll.u32 s0, $0xA;
	s2 =	sadd.s32 s3, s2  }
0x8d: {  	s2 =	sadd.s32 s2, s16  }
0x8e: {  	[smem:$0x3FC0] =	sst s2  }
0x8f: {  	_ = 	snop  }
0x90: {  	(tm) =	ssettm $0x1  }
0x91: {  	s17 =	sld [smem:$0x3FFB];
	_ =	sdelay $0x3  }
0x92: {  	_ =	strace s17  }
0x93: {  	s2 =	sld [smem:$0x3FFC];
	_ =	sdelay $0x3  }
0x94: {  	_ =	strace s2  }
0x95: {  	s2 =	sld [smem:$0x3FFD];
	_ =	sdelay $0x3  }
0x96: {  	_ =	strace s2  }
0x97: {  	_ =	strace $0x8FFFFFFF  }
0x98: {  	s18 =	sld [smem:$0x3FDB];
	_ =	sdelay $0x1  }
0x99: {  	s19 =	simm.s32 $_scs_section_size  }
0x9a: {  	s4 =	simm.s32 $_size__tile_overlayer_lowered;
	s5 =	simm.s32 $_tile_overlayer_lowered  }
0x9b: {  	s22 =	simm.s32 $0x1BFF;
	s21 =	sshll.u32 s5, $0x1;
	s2 =	sadd.s32 s19, s18  }
0x9c: {  	s6 =	simm.s32 $0x0;
	s20 =	sshll.u32 s4, $0x1;
	s4 =	sadd.s32 s21, s2  }
0x9d: {  	[timem:s6], [sflag:s22] =	dma.local [hbm:s4], s20  }
0x9e: {  	_ =	swait.ge [sflag:s22], s20  }
0x9f: {  	s3 =	ssub.s32 $0x0, s20;
	[sflag:s22] =	ssyncset.done $0x0  }
0xa0: {  	[sflag:s22] =	ssyncadd.s32 s3;
	_ =	sdelay $0x1  }
0xa1: {  	s23 =	simm.s32 $0x1B8B  }
0xa2: {  	_ =	swait.ge [sflag:s23], $0x1  }
0xa3: {  	[sflag:s23] =	ssyncset.done $0x0  }
0xa4: {  	s25 =	simm.s32 $0x1B8E;
	s24 =	sld [smem:$0x3FFE];
	[sflag:s23] =	ssyncadd.s32 $0xFFFFFFFF  }
0xa5: {  	s26 =	simm.s32 $execute0_lowered;
	[smem:$0x3FD2] =	sst s25  }
0xa6: {  	s4 =	sshll.u32 s26, $0x1;
	_ =	strace $0x80000046;
	[dreg:$0x1] =	wrdreg $0xFFFFFFFF  }
0xa7: {  	s28 =	simm.s32 $_size_execute0_lowered;
	s2 =	sadd.s32 s2, s4;
	[dreg:$0x0] =	wrdreg $0x0  }
0xa8: {  	s4 =	sshll.u32 s28, $0x1;
	[dreg:$0x2] =	wrdreg s2  }
0xa9: {  	[dreg:$0x3] =	wrdreg s4  }
0xaa: {  	[dreg:$0x4] =	wrdreg $0xC0  }
0xab: {  	_ =	task [dreg:s6], $0x5FFFF  }
0xac: {  	[dreg:$0x1] =	wrdreg $0xFFFFFFFF  }
0xad: {  	[dreg:$0x0] =	wrdreg $0x60  }
0xae: {  	[dreg:$0x2] =	wrdreg s24  }
0xaf: {  	[dreg:$0x3] =	wrdreg $0x36000  }
0xb0: {  	[dreg:$0x4] =	wrdreg $0x9  }
0xb1: {  	_ =	task.clear_ibuf [dreg:s6], $0x5FFFF;
	_ =	strace $0x90000046  }
0xb2: {  	s29 =	simm.s32 $0x9;
	_ =	strace $0x80000048  }
0xb3: {  	_ =	swait.ge [sflag:s29], $0x1  }
0xb4: {  	[sflag:s29] =	ssyncadd.s32 $0xFFFFFFFF  }
0xb5: {  	_ =	strace $0x90000048  }
0xb6: {  	_ =	sfence  }
0xb7: {  	s30 =	sld [smem:$0x0];
	_ =	sdelay $0x2  }
0xb8: {  	s31 =	sshll.u32 s1, $0xD;
	s1 =	sshrl.u32 s1, $0x2  }
0xb9: {  	s3 =	sand.u32 $0x4000, s31;
	s1 =	sadd.s32 s1, s30  }
0xba: {  	s0 =	sor.u32 s3, s0;
	s1 =	sshll.u32 s1, $0x11  }
0xbb: {  	s0 =	sor.u32 s1, s0  }
0xbc: {  	s0 =	sadd.s32 $0x8F2B, s0  }
0xbd: {  	[sflag:s0] =	ssyncadd.remote.s32 $0x1  }
0xbe: {  	_ =	sfence.sel $0xFFFF  }
0xbf: {  	[dreg:$0x0] =	wrdreg $0xFFFFFFFF;
	(pc) =	sbr.abs _section_cstart, $3  }
0xc0: {  	[dreg:$0x1] =	wrdreg $0xFFFFFFFF  }
0xc1: {  	_ =	task.clear_ibuf [dreg:s6], $0x2FFFF;
	_ =	strace $0x9FFFFFFF  }
0xc2: {  	(tm) =	ssettm $0x7FFFFFFF  }
0xc3: {  	_ =	shalt  }
tec
execute0_lowered:
.L_overlay_start_1:
0x0: {  	(tag) =	ssettag $0x1  }
0x1: {  	s7 =	rddreg [dreg:$0x0]  }
0x2: {  	s1 =	rddreg [dreg:$0x1];
	s2 =	srdreg.scid  }
0x3: {  	s0 =	rddreg [dreg:$0x2];
	s13 =	stileid.u32  }
0x4: {  	s16 =	simm.s32 $0x64;
	s17 =	simm.s32 $0x80;
	s18 =	simm.s32 $0x100  }
0x5: {  	s19 =	simm.s32 $0x180;
	s20 =	simm.s32 $0x1;
	s21 =	simm.s32 $0x2  }
0x6: {  	s22 =	simm.s32 $0x3;
	s23 =	simm.s32 $0x4;
	s24 =	simm.s32 $0x0  }
0x7: {  	s6 =	sand.u32 $0x1, s2;
	s2 =	simm.s32 $0x0;
	s5 =	sadd.s32 $0xAC00, s7  }
0x8: {  	p0 =	sne.s32 s13, $0x0;
	s3 =	sshll.u32 s6, $0x4;
	[smem:$0x7FF] =	sst s2  }
0x9: {  	s8 =	smul.u32 $0x27100, s6;
	s9 =	ssub.s32 $0x2, s6;
	s4 =	sor.u32 s13, s3  }
0xa: {  	s6 =	sadd.s32 $0x31E00, s7;
	s15 =	sshrl.u32 @!p0 s1, $0x3;
	s4 =	smul.u32 $0x1C00, s4  }
.Ltmp0:
0xb: {  	_ =	strace $0x80000047;
	s3 =	sadd.s32 $0x3C00, s7;
	(pc) =	sbr.rel .LBB2_1-.Ltmp0, $4  }
0xc: {  	s10 =	sshrl.u32 s9, $0x1;
	s13 =	simm.s32 $0x200;
	s11 =	sshrl.u32 s4, $0x3  }
0xd: {  	s12 =	sadd.s32 s8, s7;
	s14 =	ssub.s32 s9, s10;
	s7 =	sadd.s32 s3, s11  }
0xe: {  	s11 =	sadd.s32 $0x32600, s12;
	s12 =	smax.u32 s14, $0x1;
	s14 =	simm.s32 $0x5  }
0xf: {  	s8 =	sadd.s32 $0x10, s7;
	s9 =	sadd.s32 $0x20, s7;
	s10 =	sadd.s32 $0x30, s7  }
.LBB2_4:
0x10: {  	_ =	swait.ge [sflag:s23], $0x3200  }
0x11: {  	[sflag:s23] =	ssyncset.done $0x0  }
0x12: {  	[sflag:s23] =	ssyncadd.s32 $0xFFFFCE00  }
0x13: {  	_ =	swait.ge [sflag:s20], $0x3200  }
0x14: {  	[sflag:s20] =	ssyncset.done $0x0  }
0x15: {  	[sflag:s20] =	ssyncadd.s32 $0xFFFFCE00  }
0x16: {  	_ =	swait.ge [sflag:s21], $0x3200  }
0x17: {  	[sflag:s21] =	ssyncset.done $0x0  }
0x18: {  	s24 =	sadd.s32 $0x1, s24;
	[sflag:s21] =	ssyncadd.s32 $0xFFFFCE00  }
0x19: {  	s25 =	simm.s32 @!p0 $0x1C05;
	p1 =	sne.s32 s24, s12;
	[bflag:$0x0] =	sbarrier.arrive $0xFFFF  }
0x1a: {  	[hbm:s11], [sflag:s25] =	dma.local @!p0 [spmem:s15], $0x27100  }
.Ltmp1:
0x1b: {  	_ = 	snop;
	(pc) =	sbr.rel @!p1 .LBB2_5-.Ltmp1, $4  }
0x1c: {  	s25 =	simm.s32 @!p0 $0x5  }
0x1d: {  	_ =	swait.ge @!p0 [sflag:s25], $0x27100  }
0x1e: {  	[sflag:s25] =	ssyncset.done @!p0 $0x0  }
0x1f: {  	[sflag:s25] =	ssyncadd.s32 @!p0 $0xFFFD8F00  }
.LBB2_1:
0x20: {  	[tilespmem:s13], [sflag:$0x5] =	stream.linear.gather [hbm4b:s6+s2], $0x3200, $0x38;
	[tilespmem:$0x16E80] =	vst v63  }
0x21: {  	_ =	swait.ge [sflag:s14], $0x3200  }
0x22: {  	[sflag:s14] =	ssyncset.done $0x0  }
0x23: {  	s25 =	simm.s32 @!p0 $0x1C05;
	[sflag:s14] =	ssyncadd.s32 $0xFFFFCE00  }
0x24: {  	[spmem:s15], [sflag:s25] =	dma.local @!p0 [hbm:s5], $0x27100  }
0x25: {  	s25 =	simm.s32 @!p0 $0x5  }
0x26: {  	_ =	swait.ge @!p0 [sflag:s25], $0x27100  }
0x27: {  	[sflag:s25] =	ssyncset.done @!p0 $0x0  }
0x28: {  	[sflag:s25] =	ssyncadd.s32 @!p0 $0xFFFD8F00  }
0x29: {  	[bflag:$0x0] =	sbarrier.arrive $0xFFFF  }
0x2a: {  	[tilespmem:s2], [sflag:$0x5] =	stream.linear.gather [hbm4b:s7+s2], $0x80, $0x38;
	[tilespmem:$0x16E80] =	vst v63  }
0x2b: {  	_ =	swait.ge [sflag:s14], $0x80  }
0x2c: {  	[sflag:s14] =	ssyncset.done $0x0  }
0x2d: {  	[sflag:s14] =	ssyncadd.s32 $0xFFFFFF80  }
0x2e: {  	[spmem:s1] =	stream.indirect.scatter.add.f32 [tilespmem:s13], [sflag:$0x1], $0x80, s2, s16, $0xb8;
	[tilespmem:$0x16E80] =	vst v63  }
0x2f: {  	_ = 	snop  }
0x30: {  	[tilespmem:s17], [sflag:$0x5] =	stream.linear.gather [hbm4b:s8+s2], $0x80, $0x38;
	[tilespmem:$0x16E80] =	vst v63  }
0x31: {  	_ =	swait.ge [sflag:s14], $0x80  }
0x32: {  	[sflag:s14] =	ssyncset.done $0x0  }
0x33: {  	[sflag:s14] =	ssyncadd.s32 $0xFFFFFF80  }
0x34: {  	[spmem:s1] =	stream.indirect.scatter.add.f32 [tilespmem:s13], [sflag:$0x2], $0x80, s17, s16, $0xb8;
	[tilespmem:$0x16E80] =	vst v63  }
0x35: {  	_ = 	snop  }
0x36: {  	[tilespmem:s18], [sflag:$0x5] =	stream.linear.gather [hbm4b:s9+s2], $0x80, $0x38;
	[tilespmem:$0x16E80] =	vst v63  }
0x37: {  	_ =	swait.ge [sflag:s14], $0x80  }
0x38: {  	[sflag:s14] =	ssyncset.done $0x0  }
0x39: {  	[sflag:s14] =	ssyncadd.s32 $0xFFFFFF80  }
0x3a: {  	[spmem:s1] =	stream.indirect.scatter.add.f32 [tilespmem:s13], [sflag:$0x3], $0x80, s18, s16, $0xb8;
	[tilespmem:$0x16E80] =	vst v63  }
0x3b: {  	_ = 	snop  }
0x3c: {  	[tilespmem:s19], [sflag:$0x5] =	stream.linear.gather [hbm4b:s10+s2], $0x80, $0x38;
	[tilespmem:$0x16E80] =	vst v63  }
0x3d: {  	_ =	swait.ge [sflag:s14], $0x80  }
0x3e: {  	[sflag:s14] =	ssyncset.done $0x0  }
0x3f: {  	s25 =	simm.s32 $0x380;
	[sflag:s14] =	ssyncadd.s32 $0xFFFFFF80  }
0x40: {  	[spmem:s1] =	stream.indirect.scatter.add.f32 [tilespmem:s13], [sflag:$0x4], $0x80, s19, s16, $0xb8;
	[tilespmem:$0x16E80] =	vst v63  }
.LBB2_2:
0x41: {  	s26 =	sadd.s32 $0xFFFFFE80, s25  }
0x42: {  	s28 =	sand.u32 $0x3C00, s26  }
0x43: {  	s26 =	sand.u32 $0x200, s26;
	s28 =	sadd.s32 s4, s28  }
0x44: {  	_ =	swait.ge [sflag:s20], $0x3200;
	s26 =	sor.u32 s26, s28  }
0x45: {  	[sflag:s20] =	ssyncset.done $0x0;
	s26 =	sshrl.u32 s26, $0x3  }
0x46: {  	[sflag:s20] =	ssyncadd.s32 $0xFFFFCE00;
	s26 =	sadd.s32 s3, s26  }
0x47: {  	[tilespmem:s2], [sflag:$0x5] =	stream.linear.gather [hbm4b:s26+s2], $0x80, $0x38;
	[tilespmem:$0x16E80] =	vst v63  }
0x48: {  	s30 =	sadd.s32 $0xFFFFFF00, s25;
	_ =	swait.ge [sflag:s14], $0x80  }
0x49: {  	s31 =	sand.u32 $0x3C00, s30;
	[sflag:s14] =	ssyncset.done $0x0  }
0x4a: {  	s28 =	sadd.s32 s4, s31;
	s26 =	sand.u32 $0x280, s30;
	[sflag:s14] =	ssyncadd.s32 $0xFFFFFF80  }
0x4b: {  	[spmem:s1] =	stream.indirect.scatter.add.f32 [tilespmem:s13], [sflag:$0x1], $0x80, s2, s16, $0xb8;
	[tilespmem:$0x16E80] =	vst v63  }
0x4c: {  	s26 =	sor.u32 s26, s28;
	_ =	swait.ge [sflag:s21], $0x3200  }
0x4d: {  	s26 =	sshrl.u32 s26, $0x3;
	[sflag:s21] =	ssyncset.done $0x0  }
0x4e: {  	s26 =	sadd.s32 s3, s26;
	[sflag:s21] =	ssyncadd.s32 $0xFFFFCE00  }
0x4f: {  	[tilespmem:s17], [sflag:$0x5] =	stream.linear.gather [hbm4b:s26+s2], $0x80, $0x38;
	[tilespmem:$0x16E80] =	vst v63  }
0x50: {  	_ =	swait.ge [sflag:s14], $0x80  }
0x51: {  	p1 =	seq.s32 s25, $0x1980;
	[sflag:s14] =	ssyncset.done $0x0  }
.Ltmp2:
0x52: {  	[sflag:s14] =	ssyncadd.s32 $0xFFFFFF80;
	(pc) =	sbr.rel @p1 .LBB2_4-.Ltmp2, $4  }
0x53: {  	[spmem:s1] =	stream.indirect.scatter.add.f32 [tilespmem:s13], [sflag:$0x2], $0x80, s17, s16, $0xb8;
	[tilespmem:$0x16E80] =	vst v63  }
0x54: {  	_ =	swait.ge [sflag:s22], $0x3200  }
0x55: {  	[sflag:s22] =	ssyncset.done $0x0  }
0x56: {  	[sflag:s22] =	ssyncadd.s32 $0xFFFFCE00  }
0x57: {  	s26 =	sadd.s32 $0xFFFFFF80, s25  }
0x58: {  	s28 =	sand.u32 $0x3C00, s26  }
0x59: {  	s26 =	sand.u32 $0x300, s26;
	s28 =	sadd.s32 s4, s28  }
0x5a: {  	s26 =	sor.u32 s26, s28  }
0x5b: {  	s26 =	sshrl.u32 s26, $0x3  }
0x5c: {  	s26 =	sadd.s32 s3, s26  }
0x5d: {  	[tilespmem:s18], [sflag:$0x5] =	stream.linear.gather [hbm4b:s26+s2], $0x80, $0x38;
	[tilespmem:$0x16E80] =	vst v63  }
0x5e: {  	_ =	swait.ge [sflag:s14], $0x80  }
0x5f: {  	s30 =	sand.u32 $0x3C00, s25;
	[sflag:s14] =	ssyncset.done $0x0  }
0x60: {  	s31 =	sand.u32 $0x380, s25;
	s26 =	sadd.s32 s4, s30;
	[sflag:s14] =	ssyncadd.s32 $0xFFFFFF80  }
0x61: {  	[spmem:s1] =	stream.indirect.scatter.add.f32 [tilespmem:s13], [sflag:$0x3], $0x80, s18, s16, $0xb8;
	[tilespmem:$0x16E80] =	vst v63  }
0x62: {  	s26 =	sor.u32 s31, s26;
	_ =	swait.ge [sflag:s23], $0x3200  }
0x63: {  	s26 =	sshrl.u32 s26, $0x3;
	[sflag:s23] =	ssyncset.done $0x0  }
0x64: {  	s26 =	sadd.s32 s3, s26;
	[sflag:s23] =	ssyncadd.s32 $0xFFFFCE00  }
0x65: {  	[tilespmem:s19], [sflag:$0x5] =	stream.linear.gather [hbm4b:s26+s2], $0x80, $0x38;
	[tilespmem:$0x16E80] =	vst v63  }
.Ltmp3:
0x66: {  	_ = 	snop;
	(pc) =	sbr.rel .LBB2_2-.Ltmp3, $4  }
0x67: {  	_ =	swait.ge [sflag:s14], $0x80  }
0x68: {  	[sflag:s14] =	ssyncset.done $0x0  }
0x69: {  	s25 =	sadd.s32 $0x200, s25;
	[sflag:s14] =	ssyncadd.s32 $0xFFFFFF80  }
0x6a: {  	[spmem:s1] =	stream.indirect.scatter.add.f32 [tilespmem:s13], [sflag:$0x4], $0x80, s19, s16, $0xb8;
	[tilespmem:$0x16E80] =	vst v63  }
.LBB2_5:
0x6b: {  	_ =	sfence.sel $0x180000  }
0x6c: {  	[bflag:$0x0] =	sbarrier.arrive $0xFFFF  }
0x6d: {  	_ =	strace $0x90000047  }
0x6e: {  	s0 =	sadd.s32 @!p0 $0x100000, s0;
	[bflag:$0x2] =	sbarrier.arrive $0xFFFF  }
0x6f: {  	[sflag:s0] =	ssyncadd.tile.s32 @!p0 $0x1;
	_ =	shalt  }
.Lfunc_end2:
_tile_overlayer_lowered:
.L_overlay_start_2:
0x70: {  	(tag) =	ssettag $0x2  }
0x71: {  	s0 =	rddreg [dreg:$0x0];
	s2 =	stileid.u32  }
0x72: {  	s1 =	rddreg [dreg:$0x1];
	p0 =	sne.s32 s2, $0x0  }
0x73: {  	s3 =	rddreg [dreg:$0x2];
	[bflag:$0x3] =	sbarrier.arrive $0xFFFF;
	s2 =	simm.s32 @!p0 $0x1C05  }
0x74: {  	[timem:s3], [sflag:s2] =	dma.local @!p0 [hbm:s0], s1  }
0x75: {  	s0 =	simm.s32 @!p0 $0x5  }
0x76: {  	_ =	swait.ge @!p0 [sflag:s0], s1  }
0x77: {  	s1 =	ssub.s32 @!p0 $0x0, s1;
	[sflag:s0] =	ssyncset.done @!p0 $0x0  }
0x78: {  	[sflag:s0] =	ssyncadd.s32 @!p0 s1  }
0x79: {  	[bflag:$0x3] =	sbarrier.arrive $0xFFFF  }
0x7a: {  	_ =	shalt  }

</sc_bundles>
